<compile_context>
chip_gen: v7x
topology: tpu7x:2x2x1
jax: 0.10.2.dev20260603
libtpu: 0.0.44.dev20260713+nightly
codegen_flags: <defaults>
</compile_context>

<pallas_src>
import functools

import jax
import jax.numpy as jnp
from jax import lax
from jax.experimental import pallas as pl
from jax.experimental.pallas import tpu as pltpu
from jax.experimental.pallas import tpu_sc as plsc

_HZ_TO_K = 6.62607015e-34 / 1.380649e-23
_LANES = 16


def _den_body(scale_ref, e_ref, o_ref):
    e = jnp.exp(e_ref[...] * scale_ref[0, 0])
    o_ref[...] = jnp.sum(e, axis=1)


def _den_kernel(eT, scale, M, L, B):
    MB, BC = 8, 4096
    grid = (M // MB, B // BC)
    return pl.pallas_call(
        _den_body,
        grid=grid,
        in_specs=[
            pl.BlockSpec(memory_space=pltpu.SMEM),
            pl.BlockSpec((MB, L, BC), lambda i, j: (i, 0, j)),
        ],
        out_specs=pl.BlockSpec((MB, BC), lambda i, j: (i, j)),
        out_shape=jax.ShapeDtypeStruct((M, B), jnp.float32),
        compiler_params=pltpu.CompilerParams(
            dimension_semantics=("arbitrary", "arbitrary")),
    )(scale, eT)


def _make_num_kernel(M, L, B):
    nq = 4
    bc = B // nq
    dq = bc // 128
    units = M * nq
    nw = 32
    upw = units // nw
    assert upw * nw == units and upw % 2 == 1
    mesh = plsc.VectorSubcoreMesh(core_axis_name="c", subcore_axis_name="s")

    @functools.partial(
        pl.kernel,
        mesh=mesh,
        compiler_params=pltpu.CompilerParams(needs_layout_passes=False),
        out_type=jax.ShapeDtypeStruct((M, B), jnp.float32),
        scratch_types=[
            pltpu.VMEM((dq, 128), jnp.float32),
            pltpu.VMEM((dq, 128), jnp.float32),
            pltpu.VMEM((dq, 128), jnp.float32),
            pltpu.VMEM((dq, 128), jnp.float32),
            pltpu.VMEM((bc,), jnp.float32),
            pltpu.VMEM((bc,), jnp.float32),
            pltpu.VMEM((256,), jnp.int32),
            pltpu.VMEM((256,), jnp.int32),
            pltpu.VMEM((_LANES,), jnp.float32),
            pltpu.SemaphoreType.DMA,
            pltpu.SemaphoreType.DMA,
            pltpu.SemaphoreType.DMA,
        ],
    )
    def k(e4_hbm, rows_dn_hbm, rows_up_hbm, scale_hbm, out_hbm,
          xd_a, xu_a, xd_b, xu_b, ov_a, ov_b,
          rdn_v, rup_v, scale_v, sem_in, sem_oa, sem_ob):
        wid = lax.axis_index("s") * 2 + lax.axis_index("c")

        pltpu.sync_copy(rows_dn_hbm, rdn_v)
        pltpu.sync_copy(rows_up_hbm, rup_v)
        pltpu.sync_copy(scale_hbm, scale_v)
        s = scale_v[...]

        def unit_of(i):
            u = wid * upw + i
            return u // nq, lax.rem(u, nq)

        def row_scalar(tab, m):
            mv = lax.broadcast_in_dim(m, (_LANES,), ())
            return jnp.max(plsc.load_gather(tab, [mv]))

        def in_copies(i, xd, xu):
            m, q = unit_of(i)
            rd = row_scalar(rdn_v, m)
            ru = row_scalar(rup_v, m)
            return (
                pltpu.make_async_copy(
                    e4_hbm.at[rd // 8, pl.ds(q * dq, dq), lax.rem(rd, 8)],
                    xd, sem_in),
                pltpu.make_async_copy(
                    e4_hbm.at[ru // 8, pl.ds(q * dq, dq), lax.rem(ru, 8)],
                    xu, sem_in),
            )

        def start_in(i, xd, xu):
            for c in in_copies(i, xd, xu):
                c.start()

        def wait_in(i, xd, xu):
            for c in in_copies(i, xd, xu):
                c.wait()

        def out_copy(i, ov, sem):
            m, q = unit_of(i)
            return pltpu.make_async_copy(
                ov, out_hbm.at[m, pl.ds(q * bc, bc)], sem)

        def compute(xd, xu, ov):
            for j in range(bc // _LANES):
                dd, e0 = j // 8, (j % 8) * _LANES
                ed = jnp.exp(xd[dd, pl.ds(e0, _LANES)] * s)
                eu = jnp.exp(xu[dd, pl.ds(e0, _LANES)] * s)
                ov[pl.ds(j * _LANES, _LANES)] = ed - eu

        start_in(0, xd_a, xu_a)

        def body(i, _):
            ua = 2 * i
            ub = 2 * i + 1
            wait_in(ua, xd_a, xu_a)
            start_in(ub, xd_b, xu_b)

            @pl.when(i > 0)
            def _():
                out_copy(ua - 2, ov_a, sem_oa).wait()

            compute(xd_a, xu_a, ov_a)
            out_copy(ua, ov_a, sem_oa).start()

            wait_in(ub, xd_b, xu_b)

            @pl.when(ub + 1 < upw)
            def _():
                start_in(ub + 1, xd_a, xu_a)

            @pl.when(i > 0)
            def _():
                out_copy(ub - 2, ov_b, sem_ob).wait()

            compute(xd_b, xu_b, ov_b)
            out_copy(ub, ov_b, sem_ob).start()
            return 0

        lax.fori_loop(0, upw // 2, body, 0)
        wait_in(upw - 1, xd_a, xu_a)
        out_copy(upw - 3, ov_a, sem_oa).wait()
        compute(xd_a, xu_a, ov_a)
        out_copy(upw - 1, ov_a, sem_oa).start()
        out_copy(upw - 2, ov_b, sem_ob).wait()
        out_copy(upw - 1, ov_a, sem_oa).wait()

    return k


def _div_body(n_ref, d_ref, o_ref):
    o_ref[...] = n_ref[...] / d_ref[...]


def _div_kernel(num, den, M, B):
    MB = 40
    grid = (M // MB,)
    return pl.pallas_call(
        _div_body,
        grid=grid,
        in_specs=[
            pl.BlockSpec((MB, B), lambda i: (i, 0)),
            pl.BlockSpec((MB, B), lambda i: (i, 0)),
        ],
        out_specs=pl.BlockSpec((MB, B), lambda i: (i, 0)),
        out_shape=jax.ShapeDtypeStruct((M, B), jnp.float32),
        compiler_params=pltpu.CompilerParams(
            dimension_semantics=("arbitrary",)),
    )(num, den)


def kernel(energies, lvl_down, lvl_up, temperature):
    B, M, L = energies.shape
    scale = -_HZ_TO_K / temperature.astype(jnp.float32)
    eT = jnp.transpose(energies, (1, 2, 0))
    e4 = (eT.reshape(M * L // 8, 8, B // 128, 128)
            .transpose(0, 2, 1, 3))
    mm = jnp.arange(M, dtype=jnp.int32)
    rows_dn = jnp.pad(mm * L + lvl_down.astype(jnp.int32), (0, 256 - M))
    rows_up = jnp.pad(mm * L + lvl_up.astype(jnp.int32), (0, 256 - M))
    scale_v = jnp.broadcast_to(scale, (_LANES,))

    num = _make_num_kernel(M, L, B)(e4, rows_dn, rows_up, scale_v)
    den = _den_kernel(eT, scale.reshape(1, 1), M, L, B)
    return _div_kernel(num, den, M, B).T

# --- scband reference (transcript-rebuilt; emitter-appended) ---
"""Pipeline reference for scband-stationary-populator-33457795236626 (READ-ONLY COPY).

The authoritative reference and input builder live on the scoring server;
editing this copy changes nothing except your own understanding.
"""

import jax, jax.numpy as jnp
import numpy as np

# Planck constant over Boltzmann constant: converts Hz -> K (E/k_B = h*f/k_B)
HZ_TO_K = 6.62607015e-34 / 1.380649e-23

B, M, L = 4096, 200, 64
TEMPERATURE = 300.0


def setup_inputs(seed: int = 0) -> dict:
    key = jax.random.key(seed)
    k1, k2, k3 = jax.random.split(key, 3)
    energies = jax.random.normal(k1, (B, M, L), dtype=jnp.float32)
    lvl_down = jax.random.randint(k2, (M,), 0, L, dtype=jnp.int64) if jax.config.jax_enable_x64 else jax.random.randint(k2, (M,), 0, L).astype(jnp.int32)
    lvl_up = jax.random.randint(k3, (M,), 0, L, dtype=jnp.int64) if jax.config.jax_enable_x64 else jax.random.randint(k3, (M,), 0, L).astype(jnp.int32)
    temperature = jnp.asarray(TEMPERATURE, dtype=jnp.float32)
    return {"energies": energies, "lvl_down": lvl_down, "lvl_up": lvl_up, "temperature": temperature}


def reference(energies, lvl_down, lvl_up, temperature):
    # populations = softmax(-E[K] / T) over last (level) axis
    populations = jax.nn.softmax(-(energies * HZ_TO_K) / temperature, axis=-1)
    # indexes = arange over the transition axis (shape[-2])
    indexes = jnp.arange(populations.shape[-2])
    # gather population of the down / up level for each transition, take difference
    return populations[..., indexes, lvl_down] - populations[..., indexes, lvl_up]

if __name__ == "__main__":
    import jax
    _d = setup_inputs()
    print(jax.jit(kernel)(*tuple(_d.values())))

</pallas_src>

<mosaic_0001>
#map = affine_map<(d0, d1) -> (0, 0, 0, 0)>
#map1 = affine_map<(d0, d1) -> (0)>
#map2 = affine_map<(d0, d1) -> (0, 0)>
module attributes {stable_mosaic.version = 14 : i64} {
  func.func @k(%arg0: i32, %arg1: i32, %arg2: memref<1600x32x8x128xf32, #tpu.memory_space<hbm>>, %arg3: memref<256xi32, #tpu.memory_space<hbm>>, %arg4: memref<256xi32, #tpu.memory_space<hbm>>, %arg5: memref<16xf32, #tpu.memory_space<hbm>>, %arg6: memref<200x4096xf32, #tpu.memory_space<hbm>>, %arg7: memref<8x128xf32, #tpu.memory_space<vmem>>, %arg8: memref<8x128xf32, #tpu.memory_space<vmem>>, %arg9: memref<8x128xf32, #tpu.memory_space<vmem>>, %arg10: memref<8x128xf32, #tpu.memory_space<vmem>>, %arg11: memref<1024xf32, #tpu.memory_space<vmem>>, %arg12: memref<1024xf32, #tpu.memory_space<vmem>>, %arg13: memref<256xi32, #tpu.memory_space<vmem>>, %arg14: memref<256xi32, #tpu.memory_space<vmem>>, %arg15: memref<16xf32, #tpu.memory_space<vmem>>, %arg16: memref<!tpu.dma_semaphore, #tpu.memory_space<semaphore_mem>>, %arg17: memref<!tpu.dma_semaphore, #tpu.memory_space<semaphore_mem>>, %arg18: memref<!tpu.dma_semaphore, #tpu.memory_space<semaphore_mem>>) attributes {dimension_semantics = [#tpu.dimension_semantics<core_parallel>, #tpu.dimension_semantics<subcore_parallel>], iteration_bounds = array<i64: 2, 16>, scalar_prefetch = 0 : i64, scratch_operands = 12 : i64, tpu.core_type = #tpu.core_type<sc_vector_subcore>, window_params = [{transform_indices = #map}, {transform_indices = #map1}, {transform_indices = #map1}, {transform_indices = #map1}, {transform_indices = #map2}]} {
    %mul3A = arith.constant 2 : i32
    %mul3A_0 = arith.muli %arg1, %mul3A : i32
    %add3A = arith.addi %mul3A_0, %arg0 : i32
    "tpu.region"() ({
      %run_scoped3A = tpu.sem_alloc : memref<!tpu.dma_semaphore, #tpu.memory_space<semaphore_mem>>
      tpu.enqueue_dma source(%arg3 : memref<256xi32, #tpu.memory_space<hbm>>) target(%arg13 : memref<256xi32, #tpu.memory_space<vmem>>) target_semaphore(%run_scoped3A : memref<!tpu.dma_semaphore, #tpu.memory_space<semaphore_mem>>)
      tpu.wait_dma2 semaphore(%run_scoped3A : memref<!tpu.dma_semaphore, #tpu.memory_space<semaphore_mem>>) src(%arg3 : memref<256xi32, #tpu.memory_space<hbm>>) dst(%arg13 : memref<256xi32, #tpu.memory_space<vmem>>)
      tpu.yield
    }) : () -> ()
    "tpu.region"() ({
      %run_scoped3A = tpu.sem_alloc : memref<!tpu.dma_semaphore, #tpu.memory_space<semaphore_mem>>
      tpu.enqueue_dma source(%arg4 : memref<256xi32, #tpu.memory_space<hbm>>) target(%arg14 : memref<256xi32, #tpu.memory_space<vmem>>) target_semaphore(%run_scoped3A : memref<!tpu.dma_semaphore, #tpu.memory_space<semaphore_mem>>)
      tpu.wait_dma2 semaphore(%run_scoped3A : memref<!tpu.dma_semaphore, #tpu.memory_space<semaphore_mem>>) src(%arg4 : memref<256xi32, #tpu.memory_space<hbm>>) dst(%arg14 : memref<256xi32, #tpu.memory_space<vmem>>)
      tpu.yield
    }) : () -> ()
    "tpu.region"() ({
      %run_scoped3A = tpu.sem_alloc : memref<!tpu.dma_semaphore, #tpu.memory_space<semaphore_mem>>
      tpu.enqueue_dma source(%arg5 : memref<16xf32, #tpu.memory_space<hbm>>) target(%arg15 : memref<16xf32, #tpu.memory_space<vmem>>) target_semaphore(%run_scoped3A : memref<!tpu.dma_semaphore, #tpu.memory_space<semaphore_mem>>)
      tpu.wait_dma2 semaphore(%run_scoped3A : memref<!tpu.dma_semaphore, #tpu.memory_space<semaphore_mem>>) src(%arg5 : memref<16xf32, #tpu.memory_space<hbm>>) dst(%arg15 : memref<16xf32, #tpu.memory_space<vmem>>)
      tpu.yield
    }) : () -> ()
    %get3A = arith.constant 0 : index
    %get3A_1 = tpu.vector_load %arg15[%get3A] {strides = array<i32>} : memref<16xf32, #tpu.memory_space<vmem>>, vector<16xf32>,
    %mul3A_2 = arith.constant 25 : i32
    %mul3A_3 = arith.muli %add3A, %mul3A_2 : i32
    %add3A_4 = arith.constant 0 : i32
    %add3A_5 = arith.addi %mul3A_3, %add3A_4 : i32
    %jit3A = arith.constant 4 : i32
    %div3A = arith.divsi %add3A_5, %jit3A : i32
    %sign3A = arith.constant 0 : i32
    %sign3A_6 = arith.cmpi sgt, %add3A_5, %sign3A : i32
    %sign3A_7 = arith.extui %sign3A_6 : i1 to i32
    %sign3A_8 = arith.constant 0 : i32
    %sign3A_9 = arith.cmpi slt, %add3A_5, %sign3A_8 : i32
    %sign3A_10 = arith.extui %sign3A_9 : i1 to i32
    %sign3A_11 = arith.subi %sign3A_7, %sign3A_10 : i32
    %sign3A_12 = arith.constant 0 : i32
    %sign3A_13 = arith.cmpi sgt, %jit3A, %sign3A_12 : i32
    %sign3A_14 = arith.extui %sign3A_13 : i1 to i32
    %sign3A_15 = arith.constant 0 : i32
    %sign3A_16 = arith.cmpi slt, %jit3A, %sign3A_15 : i32
    %sign3A_17 = arith.extui %sign3A_16 : i1 to i32
    %sign3A_18 = arith.subi %sign3A_14, %sign3A_17 : i32
    %ne3A = arith.cmpi ne, %sign3A_11, %sign3A_18 : i32
    %rem3A = arith.remsi %add3A_5, %jit3A : i32
    %ne3A_19 = arith.constant 0 : i32
    %ne3A_20 = arith.cmpi ne, %rem3A, %ne3A_19 : i32
    %and3A = arith.andi %ne3A, %ne3A_20 : i1
    %sub3A = arith.constant 1 : i32
    %sub3A_21 = arith.subi %div3A, %sub3A : i32
    %select_n3A = arith.select %and3A, %sub3A_21, %div3A : i32
    %rem3A_22 = arith.constant 4 : i32
    %rem3A_23 = arith.remsi %add3A_5, %rem3A_22 : i32
    %broadcast_in_dim3A = vector.broadcast %select_n3A : i32 to vector<16xi32>
    %gather3A = tpu.vector_load_idx %arg13[%broadcast_in_dim3A] : memref<256xi32, #tpu.memory_space<vmem>>[vector<16xi32>], vector<16xi32>,
    %reduce_max3A = arith.constant true
    %reduce_max3A_24 = vector.broadcast %reduce_max3A : i1 to vector<16xi1>
    %reduce_max3A_25 = arith.constant -2147483648 : i32
    %reduce_max3A_26 = vector.broadcast %reduce_max3A_25 : i32 to vector<16xi32>
    %reduce_max3A_27 = arith.xori %gather3A, %reduce_max3A_26 : vector<16xi32>
    %reduce_max3A_28 = tpu.scan <max>, %reduce_max3A_27 masked %reduce_max3A_24 : vector<16xi32>, vector<16xi1> -> vector<16xi32>
    %reduce_max3A_29 = arith.xori %reduce_max3A_28, %reduce_max3A_26 : vector<16xi32>
    %reduce_max3A_30 = vector.extract %reduce_max3A_29[15] : i32 from vector<16xi32>
    %broadcast_in_dim3A_31 = vector.broadcast %select_n3A : i32 to vector<16xi32>
    %gather3A_32 = tpu.vector_load_idx %arg14[%broadcast_in_dim3A_31] : memref<256xi32, #tpu.memory_space<vmem>>[vector<16xi32>], vector<16xi32>,
    %reduce_max3A_33 = arith.constant true
    %reduce_max3A_34 = vector.broadcast %reduce_max3A_33 : i1 to vector<16xi1>
    %reduce_max3A_35 = arith.constant -2147483648 : i32
    %reduce_max3A_36 = vector.broadcast %reduce_max3A_35 : i32 to vector<16xi32>
    %reduce_max3A_37 = arith.xori %gather3A_32, %reduce_max3A_36 : vector<16xi32>
    %reduce_max3A_38 = tpu.scan <max>, %reduce_max3A_37 masked %reduce_max3A_34 : vector<16xi32>, vector<16xi1> -> vector<16xi32>
    %reduce_max3A_39 = arith.xori %reduce_max3A_38, %reduce_max3A_36 : vector<16xi32>
    %reduce_max3A_40 = vector.extract %reduce_max3A_39[15] : i32 from vector<16xi32>
    %jit3A_41 = arith.constant 8 : i32
    %div3A_42 = arith.divsi %reduce_max3A_30, %jit3A_41 : i32
    %sign3A_43 = arith.constant 0 : i32
    %sign3A_44 = arith.cmpi sgt, %reduce_max3A_30, %sign3A_43 : i32
    %sign3A_45 = arith.extui %sign3A_44 : i1 to i32
    %sign3A_46 = arith.constant 0 : i32
    %sign3A_47 = arith.cmpi slt, %reduce_max3A_30, %sign3A_46 : i32
    %sign3A_48 = arith.extui %sign3A_47 : i1 to i32
    %sign3A_49 = arith.subi %sign3A_45, %sign3A_48 : i32
    %sign3A_50 = arith.constant 0 : i32
    %sign3A_51 = arith.cmpi sgt, %jit3A_41, %sign3A_50 : i32
    %sign3A_52 = arith.extui %sign3A_51 : i1 to i32
    %sign3A_53 = arith.constant 0 : i32
    %sign3A_54 = arith.cmpi slt, %jit3A_41, %sign3A_53 : i32
    %sign3A_55 = arith.extui %sign3A_54 : i1 to i32
    %sign3A_56 = arith.subi %sign3A_52, %sign3A_55 : i32
    %ne3A_57 = arith.cmpi ne, %sign3A_49, %sign3A_56 : i32
    %rem3A_58 = arith.remsi %reduce_max3A_30, %jit3A_41 : i32
    %ne3A_59 = arith.constant 0 : i32
    %ne3A_60 = arith.cmpi ne, %rem3A_58, %ne3A_59 : i32
    %and3A_61 = arith.andi %ne3A_57, %ne3A_60 : i1
    %sub3A_62 = arith.constant 1 : i32
    %sub3A_63 = arith.subi %div3A_42, %sub3A_62 : i32
    %select_n3A_64 = arith.select %and3A_61, %sub3A_63, %div3A_42 : i32
    %mul3A_65 = arith.constant 8 : i32
    %mul3A_66 = arith.muli %rem3A_23, %mul3A_65 : i32
    %rem3A_67 = arith.constant 8 : i32
    %rem3A_68 = arith.remsi %reduce_max3A_30, %rem3A_67 : i32
    %jit3A_69 = arith.constant 8 : i32
    %div3A_70 = arith.divsi %reduce_max3A_40, %jit3A_69 : i32
    %sign3A_71 = arith.constant 0 : i32
    %sign3A_72 = arith.cmpi sgt, %reduce_max3A_40, %sign3A_71 : i32
    %sign3A_73 = arith.extui %sign3A_72 : i1 to i32
    %sign3A_74 = arith.constant 0 : i32
    %sign3A_75 = arith.cmpi slt, %reduce_max3A_40, %sign3A_74 : i32
    %sign3A_76 = arith.extui %sign3A_75 : i1 to i32
    %sign3A_77 = arith.subi %sign3A_73, %sign3A_76 : i32
    %sign3A_78 = arith.constant 0 : i32
    %sign3A_79 = arith.cmpi sgt, %jit3A_69, %sign3A_78 : i32
    %sign3A_80 = arith.extui %sign3A_79 : i1 to i32
    %sign3A_81 = arith.constant 0 : i32
    %sign3A_82 = arith.cmpi slt, %jit3A_69, %sign3A_81 : i32
    %sign3A_83 = arith.extui %sign3A_82 : i1 to i32
    %sign3A_84 = arith.subi %sign3A_80, %sign3A_83 : i32
    %ne3A_85 = arith.cmpi ne, %sign3A_77, %sign3A_84 : i32
    %rem3A_86 = arith.remsi %reduce_max3A_40, %jit3A_69 : i32
    %ne3A_87 = arith.constant 0 : i32
    %ne3A_88 = arith.cmpi ne, %rem3A_86, %ne3A_87 : i32
    %and3A_89 = arith.andi %ne3A_85, %ne3A_88 : i1
    %sub3A_90 = arith.constant 1 : i32
    %sub3A_91 = arith.subi %div3A_70, %sub3A_90 : i32
    %select_n3A_92 = arith.select %and3A_89, %sub3A_91, %div3A_70 : i32
    %mul3A_93 = arith.constant 8 : i32
    %mul3A_94 = arith.muli %rem3A_23, %mul3A_93 : i32
    %rem3A_95 = arith.constant 8 : i32
    %rem3A_96 = arith.remsi %reduce_max3A_40, %rem3A_95 : i32
    %dma_start3A = arith.constant 0 : i32
    %dma_start3A_97 = tpu.memref_slice %arg2[%select_n3A_64, %mul3A_66, %rem3A_68, %dma_start3A] : memref<1600x32x8x128xf32, #tpu.memory_space<hbm>> -> memref<1x8x1x128xf32, #tpu.memory_space<hbm>>
    %dma_start3A_98 = tpu.memref_squeeze %dma_start3A_97 : memref<1x8x1x128xf32, #tpu.memory_space<hbm>> -> memref<8x128xf32, #tpu.memory_space<hbm>>
    %dma_start3A_99 = arith.constant 0 : i32
    %dma_start3A_100 = tpu.memref_slice %arg2[%select_n3A_64, %mul3A_66, %rem3A_68, %dma_start3A_99] : memref<1600x32x8x128xf32, #tpu.memory_space<hbm>> -> memref<1x8x1x128xf32, #tpu.memory_space<hbm>>
    %dma_start3A_101 = tpu.memref_squeeze %dma_start3A_100 : memref<1x8x1x128xf32, #tpu.memory_space<hbm>> -> memref<8x128xf32, #tpu.memory_space<hbm>>
    tpu.enqueue_dma source(%dma_start3A_101 : memref<8x128xf32, #tpu.memory_space<hbm>>) target(%arg7 : memref<8x128xf32, #tpu.memory_space<vmem>>) target_semaphore(%arg16 : memref<!tpu.dma_semaphore, #tpu.memory_space<semaphore_mem>>)
    %dma_start3A_102 = arith.constant 0 : i32
    %dma_start3A_103 = tpu.memref_slice %arg2[%select_n3A_92, %mul3A_94, %rem3A_96, %dma_start3A_102] : memref<1600x32x8x128xf32, #tpu.memory_space<hbm>> -> memref<1x8x1x128xf32, #tpu.memory_space<hbm>>
    %dma_start3A_104 = tpu.memref_squeeze %dma_start3A_103 : memref<1x8x1x128xf32, #tpu.memory_space<hbm>> -> memref<8x128xf32, #tpu.memory_space<hbm>>
    %dma_start3A_105 = arith.constant 0 : i32
    %dma_start3A_106 = tpu.memref_slice %arg2[%select_n3A_92, %mul3A_94, %rem3A_96, %dma_start3A_105] : memref<1600x32x8x128xf32, #tpu.memory_space<hbm>> -> memref<1x8x1x128xf32, #tpu.memory_space<hbm>>
    %dma_start3A_107 = tpu.memref_squeeze %dma_start3A_106 : memref<1x8x1x128xf32, #tpu.memory_space<hbm>> -> memref<8x128xf32, #tpu.memory_space<hbm>>
    tpu.enqueue_dma source(%dma_start3A_107 : memref<8x128xf32, #tpu.memory_space<hbm>>) target(%arg8 : memref<8x128xf32, #tpu.memory_space<vmem>>) target_semaphore(%arg16 : memref<!tpu.dma_semaphore, #tpu.memory_space<semaphore_mem>>)
    %scan3A = arith.constant 0 : i32
    %scan3A_108 = arith.constant 0 : i32
    %scan3A_109 = arith.constant 12 : i32
    %scan3A_110 = arith.addi %scan3A_108, %scan3A_109 : i32
    %scan3A_111 = arith.constant 1 : i32
    %scan3A_112 = scf.for %scan3A_1333 = %scan3A_108 to %scan3A_110 step %scan3A_111 iter_args(%scan3A_1334 = %scan3A) -> (i32)  : i32 {
      %mul3A_1335 = arith.constant 2 : i32
      %mul3A_1336 = arith.muli %mul3A_1335, %scan3A_1333 : i32
      %mul3A_1337 = arith.constant 2 : i32
      %mul3A_1338 = arith.muli %mul3A_1337, %scan3A_1333 : i32
      %add3A_1339 = arith.constant 1 : i32
      %add3A_1340 = arith.addi %mul3A_1338, %add3A_1339 : i32
      %mul3A_1341 = arith.constant 25 : i32
      %mul3A_1342 = arith.muli %add3A, %mul3A_1341 : i32
      %add3A_1343 = arith.addi %mul3A_1342, %mul3A_1336 : i32
      %jit3A_1344 = arith.constant 4 : i32
      %div3A_1345 = arith.divsi %add3A_1343, %jit3A_1344 : i32
      %sign3A_1346 = arith.constant 0 : i32
      %sign3A_1347 = arith.cmpi sgt, %add3A_1343, %sign3A_1346 : i32
      %sign3A_1348 = arith.extui %sign3A_1347 : i1 to i32
      %sign3A_1349 = arith.constant 0 : i32
      %sign3A_1350 = arith.cmpi slt, %add3A_1343, %sign3A_1349 : i32
      %sign3A_1351 = arith.extui %sign3A_1350 : i1 to i32
      %sign3A_1352 = arith.subi %sign3A_1348, %sign3A_1351 : i32
      %sign3A_1353 = arith.constant 0 : i32
      %sign3A_1354 = arith.cmpi sgt, %jit3A_1344, %sign3A_1353 : i32
      %sign3A_1355 = arith.extui %sign3A_1354 : i1 to i32
      %sign3A_1356 = arith.constant 0 : i32
      %sign3A_1357 = arith.cmpi slt, %jit3A_1344, %sign3A_1356 : i32
      %sign3A_1358 = arith.extui %sign3A_1357 : i1 to i32
      %sign3A_1359 = arith.subi %sign3A_1355, %sign3A_1358 : i32
      %ne3A_1360 = arith.cmpi ne, %sign3A_1352, %sign3A_1359 : i32
      %rem3A_1361 = arith.remsi %add3A_1343, %jit3A_1344 : i32
      %ne3A_1362 = arith.constant 0 : i32
      %ne3A_1363 = arith.cmpi ne, %rem3A_1361, %ne3A_1362 : i32
      %and3A_1364 = arith.andi %ne3A_1360, %ne3A_1363 : i1
      %sub3A_1365 = arith.constant 1 : i32
      %sub3A_1366 = arith.subi %div3A_1345, %sub3A_1365 : i32
      %select_n3A_1367 = arith.select %and3A_1364, %sub3A_1366, %div3A_1345 : i32
      %rem3A_1368 = arith.constant 4 : i32
      %rem3A_1369 = arith.remsi %add3A_1343, %rem3A_1368 : i32
      %broadcast_in_dim3A_1370 = vector.broadcast %select_n3A_1367 : i32 to vector<16xi32>
      %gather3A_1371 = tpu.vector_load_idx %arg13[%broadcast_in_dim3A_1370] : memref<256xi32, #tpu.memory_space<vmem>>[vector<16xi32>], vector<16xi32>,
      %reduce_max3A_1372 = arith.constant true
      %reduce_max3A_1373 = vector.broadcast %reduce_max3A_1372 : i1 to vector<16xi1>
      %reduce_max3A_1374 = arith.constant -2147483648 : i32
      %reduce_max3A_1375 = vector.broadcast %reduce_max3A_1374 : i32 to vector<16xi32>
      %reduce_max3A_1376 = arith.xori %gather3A_1371, %reduce_max3A_1375 : vector<16xi32>
      %reduce_max3A_1377 = tpu.scan <max>, %reduce_max3A_1376 masked %reduce_max3A_1373 : vector<16xi32>, vector<16xi1> -> vector<16xi32>
      %reduce_max3A_1378 = arith.xori %reduce_max3A_1377, %reduce_max3A_1375 : vector<16xi32>
      %reduce_max3A_1379 = vector.extract %reduce_max3A_1378[15] : i32 from vector<16xi32>
      %broadcast_in_dim3A_1380 = vector.broadcast %select_n3A_1367 : i32 to vector<16xi32>
      %gather3A_1381 = tpu.vector_load_idx %arg14[%broadcast_in_dim3A_1380] : memref<256xi32, #tpu.memory_space<vmem>>[vector<16xi32>], vector<16xi32>,
      %reduce_max3A_1382 = arith.constant true
      %reduce_max3A_1383 = vector.broadcast %reduce_max3A_1382 : i1 to vector<16xi1>
      %reduce_max3A_1384 = arith.constant -2147483648 : i32
      %reduce_max3A_1385 = vector.broadcast %reduce_max3A_1384 : i32 to vector<16xi32>
      %reduce_max3A_1386 = arith.xori %gather3A_1381, %reduce_max3A_1385 : vector<16xi32>
      %reduce_max3A_1387 = tpu.scan <max>, %reduce_max3A_1386 masked %reduce_max3A_1383 : vector<16xi32>, vector<16xi1> -> vector<16xi32>
      %reduce_max3A_1388 = arith.xori %reduce_max3A_1387, %reduce_max3A_1385 : vector<16xi32>
      %reduce_max3A_1389 = vector.extract %reduce_max3A_1388[15] : i32 from vector<16xi32>
      %jit3A_1390 = arith.constant 8 : i32
      %div3A_1391 = arith.divsi %reduce_max3A_1379, %jit3A_1390 : i32
      %sign3A_1392 = arith.constant 0 : i32
      %sign3A_1393 = arith.cmpi sgt, %reduce_max3A_1379, %sign3A_1392 : i32
      %sign3A_1394 = arith.extui %sign3A_1393 : i1 to i32
      %sign3A_1395 = arith.constant 0 : i32
      %sign3A_1396 = arith.cmpi slt, %reduce_max3A_1379, %sign3A_1395 : i32
      %sign3A_1397 = arith.extui %sign3A_1396 : i1 to i32
      %sign3A_1398 = arith.subi %sign3A_1394, %sign3A_1397 : i32
      %sign3A_1399 = arith.constant 0 : i32
      %sign3A_1400 = arith.cmpi sgt, %jit3A_1390, %sign3A_1399 : i32
      %sign3A_1401 = arith.extui %sign3A_1400 : i1 to i32
      %sign3A_1402 = arith.constant 0 : i32
      %sign3A_1403 = arith.cmpi slt, %jit3A_1390, %sign3A_1402 : i32
      %sign3A_1404 = arith.extui %sign3A_1403 : i1 to i32
      %sign3A_1405 = arith.subi %sign3A_1401, %sign3A_1404 : i32
      %ne3A_1406 = arith.cmpi ne, %sign3A_1398, %sign3A_1405 : i32
      %rem3A_1407 = arith.remsi %reduce_max3A_1379, %jit3A_1390 : i32
      %ne3A_1408 = arith.constant 0 : i32
      %ne3A_1409 = arith.cmpi ne, %rem3A_1407, %ne3A_1408 : i32
      %and3A_1410 = arith.andi %ne3A_1406, %ne3A_1409 : i1
      %sub3A_1411 = arith.constant 1 : i32
      %sub3A_1412 = arith.subi %div3A_1391, %sub3A_1411 : i32
      %select_n3A_1413 = arith.select %and3A_1410, %sub3A_1412, %div3A_1391 : i32
      %mul3A_1414 = arith.constant 8 : i32
      %mul3A_1415 = arith.muli %rem3A_1369, %mul3A_1414 : i32
      %rem3A_1416 = arith.constant 8 : i32
      %rem3A_1417 = arith.remsi %reduce_max3A_1379, %rem3A_1416 : i32
      %jit3A_1418 = arith.constant 8 : i32
      %div3A_1419 = arith.divsi %reduce_max3A_1389, %jit3A_1418 : i32
      %sign3A_1420 = arith.constant 0 : i32
      %sign3A_1421 = arith.cmpi sgt, %reduce_max3A_1389, %sign3A_1420 : i32
      %sign3A_1422 = arith.extui %sign3A_1421 : i1 to i32
      %sign3A_1423 = arith.constant 0 : i32
      %sign3A_1424 = arith.cmpi slt, %reduce_max3A_1389, %sign3A_1423 : i32
      %sign3A_1425 = arith.extui %sign3A_1424 : i1 to i32
      %sign3A_1426 = arith.subi %sign3A_1422, %sign3A_1425 : i32
      %sign3A_1427 = arith.constant 0 : i32
      %sign3A_1428 = arith.cmpi sgt, %jit3A_1418, %sign3A_1427 : i32
      %sign3A_1429 = arith.extui %sign3A_1428 : i1 to i32
      %sign3A_1430 = arith.constant 0 : i32
      %sign3A_1431 = arith.cmpi slt, %jit3A_1418, %sign3A_1430 : i32
      %sign3A_1432 = arith.extui %sign3A_1431 : i1 to i32
      %sign3A_1433 = arith.subi %sign3A_1429, %sign3A_1432 : i32
      %ne3A_1434 = arith.cmpi ne, %sign3A_1426, %sign3A_1433 : i32
      %rem3A_1435 = arith.remsi %reduce_max3A_1389, %jit3A_1418 : i32
      %ne3A_1436 = arith.constant 0 : i32
      %ne3A_1437 = arith.cmpi ne, %rem3A_1435, %ne3A_1436 : i32
      %and3A_1438 = arith.andi %ne3A_1434, %ne3A_1437 : i1
      %sub3A_1439 = arith.constant 1 : i32
      %sub3A_1440 = arith.subi %div3A_1419, %sub3A_1439 : i32
      %select_n3A_1441 = arith.select %and3A_1438, %sub3A_1440, %div3A_1419 : i32
      %mul3A_1442 = arith.constant 8 : i32
      %mul3A_1443 = arith.muli %rem3A_1369, %mul3A_1442 : i32
      %rem3A_1444 = arith.constant 8 : i32
      %rem3A_1445 = arith.remsi %reduce_max3A_1389, %rem3A_1444 : i32
      %dma_wait3A_1446 = arith.constant 0 : i32
      %dma_wait3A_1447 = tpu.memref_slice %arg2[%select_n3A_1413, %mul3A_1415, %rem3A_1417, %dma_wait3A_1446] : memref<1600x32x8x128xf32, #tpu.memory_space<hbm>> -> memref<1x8x1x128xf32, #tpu.memory_space<hbm>>
      %dma_wait3A_1448 = tpu.memref_squeeze %dma_wait3A_1447 : memref<1x8x1x128xf32, #tpu.memory_space<hbm>> -> memref<8x128xf32, #tpu.memory_space<hbm>>
      %dma_wait3A_1449 = arith.constant 0 : i32
      %dma_wait3A_1450 = tpu.memref_slice %arg2[%select_n3A_1413, %mul3A_1415, %rem3A_1417, %dma_wait3A_1449] : memref<1600x32x8x128xf32, #tpu.memory_space<hbm>> -> memref<1x8x1x128xf32, #tpu.memory_space<hbm>>
      %dma_wait3A_1451 = tpu.memref_squeeze %dma_wait3A_1450 : memref<1x8x1x128xf32, #tpu.memory_space<hbm>> -> memref<8x128xf32, #tpu.memory_space<hbm>>
      tpu.wait_dma2 semaphore(%arg16 : memref<!tpu.dma_semaphore, #tpu.memory_space<semaphore_mem>>) src(%dma_wait3A_1451 : memref<8x128xf32, #tpu.memory_space<hbm>>) dst(%arg7 : memref<8x128xf32, #tpu.memory_space<vmem>>)
      %dma_wait3A_1452 = arith.constant 0 : i32
      %dma_wait3A_1453 = tpu.memref_slice %arg2[%select_n3A_1441, %mul3A_1443, %rem3A_1445, %dma_wait3A_1452] : memref<1600x32x8x128xf32, #tpu.memory_space<hbm>> -> memref<1x8x1x128xf32, #tpu.memory_space<hbm>>
      %dma_wait3A_1454 = tpu.memref_squeeze %dma_wait3A_1453 : memref<1x8x1x128xf32, #tpu.memory_space<hbm>> -> memref<8x128xf32, #tpu.memory_space<hbm>>
      %dma_wait3A_1455 = arith.constant 0 : i32
      %dma_wait3A_1456 = tpu.memref_slice %arg2[%select_n3A_1441, %mul3A_1443, %rem3A_1445, %dma_wait3A_1455] : memref<1600x32x8x128xf32, #tpu.memory_space<hbm>> -> memref<1x8x1x128xf32, #tpu.memory_space<hbm>>
      %dma_wait3A_1457 = tpu.memref_squeeze %dma_wait3A_1456 : memref<1x8x1x128xf32, #tpu.memory_space<hbm>> -> memref<8x128xf32, #tpu.memory_space<hbm>>
      tpu.wait_dma2 semaphore(%arg16 : memref<!tpu.dma_semaphore, #tpu.memory_space<semaphore_mem>>) src(%dma_wait3A_1457 : memref<8x128xf32, #tpu.memory_space<hbm>>) dst(%arg8 : memref<8x128xf32, #tpu.memory_space<vmem>>)
      %mul3A_1458 = arith.constant 25 : i32
      %mul3A_1459 = arith.muli %add3A, %mul3A_1458 : i32
      %add3A_1460 = arith.addi %mul3A_1459, %add3A_1340 : i32
      %jit3A_1461 = arith.constant 4 : i32
      %div3A_1462 = arith.divsi %add3A_1460, %jit3A_1461 : i32
      %sign3A_1463 = arith.constant 0 : i32
      %sign3A_1464 = arith.cmpi sgt, %add3A_1460, %sign3A_1463 : i32
      %sign3A_1465 = arith.extui %sign3A_1464 : i1 to i32
      %sign3A_1466 = arith.constant 0 : i32
      %sign3A_1467 = arith.cmpi slt, %add3A_1460, %sign3A_1466 : i32
      %sign3A_1468 = arith.extui %sign3A_1467 : i1 to i32
      %sign3A_1469 = arith.subi %sign3A_1465, %sign3A_1468 : i32
      %sign3A_1470 = arith.constant 0 : i32
      %sign3A_1471 = arith.cmpi sgt, %jit3A_1461, %sign3A_1470 : i32
      %sign3A_1472 = arith.extui %sign3A_1471 : i1 to i32
      %sign3A_1473 = arith.constant 0 : i32
      %sign3A_1474 = arith.cmpi slt, %jit3A_1461, %sign3A_1473 : i32
      %sign3A_1475 = arith.extui %sign3A_1474 : i1 to i32
      %sign3A_1476 = arith.subi %sign3A_1472, %sign3A_1475 : i32
      %ne3A_1477 = arith.cmpi ne, %sign3A_1469, %sign3A_1476 : i32
      %rem3A_1478 = arith.remsi %add3A_1460, %jit3A_1461 : i32
      %ne3A_1479 = arith.constant 0 : i32
      %ne3A_1480 = arith.cmpi ne, %rem3A_1478, %ne3A_1479 : i32
      %and3A_1481 = arith.andi %ne3A_1477, %ne3A_1480 : i1
      %sub3A_1482 = arith.constant 1 : i32
      %sub3A_1483 = arith.subi %div3A_1462, %sub3A_1482 : i32
      %select_n3A_1484 = arith.select %and3A_1481, %sub3A_1483, %div3A_1462 : i32
      %rem3A_1485 = arith.constant 4 : i32
      %rem3A_1486 = arith.remsi %add3A_1460, %rem3A_1485 : i32
      %broadcast_in_dim3A_1487 = vector.broadcast %select_n3A_1484 : i32 to vector<16xi32>
      %gather3A_1488 = tpu.vector_load_idx %arg13[%broadcast_in_dim3A_1487] : memref<256xi32, #tpu.memory_space<vmem>>[vector<16xi32>], vector<16xi32>,
      %reduce_max3A_1489 = arith.constant true
      %reduce_max3A_1490 = vector.broadcast %reduce_max3A_1489 : i1 to vector<16xi1>
      %reduce_max3A_1491 = arith.constant -2147483648 : i32
      %reduce_max3A_1492 = vector.broadcast %reduce_max3A_1491 : i32 to vector<16xi32>
      %reduce_max3A_1493 = arith.xori %gather3A_1488, %reduce_max3A_1492 : vector<16xi32>
      %reduce_max3A_1494 = tpu.scan <max>, %reduce_max3A_1493 masked %reduce_max3A_1490 : vector<16xi32>, vector<16xi1> -> vector<16xi32>
      %reduce_max3A_1495 = arith.xori %reduce_max3A_1494, %reduce_max3A_1492 : vector<16xi32>
      %reduce_max3A_1496 = vector.extract %reduce_max3A_1495[15] : i32 from vector<16xi32>
      %broadcast_in_dim3A_1497 = vector.broadcast %select_n3A_1484 : i32 to vector<16xi32>
      %gather3A_1498 = tpu.vector_load_idx %arg14[%broadcast_in_dim3A_1497] : memref<256xi32, #tpu.memory_space<vmem>>[vector<16xi32>], vector<16xi32>,
      %reduce_max3A_1499 = arith.constant true
      %reduce_max3A_1500 = vector.broadcast %reduce_max3A_1499 : i1 to vector<16xi1>
      %reduce_max3A_1501 = arith.constant -2147483648 : i32
      %reduce_max3A_1502 = vector.broadcast %reduce_max3A_1501 : i32 to vector<16xi32>
      %reduce_max3A_1503 = arith.xori %gather3A_1498, %reduce_max3A_1502 : vector<16xi32>
      %reduce_max3A_1504 = tpu.scan <max>, %reduce_max3A_1503 masked %reduce_max3A_1500 : vector<16xi32>, vector<16xi1> -> vector<16xi32>
      %reduce_max3A_1505 = arith.xori %reduce_max3A_1504, %reduce_max3A_1502 : vector<16xi32>
      %reduce_max3A_1506 = vector.extract %reduce_max3A_1505[15] : i32 from vector<16xi32>
      %jit3A_1507 = arith.constant 8 : i32
      %div3A_1508 = arith.divsi %reduce_max3A_1496, %jit3A_1507 : i32
      %sign3A_1509 = arith.constant 0 : i32
      %sign3A_1510 = arith.cmpi sgt, %reduce_max3A_1496, %sign3A_1509 : i32
      %sign3A_1511 = arith.extui %sign3A_1510 : i1 to i32
      %sign3A_1512 = arith.constant 0 : i32
      %sign3A_1513 = arith.cmpi slt, %reduce_max3A_1496, %sign3A_1512 : i32
      %sign3A_1514 = arith.extui %sign3A_1513 : i1 to i32
      %sign3A_1515 = arith.subi %sign3A_1511, %sign3A_1514 : i32
      %sign3A_1516 = arith.constant 0 : i32
      %sign3A_1517 = arith.cmpi sgt, %jit3A_1507, %sign3A_1516 : i32
      %sign3A_1518 = arith.extui %sign3A_1517 : i1 to i32
      %sign3A_1519 = arith.constant 0 : i32
      %sign3A_1520 = arith.cmpi slt, %jit3A_1507, %sign3A_1519 : i32
      %sign3A_1521 = arith.extui %sign3A_1520 : i1 to i32
      %sign3A_1522 = arith.subi %sign3A_1518, %sign3A_1521 : i32
      %ne3A_1523 = arith.cmpi ne, %sign3A_1515, %sign3A_1522 : i32
      %rem3A_1524 = arith.remsi %reduce_max3A_1496, %jit3A_1507 : i32
      %ne3A_1525 = arith.constant 0 : i32
      %ne3A_1526 = arith.cmpi ne, %rem3A_1524, %ne3A_1525 : i32
      %and3A_1527 = arith.andi %ne3A_1523, %ne3A_1526 : i1
      %sub3A_1528 = arith.constant 1 : i32
      %sub3A_1529 = arith.subi %div3A_1508, %sub3A_1528 : i32
      %select_n3A_1530 = arith.select %and3A_1527, %sub3A_1529, %div3A_1508 : i32
      %mul3A_1531 = arith.constant 8 : i32
      %mul3A_1532 = arith.muli %rem3A_1486, %mul3A_1531 : i32
      %rem3A_1533 = arith.constant 8 : i32
      %rem3A_1534 = arith.remsi %reduce_max3A_1496, %rem3A_1533 : i32
      %jit3A_1535 = arith.constant 8 : i32
      %div3A_1536 = arith.divsi %reduce_max3A_1506, %jit3A_1535 : i32
      %sign3A_1537 = arith.constant 0 : i32
      %sign3A_1538 = arith.cmpi sgt, %reduce_max3A_1506, %sign3A_1537 : i32
      %sign3A_1539 = arith.extui %sign3A_1538 : i1 to i32
      %sign3A_1540 = arith.constant 0 : i32
      %sign3A_1541 = arith.cmpi slt, %reduce_max3A_1506, %sign3A_1540 : i32
      %sign3A_1542 = arith.extui %sign3A_1541 : i1 to i32
      %sign3A_1543 = arith.subi %sign3A_1539, %sign3A_1542 : i32
      %sign3A_1544 = arith.constant 0 : i32
      %sign3A_1545 = arith.cmpi sgt, %jit3A_1535, %sign3A_1544 : i32
      %sign3A_1546 = arith.extui %sign3A_1545 : i1 to i32
      %sign3A_1547 = arith.constant 0 : i32
      %sign3A_1548 = arith.cmpi slt, %jit3A_1535, %sign3A_1547 : i32
      %sign3A_1549 = arith.extui %sign3A_1548 : i1 to i32
      %sign3A_1550 = arith.subi %sign3A_1546, %sign3A_1549 : i32
      %ne3A_1551 = arith.cmpi ne, %sign3A_1543, %sign3A_1550 : i32
      %rem3A_1552 = arith.remsi %reduce_max3A_1506, %jit3A_1535 : i32
      %ne3A_1553 = arith.constant 0 : i32
      %ne3A_1554 = arith.cmpi ne, %rem3A_1552, %ne3A_1553 : i32
      %and3A_1555 = arith.andi %ne3A_1551, %ne3A_1554 : i1
      %sub3A_1556 = arith.constant 1 : i32
      %sub3A_1557 = arith.subi %div3A_1536, %sub3A_1556 : i32
      %select_n3A_1558 = arith.select %and3A_1555, %sub3A_1557, %div3A_1536 : i32
      %mul3A_1559 = arith.constant 8 : i32
      %mul3A_1560 = arith.muli %rem3A_1486, %mul3A_1559 : i32
      %rem3A_1561 = arith.constant 8 : i32
      %rem3A_1562 = arith.remsi %reduce_max3A_1506, %rem3A_1561 : i32
      %dma_start3A_1563 = arith.constant 0 : i32
      %dma_start3A_1564 = tpu.memref_slice %arg2[%select_n3A_1530, %mul3A_1532, %rem3A_1534, %dma_start3A_1563] : memref<1600x32x8x128xf32, #tpu.memory_space<hbm>> -> memref<1x8x1x128xf32, #tpu.memory_space<hbm>>
      %dma_start3A_1565 = tpu.memref_squeeze %dma_start3A_1564 : memref<1x8x1x128xf32, #tpu.memory_space<hbm>> -> memref<8x128xf32, #tpu.memory_space<hbm>>
      %dma_start3A_1566 = arith.constant 0 : i32
      %dma_start3A_1567 = tpu.memref_slice %arg2[%select_n3A_1530, %mul3A_1532, %rem3A_1534, %dma_start3A_1566] : memref<1600x32x8x128xf32, #tpu.memory_space<hbm>> -> memref<1x8x1x128xf32, #tpu.memory_space<hbm>>
      %dma_start3A_1568 = tpu.memref_squeeze %dma_start3A_1567 : memref<1x8x1x128xf32, #tpu.memory_space<hbm>> -> memref<8x128xf32, #tpu.memory_space<hbm>>
      tpu.enqueue_dma source(%dma_start3A_1568 : memref<8x128xf32, #tpu.memory_space<hbm>>) target(%arg9 : memref<8x128xf32, #tpu.memory_space<vmem>>) target_semaphore(%arg16 : memref<!tpu.dma_semaphore, #tpu.memory_space<semaphore_mem>>)
      %dma_start3A_1569 = arith.constant 0 : i32
      %dma_start3A_1570 = tpu.memref_slice %arg2[%select_n3A_1558, %mul3A_1560, %rem3A_1562, %dma_start3A_1569] : memref<1600x32x8x128xf32, #tpu.memory_space<hbm>> -> memref<1x8x1x128xf32, #tpu.memory_space<hbm>>
      %dma_start3A_1571 = tpu.memref_squeeze %dma_start3A_1570 : memref<1x8x1x128xf32, #tpu.memory_space<hbm>> -> memref<8x128xf32, #tpu.memory_space<hbm>>
      %dma_start3A_1572 = arith.constant 0 : i32
      %dma_start3A_1573 = tpu.memref_slice %arg2[%select_n3A_1558, %mul3A_1560, %rem3A_1562, %dma_start3A_1572] : memref<1600x32x8x128xf32, #tpu.memory_space<hbm>> -> memref<1x8x1x128xf32, #tpu.memory_space<hbm>>
      %dma_start3A_1574 = tpu.memref_squeeze %dma_start3A_1573 : memref<1x8x1x128xf32, #tpu.memory_space<hbm>> -> memref<8x128xf32, #tpu.memory_space<hbm>>
      tpu.enqueue_dma source(%dma_start3A_1574 : memref<8x128xf32, #tpu.memory_space<hbm>>) target(%arg10 : memref<8x128xf32, #tpu.memory_space<vmem>>) target_semaphore(%arg16 : memref<!tpu.dma_semaphore, #tpu.memory_space<semaphore_mem>>)
      %gt3A = arith.constant 0 : i32
      %gt3A_1575 = arith.cmpi sgt, %scan3A_1333, %gt3A : i32
      %convert_element_type3A = arith.extui %gt3A_1575 : i1 to i32
      %cond3A = arith.constant 0 : i32
      %cond3A_1576 = arith.cmpi ne, %convert_element_type3A, %cond3A : i32
      scf.if %cond3A_1576 {
        %sub3A_3696 = arith.constant 2 : i32
        %sub3A_3697 = arith.subi %mul3A_1336, %sub3A_3696 : i32
        %mul3A_3698 = arith.constant 25 : i32
        %mul3A_3699 = arith.muli %add3A, %mul3A_3698 : i32
        %add3A_3700 = arith.addi %mul3A_3699, %sub3A_3697 : i32
        %jit3A_3701 = arith.constant 4 : i32
        %div3A_3702 = arith.divsi %add3A_3700, %jit3A_3701 : i32
        %sign3A_3703 = arith.constant 0 : i32
        %sign3A_3704 = arith.cmpi sgt, %add3A_3700, %sign3A_3703 : i32
        %sign3A_3705 = arith.extui %sign3A_3704 : i1 to i32
        %sign3A_3706 = arith.constant 0 : i32
        %sign3A_3707 = arith.cmpi slt, %add3A_3700, %sign3A_3706 : i32
        %sign3A_3708 = arith.extui %sign3A_3707 : i1 to i32
        %sign3A_3709 = arith.subi %sign3A_3705, %sign3A_3708 : i32
        %sign3A_3710 = arith.constant 0 : i32
        %sign3A_3711 = arith.cmpi sgt, %jit3A_3701, %sign3A_3710 : i32
        %sign3A_3712 = arith.extui %sign3A_3711 : i1 to i32
        %sign3A_3713 = arith.constant 0 : i32
        %sign3A_3714 = arith.cmpi slt, %jit3A_3701, %sign3A_3713 : i32
        %sign3A_3715 = arith.extui %sign3A_3714 : i1 to i32
        %sign3A_3716 = arith.subi %sign3A_3712, %sign3A_3715 : i32
        %ne3A_3717 = arith.cmpi ne, %sign3A_3709, %sign3A_3716 : i32
        %rem3A_3718 = arith.remsi %add3A_3700, %jit3A_3701 : i32
        %ne3A_3719 = arith.constant 0 : i32
        %ne3A_3720 = arith.cmpi ne, %rem3A_3718, %ne3A_3719 : i32
        %and3A_3721 = arith.andi %ne3A_3717, %ne3A_3720 : i1
        %sub3A_3722 = arith.constant 1 : i32
        %sub3A_3723 = arith.subi %div3A_3702, %sub3A_3722 : i32
        %select_n3A_3724 = arith.select %and3A_3721, %sub3A_3723, %div3A_3702 : i32
        %rem3A_3725 = arith.constant 4 : i32
        %rem3A_3726 = arith.remsi %add3A_3700, %rem3A_3725 : i32
        %mul3A_3727 = arith.constant 1024 : i32
        %mul3A_3728 = arith.muli %rem3A_3726, %mul3A_3727 : i32
        %dma_wait3A_3729 = tpu.memref_slice %arg6[%select_n3A_3724, %mul3A_3728] : memref<200x4096xf32, #tpu.memory_space<hbm>> -> memref<1x1024xf32, #tpu.memory_space<hbm>>
        %dma_wait3A_3730 = tpu.memref_squeeze %dma_wait3A_3729 : memref<1x1024xf32, #tpu.memory_space<hbm>> -> memref<1024xf32, #tpu.memory_space<hbm>>
        %dma_wait3A_3731 = tpu.memref_slice %arg6[%select_n3A_3724, %mul3A_3728] : memref<200x4096xf32, #tpu.memory_space<hbm>> -> memref<1x1024xf32, #tpu.memory_space<hbm>>
        %dma_wait3A_3732 = tpu.memref_squeeze %dma_wait3A_3731 : memref<1x1024xf32, #tpu.memory_space<hbm>> -> memref<1024xf32, #tpu.memory_space<hbm>>
        tpu.wait_dma2 semaphore(%arg17 : memref<!tpu.dma_semaphore, #tpu.memory_space<semaphore_mem>>) src(%arg11 : memref<1024xf32, #tpu.memory_space<vmem>>) dst(%dma_wait3A_3732 : memref<1024xf32, #tpu.memory_space<hbm>>)
      } else {
      }
      %get3A_1577 = arith.constant 0 : i32
      %get3A_1578 = arith.index_cast %get3A_1577 : i32 to index
      %get3A_1579 = arith.constant 0 : index
      %get3A_1580 = tpu.vector_load %arg7[%get3A_1578, %get3A_1579] {strides = array<i32>} : memref<8x128xf32, #tpu.memory_space<vmem>>, vector<16xf32>,
      %mul3A_1581 = arith.mulf %get3A_1580, %get3A_1 : vector<16xf32>
      %exp3A_1582 = math.exp %mul3A_1581 : vector<16xf32>
      %get3A_1583 = arith.constant 0 : i32
      %get3A_1584 = arith.index_cast %get3A_1583 : i32 to index
      %get3A_1585 = arith.constant 0 : index
      %get3A_1586 = tpu.vector_load %arg8[%get3A_1584, %get3A_1585] {strides = array<i32>} : memref<8x128xf32, #tpu.memory_space<vmem>>, vector<16xf32>,
      %mul3A_1587 = arith.mulf %get3A_1586, %get3A_1 : vector<16xf32>
      %exp3A_1588 = math.exp %mul3A_1587 : vector<16xf32>
      %sub3A_1589 = arith.subf %exp3A_1582, %exp3A_1588 : vector<16xf32>
      %swap3A_1590 = arith.constant 0 : index
      %swap3A_1591 = tpu.vector_load %arg11[%swap3A_1590] {strides = array<i32>} : memref<1024xf32, #tpu.memory_space<vmem>>, vector<16xf32>,
      tpu.vector_store %arg11[%swap3A_1590], %sub3A_1589 {strides = array<i32>} : memref<1024xf32, #tpu.memory_space<vmem>>, vector<16xf32>,
      %get3A_1592 = arith.constant 0 : i32
      %get3A_1593 = arith.index_cast %get3A_1592 : i32 to index
      %get3A_1594 = arith.constant 16 : index
      %get3A_1595 = tpu.vector_load %arg7[%get3A_1593, %get3A_1594] {strides = array<i32>} : memref<8x128xf32, #tpu.memory_space<vmem>>, vector<16xf32>,
      %mul3A_1596 = arith.mulf %get3A_1595, %get3A_1 : vector<16xf32>
      %exp3A_1597 = math.exp %mul3A_1596 : vector<16xf32>
      %get3A_1598 = arith.constant 0 : i32
      %get3A_1599 = arith.index_cast %get3A_1598 : i32 to index
      %get3A_1600 = arith.constant 16 : index
      %get3A_1601 = tpu.vector_load %arg8[%get3A_1599, %get3A_1600] {strides = array<i32>} : memref<8x128xf32, #tpu.memory_space<vmem>>, vector<16xf32>,
      %mul3A_1602 = arith.mulf %get3A_1601, %get3A_1 : vector<16xf32>
      %exp3A_1603 = math.exp %mul3A_1602 : vector<16xf32>
      %sub3A_1604 = arith.subf %exp3A_1597, %exp3A_1603 : vector<16xf32>
      %swap3A_1605 = arith.constant 16 : index
      %swap3A_1606 = tpu.vector_load %arg11[%swap3A_1605] {strides = array<i32>} : memref<1024xf32, #tpu.memory_space<vmem>>, vector<16xf32>,
      tpu.vector_store %arg11[%swap3A_1605], %sub3A_1604 {strides = array<i32>} : memref<1024xf32, #tpu.memory_space<vmem>>, vector<16xf32>,
      %get3A_1607 = arith.constant 0 : i32
      %get3A_1608 = arith.index_cast %get3A_1607 : i32 to index
      %get3A_1609 = arith.constant 32 : index
      %get3A_1610 = tpu.vector_load %arg7[%get3A_1608, %get3A_1609] {strides = array<i32>} : memref<8x128xf32, #tpu.memory_space<vmem>>, vector<16xf32>,
      %mul3A_1611 = arith.mulf %get3A_1610, %get3A_1 : vector<16xf32>
      %exp3A_1612 = math.exp %mul3A_1611 : vector<16xf32>
      %get3A_1613 = arith.constant 0 : i32
      %get3A_1614 = arith.index_cast %get3A_1613 : i32 to index
      %get3A_1615 = arith.constant 32 : index
      %get3A_1616 = tpu.vector_load %arg8[%get3A_1614, %get3A_1615] {strides = array<i32>} : memref<8x128xf32, #tpu.memory_space<vmem>>, vector<16xf32>,
      %mul3A_1617 = arith.mulf %get3A_1616, %get3A_1 : vector<16xf32>
      %exp3A_1618 = math.exp %mul3A_1617 : vector<16xf32>
      %sub3A_1619 = arith.subf %exp3A_1612, %exp3A_1618 : vector<16xf32>
      %swap3A_1620 = arith.constant 32 : index
      %swap3A_1621 = tpu.vector_load %arg11[%swap3A_1620] {strides = array<i32>} : memref<1024xf32, #tpu.memory_space<vmem>>, vector<16xf32>,
      tpu.vector_store %arg11[%swap3A_1620], %sub3A_1619 {strides = array<i32>} : memref<1024xf32, #tpu.memory_space<vmem>>, vector<16xf32>,
      %get3A_1622 = arith.constant 0 : i32
      %get3A_1623 = arith.index_cast %get3A_1622 : i32 to index
      %get3A_1624 = arith.constant 48 : index
      %get3A_1625 = tpu.vector_load %arg7[%get3A_1623, %get3A_1624] {strides = array<i32>} : memref<8x128xf32, #tpu.memory_space<vmem>>, vector<16xf32>,
      %mul3A_1626 = arith.mulf %get3A_1625, %get3A_1 : vector<16xf32>
      %exp3A_1627 = math.exp %mul3A_1626 : vector<16xf32>
      %get3A_1628 = arith.constant 0 : i32
      %get3A_1629 = arith.index_cast %get3A_1628 : i32 to index
      %get3A_1630 = arith.constant 48 : index
      %get3A_1631 = tpu.vector_load %arg8[%get3A_1629, %get3A_1630] {strides = array<i32>} : memref<8x128xf32, #tpu.memory_space<vmem>>, vector<16xf32>,
      %mul3A_1632 = arith.mulf %get3A_1631, %get3A_1 : vector<16xf32>
      %exp3A_1633 = math.exp %mul3A_1632 : vector<16xf32>
      %sub3A_1634 = arith.subf %exp3A_1627, %exp3A_1633 : vector<16xf32>
      %swap3A_1635 = arith.constant 48 : index
      %swap3A_1636 = tpu.vector_load %arg11[%swap3A_1635] {strides = array<i32>} : memref<1024xf32, #tpu.memory_space<vmem>>, vector<16xf32>,
      tpu.vector_store %arg11[%swap3A_1635], %sub3A_1634 {strides = array<i32>} : memref<1024xf32, #tpu.memory_space<vmem>>, vector<16xf32>,
      %get3A_1637 = arith.constant 0 : i32
      %get3A_1638 = arith.index_cast %get3A_1637 : i32 to index
      %get3A_1639 = arith.constant 64 : index
      %get3A_1640 = tpu.vector_load %arg7[%get3A_1638, %get3A_1639] {strides = array<i32>} : memref<8x128xf32, #tpu.memory_space<vmem>>, vector<16xf32>,
      %mul3A_1641 = arith.mulf %get3A_1640, %get3A_1 : vector<16xf32>
      %exp3A_1642 = math.exp %mul3A_1641 : vector<16xf32>
      %get3A_1643 = arith.constant 0 : i32
      %get3A_1644 = arith.index_cast %get3A_1643 : i32 to index
      %get3A_1645 = arith.constant 64 : index
      %get3A_1646 = tpu.vector_load %arg8[%get3A_1644, %get3A_1645] {strides = array<i32>} : memref<8x128xf32, #tpu.memory_space<vmem>>, vector<16xf32>,
      %mul3A_1647 = arith.mulf %get3A_1646, %get3A_1 : vector<16xf32>
      %exp3A_1648 = math.exp %mul3A_1647 : vector<16xf32>
      %sub3A_1649 = arith.subf %exp3A_1642, %exp3A_1648 : vector<16xf32>
      %swap3A_1650 = arith.constant 64 : index
      %swap3A_1651 = tpu.vector_load %arg11[%swap3A_1650] {strides = array<i32>} : memref<1024xf32, #tpu.memory_space<vmem>>, vector<16xf32>,
      tpu.vector_store %arg11[%swap3A_1650], %sub3A_1649 {strides = array<i32>} : memref<1024xf32, #tpu.memory_space<vmem>>, vector<16xf32>,
      %get3A_1652 = arith.constant 0 : i32
      %get3A_1653 = arith.index_cast %get3A_1652 : i32 to index
      %get3A_1654 = arith.constant 80 : index
      %get3A_1655 = tpu.vector_load %arg7[%get3A_1653, %get3A_1654] {strides = array<i32>} : memref<8x128xf32, #tpu.memory_space<vmem>>, vector<16xf32>,
      %mul3A_1656 = arith.mulf %get3A_1655, %get3A_1 : vector<16xf32>
      %exp3A_1657 = math.exp %mul3A_1656 : vector<16xf32>
      %get3A_1658 = arith.constant 0 : i32
      %get3A_1659 = arith.index_cast %get3A_1658 : i32 to index
      %get3A_1660 = arith.constant 80 : index
      %get3A_1661 = tpu.vector_load %arg8[%get3A_1659, %get3A_1660] {strides = array<i32>} : memref<8x128xf32, #tpu.memory_space<vmem>>, vector<16xf32>,
      %mul3A_1662 = arith.mulf %get3A_1661, %get3A_1 : vector<16xf32>
      %exp3A_1663 = math.exp %mul3A_1662 : vector<16xf32>
      %sub3A_1664 = arith.subf %exp3A_1657, %exp3A_1663 : vector<16xf32>
      %swap3A_1665 = arith.constant 80 : index
      %swap3A_1666 = tpu.vector_load %arg11[%swap3A_1665] {strides = array<i32>} : memref<1024xf32, #tpu.memory_space<vmem>>, vector<16xf32>,
      tpu.vector_store %arg11[%swap3A_1665], %sub3A_1664 {strides = array<i32>} : memref<1024xf32, #tpu.memory_space<vmem>>, vector<16xf32>,
      %get3A_1667 = arith.constant 0 : i32
      %get3A_1668 = arith.index_cast %get3A_1667 : i32 to index
      %get3A_1669 = arith.constant 96 : index
      %get3A_1670 = tpu.vector_load %arg7[%get3A_1668, %get3A_1669] {strides = array<i32>} : memref<8x128xf32, #tpu.memory_space<vmem>>, vector<16xf32>,
      %mul3A_1671 = arith.mulf %get3A_1670, %get3A_1 : vector<16xf32>
      %exp3A_1672 = math.exp %mul3A_1671 : vector<16xf32>
      %get3A_1673 = arith.constant 0 : i32
      %get3A_1674 = arith.index_cast %get3A_1673 : i32 to index
      %get3A_1675 = arith.constant 96 : index
      %get3A_1676 = tpu.vector_load %arg8[%get3A_1674, %get3A_1675] {strides = array<i32>} : memref<8x128xf32, #tpu.memory_space<vmem>>, vector<16xf32>,
      %mul3A_1677 = arith.mulf %get3A_1676, %get3A_1 : vector<16xf32>
      %exp3A_1678 = math.exp %mul3A_1677 : vector<16xf32>
      %sub3A_1679 = arith.subf %exp3A_1672, %exp3A_1678 : vector<16xf32>
      %swap3A_1680 = arith.constant 96 : index
      %swap3A_1681 = tpu.vector_load %arg11[%swap3A_1680] {strides = array<i32>} : memref<1024xf32, #tpu.memory_space<vmem>>, vector<16xf32>,
      tpu.vector_store %arg11[%swap3A_1680], %sub3A_1679 {strides = array<i32>} : memref<1024xf32, #tpu.memory_space<vmem>>, vector<16xf32>,
      %get3A_1682 = arith.constant 0 : i32
      %get3A_1683 = arith.index_cast %get3A_1682 : i32 to index
      %get3A_1684 = arith.constant 112 : index
      %get3A_1685 = tpu.vector_load %arg7[%get3A_1683, %get3A_1684] {strides = array<i32>} : memref<8x128xf32, #tpu.memory_space<vmem>>, vector<16xf32>,
      %mul3A_1686 = arith.mulf %get3A_1685, %get3A_1 : vector<16xf32>
      %exp3A_1687 = math.exp %mul3A_1686 : vector<16xf32>
      %get3A_1688 = arith.constant 0 : i32
      %get3A_1689 = arith.index_cast %get3A_1688 : i32 to index
      %get3A_1690 = arith.constant 112 : index
      %get3A_1691 = tpu.vector_load %arg8[%get3A_1689, %get3A_1690] {strides = array<i32>} : memref<8x128xf32, #tpu.memory_space<vmem>>, vector<16xf32>,
      %mul3A_1692 = arith.mulf %get3A_1691, %get3A_1 : vector<16xf32>
      %exp3A_1693 = math.exp %mul3A_1692 : vector<16xf32>
      %sub3A_1694 = arith.subf %exp3A_1687, %exp3A_1693 : vector<16xf32>
      %swap3A_1695 = arith.constant 112 : index
      %swap3A_1696 = tpu.vector_load %arg11[%swap3A_1695] {strides = array<i32>} : memref<1024xf32, #tpu.memory_space<vmem>>, vector<16xf32>,
      tpu.vector_store %arg11[%swap3A_1695], %sub3A_1694 {strides = array<i32>} : memref<1024xf32, #tpu.memory_space<vmem>>, vector<16xf32>,
      %get3A_1697 = arith.constant 1 : i32
      %get3A_1698 = arith.index_cast %get3A_1697 : i32 to index
      %get3A_1699 = arith.constant 0 : index
      %get3A_1700 = tpu.vector_load %arg7[%get3A_1698, %get3A_1699] {strides = array<i32>} : memref<8x128xf32, #tpu.memory_space<vmem>>, vector<16xf32>,
      %mul3A_1701 = arith.mulf %get3A_1700, %get3A_1 : vector<16xf32>
      %exp3A_1702 = math.exp %mul3A_1701 : vector<16xf32>
      %get3A_1703 = arith.constant 1 : i32
      %get3A_1704 = arith.index_cast %get3A_1703 : i32 to index
      %get3A_1705 = arith.constant 0 : index
      %get3A_1706 = tpu.vector_load %arg8[%get3A_1704, %get3A_1705] {strides = array<i32>} : memref<8x128xf32, #tpu.memory_space<vmem>>, vector<16xf32>,
      %mul3A_1707 = arith.mulf %get3A_1706, %get3A_1 : vector<16xf32>
      %exp3A_1708 = math.exp %mul3A_1707 : vector<16xf32>
      %sub3A_1709 = arith.subf %exp3A_1702, %exp3A_1708 : vector<16xf32>
      %swap3A_1710 = arith.constant 128 : index
      %swap3A_1711 = tpu.vector_load %arg11[%swap3A_1710] {strides = array<i32>} : memref<1024xf32, #tpu.memory_space<vmem>>, vector<16xf32>,
      tpu.vector_store %arg11[%swap3A_1710], %sub3A_1709 {strides = array<i32>} : memref<1024xf32, #tpu.memory_space<vmem>>, vector<16xf32>,
      %get3A_1712 = arith.constant 1 : i32
      %get3A_1713 = arith.index_cast %get3A_1712 : i32 to index
      %get3A_1714 = arith.constant 16 : index
      %get3A_1715 = tpu.vector_load %arg7[%get3A_1713, %get3A_1714] {strides = array<i32>} : memref<8x128xf32, #tpu.memory_space<vmem>>, vector<16xf32>,
      %mul3A_1716 = arith.mulf %get3A_1715, %get3A_1 : vector<16xf32>
      %exp3A_1717 = math.exp %mul3A_1716 : vector<16xf32>
      %get3A_1718 = arith.constant 1 : i32
      %get3A_1719 = arith.index_cast %get3A_1718 : i32 to index
      %get3A_1720 = arith.constant 16 : index
      %get3A_1721 = tpu.vector_load %arg8[%get3A_1719, %get3A_1720] {strides = array<i32>} : memref<8x128xf32, #tpu.memory_space<vmem>>, vector<16xf32>,
      %mul3A_1722 = arith.mulf %get3A_1721, %get3A_1 : vector<16xf32>
      %exp3A_1723 = math.exp %mul3A_1722 : vector<16xf32>
      %sub3A_1724 = arith.subf %exp3A_1717, %exp3A_1723 : vector<16xf32>
      %swap3A_1725 = arith.constant 144 : index
      %swap3A_1726 = tpu.vector_load %arg11[%swap3A_1725] {strides = array<i32>} : memref<1024xf32, #tpu.memory_space<vmem>>, vector<16xf32>,
      tpu.vector_store %arg11[%swap3A_1725], %sub3A_1724 {strides = array<i32>} : memref<1024xf32, #tpu.memory_space<vmem>>, vector<16xf32>,
      %get3A_1727 = arith.constant 1 : i32
      %get3A_1728 = arith.index_cast %get3A_1727 : i32 to index
      %get3A_1729 = arith.constant 32 : index
      %get3A_1730 = tpu.vector_load %arg7[%get3A_1728, %get3A_1729] {strides = array<i32>} : memref<8x128xf32, #tpu.memory_space<vmem>>, vector<16xf32>,
      %mul3A_1731 = arith.mulf %get3A_1730, %get3A_1 : vector<16xf32>
      %exp3A_1732 = math.exp %mul3A_1731 : vector<16xf32>
      %get3A_1733 = arith.constant 1 : i32
      %get3A_1734 = arith.index_cast %get3A_1733 : i32 to index
      %get3A_1735 = arith.constant 32 : index
      %get3A_1736 = tpu.vector_load %arg8[%get3A_1734, %get3A_1735] {strides = array<i32>} : memref<8x128xf32, #tpu.memory_space<vmem>>, vector<16xf32>,
      %mul3A_1737 = arith.mulf %get3A_1736, %get3A_1 : vector<16xf32>
      %exp3A_1738 = math.exp %mul3A_1737 : vector<16xf32>
      %sub3A_1739 = arith.subf %exp3A_1732, %exp3A_1738 : vector<16xf32>
      %swap3A_1740 = arith.constant 160 : index
      %swap3A_1741 = tpu.vector_load %arg11[%swap3A_1740] {strides = array<i32>} : memref<1024xf32, #tpu.memory_space<vmem>>, vector<16xf32>,
      tpu.vector_store %arg11[%swap3A_1740], %sub3A_1739 {strides = array<i32>} : memref<1024xf32, #tpu.memory_space<vmem>>, vector<16xf32>,
      %get3A_1742 = arith.constant 1 : i32
      %get3A_1743 = arith.index_cast %get3A_1742 : i32 to index
      %get3A_1744 = arith.constant 48 : index
      %get3A_1745 = tpu.vector_load %arg7[%get3A_1743, %get3A_1744] {strides = array<i32>} : memref<8x128xf32, #tpu.memory_space<vmem>>, vector<16xf32>,
      %mul3A_1746 = arith.mulf %get3A_1745, %get3A_1 : vector<16xf32>
      %exp3A_1747 = math.exp %mul3A_1746 : vector<16xf32>
      %get3A_1748 = arith.constant 1 : i32
      %get3A_1749 = arith.index_cast %get3A_1748 : i32 to index
      %get3A_1750 = arith.constant 48 : index
      %get3A_1751 = tpu.vector_load %arg8[%get3A_1749, %get3A_1750] {strides = array<i32>} : memref<8x128xf32, #tpu.memory_space<vmem>>, vector<16xf32>,
      %mul3A_1752 = arith.mulf %get3A_1751, %get3A_1 : vector<16xf32>
      %exp3A_1753 = math.exp %mul3A_1752 : vector<16xf32>
      %sub3A_1754 = arith.subf %exp3A_1747, %exp3A_1753 : vector<16xf32>
      %swap3A_1755 = arith.constant 176 : index
      %swap3A_1756 = tpu.vector_load %arg11[%swap3A_1755] {strides = array<i32>} : memref<1024xf32, #tpu.memory_space<vmem>>, vector<16xf32>,
      tpu.vector_store %arg11[%swap3A_1755], %sub3A_1754 {strides = array<i32>} : memref<1024xf32, #tpu.memory_space<vmem>>, vector<16xf32>,
      %get3A_1757 = arith.constant 1 : i32
      %get3A_1758 = arith.index_cast %get3A_1757 : i32 to index
      %get3A_1759 = arith.constant 64 : index
      %get3A_1760 = tpu.vector_load %arg7[%get3A_1758, %get3A_1759] {strides = array<i32>} : memref<8x128xf32, #tpu.memory_space<vmem>>, vector<16xf32>,
      %mul3A_1761 = arith.mulf %get3A_1760, %get3A_1 : vector<16xf32>
      %exp3A_1762 = math.exp %mul3A_1761 : vector<16xf32>
      %get3A_1763 = arith.constant 1 : i32
      %get3A_1764 = arith.index_cast %get3A_1763 : i32 to index
      %get3A_1765 = arith.constant 64 : index
      %get3A_1766 = tpu.vector_load %arg8[%get3A_1764, %get3A_1765] {strides = array<i32>} : memref<8x128xf32, #tpu.memory_space<vmem>>, vector<16xf32>,
      %mul3A_1767 = arith.mulf %get3A_1766, %get3A_1 : vector<16xf32>
      %exp3A_1768 = math.exp %mul3A_1767 : vector<16xf32>
      %sub3A_1769 = arith.subf %exp3A_1762, %exp3A_1768 : vector<16xf32>
      %swap3A_1770 = arith.constant 192 : index
      %swap3A_1771 = tpu.vector_load %arg11[%swap3A_1770] {strides = array<i32>} : memref<1024xf32, #tpu.memory_space<vmem>>, vector<16xf32>,
      tpu.vector_store %arg11[%swap3A_1770], %sub3A_1769 {strides = array<i32>} : memref<1024xf32, #tpu.memory_space<vmem>>, vector<16xf32>,
      %get3A_1772 = arith.constant 1 : i32
      %get3A_1773 = arith.index_cast %get3A_1772 : i32 to index
      %get3A_1774 = arith.constant 80 : index
      %get3A_1775 = tpu.vector_load %arg7[%get3A_1773, %get3A_1774] {strides = array<i32>} : memref<8x128xf32, #tpu.memory_space<vmem>>, vector<16xf32>,
      %mul3A_1776 = arith.mulf %get3A_1775, %get3A_1 : vector<16xf32>
      %exp3A_1777 = math.exp %mul3A_1776 : vector<16xf32>
      %get3A_1778 = arith.constant 1 : i32
      %get3A_1779 = arith.index_cast %get3A_1778 : i32 to index
      %get3A_1780 = arith.constant 80 : index
      %get3A_1781 = tpu.vector_load %arg8[%get3A_1779, %get3A_1780] {strides = array<i32>} : memref<8x128xf32, #tpu.memory_space<vmem>>, vector<16xf32>,
      %mul3A_1782 = arith.mulf %get3A_1781, %get3A_1 : vector<16xf32>
      %exp3A_1783 = math.exp %mul3A_1782 : vector<16xf32>
      %sub3A_1784 = arith.subf %exp3A_1777, %exp3A_1783 : vector<16xf32>
      %swap3A_1785 = arith.constant 208 : index
      %swap3A_1786 = tpu.vector_load %arg11[%swap3A_1785] {strides = array<i32>} : memref<1024xf32, #tpu.memory_space<vmem>>, vector<16xf32>,
      tpu.vector_store %arg11[%swap3A_1785], %sub3A_1784 {strides = array<i32>} : memref<1024xf32, #tpu.memory_space<vmem>>, vector<16xf32>,
      %get3A_1787 = arith.constant 1 : i32
      %get3A_1788 = arith.index_cast %get3A_1787 : i32 to index
      %get3A_1789 = arith.constant 96 : index
      %get3A_1790 = tpu.vector_load %arg7[%get3A_1788, %get3A_1789] {strides = array<i32>} : memref<8x128xf32, #tpu.memory_space<vmem>>, vector<16xf32>,
      %mul3A_1791 = arith.mulf %get3A_1790, %get3A_1 : vector<16xf32>
      %exp3A_1792 = math.exp %mul3A_1791 : vector<16xf32>
      %get3A_1793 = arith.constant 1 : i32
      %get3A_1794 = arith.index_cast %get3A_1793 : i32 to index
      %get3A_1795 = arith.constant 96 : index
      %get3A_1796 = tpu.vector_load %arg8[%get3A_1794, %get3A_1795] {strides = array<i32>} : memref<8x128xf32, #tpu.memory_space<vmem>>, vector<16xf32>,
      %mul3A_1797 = arith.mulf %get3A_1796, %get3A_1 : vector<16xf32>
      %exp3A_1798 = math.exp %mul3A_1797 : vector<16xf32>
      %sub3A_1799 = arith.subf %exp3A_1792, %exp3A_1798 : vector<16xf32>
      %swap3A_1800 = arith.constant 224 : index
      %swap3A_1801 = tpu.vector_load %arg11[%swap3A_1800] {strides = array<i32>} : memref<1024xf32, #tpu.memory_space<vmem>>, vector<16xf32>,
      tpu.vector_store %arg11[%swap3A_1800], %sub3A_1799 {strides = array<i32>} : memref<1024xf32, #tpu.memory_space<vmem>>, vector<16xf32>,
      %get3A_1802 = arith.constant 1 : i32
      %get3A_1803 = arith.index_cast %get3A_1802 : i32 to index
      %get3A_1804 = arith.constant 112 : index
      %get3A_1805 = tpu.vector_load %arg7[%get3A_1803, %get3A_1804] {strides = array<i32>} : memref<8x128xf32, #tpu.memory_space<vmem>>, vector<16xf32>,
      %mul3A_1806 = arith.mulf %get3A_1805, %get3A_1 : vector<16xf32>
      %exp3A_1807 = math.exp %mul3A_1806 : vector<16xf32>
      %get3A_1808 = arith.constant 1 : i32
      %get3A_1809 = arith.index_cast %get3A_1808 : i32 to index
      %get3A_1810 = arith.constant 112 : index
      %get3A_1811 = tpu.vector_load %arg8[%get3A_1809, %get3A_1810] {strides = array<i32>} : memref<8x128xf32, #tpu.memory_space<vmem>>, vector<16xf32>,
      %mul3A_1812 = arith.mulf %get3A_1811, %get3A_1 : vector<16xf32>
      %exp3A_1813 = math.exp %mul3A_1812 : vector<16xf32>
      %sub3A_1814 = arith.subf %exp3A_1807, %exp3A_1813 : vector<16xf32>
      %swap3A_1815 = arith.constant 240 : index
      %swap3A_1816 = tpu.vector_load %arg11[%swap3A_1815] {strides = array<i32>} : memref<1024xf32, #tpu.memory_space<vmem>>, vector<16xf32>,
      tpu.vector_store %arg11[%swap3A_1815], %sub3A_1814 {strides = array<i32>} : memref<1024xf32, #tpu.memory_space<vmem>>, vector<16xf32>,
      %get3A_1817 = arith.constant 2 : i32
      %get3A_1818 = arith.index_cast %get3A_1817 : i32 to index
      %get3A_1819 = arith.constant 0 : index
      %get3A_1820 = tpu.vector_load %arg7[%get3A_1818, %get3A_1819] {strides = array<i32>} : memref<8x128xf32, #tpu.memory_space<vmem>>, vector<16xf32>,
      %mul3A_1821 = arith.mulf %get3A_1820, %get3A_1 : vector<16xf32>
      %exp3A_1822 = math.exp %mul3A_1821 : vector<16xf32>
      %get3A_1823 = arith.constant 2 : i32
      %get3A_1824 = arith.index_cast %get3A_1823 : i32 to index
      %get3A_1825 = arith.constant 0 : index
      %get3A_1826 = tpu.vector_load %arg8[%get3A_1824, %get3A_1825] {strides = array<i32>} : memref<8x128xf32, #tpu.memory_space<vmem>>, vector<16xf32>,
      %mul3A_1827 = arith.mulf %get3A_1826, %get3A_1 : vector<16xf32>
      %exp3A_1828 = math.exp %mul3A_1827 : vector<16xf32>
      %sub3A_1829 = arith.subf %exp3A_1822, %exp3A_1828 : vector<16xf32>
      %swap3A_1830 = arith.constant 256 : index
      %swap3A_1831 = tpu.vector_load %arg11[%swap3A_1830] {strides = array<i32>} : memref<1024xf32, #tpu.memory_space<vmem>>, vector<16xf32>,
      tpu.vector_store %arg11[%swap3A_1830], %sub3A_1829 {strides = array<i32>} : memref<1024xf32, #tpu.memory_space<vmem>>, vector<16xf32>,
      %get3A_1832 = arith.constant 2 : i32
      %get3A_1833 = arith.index_cast %get3A_1832 : i32 to index
      %get3A_1834 = arith.constant 16 : index
      %get3A_1835 = tpu.vector_load %arg7[%get3A_1833, %get3A_1834] {strides = array<i32>} : memref<8x128xf32, #tpu.memory_space<vmem>>, vector<16xf32>,
      %mul3A_1836 = arith.mulf %get3A_1835, %get3A_1 : vector<16xf32>
      %exp3A_1837 = math.exp %mul3A_1836 : vector<16xf32>
      %get3A_1838 = arith.constant 2 : i32
      %get3A_1839 = arith.index_cast %get3A_1838 : i32 to index
      %get3A_1840 = arith.constant 16 : index
      %get3A_1841 = tpu.vector_load %arg8[%get3A_1839, %get3A_1840] {strides = array<i32>} : memref<8x128xf32, #tpu.memory_space<vmem>>, vector<16xf32>,
      %mul3A_1842 = arith.mulf %get3A_1841, %get3A_1 : vector<16xf32>
      %exp3A_1843 = math.exp %mul3A_1842 : vector<16xf32>
      %sub3A_1844 = arith.subf %exp3A_1837, %exp3A_1843 : vector<16xf32>
      %swap3A_1845 = arith.constant 272 : index
      %swap3A_1846 = tpu.vector_load %arg11[%swap3A_1845] {strides = array<i32>} : memref<1024xf32, #tpu.memory_space<vmem>>, vector<16xf32>,
      tpu.vector_store %arg11[%swap3A_1845], %sub3A_1844 {strides = array<i32>} : memref<1024xf32, #tpu.memory_space<vmem>>, vector<16xf32>,
      %get3A_1847 = arith.constant 2 : i32
      %get3A_1848 = arith.index_cast %get3A_1847 : i32 to index
      %get3A_1849 = arith.constant 32 : index
      %get3A_1850 = tpu.vector_load %arg7[%get3A_1848, %get3A_1849] {strides = array<i32>} : memref<8x128xf32, #tpu.memory_space<vmem>>, vector<16xf32>,
      %mul3A_1851 = arith.mulf %get3A_1850, %get3A_1 : vector<16xf32>
      %exp3A_1852 = math.exp %mul3A_1851 : vector<16xf32>
      %get3A_1853 = arith.constant 2 : i32
      %get3A_1854 = arith.index_cast %get3A_1853 : i32 to index
      %get3A_1855 = arith.constant 32 : index
      %get3A_1856 = tpu.vector_load %arg8[%get3A_1854, %get3A_1855] {strides = array<i32>} : memref<8x128xf32, #tpu.memory_space<vmem>>, vector<16xf32>,
      %mul3A_1857 = arith.mulf %get3A_1856, %get3A_1 : vector<16xf32>
      %exp3A_1858 = math.exp %mul3A_1857 : vector<16xf32>
      %sub3A_1859 = arith.subf %exp3A_1852, %exp3A_1858 : vector<16xf32>
      %swap3A_1860 = arith.constant 288 : index
      %swap3A_1861 = tpu.vector_load %arg11[%swap3A_1860] {strides = array<i32>} : memref<1024xf32, #tpu.memory_space<vmem>>, vector<16xf32>,
      tpu.vector_store %arg11[%swap3A_1860], %sub3A_1859 {strides = array<i32>} : memref<1024xf32, #tpu.memory_space<vmem>>, vector<16xf32>,
      %get3A_1862 = arith.constant 2 : i32
      %get3A_1863 = arith.index_cast %get3A_1862 : i32 to index
      %get3A_1864 = arith.constant 48 : index
      %get3A_1865 = tpu.vector_load %arg7[%get3A_1863, %get3A_1864] {strides = array<i32>} : memref<8x128xf32, #tpu.memory_space<vmem>>, vector<16xf32>,
      %mul3A_1866 = arith.mulf %get3A_1865, %get3A_1 : vector<16xf32>
      %exp3A_1867 = math.exp %mul3A_1866 : vector<16xf32>
      %get3A_1868 = arith.constant 2 : i32
      %get3A_1869 = arith.index_cast %get3A_1868 : i32 to index
      %get3A_1870 = arith.constant 48 : index
      %get3A_1871 = tpu.vector_load %arg8[%get3A_1869, %get3A_1870] {strides = array<i32>} : memref<8x128xf32, #tpu.memory_space<vmem>>, vector<16xf32>,
      %mul3A_1872 = arith.mulf %get3A_1871, %get3A_1 : vector<16xf32>
      %exp3A_1873 = math.exp %mul3A_1872 : vector<16xf32>
      %sub3A_1874 = arith.subf %exp3A_1867, %exp3A_1873 : vector<16xf32>
      %swap3A_1875 = arith.constant 304 : index
      %swap3A_1876 = tpu.vector_load %arg11[%swap3A_1875] {strides = array<i32>} : memref<1024xf32, #tpu.memory_space<vmem>>, vector<16xf32>,
      tpu.vector_store %arg11[%swap3A_1875], %sub3A_1874 {strides = array<i32>} : memref<1024xf32, #tpu.memory_space<vmem>>, vector<16xf32>,
      %get3A_1877 = arith.constant 2 : i32
      %get3A_1878 = arith.index_cast %get3A_1877 : i32 to index
      %get3A_1879 = arith.constant 64 : index
      %get3A_1880 = tpu.vector_load %arg7[%get3A_1878, %get3A_1879] {strides = array<i32>} : memref<8x128xf32, #tpu.memory_space<vmem>>, vector<16xf32>,
      %mul3A_1881 = arith.mulf %get3A_1880, %get3A_1 : vector<16xf32>
      %exp3A_1882 = math.exp %mul3A_1881 : vector<16xf32>
      %get3A_1883 = arith.constant 2 : i32
      %get3A_1884 = arith.index_cast %get3A_1883 : i32 to index
      %get3A_1885 = arith.constant 64 : index
      %get3A_1886 = tpu.vector_load %arg8[%get3A_1884, %get3A_1885] {strides = array<i32>} : memref<8x128xf32, #tpu.memory_space<vmem>>, vector<16xf32>,
      %mul3A_1887 = arith.mulf %get3A_1886, %get3A_1 : vector<16xf32>
      %exp3A_1888 = math.exp %mul3A_1887 : vector<16xf32>
      %sub3A_1889 = arith.subf %exp3A_1882, %exp3A_1888 : vector<16xf32>
      %swap3A_1890 = arith.constant 320 : index
      %swap3A_1891 = tpu.vector_load %arg11[%swap3A_1890] {strides = array<i32>} : memref<1024xf32, #tpu.memory_space<vmem>>, vector<16xf32>,
      tpu.vector_store %arg11[%swap3A_1890], %sub3A_1889 {strides = array<i32>} : memref<1024xf32, #tpu.memory_space<vmem>>, vector<16xf32>,
      %get3A_1892 = arith.constant 2 : i32
      %get3A_1893 = arith.index_cast %get3A_1892 : i32 to index
      %get3A_1894 = arith.constant 80 : index
      %get3A_1895 = tpu.vector_load %arg7[%get3A_1893, %get3A_1894] {strides = array<i32>} : memref<8x128xf32, #tpu.memory_space<vmem>>, vector<16xf32>,
      %mul3A_1896 = arith.mulf %get3A_1895, %get3A_1 : vector<16xf32>
      %exp3A_1897 = math.exp %mul3A_1896 : vector<16xf32>
      %get3A_1898 = arith.constant 2 : i32
      %get3A_1899 = arith.index_cast %get3A_1898 : i32 to index
      %get3A_1900 = arith.constant 80 : index
      %get3A_1901 = tpu.vector_load %arg8[%get3A_1899, %get3A_1900] {strides = array<i32>} : memref<8x128xf32, #tpu.memory_space<vmem>>, vector<16xf32>,
      %mul3A_1902 = arith.mulf %get3A_1901, %get3A_1 : vector<16xf32>
      %exp3A_1903 = math.exp %mul3A_1902 : vector<16xf32>
      %sub3A_1904 = arith.subf %exp3A_1897, %exp3A_1903 : vector<16xf32>
      %swap3A_1905 = arith.constant 336 : index
      %swap3A_1906 = tpu.vector_load %arg11[%swap3A_1905] {strides = array<i32>} : memref<1024xf32, #tpu.memory_space<vmem>>, vector<16xf32>,
      tpu.vector_store %arg11[%swap3A_1905], %sub3A_1904 {strides = array<i32>} : memref<1024xf32, #tpu.memory_space<vmem>>, vector<16xf32>,
      %get3A_1907 = arith.constant 2 : i32
      %get3A_1908 = arith.index_cast %get3A_1907 : i32 to index
      %get3A_1909 = arith.constant 96 : index
      %get3A_1910 = tpu.vector_load %arg7[%get3A_1908, %get3A_1909] {strides = array<i32>} : memref<8x128xf32, #tpu.memory_space<vmem>>, vector<16xf32>,
      %mul3A_1911 = arith.mulf %get3A_1910, %get3A_1 : vector<16xf32>
      %exp3A_1912 = math.exp %mul3A_1911 : vector<16xf32>
      %get3A_1913 = arith.constant 2 : i32
      %get3A_1914 = arith.index_cast %get3A_1913 : i32 to index
      %get3A_1915 = arith.constant 96 : index
      %get3A_1916 = tpu.vector_load %arg8[%get3A_1914, %get3A_1915] {strides = array<i32>} : memref<8x128xf32, #tpu.memory_space<vmem>>, vector<16xf32>,
      %mul3A_1917 = arith.mulf %get3A_1916, %get3A_1 : vector<16xf32>
      %exp3A_1918 = math.exp %mul3A_1917 : vector<16xf32>
      %sub3A_1919 = arith.subf %exp3A_1912, %exp3A_1918 : vector<16xf32>
      %swap3A_1920 = arith.constant 352 : index
      %swap3A_1921 = tpu.vector_load %arg11[%swap3A_1920] {strides = array<i32>} : memref<1024xf32, #tpu.memory_space<vmem>>, vector<16xf32>,
      tpu.vector_store %arg11[%swap3A_1920], %sub3A_1919 {strides = array<i32>} : memref<1024xf32, #tpu.memory_space<vmem>>, vector<16xf32>,
      %get3A_1922 = arith.constant 2 : i32
      %get3A_1923 = arith.index_cast %get3A_1922 : i32 to index
      %get3A_1924 = arith.constant 112 : index
      %get3A_1925 = tpu.vector_load %arg7[%get3A_1923, %get3A_1924] {strides = array<i32>} : memref<8x128xf32, #tpu.memory_space<vmem>>, vector<16xf32>,
      %mul3A_1926 = arith.mulf %get3A_1925, %get3A_1 : vector<16xf32>
      %exp3A_1927 = math.exp %mul3A_1926 : vector<16xf32>
      %get3A_1928 = arith.constant 2 : i32
      %get3A_1929 = arith.index_cast %get3A_1928 : i32 to index
      %get3A_1930 = arith.constant 112 : index
      %get3A_1931 = tpu.vector_load %arg8[%get3A_1929, %get3A_1930] {strides = array<i32>} : memref<8x128xf32, #tpu.memory_space<vmem>>, vector<16xf32>,
      %mul3A_1932 = arith.mulf %get3A_1931, %get3A_1 : vector<16xf32>
      %exp3A_1933 = math.exp %mul3A_1932 : vector<16xf32>
      %sub3A_1934 = arith.subf %exp3A_1927, %exp3A_1933 : vector<16xf32>
      %swap3A_1935 = arith.constant 368 : index
      %swap3A_1936 = tpu.vector_load %arg11[%swap3A_1935] {strides = array<i32>} : memref<1024xf32, #tpu.memory_space<vmem>>, vector<16xf32>,
      tpu.vector_store %arg11[%swap3A_1935], %sub3A_1934 {strides = array<i32>} : memref<1024xf32, #tpu.memory_space<vmem>>, vector<16xf32>,
      %get3A_1937 = arith.constant 3 : i32
      %get3A_1938 = arith.index_cast %get3A_1937 : i32 to index
      %get3A_1939 = arith.constant 0 : index
      %get3A_1940 = tpu.vector_load %arg7[%get3A_1938, %get3A_1939] {strides = array<i32>} : memref<8x128xf32, #tpu.memory_space<vmem>>, vector<16xf32>,
      %mul3A_1941 = arith.mulf %get3A_1940, %get3A_1 : vector<16xf32>
      %exp3A_1942 = math.exp %mul3A_1941 : vector<16xf32>
      %get3A_1943 = arith.constant 3 : i32
      %get3A_1944 = arith.index_cast %get3A_1943 : i32 to index
      %get3A_1945 = arith.constant 0 : index
      %get3A_1946 = tpu.vector_load %arg8[%get3A_1944, %get3A_1945] {strides = array<i32>} : memref<8x128xf32, #tpu.memory_space<vmem>>, vector<16xf32>,
      %mul3A_1947 = arith.mulf %get3A_1946, %get3A_1 : vector<16xf32>
      %exp3A_1948 = math.exp %mul3A_1947 : vector<16xf32>
      %sub3A_1949 = arith.subf %exp3A_1942, %exp3A_1948 : vector<16xf32>
      %swap3A_1950 = arith.constant 384 : index
      %swap3A_1951 = tpu.vector_load %arg11[%swap3A_1950] {strides = array<i32>} : memref<1024xf32, #tpu.memory_space<vmem>>, vector<16xf32>,
      tpu.vector_store %arg11[%swap3A_1950], %sub3A_1949 {strides = array<i32>} : memref<1024xf32, #tpu.memory_space<vmem>>, vector<16xf32>,
      %get3A_1952 = arith.constant 3 : i32
      %get3A_1953 = arith.index_cast %get3A_1952 : i32 to index
      %get3A_1954 = arith.constant 16 : index
      %get3A_1955 = tpu.vector_load %arg7[%get3A_1953, %get3A_1954] {strides = array<i32>} : memref<8x128xf32, #tpu.memory_space<vmem>>, vector<16xf32>,
      %mul3A_1956 = arith.mulf %get3A_1955, %get3A_1 : vector<16xf32>
      %exp3A_1957 = math.exp %mul3A_1956 : vector<16xf32>
      %get3A_1958 = arith.constant 3 : i32
      %get3A_1959 = arith.index_cast %get3A_1958 : i32 to index
      %get3A_1960 = arith.constant 16 : index
      %get3A_1961 = tpu.vector_load %arg8[%get3A_1959, %get3A_1960] {strides = array<i32>} : memref<8x128xf32, #tpu.memory_space<vmem>>, vector<16xf32>,
      %mul3A_1962 = arith.mulf %get3A_1961, %get3A_1 : vector<16xf32>
      %exp3A_1963 = math.exp %mul3A_1962 : vector<16xf32>
      %sub3A_1964 = arith.subf %exp3A_1957, %exp3A_1963 : vector<16xf32>
      %swap3A_1965 = arith.constant 400 : index
      %swap3A_1966 = tpu.vector_load %arg11[%swap3A_1965] {strides = array<i32>} : memref<1024xf32, #tpu.memory_space<vmem>>, vector<16xf32>,
      tpu.vector_store %arg11[%swap3A_1965], %sub3A_1964 {strides = array<i32>} : memref<1024xf32, #tpu.memory_space<vmem>>, vector<16xf32>,
      %get3A_1967 = arith.constant 3 : i32
      %get3A_1968 = arith.index_cast %get3A_1967 : i32 to index
      %get3A_1969 = arith.constant 32 : index
      %get3A_1970 = tpu.vector_load %arg7[%get3A_1968, %get3A_1969] {strides = array<i32>} : memref<8x128xf32, #tpu.memory_space<vmem>>, vector<16xf32>,
      %mul3A_1971 = arith.mulf %get3A_1970, %get3A_1 : vector<16xf32>
      %exp3A_1972 = math.exp %mul3A_1971 : vector<16xf32>
      %get3A_1973 = arith.constant 3 : i32
      %get3A_1974 = arith.index_cast %get3A_1973 : i32 to index
      %get3A_1975 = arith.constant 32 : index
      %get3A_1976 = tpu.vector_load %arg8[%get3A_1974, %get3A_1975] {strides = array<i32>} : memref<8x128xf32, #tpu.memory_space<vmem>>, vector<16xf32>,
      %mul3A_1977 = arith.mulf %get3A_1976, %get3A_1 : vector<16xf32>
      %exp3A_1978 = math.exp %mul3A_1977 : vector<16xf32>
      %sub3A_1979 = arith.subf %exp3A_1972, %exp3A_1978 : vector<16xf32>
      %swap3A_1980 = arith.constant 416 : index
      %swap3A_1981 = tpu.vector_load %arg11[%swap3A_1980] {strides = array<i32>} : memref<1024xf32, #tpu.memory_space<vmem>>, vector<16xf32>,
      tpu.vector_store %arg11[%swap3A_1980], %sub3A_1979 {strides = array<i32>} : memref<1024xf32, #tpu.memory_space<vmem>>, vector<16xf32>,
      %get3A_1982 = arith.constant 3 : i32
      %get3A_1983 = arith.index_cast %get3A_1982 : i32 to index
      %get3A_1984 = arith.constant 48 : index
      %get3A_1985 = tpu.vector_load %arg7[%get3A_1983, %get3A_1984] {strides = array<i32>} : memref<8x128xf32, #tpu.memory_space<vmem>>, vector<16xf32>,
      %mul3A_1986 = arith.mulf %get3A_1985, %get3A_1 : vector<16xf32>
      %exp3A_1987 = math.exp %mul3A_1986 : vector<16xf32>
      %get3A_1988 = arith.constant 3 : i32
      %get3A_1989 = arith.index_cast %get3A_1988 : i32 to index
      %get3A_1990 = arith.constant 48 : index
      %get3A_1991 = tpu.vector_load %arg8[%get3A_1989, %get3A_1990] {strides = array<i32>} : memref<8x128xf32, #tpu.memory_space<vmem>>, vector<16xf32>,
      %mul3A_1992 = arith.mulf %get3A_1991, %get3A_1 : vector<16xf32>
      %exp3A_1993 = math.exp %mul3A_1992 : vector<16xf32>
      %sub3A_1994 = arith.subf %exp3A_1987, %exp3A_1993 : vector<16xf32>
      %swap3A_1995 = arith.constant 432 : index
      %swap3A_1996 = tpu.vector_load %arg11[%swap3A_1995] {strides = array<i32>} : memref<1024xf32, #tpu.memory_space<vmem>>, vector<16xf32>,
      tpu.vector_store %arg11[%swap3A_1995], %sub3A_1994 {strides = array<i32>} : memref<1024xf32, #tpu.memory_space<vmem>>, vector<16xf32>,
      %get3A_1997 = arith.constant 3 : i32
      %get3A_1998 = arith.index_cast %get3A_1997 : i32 to index
      %get3A_1999 = arith.constant 64 : index
      %get3A_2000 = tpu.vector_load %arg7[%get3A_1998, %get3A_1999] {strides = array<i32>} : memref<8x128xf32, #tpu.memory_space<vmem>>, vector<16xf32>,
      %mul3A_2001 = arith.mulf %get3A_2000, %get3A_1 : vector<16xf32>
      %exp3A_2002 = math.exp %mul3A_2001 : vector<16xf32>
      %get3A_2003 = arith.constant 3 : i32
      %get3A_2004 = arith.index_cast %get3A_2003 : i32 to index
      %get3A_2005 = arith.constant 64 : index
      %get3A_2006 = tpu.vector_load %arg8[%get3A_2004, %get3A_2005] {strides = array<i32>} : memref<8x128xf32, #tpu.memory_space<vmem>>, vector<16xf32>,
      %mul3A_2007 = arith.mulf %get3A_2006, %get3A_1 : vector<16xf32>
      %exp3A_2008 = math.exp %mul3A_2007 : vector<16xf32>
      %sub3A_2009 = arith.subf %exp3A_2002, %exp3A_2008 : vector<16xf32>
      %swap3A_2010 = arith.constant 448 : index
      %swap3A_2011 = tpu.vector_load %arg11[%swap3A_2010] {strides = array<i32>} : memref<1024xf32, #tpu.memory_space<vmem>>, vector<16xf32>,
      tpu.vector_store %arg11[%swap3A_2010], %sub3A_2009 {strides = array<i32>} : memref<1024xf32, #tpu.memory_space<vmem>>, vector<16xf32>,
      %get3A_2012 = arith.constant 3 : i32
      %get3A_2013 = arith.index_cast %get3A_2012 : i32 to index
      %get3A_2014 = arith.constant 80 : index
      %get3A_2015 = tpu.vector_load %arg7[%get3A_2013, %get3A_2014] {strides = array<i32>} : memref<8x128xf32, #tpu.memory_space<vmem>>, vector<16xf32>,
      %mul3A_2016 = arith.mulf %get3A_2015, %get3A_1 : vector<16xf32>
      %exp3A_2017 = math.exp %mul3A_2016 : vector<16xf32>
      %get3A_2018 = arith.constant 3 : i32
      %get3A_2019 = arith.index_cast %get3A_2018 : i32 to index
      %get3A_2020 = arith.constant 80 : index
      %get3A_2021 = tpu.vector_load %arg8[%get3A_2019, %get3A_2020] {strides = array<i32>} : memref<8x128xf32, #tpu.memory_space<vmem>>, vector<16xf32>,
      %mul3A_2022 = arith.mulf %get3A_2021, %get3A_1 : vector<16xf32>
      %exp3A_2023 = math.exp %mul3A_2022 : vector<16xf32>
      %sub3A_2024 = arith.subf %exp3A_2017, %exp3A_2023 : vector<16xf32>
      %swap3A_2025 = arith.constant 464 : index
      %swap3A_2026 = tpu.vector_load %arg11[%swap3A_2025] {strides = array<i32>} : memref<1024xf32, #tpu.memory_space<vmem>>, vector<16xf32>,
      tpu.vector_store %arg11[%swap3A_2025], %sub3A_2024 {strides = array<i32>} : memref<1024xf32, #tpu.memory_space<vmem>>, vector<16xf32>,
      %get3A_2027 = arith.constant 3 : i32
      %get3A_2028 = arith.index_cast %get3A_2027 : i32 to index
      %get3A_2029 = arith.constant 96 : index
      %get3A_2030 = tpu.vector_load %arg7[%get3A_2028, %get3A_2029] {strides = array<i32>} : memref<8x128xf32, #tpu.memory_space<vmem>>, vector<16xf32>,
      %mul3A_2031 = arith.mulf %get3A_2030, %get3A_1 : vector<16xf32>
      %exp3A_2032 = math.exp %mul3A_2031 : vector<16xf32>
      %get3A_2033 = arith.constant 3 : i32
      %get3A_2034 = arith.index_cast %get3A_2033 : i32 to index
      %get3A_2035 = arith.constant 96 : index
      %get3A_2036 = tpu.vector_load %arg8[%get3A_2034, %get3A_2035] {strides = array<i32>} : memref<8x128xf32, #tpu.memory_space<vmem>>, vector<16xf32>,
      %mul3A_2037 = arith.mulf %get3A_2036, %get3A_1 : vector<16xf32>
      %exp3A_2038 = math.exp %mul3A_2037 : vector<16xf32>
      %sub3A_2039 = arith.subf %exp3A_2032, %exp3A_2038 : vector<16xf32>
      %swap3A_2040 = arith.constant 480 : index
      %swap3A_2041 = tpu.vector_load %arg11[%swap3A_2040] {strides = array<i32>} : memref<1024xf32, #tpu.memory_space<vmem>>, vector<16xf32>,
      tpu.vector_store %arg11[%swap3A_2040], %sub3A_2039 {strides = array<i32>} : memref<1024xf32, #tpu.memory_space<vmem>>, vector<16xf32>,
      %get3A_2042 = arith.constant 3 : i32
      %get3A_2043 = arith.index_cast %get3A_2042 : i32 to index
      %get3A_2044 = arith.constant 112 : index
      %get3A_2045 = tpu.vector_load %arg7[%get3A_2043, %get3A_2044] {strides = array<i32>} : memref<8x128xf32, #tpu.memory_space<vmem>>, vector<16xf32>,
      %mul3A_2046 = arith.mulf %get3A_2045, %get3A_1 : vector<16xf32>
      %exp3A_2047 = math.exp %mul3A_2046 : vector<16xf32>
      %get3A_2048 = arith.constant 3 : i32
      %get3A_2049 = arith.index_cast %get3A_2048 : i32 to index
      %get3A_2050 = arith.constant 112 : index
      %get3A_2051 = tpu.vector_load %arg8[%get3A_2049, %get3A_2050] {strides = array<i32>} : memref<8x128xf32, #tpu.memory_space<vmem>>, vector<16xf32>,
      %mul3A_2052 = arith.mulf %get3A_2051, %get3A_1 : vector<16xf32>
      %exp3A_2053 = math.exp %mul3A_2052 : vector<16xf32>
      %sub3A_2054 = arith.subf %exp3A_2047, %exp3A_2053 : vector<16xf32>
      %swap3A_2055 = arith.constant 496 : index
      %swap3A_2056 = tpu.vector_load %arg11[%swap3A_2055] {strides = array<i32>} : memref<1024xf32, #tpu.memory_space<vmem>>, vector<16xf32>,
      tpu.vector_store %arg11[%swap3A_2055], %sub3A_2054 {strides = array<i32>} : memref<1024xf32, #tpu.memory_space<vmem>>, vector<16xf32>,
      %get3A_2057 = arith.constant 4 : i32
      %get3A_2058 = arith.index_cast %get3A_2057 : i32 to index
      %get3A_2059 = arith.constant 0 : index
      %get3A_2060 = tpu.vector_load %arg7[%get3A_2058, %get3A_2059] {strides = array<i32>} : memref<8x128xf32, #tpu.memory_space<vmem>>, vector<16xf32>,
      %mul3A_2061 = arith.mulf %get3A_2060, %get3A_1 : vector<16xf32>
      %exp3A_2062 = math.exp %mul3A_2061 : vector<16xf32>
      %get3A_2063 = arith.constant 4 : i32
      %get3A_2064 = arith.index_cast %get3A_2063 : i32 to index
      %get3A_2065 = arith.constant 0 : index
      %get3A_2066 = tpu.vector_load %arg8[%get3A_2064, %get3A_2065] {strides = array<i32>} : memref<8x128xf32, #tpu.memory_space<vmem>>, vector<16xf32>,
      %mul3A_2067 = arith.mulf %get3A_2066, %get3A_1 : vector<16xf32>
      %exp3A_2068 = math.exp %mul3A_2067 : vector<16xf32>
      %sub3A_2069 = arith.subf %exp3A_2062, %exp3A_2068 : vector<16xf32>
      %swap3A_2070 = arith.constant 512 : index
      %swap3A_2071 = tpu.vector_load %arg11[%swap3A_2070] {strides = array<i32>} : memref<1024xf32, #tpu.memory_space<vmem>>, vector<16xf32>,
      tpu.vector_store %arg11[%swap3A_2070], %sub3A_2069 {strides = array<i32>} : memref<1024xf32, #tpu.memory_space<vmem>>, vector<16xf32>,
      %get3A_2072 = arith.constant 4 : i32
      %get3A_2073 = arith.index_cast %get3A_2072 : i32 to index
      %get3A_2074 = arith.constant 16 : index
      %get3A_2075 = tpu.vector_load %arg7[%get3A_2073, %get3A_2074] {strides = array<i32>} : memref<8x128xf32, #tpu.memory_space<vmem>>, vector<16xf32>,
      %mul3A_2076 = arith.mulf %get3A_2075, %get3A_1 : vector<16xf32>
      %exp3A_2077 = math.exp %mul3A_2076 : vector<16xf32>
      %get3A_2078 = arith.constant 4 : i32
      %get3A_2079 = arith.index_cast %get3A_2078 : i32 to index
      %get3A_2080 = arith.constant 16 : index
      %get3A_2081 = tpu.vector_load %arg8[%get3A_2079, %get3A_2080] {strides = array<i32>} : memref<8x128xf32, #tpu.memory_space<vmem>>, vector<16xf32>,
      %mul3A_2082 = arith.mulf %get3A_2081, %get3A_1 : vector<16xf32>
      %exp3A_2083 = math.exp %mul3A_2082 : vector<16xf32>
      %sub3A_2084 = arith.subf %exp3A_2077, %exp3A_2083 : vector<16xf32>
      %swap3A_2085 = arith.constant 528 : index
      %swap3A_2086 = tpu.vector_load %arg11[%swap3A_2085] {strides = array<i32>} : memref<1024xf32, #tpu.memory_space<vmem>>, vector<16xf32>,
      tpu.vector_store %arg11[%swap3A_2085], %sub3A_2084 {strides = array<i32>} : memref<1024xf32, #tpu.memory_space<vmem>>, vector<16xf32>,
      %get3A_2087 = arith.constant 4 : i32
      %get3A_2088 = arith.index_cast %get3A_2087 : i32 to index
      %get3A_2089 = arith.constant 32 : index
      %get3A_2090 = tpu.vector_load %arg7[%get3A_2088, %get3A_2089] {strides = array<i32>} : memref<8x128xf32, #tpu.memory_space<vmem>>, vector<16xf32>,
      %mul3A_2091 = arith.mulf %get3A_2090, %get3A_1 : vector<16xf32>
      %exp3A_2092 = math.exp %mul3A_2091 : vector<16xf32>
      %get3A_2093 = arith.constant 4 : i32
      %get3A_2094 = arith.index_cast %get3A_2093 : i32 to index
      %get3A_2095 = arith.constant 32 : index
      %get3A_2096 = tpu.vector_load %arg8[%get3A_2094, %get3A_2095] {strides = array<i32>} : memref<8x128xf32, #tpu.memory_space<vmem>>, vector<16xf32>,
      %mul3A_2097 = arith.mulf %get3A_2096, %get3A_1 : vector<16xf32>
      %exp3A_2098 = math.exp %mul3A_2097 : vector<16xf32>
      %sub3A_2099 = arith.subf %exp3A_2092, %exp3A_2098 : vector<16xf32>
      %swap3A_2100 = arith.constant 544 : index
      %swap3A_2101 = tpu.vector_load %arg11[%swap3A_2100] {strides = array<i32>} : memref<1024xf32, #tpu.memory_space<vmem>>, vector<16xf32>,
      tpu.vector_store %arg11[%swap3A_2100], %sub3A_2099 {strides = array<i32>} : memref<1024xf32, #tpu.memory_space<vmem>>, vector<16xf32>,
      %get3A_2102 = arith.constant 4 : i32
      %get3A_2103 = arith.index_cast %get3A_2102 : i32 to index
      %get3A_2104 = arith.constant 48 : index
      %get3A_2105 = tpu.vector_load %arg7[%get3A_2103, %get3A_2104] {strides = array<i32>} : memref<8x128xf32, #tpu.memory_space<vmem>>, vector<16xf32>,
      %mul3A_2106 = arith.mulf %get3A_2105, %get3A_1 : vector<16xf32>
      %exp3A_2107 = math.exp %mul3A_2106 : vector<16xf32>
      %get3A_2108 = arith.constant 4 : i32
      %get3A_2109 = arith.index_cast %get3A_2108 : i32 to index
      %get3A_2110 = arith.constant 48 : index
      %get3A_2111 = tpu.vector_load %arg8[%get3A_2109, %get3A_2110] {strides = array<i32>} : memref<8x128xf32, #tpu.memory_space<vmem>>, vector<16xf32>,
      %mul3A_2112 = arith.mulf %get3A_2111, %get3A_1 : vector<16xf32>
      %exp3A_2113 = math.exp %mul3A_2112 : vector<16xf32>
      %sub3A_2114 = arith.subf %exp3A_2107, %exp3A_2113 : vector<16xf32>
      %swap3A_2115 = arith.constant 560 : index
      %swap3A_2116 = tpu.vector_load %arg11[%swap3A_2115] {strides = array<i32>} : memref<1024xf32, #tpu.memory_space<vmem>>, vector<16xf32>,
      tpu.vector_store %arg11[%swap3A_2115], %sub3A_2114 {strides = array<i32>} : memref<1024xf32, #tpu.memory_space<vmem>>, vector<16xf32>,
      %get3A_2117 = arith.constant 4 : i32
      %get3A_2118 = arith.index_cast %get3A_2117 : i32 to index
      %get3A_2119 = arith.constant 64 : index
      %get3A_2120 = tpu.vector_load %arg7[%get3A_2118, %get3A_2119] {strides = array<i32>} : memref<8x128xf32, #tpu.memory_space<vmem>>, vector<16xf32>,
      %mul3A_2121 = arith.mulf %get3A_2120, %get3A_1 : vector<16xf32>
      %exp3A_2122 = math.exp %mul3A_2121 : vector<16xf32>
      %get3A_2123 = arith.constant 4 : i32
      %get3A_2124 = arith.index_cast %get3A_2123 : i32 to index
      %get3A_2125 = arith.constant 64 : index
      %get3A_2126 = tpu.vector_load %arg8[%get3A_2124, %get3A_2125] {strides = array<i32>} : memref<8x128xf32, #tpu.memory_space<vmem>>, vector<16xf32>,
      %mul3A_2127 = arith.mulf %get3A_2126, %get3A_1 : vector<16xf32>
      %exp3A_2128 = math.exp %mul3A_2127 : vector<16xf32>
      %sub3A_2129 = arith.subf %exp3A_2122, %exp3A_2128 : vector<16xf32>
      %swap3A_2130 = arith.constant 576 : index
      %swap3A_2131 = tpu.vector_load %arg11[%swap3A_2130] {strides = array<i32>} : memref<1024xf32, #tpu.memory_space<vmem>>, vector<16xf32>,
      tpu.vector_store %arg11[%swap3A_2130], %sub3A_2129 {strides = array<i32>} : memref<1024xf32, #tpu.memory_space<vmem>>, vector<16xf32>,
      %get3A_2132 = arith.constant 4 : i32
      %get3A_2133 = arith.index_cast %get3A_2132 : i32 to index
      %get3A_2134 = arith.constant 80 : index
      %get3A_2135 = tpu.vector_load %arg7[%get3A_2133, %get3A_2134] {strides = array<i32>} : memref<8x128xf32, #tpu.memory_space<vmem>>, vector<16xf32>,
      %mul3A_2136 = arith.mulf %get3A_2135, %get3A_1 : vector<16xf32>
      %exp3A_2137 = math.exp %mul3A_2136 : vector<16xf32>
      %get3A_2138 = arith.constant 4 : i32
      %get3A_2139 = arith.index_cast %get3A_2138 : i32 to index
      %get3A_2140 = arith.constant 80 : index
      %get3A_2141 = tpu.vector_load %arg8[%get3A_2139, %get3A_2140] {strides = array<i32>} : memref<8x128xf32, #tpu.memory_space<vmem>>, vector<16xf32>,
      %mul3A_2142 = arith.mulf %get3A_2141, %get3A_1 : vector<16xf32>
      %exp3A_2143 = math.exp %mul3A_2142 : vector<16xf32>
      %sub3A_2144 = arith.subf %exp3A_2137, %exp3A_2143 : vector<16xf32>
      %swap3A_2145 = arith.constant 592 : index
      %swap3A_2146 = tpu.vector_load %arg11[%swap3A_2145] {strides = array<i32>} : memref<1024xf32, #tpu.memory_space<vmem>>, vector<16xf32>,
      tpu.vector_store %arg11[%swap3A_2145], %sub3A_2144 {strides = array<i32>} : memref<1024xf32, #tpu.memory_space<vmem>>, vector<16xf32>,
      %get3A_2147 = arith.constant 4 : i32
      %get3A_2148 = arith.index_cast %get3A_2147 : i32 to index
      %get3A_2149 = arith.constant 96 : index
      %get3A_2150 = tpu.vector_load %arg7[%get3A_2148, %get3A_2149] {strides = array<i32>} : memref<8x128xf32, #tpu.memory_space<vmem>>, vector<16xf32>,
      %mul3A_2151 = arith.mulf %get3A_2150, %get3A_1 : vector<16xf32>
      %exp3A_2152 = math.exp %mul3A_2151 : vector<16xf32>
      %get3A_2153 = arith.constant 4 : i32
      %get3A_2154 = arith.index_cast %get3A_2153 : i32 to index
      %get3A_2155 = arith.constant 96 : index
      %get3A_2156 = tpu.vector_load %arg8[%get3A_2154, %get3A_2155] {strides = array<i32>} : memref<8x128xf32, #tpu.memory_space<vmem>>, vector<16xf32>,
      %mul3A_2157 = arith.mulf %get3A_2156, %get3A_1 : vector<16xf32>
      %exp3A_2158 = math.exp %mul3A_2157 : vector<16xf32>
      %sub3A_2159 = arith.subf %exp3A_2152, %exp3A_2158 : vector<16xf32>
      %swap3A_2160 = arith.constant 608 : index
      %swap3A_2161 = tpu.vector_load %arg11[%swap3A_2160] {strides = array<i32>} : memref<1024xf32, #tpu.memory_space<vmem>>, vector<16xf32>,
      tpu.vector_store %arg11[%swap3A_2160], %sub3A_2159 {strides = array<i32>} : memref<1024xf32, #tpu.memory_space<vmem>>, vector<16xf32>,
      %get3A_2162 = arith.constant 4 : i32
      %get3A_2163 = arith.index_cast %get3A_2162 : i32 to index
      %get3A_2164 = arith.constant 112 : index
      %get3A_2165 = tpu.vector_load %arg7[%get3A_2163, %get3A_2164] {strides = array<i32>} : memref<8x128xf32, #tpu.memory_space<vmem>>, vector<16xf32>,
      %mul3A_2166 = arith.mulf %get3A_2165, %get3A_1 : vector<16xf32>
      %exp3A_2167 = math.exp %mul3A_2166 : vector<16xf32>
      %get3A_2168 = arith.constant 4 : i32
      %get3A_2169 = arith.index_cast %get3A_2168 : i32 to index
      %get3A_2170 = arith.constant 112 : index
      %get3A_2171 = tpu.vector_load %arg8[%get3A_2169, %get3A_2170] {strides = array<i32>} : memref<8x128xf32, #tpu.memory_space<vmem>>, vector<16xf32>,
      %mul3A_2172 = arith.mulf %get3A_2171, %get3A_1 : vector<16xf32>
      %exp3A_2173 = math.exp %mul3A_2172 : vector<16xf32>
      %sub3A_2174 = arith.subf %exp3A_2167, %exp3A_2173 : vector<16xf32>
      %swap3A_2175 = arith.constant 624 : index
      %swap3A_2176 = tpu.vector_load %arg11[%swap3A_2175] {strides = array<i32>} : memref<1024xf32, #tpu.memory_space<vmem>>, vector<16xf32>,
      tpu.vector_store %arg11[%swap3A_2175], %sub3A_2174 {strides = array<i32>} : memref<1024xf32, #tpu.memory_space<vmem>>, vector<16xf32>,
      %get3A_2177 = arith.constant 5 : i32
      %get3A_2178 = arith.index_cast %get3A_2177 : i32 to index
      %get3A_2179 = arith.constant 0 : index
      %get3A_2180 = tpu.vector_load %arg7[%get3A_2178, %get3A_2179] {strides = array<i32>} : memref<8x128xf32, #tpu.memory_space<vmem>>, vector<16xf32>,
      %mul3A_2181 = arith.mulf %get3A_2180, %get3A_1 : vector<16xf32>
      %exp3A_2182 = math.exp %mul3A_2181 : vector<16xf32>
      %get3A_2183 = arith.constant 5 : i32
      %get3A_2184 = arith.index_cast %get3A_2183 : i32 to index
      %get3A_2185 = arith.constant 0 : index
      %get3A_2186 = tpu.vector_load %arg8[%get3A_2184, %get3A_2185] {strides = array<i32>} : memref<8x128xf32, #tpu.memory_space<vmem>>, vector<16xf32>,
      %mul3A_2187 = arith.mulf %get3A_2186, %get3A_1 : vector<16xf32>
      %exp3A_2188 = math.exp %mul3A_2187 : vector<16xf32>
      %sub3A_2189 = arith.subf %exp3A_2182, %exp3A_2188 : vector<16xf32>
      %swap3A_2190 = arith.constant 640 : index
      %swap3A_2191 = tpu.vector_load %arg11[%swap3A_2190] {strides = array<i32>} : memref<1024xf32, #tpu.memory_space<vmem>>, vector<16xf32>,
      tpu.vector_store %arg11[%swap3A_2190], %sub3A_2189 {strides = array<i32>} : memref<1024xf32, #tpu.memory_space<vmem>>, vector<16xf32>,
      %get3A_2192 = arith.constant 5 : i32
      %get3A_2193 = arith.index_cast %get3A_2192 : i32 to index
      %get3A_2194 = arith.constant 16 : index
      %get3A_2195 = tpu.vector_load %arg7[%get3A_2193, %get3A_2194] {strides = array<i32>} : memref<8x128xf32, #tpu.memory_space<vmem>>, vector<16xf32>,
      %mul3A_2196 = arith.mulf %get3A_2195, %get3A_1 : vector<16xf32>
      %exp3A_2197 = math.exp %mul3A_2196 : vector<16xf32>
      %get3A_2198 = arith.constant 5 : i32
      %get3A_2199 = arith.index_cast %get3A_2198 : i32 to index
      %get3A_2200 = arith.constant 16 : index
      %get3A_2201 = tpu.vector_load %arg8[%get3A_2199, %get3A_2200] {strides = array<i32>} : memref<8x128xf32, #tpu.memory_space<vmem>>, vector<16xf32>,
      %mul3A_2202 = arith.mulf %get3A_2201, %get3A_1 : vector<16xf32>
      %exp3A_2203 = math.exp %mul3A_2202 : vector<16xf32>
      %sub3A_2204 = arith.subf %exp3A_2197, %exp3A_2203 : vector<16xf32>
      %swap3A_2205 = arith.constant 656 : index
      %swap3A_2206 = tpu.vector_load %arg11[%swap3A_2205] {strides = array<i32>} : memref<1024xf32, #tpu.memory_space<vmem>>, vector<16xf32>,
      tpu.vector_store %arg11[%swap3A_2205], %sub3A_2204 {strides = array<i32>} : memref<1024xf32, #tpu.memory_space<vmem>>, vector<16xf32>,
      %get3A_2207 = arith.constant 5 : i32
      %get3A_2208 = arith.index_cast %get3A_2207 : i32 to index
      %get3A_2209 = arith.constant 32 : index
      %get3A_2210 = tpu.vector_load %arg7[%get3A_2208, %get3A_2209] {strides = array<i32>} : memref<8x128xf32, #tpu.memory_space<vmem>>, vector<16xf32>,
      %mul3A_2211 = arith.mulf %get3A_2210, %get3A_1 : vector<16xf32>
      %exp3A_2212 = math.exp %mul3A_2211 : vector<16xf32>
      %get3A_2213 = arith.constant 5 : i32
      %get3A_2214 = arith.index_cast %get3A_2213 : i32 to index
      %get3A_2215 = arith.constant 32 : index
      %get3A_2216 = tpu.vector_load %arg8[%get3A_2214, %get3A_2215] {strides = array<i32>} : memref<8x128xf32, #tpu.memory_space<vmem>>, vector<16xf32>,
      %mul3A_2217 = arith.mulf %get3A_2216, %get3A_1 : vector<16xf32>
      %exp3A_2218 = math.exp %mul3A_2217 : vector<16xf32>
      %sub3A_2219 = arith.subf %exp3A_2212, %exp3A_2218 : vector<16xf32>
      %swap3A_2220 = arith.constant 672 : index
      %swap3A_2221 = tpu.vector_load %arg11[%swap3A_2220] {strides = array<i32>} : memref<1024xf32, #tpu.memory_space<vmem>>, vector<16xf32>,
      tpu.vector_store %arg11[%swap3A_2220], %sub3A_2219 {strides = array<i32>} : memref<1024xf32, #tpu.memory_space<vmem>>, vector<16xf32>,
      %get3A_2222 = arith.constant 5 : i32
      %get3A_2223 = arith.index_cast %get3A_2222 : i32 to index
      %get3A_2224 = arith.constant 48 : index
      %get3A_2225 = tpu.vector_load %arg7[%get3A_2223, %get3A_2224] {strides = array<i32>} : memref<8x128xf32, #tpu.memory_space<vmem>>, vector<16xf32>,
      %mul3A_2226 = arith.mulf %get3A_2225, %get3A_1 : vector<16xf32>
      %exp3A_2227 = math.exp %mul3A_2226 : vector<16xf32>
      %get3A_2228 = arith.constant 5 : i32
      %get3A_2229 = arith.index_cast %get3A_2228 : i32 to index
      %get3A_2230 = arith.constant 48 : index
      %get3A_2231 = tpu.vector_load %arg8[%get3A_2229, %get3A_2230] {strides = array<i32>} : memref<8x128xf32, #tpu.memory_space<vmem>>, vector<16xf32>,
      %mul3A_2232 = arith.mulf %get3A_2231, %get3A_1 : vector<16xf32>
      %exp3A_2233 = math.exp %mul3A_2232 : vector<16xf32>
      %sub3A_2234 = arith.subf %exp3A_2227, %exp3A_2233 : vector<16xf32>
      %swap3A_2235 = arith.constant 688 : index
      %swap3A_2236 = tpu.vector_load %arg11[%swap3A_2235] {strides = array<i32>} : memref<1024xf32, #tpu.memory_space<vmem>>, vector<16xf32>,
      tpu.vector_store %arg11[%swap3A_2235], %sub3A_2234 {strides = array<i32>} : memref<1024xf32, #tpu.memory_space<vmem>>, vector<16xf32>,
      %get3A_2237 = arith.constant 5 : i32
      %get3A_2238 = arith.index_cast %get3A_2237 : i32 to index
      %get3A_2239 = arith.constant 64 : index
      %get3A_2240 = tpu.vector_load %arg7[%get3A_2238, %get3A_2239] {strides = array<i32>} : memref<8x128xf32, #tpu.memory_space<vmem>>, vector<16xf32>,
      %mul3A_2241 = arith.mulf %get3A_2240, %get3A_1 : vector<16xf32>
      %exp3A_2242 = math.exp %mul3A_2241 : vector<16xf32>
      %get3A_2243 = arith.constant 5 : i32
      %get3A_2244 = arith.index_cast %get3A_2243 : i32 to index
      %get3A_2245 = arith.constant 64 : index
      %get3A_2246 = tpu.vector_load %arg8[%get3A_2244, %get3A_2245] {strides = array<i32>} : memref<8x128xf32, #tpu.memory_space<vmem>>, vector<16xf32>,
      %mul3A_2247 = arith.mulf %get3A_2246, %get3A_1 : vector<16xf32>
      %exp3A_2248 = math.exp %mul3A_2247 : vector<16xf32>
      %sub3A_2249 = arith.subf %exp3A_2242, %exp3A_2248 : vector<16xf32>
      %swap3A_2250 = arith.constant 704 : index
      %swap3A_2251 = tpu.vector_load %arg11[%swap3A_2250] {strides = array<i32>} : memref<1024xf32, #tpu.memory_space<vmem>>, vector<16xf32>,
      tpu.vector_store %arg11[%swap3A_2250], %sub3A_2249 {strides = array<i32>} : memref<1024xf32, #tpu.memory_space<vmem>>, vector<16xf32>,
      %get3A_2252 = arith.constant 5 : i32
      %get3A_2253 = arith.index_cast %get3A_2252 : i32 to index
      %get3A_2254 = arith.constant 80 : index
      %get3A_2255 = tpu.vector_load %arg7[%get3A_2253, %get3A_2254] {strides = array<i32>} : memref<8x128xf32, #tpu.memory_space<vmem>>, vector<16xf32>,
      %mul3A_2256 = arith.mulf %get3A_2255, %get3A_1 : vector<16xf32>
      %exp3A_2257 = math.exp %mul3A_2256 : vector<16xf32>
      %get3A_2258 = arith.constant 5 : i32
      %get3A_2259 = arith.index_cast %get3A_2258 : i32 to index
      %get3A_2260 = arith.constant 80 : index
      %get3A_2261 = tpu.vector_load %arg8[%get3A_2259, %get3A_2260] {strides = array<i32>} : memref<8x128xf32, #tpu.memory_space<vmem>>, vector<16xf32>,
      %mul3A_2262 = arith.mulf %get3A_2261, %get3A_1 : vector<16xf32>
      %exp3A_2263 = math.exp %mul3A_2262 : vector<16xf32>
      %sub3A_2264 = arith.subf %exp3A_2257, %exp3A_2263 : vector<16xf32>
      %swap3A_2265 = arith.constant 720 : index
      %swap3A_2266 = tpu.vector_load %arg11[%swap3A_2265] {strides = array<i32>} : memref<1024xf32, #tpu.memory_space<vmem>>, vector<16xf32>,
      tpu.vector_store %arg11[%swap3A_2265], %sub3A_2264 {strides = array<i32>} : memref<1024xf32, #tpu.memory_space<vmem>>, vector<16xf32>,
      %get3A_2267 = arith.constant 5 : i32
      %get3A_2268 = arith.index_cast %get3A_2267 : i32 to index
      %get3A_2269 = arith.constant 96 : index
      %get3A_2270 = tpu.vector_load %arg7[%get3A_2268, %get3A_2269] {strides = array<i32>} : memref<8x128xf32, #tpu.memory_space<vmem>>, vector<16xf32>,
      %mul3A_2271 = arith.mulf %get3A_2270, %get3A_1 : vector<16xf32>
      %exp3A_2272 = math.exp %mul3A_2271 : vector<16xf32>
      %get3A_2273 = arith.constant 5 : i32
      %get3A_2274 = arith.index_cast %get3A_2273 : i32 to index
      %get3A_2275 = arith.constant 96 : index
      %get3A_2276 = tpu.vector_load %arg8[%get3A_2274, %get3A_2275] {strides = array<i32>} : memref<8x128xf32, #tpu.memory_space<vmem>>, vector<16xf32>,
      %mul3A_2277 = arith.mulf %get3A_2276, %get3A_1 : vector<16xf32>
      %exp3A_2278 = math.exp %mul3A_2277 : vector<16xf32>
      %sub3A_2279 = arith.subf %exp3A_2272, %exp3A_2278 : vector<16xf32>
      %swap3A_2280 = arith.constant 736 : index
      %swap3A_2281 = tpu.vector_load %arg11[%swap3A_2280] {strides = array<i32>} : memref<1024xf32, #tpu.memory_space<vmem>>, vector<16xf32>,
      tpu.vector_store %arg11[%swap3A_2280], %sub3A_2279 {strides = array<i32>} : memref<1024xf32, #tpu.memory_space<vmem>>, vector<16xf32>,
      %get3A_2282 = arith.constant 5 : i32
      %get3A_2283 = arith.index_cast %get3A_2282 : i32 to index
      %get3A_2284 = arith.constant 112 : index
      %get3A_2285 = tpu.vector_load %arg7[%get3A_2283, %get3A_2284] {strides = array<i32>} : memref<8x128xf32, #tpu.memory_space<vmem>>, vector<16xf32>,
      %mul3A_2286 = arith.mulf %get3A_2285, %get3A_1 : vector<16xf32>
      %exp3A_2287 = math.exp %mul3A_2286 : vector<16xf32>
      %get3A_2288 = arith.constant 5 : i32
      %get3A_2289 = arith.index_cast %get3A_2288 : i32 to index
      %get3A_2290 = arith.constant 112 : index
      %get3A_2291 = tpu.vector_load %arg8[%get3A_2289, %get3A_2290] {strides = array<i32>} : memref<8x128xf32, #tpu.memory_space<vmem>>, vector<16xf32>,
      %mul3A_2292 = arith.mulf %get3A_2291, %get3A_1 : vector<16xf32>
      %exp3A_2293 = math.exp %mul3A_2292 : vector<16xf32>
      %sub3A_2294 = arith.subf %exp3A_2287, %exp3A_2293 : vector<16xf32>
      %swap3A_2295 = arith.constant 752 : index
      %swap3A_2296 = tpu.vector_load %arg11[%swap3A_2295] {strides = array<i32>} : memref<1024xf32, #tpu.memory_space<vmem>>, vector<16xf32>,
      tpu.vector_store %arg11[%swap3A_2295], %sub3A_2294 {strides = array<i32>} : memref<1024xf32, #tpu.memory_space<vmem>>, vector<16xf32>,
      %get3A_2297 = arith.constant 6 : i32
      %get3A_2298 = arith.index_cast %get3A_2297 : i32 to index
      %get3A_2299 = arith.constant 0 : index
      %get3A_2300 = tpu.vector_load %arg7[%get3A_2298, %get3A_2299] {strides = array<i32>} : memref<8x128xf32, #tpu.memory_space<vmem>>, vector<16xf32>,
      %mul3A_2301 = arith.mulf %get3A_2300, %get3A_1 : vector<16xf32>
      %exp3A_2302 = math.exp %mul3A_2301 : vector<16xf32>
      %get3A_2303 = arith.constant 6 : i32
      %get3A_2304 = arith.index_cast %get3A_2303 : i32 to index
      %get3A_2305 = arith.constant 0 : index
      %get3A_2306 = tpu.vector_load %arg8[%get3A_2304, %get3A_2305] {strides = array<i32>} : memref<8x128xf32, #tpu.memory_space<vmem>>, vector<16xf32>,
      %mul3A_2307 = arith.mulf %get3A_2306, %get3A_1 : vector<16xf32>
      %exp3A_2308 = math.exp %mul3A_2307 : vector<16xf32>
      %sub3A_2309 = arith.subf %exp3A_2302, %exp3A_2308 : vector<16xf32>
      %swap3A_2310 = arith.constant 768 : index
      %swap3A_2311 = tpu.vector_load %arg11[%swap3A_2310] {strides = array<i32>} : memref<1024xf32, #tpu.memory_space<vmem>>, vector<16xf32>,
      tpu.vector_store %arg11[%swap3A_2310], %sub3A_2309 {strides = array<i32>} : memref<1024xf32, #tpu.memory_space<vmem>>, vector<16xf32>,
      %get3A_2312 = arith.constant 6 : i32
      %get3A_2313 = arith.index_cast %get3A_2312 : i32 to index
      %get3A_2314 = arith.constant 16 : index
      %get3A_2315 = tpu.vector_load %arg7[%get3A_2313, %get3A_2314] {strides = array<i32>} : memref<8x128xf32, #tpu.memory_space<vmem>>, vector<16xf32>,
      %mul3A_2316 = arith.mulf %get3A_2315, %get3A_1 : vector<16xf32>
      %exp3A_2317 = math.exp %mul3A_2316 : vector<16xf32>
      %get3A_2318 = arith.constant 6 : i32
      %get3A_2319 = arith.index_cast %get3A_2318 : i32 to index
      %get3A_2320 = arith.constant 16 : index
      %get3A_2321 = tpu.vector_load %arg8[%get3A_2319, %get3A_2320] {strides = array<i32>} : memref<8x128xf32, #tpu.memory_space<vmem>>, vector<16xf32>,
      %mul3A_2322 = arith.mulf %get3A_2321, %get3A_1 : vector<16xf32>
      %exp3A_2323 = math.exp %mul3A_2322 : vector<16xf32>
      %sub3A_2324 = arith.subf %exp3A_2317, %exp3A_2323 : vector<16xf32>
      %swap3A_2325 = arith.constant 784 : index
      %swap3A_2326 = tpu.vector_load %arg11[%swap3A_2325] {strides = array<i32>} : memref<1024xf32, #tpu.memory_space<vmem>>, vector<16xf32>,
      tpu.vector_store %arg11[%swap3A_2325], %sub3A_2324 {strides = array<i32>} : memref<1024xf32, #tpu.memory_space<vmem>>, vector<16xf32>,
      %get3A_2327 = arith.constant 6 : i32
      %get3A_2328 = arith.index_cast %get3A_2327 : i32 to index
      %get3A_2329 = arith.constant 32 : index
      %get3A_2330 = tpu.vector_load %arg7[%get3A_2328, %get3A_2329] {strides = array<i32>} : memref<8x128xf32, #tpu.memory_space<vmem>>, vector<16xf32>,
      %mul3A_2331 = arith.mulf %get3A_2330, %get3A_1 : vector<16xf32>
      %exp3A_2332 = math.exp %mul3A_2331 : vector<16xf32>
      %get3A_2333 = arith.constant 6 : i32
      %get3A_2334 = arith.index_cast %get3A_2333 : i32 to index
      %get3A_2335 = arith.constant 32 : index
      %get3A_2336 = tpu.vector_load %arg8[%get3A_2334, %get3A_2335] {strides = array<i32>} : memref<8x128xf32, #tpu.memory_space<vmem>>, vector<16xf32>,
      %mul3A_2337 = arith.mulf %get3A_2336, %get3A_1 : vector<16xf32>
      %exp3A_2338 = math.exp %mul3A_2337 : vector<16xf32>
      %sub3A_2339 = arith.subf %exp3A_2332, %exp3A_2338 : vector<16xf32>
      %swap3A_2340 = arith.constant 800 : index
      %swap3A_2341 = tpu.vector_load %arg11[%swap3A_2340] {strides = array<i32>} : memref<1024xf32, #tpu.memory_space<vmem>>, vector<16xf32>,
      tpu.vector_store %arg11[%swap3A_2340], %sub3A_2339 {strides = array<i32>} : memref<1024xf32, #tpu.memory_space<vmem>>, vector<16xf32>,
      %get3A_2342 = arith.constant 6 : i32
      %get3A_2343 = arith.index_cast %get3A_2342 : i32 to index
      %get3A_2344 = arith.constant 48 : index
      %get3A_2345 = tpu.vector_load %arg7[%get3A_2343, %get3A_2344] {strides = array<i32>} : memref<8x128xf32, #tpu.memory_space<vmem>>, vector<16xf32>,
      %mul3A_2346 = arith.mulf %get3A_2345, %get3A_1 : vector<16xf32>
      %exp3A_2347 = math.exp %mul3A_2346 : vector<16xf32>
      %get3A_2348 = arith.constant 6 : i32
      %get3A_2349 = arith.index_cast %get3A_2348 : i32 to index
      %get3A_2350 = arith.constant 48 : index
      %get3A_2351 = tpu.vector_load %arg8[%get3A_2349, %get3A_2350] {strides = array<i32>} : memref<8x128xf32, #tpu.memory_space<vmem>>, vector<16xf32>,
      %mul3A_2352 = arith.mulf %get3A_2351, %get3A_1 : vector<16xf32>
      %exp3A_2353 = math.exp %mul3A_2352 : vector<16xf32>
      %sub3A_2354 = arith.subf %exp3A_2347, %exp3A_2353 : vector<16xf32>
      %swap3A_2355 = arith.constant 816 : index
      %swap3A_2356 = tpu.vector_load %arg11[%swap3A_2355] {strides = array<i32>} : memref<1024xf32, #tpu.memory_space<vmem>>, vector<16xf32>,
      tpu.vector_store %arg11[%swap3A_2355], %sub3A_2354 {strides = array<i32>} : memref<1024xf32, #tpu.memory_space<vmem>>, vector<16xf32>,
      %get3A_2357 = arith.constant 6 : i32
      %get3A_2358 = arith.index_cast %get3A_2357 : i32 to index
      %get3A_2359 = arith.constant 64 : index
      %get3A_2360 = tpu.vector_load %arg7[%get3A_2358, %get3A_2359] {strides = array<i32>} : memref<8x128xf32, #tpu.memory_space<vmem>>, vector<16xf32>,
      %mul3A_2361 = arith.mulf %get3A_2360, %get3A_1 : vector<16xf32>
      %exp3A_2362 = math.exp %mul3A_2361 : vector<16xf32>
      %get3A_2363 = arith.constant 6 : i32
      %get3A_2364 = arith.index_cast %get3A_2363 : i32 to index
      %get3A_2365 = arith.constant 64 : index
      %get3A_2366 = tpu.vector_load %arg8[%get3A_2364, %get3A_2365] {strides = array<i32>} : memref<8x128xf32, #tpu.memory_space<vmem>>, vector<16xf32>,
      %mul3A_2367 = arith.mulf %get3A_2366, %get3A_1 : vector<16xf32>
      %exp3A_2368 = math.exp %mul3A_2367 : vector<16xf32>
      %sub3A_2369 = arith.subf %exp3A_2362, %exp3A_2368 : vector<16xf32>
      %swap3A_2370 = arith.constant 832 : index
      %swap3A_2371 = tpu.vector_load %arg11[%swap3A_2370] {strides = array<i32>} : memref<1024xf32, #tpu.memory_space<vmem>>, vector<16xf32>,
      tpu.vector_store %arg11[%swap3A_2370], %sub3A_2369 {strides = array<i32>} : memref<1024xf32, #tpu.memory_space<vmem>>, vector<16xf32>,
      %get3A_2372 = arith.constant 6 : i32
      %get3A_2373 = arith.index_cast %get3A_2372 : i32 to index
      %get3A_2374 = arith.constant 80 : index
      %get3A_2375 = tpu.vector_load %arg7[%get3A_2373, %get3A_2374] {strides = array<i32>} : memref<8x128xf32, #tpu.memory_space<vmem>>, vector<16xf32>,
      %mul3A_2376 = arith.mulf %get3A_2375, %get3A_1 : vector<16xf32>
      %exp3A_2377 = math.exp %mul3A_2376 : vector<16xf32>
      %get3A_2378 = arith.constant 6 : i32
      %get3A_2379 = arith.index_cast %get3A_2378 : i32 to index
      %get3A_2380 = arith.constant 80 : index
      %get3A_2381 = tpu.vector_load %arg8[%get3A_2379, %get3A_2380] {strides = array<i32>} : memref<8x128xf32, #tpu.memory_space<vmem>>, vector<16xf32>,
      %mul3A_2382 = arith.mulf %get3A_2381, %get3A_1 : vector<16xf32>
      %exp3A_2383 = math.exp %mul3A_2382 : vector<16xf32>
      %sub3A_2384 = arith.subf %exp3A_2377, %exp3A_2383 : vector<16xf32>
      %swap3A_2385 = arith.constant 848 : index
      %swap3A_2386 = tpu.vector_load %arg11[%swap3A_2385] {strides = array<i32>} : memref<1024xf32, #tpu.memory_space<vmem>>, vector<16xf32>,
      tpu.vector_store %arg11[%swap3A_2385], %sub3A_2384 {strides = array<i32>} : memref<1024xf32, #tpu.memory_space<vmem>>, vector<16xf32>,
      %get3A_2387 = arith.constant 6 : i32
      %get3A_2388 = arith.index_cast %get3A_2387 : i32 to index
      %get3A_2389 = arith.constant 96 : index
      %get3A_2390 = tpu.vector_load %arg7[%get3A_2388, %get3A_2389] {strides = array<i32>} : memref<8x128xf32, #tpu.memory_space<vmem>>, vector<16xf32>,
      %mul3A_2391 = arith.mulf %get3A_2390, %get3A_1 : vector<16xf32>
      %exp3A_2392 = math.exp %mul3A_2391 : vector<16xf32>
      %get3A_2393 = arith.constant 6 : i32
      %get3A_2394 = arith.index_cast %get3A_2393 : i32 to index
      %get3A_2395 = arith.constant 96 : index
      %get3A_2396 = tpu.vector_load %arg8[%get3A_2394, %get3A_2395] {strides = array<i32>} : memref<8x128xf32, #tpu.memory_space<vmem>>, vector<16xf32>,
      %mul3A_2397 = arith.mulf %get3A_2396, %get3A_1 : vector<16xf32>
      %exp3A_2398 = math.exp %mul3A_2397 : vector<16xf32>
      %sub3A_2399 = arith.subf %exp3A_2392, %exp3A_2398 : vector<16xf32>
      %swap3A_2400 = arith.constant 864 : index
      %swap3A_2401 = tpu.vector_load %arg11[%swap3A_2400] {strides = array<i32>} : memref<1024xf32, #tpu.memory_space<vmem>>, vector<16xf32>,
      tpu.vector_store %arg11[%swap3A_2400], %sub3A_2399 {strides = array<i32>} : memref<1024xf32, #tpu.memory_space<vmem>>, vector<16xf32>,
      %get3A_2402 = arith.constant 6 : i32
      %get3A_2403 = arith.index_cast %get3A_2402 : i32 to index
      %get3A_2404 = arith.constant 112 : index
      %get3A_2405 = tpu.vector_load %arg7[%get3A_2403, %get3A_2404] {strides = array<i32>} : memref<8x128xf32, #tpu.memory_space<vmem>>, vector<16xf32>,
      %mul3A_2406 = arith.mulf %get3A_2405, %get3A_1 : vector<16xf32>
      %exp3A_2407 = math.exp %mul3A_2406 : vector<16xf32>
      %get3A_2408 = arith.constant 6 : i32
      %get3A_2409 = arith.index_cast %get3A_2408 : i32 to index
      %get3A_2410 = arith.constant 112 : index
      %get3A_2411 = tpu.vector_load %arg8[%get3A_2409, %get3A_2410] {strides = array<i32>} : memref<8x128xf32, #tpu.memory_space<vmem>>, vector<16xf32>,
      %mul3A_2412 = arith.mulf %get3A_2411, %get3A_1 : vector<16xf32>
      %exp3A_2413 = math.exp %mul3A_2412 : vector<16xf32>
      %sub3A_2414 = arith.subf %exp3A_2407, %exp3A_2413 : vector<16xf32>
      %swap3A_2415 = arith.constant 880 : index
      %swap3A_2416 = tpu.vector_load %arg11[%swap3A_2415] {strides = array<i32>} : memref<1024xf32, #tpu.memory_space<vmem>>, vector<16xf32>,
      tpu.vector_store %arg11[%swap3A_2415], %sub3A_2414 {strides = array<i32>} : memref<1024xf32, #tpu.memory_space<vmem>>, vector<16xf32>,
      %get3A_2417 = arith.constant 7 : i32
      %get3A_2418 = arith.index_cast %get3A_2417 : i32 to index
      %get3A_2419 = arith.constant 0 : index
      %get3A_2420 = tpu.vector_load %arg7[%get3A_2418, %get3A_2419] {strides = array<i32>} : memref<8x128xf32, #tpu.memory_space<vmem>>, vector<16xf32>,
      %mul3A_2421 = arith.mulf %get3A_2420, %get3A_1 : vector<16xf32>
      %exp3A_2422 = math.exp %mul3A_2421 : vector<16xf32>
      %get3A_2423 = arith.constant 7 : i32
      %get3A_2424 = arith.index_cast %get3A_2423 : i32 to index
      %get3A_2425 = arith.constant 0 : index
      %get3A_2426 = tpu.vector_load %arg8[%get3A_2424, %get3A_2425] {strides = array<i32>} : memref<8x128xf32, #tpu.memory_space<vmem>>, vector<16xf32>,
      %mul3A_2427 = arith.mulf %get3A_2426, %get3A_1 : vector<16xf32>
      %exp3A_2428 = math.exp %mul3A_2427 : vector<16xf32>
      %sub3A_2429 = arith.subf %exp3A_2422, %exp3A_2428 : vector<16xf32>
      %swap3A_2430 = arith.constant 896 : index
      %swap3A_2431 = tpu.vector_load %arg11[%swap3A_2430] {strides = array<i32>} : memref<1024xf32, #tpu.memory_space<vmem>>, vector<16xf32>,
      tpu.vector_store %arg11[%swap3A_2430], %sub3A_2429 {strides = array<i32>} : memref<1024xf32, #tpu.memory_space<vmem>>, vector<16xf32>,
      %get3A_2432 = arith.constant 7 : i32
      %get3A_2433 = arith.index_cast %get3A_2432 : i32 to index
      %get3A_2434 = arith.constant 16 : index
      %get3A_2435 = tpu.vector_load %arg7[%get3A_2433, %get3A_2434] {strides = array<i32>} : memref<8x128xf32, #tpu.memory_space<vmem>>, vector<16xf32>,
      %mul3A_2436 = arith.mulf %get3A_2435, %get3A_1 : vector<16xf32>
      %exp3A_2437 = math.exp %mul3A_2436 : vector<16xf32>
      %get3A_2438 = arith.constant 7 : i32
      %get3A_2439 = arith.index_cast %get3A_2438 : i32 to index
      %get3A_2440 = arith.constant 16 : index
      %get3A_2441 = tpu.vector_load %arg8[%get3A_2439, %get3A_2440] {strides = array<i32>} : memref<8x128xf32, #tpu.memory_space<vmem>>, vector<16xf32>,
      %mul3A_2442 = arith.mulf %get3A_2441, %get3A_1 : vector<16xf32>
      %exp3A_2443 = math.exp %mul3A_2442 : vector<16xf32>
      %sub3A_2444 = arith.subf %exp3A_2437, %exp3A_2443 : vector<16xf32>
      %swap3A_2445 = arith.constant 912 : index
      %swap3A_2446 = tpu.vector_load %arg11[%swap3A_2445] {strides = array<i32>} : memref<1024xf32, #tpu.memory_space<vmem>>, vector<16xf32>,
      tpu.vector_store %arg11[%swap3A_2445], %sub3A_2444 {strides = array<i32>} : memref<1024xf32, #tpu.memory_space<vmem>>, vector<16xf32>,
      %get3A_2447 = arith.constant 7 : i32
      %get3A_2448 = arith.index_cast %get3A_2447 : i32 to index
      %get3A_2449 = arith.constant 32 : index
      %get3A_2450 = tpu.vector_load %arg7[%get3A_2448, %get3A_2449] {strides = array<i32>} : memref<8x128xf32, #tpu.memory_space<vmem>>, vector<16xf32>,
      %mul3A_2451 = arith.mulf %get3A_2450, %get3A_1 : vector<16xf32>
      %exp3A_2452 = math.exp %mul3A_2451 : vector<16xf32>
      %get3A_2453 = arith.constant 7 : i32
      %get3A_2454 = arith.index_cast %get3A_2453 : i32 to index
      %get3A_2455 = arith.constant 32 : index
      %get3A_2456 = tpu.vector_load %arg8[%get3A_2454, %get3A_2455] {strides = array<i32>} : memref<8x128xf32, #tpu.memory_space<vmem>>, vector<16xf32>,
      %mul3A_2457 = arith.mulf %get3A_2456, %get3A_1 : vector<16xf32>
      %exp3A_2458 = math.exp %mul3A_2457 : vector<16xf32>
      %sub3A_2459 = arith.subf %exp3A_2452, %exp3A_2458 : vector<16xf32>
      %swap3A_2460 = arith.constant 928 : index
      %swap3A_2461 = tpu.vector_load %arg11[%swap3A_2460] {strides = array<i32>} : memref<1024xf32, #tpu.memory_space<vmem>>, vector<16xf32>,
      tpu.vector_store %arg11[%swap3A_2460], %sub3A_2459 {strides = array<i32>} : memref<1024xf32, #tpu.memory_space<vmem>>, vector<16xf32>,
      %get3A_2462 = arith.constant 7 : i32
      %get3A_2463 = arith.index_cast %get3A_2462 : i32 to index
      %get3A_2464 = arith.constant 48 : index
      %get3A_2465 = tpu.vector_load %arg7[%get3A_2463, %get3A_2464] {strides = array<i32>} : memref<8x128xf32, #tpu.memory_space<vmem>>, vector<16xf32>,
      %mul3A_2466 = arith.mulf %get3A_2465, %get3A_1 : vector<16xf32>
      %exp3A_2467 = math.exp %mul3A_2466 : vector<16xf32>
      %get3A_2468 = arith.constant 7 : i32
      %get3A_2469 = arith.index_cast %get3A_2468 : i32 to index
      %get3A_2470 = arith.constant 48 : index
      %get3A_2471 = tpu.vector_load %arg8[%get3A_2469, %get3A_2470] {strides = array<i32>} : memref<8x128xf32, #tpu.memory_space<vmem>>, vector<16xf32>,
      %mul3A_2472 = arith.mulf %get3A_2471, %get3A_1 : vector<16xf32>
      %exp3A_2473 = math.exp %mul3A_2472 : vector<16xf32>
      %sub3A_2474 = arith.subf %exp3A_2467, %exp3A_2473 : vector<16xf32>
      %swap3A_2475 = arith.constant 944 : index
      %swap3A_2476 = tpu.vector_load %arg11[%swap3A_2475] {strides = array<i32>} : memref<1024xf32, #tpu.memory_space<vmem>>, vector<16xf32>,
      tpu.vector_store %arg11[%swap3A_2475], %sub3A_2474 {strides = array<i32>} : memref<1024xf32, #tpu.memory_space<vmem>>, vector<16xf32>,
      %get3A_2477 = arith.constant 7 : i32
      %get3A_2478 = arith.index_cast %get3A_2477 : i32 to index
      %get3A_2479 = arith.constant 64 : index
      %get3A_2480 = tpu.vector_load %arg7[%get3A_2478, %get3A_2479] {strides = array<i32>} : memref<8x128xf32, #tpu.memory_space<vmem>>, vector<16xf32>,
      %mul3A_2481 = arith.mulf %get3A_2480, %get3A_1 : vector<16xf32>
      %exp3A_2482 = math.exp %mul3A_2481 : vector<16xf32>
      %get3A_2483 = arith.constant 7 : i32
      %get3A_2484 = arith.index_cast %get3A_2483 : i32 to index
      %get3A_2485 = arith.constant 64 : index
      %get3A_2486 = tpu.vector_load %arg8[%get3A_2484, %get3A_2485] {strides = array<i32>} : memref<8x128xf32, #tpu.memory_space<vmem>>, vector<16xf32>,
      %mul3A_2487 = arith.mulf %get3A_2486, %get3A_1 : vector<16xf32>
      %exp3A_2488 = math.exp %mul3A_2487 : vector<16xf32>
      %sub3A_2489 = arith.subf %exp3A_2482, %exp3A_2488 : vector<16xf32>
      %swap3A_2490 = arith.constant 960 : index
      %swap3A_2491 = tpu.vector_load %arg11[%swap3A_2490] {strides = array<i32>} : memref<1024xf32, #tpu.memory_space<vmem>>, vector<16xf32>,
      tpu.vector_store %arg11[%swap3A_2490], %sub3A_2489 {strides = array<i32>} : memref<1024xf32, #tpu.memory_space<vmem>>, vector<16xf32>,
      %get3A_2492 = arith.constant 7 : i32
      %get3A_2493 = arith.index_cast %get3A_2492 : i32 to index
      %get3A_2494 = arith.constant 80 : index
      %get3A_2495 = tpu.vector_load %arg7[%get3A_2493, %get3A_2494] {strides = array<i32>} : memref<8x128xf32, #tpu.memory_space<vmem>>, vector<16xf32>,
      %mul3A_2496 = arith.mulf %get3A_2495, %get3A_1 : vector<16xf32>
      %exp3A_2497 = math.exp %mul3A_2496 : vector<16xf32>
      %get3A_2498 = arith.constant 7 : i32
      %get3A_2499 = arith.index_cast %get3A_2498 : i32 to index
      %get3A_2500 = arith.constant 80 : index
      %get3A_2501 = tpu.vector_load %arg8[%get3A_2499, %get3A_2500] {strides = array<i32>} : memref<8x128xf32, #tpu.memory_space<vmem>>, vector<16xf32>,
      %mul3A_2502 = arith.mulf %get3A_2501, %get3A_1 : vector<16xf32>
      %exp3A_2503 = math.exp %mul3A_2502 : vector<16xf32>
      %sub3A_2504 = arith.subf %exp3A_2497, %exp3A_2503 : vector<16xf32>
      %swap3A_2505 = arith.constant 976 : index
      %swap3A_2506 = tpu.vector_load %arg11[%swap3A_2505] {strides = array<i32>} : memref<1024xf32, #tpu.memory_space<vmem>>, vector<16xf32>,
      tpu.vector_store %arg11[%swap3A_2505], %sub3A_2504 {strides = array<i32>} : memref<1024xf32, #tpu.memory_space<vmem>>, vector<16xf32>,
      %get3A_2507 = arith.constant 7 : i32
      %get3A_2508 = arith.index_cast %get3A_2507 : i32 to index
      %get3A_2509 = arith.constant 96 : index
      %get3A_2510 = tpu.vector_load %arg7[%get3A_2508, %get3A_2509] {strides = array<i32>} : memref<8x128xf32, #tpu.memory_space<vmem>>, vector<16xf32>,
      %mul3A_2511 = arith.mulf %get3A_2510, %get3A_1 : vector<16xf32>
      %exp3A_2512 = math.exp %mul3A_2511 : vector<16xf32>
      %get3A_2513 = arith.constant 7 : i32
      %get3A_2514 = arith.index_cast %get3A_2513 : i32 to index
      %get3A_2515 = arith.constant 96 : index
      %get3A_2516 = tpu.vector_load %arg8[%get3A_2514, %get3A_2515] {strides = array<i32>} : memref<8x128xf32, #tpu.memory_space<vmem>>, vector<16xf32>,
      %mul3A_2517 = arith.mulf %get3A_2516, %get3A_1 : vector<16xf32>
      %exp3A_2518 = math.exp %mul3A_2517 : vector<16xf32>
      %sub3A_2519 = arith.subf %exp3A_2512, %exp3A_2518 : vector<16xf32>
      %swap3A_2520 = arith.constant 992 : index
      %swap3A_2521 = tpu.vector_load %arg11[%swap3A_2520] {strides = array<i32>} : memref<1024xf32, #tpu.memory_space<vmem>>, vector<16xf32>,
      tpu.vector_store %arg11[%swap3A_2520], %sub3A_2519 {strides = array<i32>} : memref<1024xf32, #tpu.memory_space<vmem>>, vector<16xf32>,
      %get3A_2522 = arith.constant 7 : i32
      %get3A_2523 = arith.index_cast %get3A_2522 : i32 to index
      %get3A_2524 = arith.constant 112 : index
      %get3A_2525 = tpu.vector_load %arg7[%get3A_2523, %get3A_2524] {strides = array<i32>} : memref<8x128xf32, #tpu.memory_space<vmem>>, vector<16xf32>,
      %mul3A_2526 = arith.mulf %get3A_2525, %get3A_1 : vector<16xf32>
      %exp3A_2527 = math.exp %mul3A_2526 : vector<16xf32>
      %get3A_2528 = arith.constant 7 : i32
      %get3A_2529 = arith.index_cast %get3A_2528 : i32 to index
      %get3A_2530 = arith.constant 112 : index
      %get3A_2531 = tpu.vector_load %arg8[%get3A_2529, %get3A_2530] {strides = array<i32>} : memref<8x128xf32, #tpu.memory_space<vmem>>, vector<16xf32>,
      %mul3A_2532 = arith.mulf %get3A_2531, %get3A_1 : vector<16xf32>
      %exp3A_2533 = math.exp %mul3A_2532 : vector<16xf32>
      %sub3A_2534 = arith.subf %exp3A_2527, %exp3A_2533 : vector<16xf32>
      %swap3A_2535 = arith.constant 1008 : index
      %swap3A_2536 = tpu.vector_load %arg11[%swap3A_2535] {strides = array<i32>} : memref<1024xf32, #tpu.memory_space<vmem>>, vector<16xf32>,
      tpu.vector_store %arg11[%swap3A_2535], %sub3A_2534 {strides = array<i32>} : memref<1024xf32, #tpu.memory_space<vmem>>, vector<16xf32>,
      %mul3A_2537 = arith.constant 25 : i32
      %mul3A_2538 = arith.muli %add3A, %mul3A_2537 : i32
      %add3A_2539 = arith.addi %mul3A_2538, %mul3A_1336 : i32
      %jit3A_2540 = arith.constant 4 : i32
      %div3A_2541 = arith.divsi %add3A_2539, %jit3A_2540 : i32
      %sign3A_2542 = arith.constant 0 : i32
      %sign3A_2543 = arith.cmpi sgt, %add3A_2539, %sign3A_2542 : i32
      %sign3A_2544 = arith.extui %sign3A_2543 : i1 to i32
      %sign3A_2545 = arith.constant 0 : i32
      %sign3A_2546 = arith.cmpi slt, %add3A_2539, %sign3A_2545 : i32
      %sign3A_2547 = arith.extui %sign3A_2546 : i1 to i32
      %sign3A_2548 = arith.subi %sign3A_2544, %sign3A_2547 : i32
      %sign3A_2549 = arith.constant 0 : i32
      %sign3A_2550 = arith.cmpi sgt, %jit3A_2540, %sign3A_2549 : i32
      %sign3A_2551 = arith.extui %sign3A_2550 : i1 to i32
      %sign3A_2552 = arith.constant 0 : i32
      %sign3A_2553 = arith.cmpi slt, %jit3A_2540, %sign3A_2552 : i32
      %sign3A_2554 = arith.extui %sign3A_2553 : i1 to i32
      %sign3A_2555 = arith.subi %sign3A_2551, %sign3A_2554 : i32
      %ne3A_2556 = arith.cmpi ne, %sign3A_2548, %sign3A_2555 : i32
      %rem3A_2557 = arith.remsi %add3A_2539, %jit3A_2540 : i32
      %ne3A_2558 = arith.constant 0 : i32
      %ne3A_2559 = arith.cmpi ne, %rem3A_2557, %ne3A_2558 : i32
      %and3A_2560 = arith.andi %ne3A_2556, %ne3A_2559 : i1
      %sub3A_2561 = arith.constant 1 : i32
      %sub3A_2562 = arith.subi %div3A_2541, %sub3A_2561 : i32
      %select_n3A_2563 = arith.select %and3A_2560, %sub3A_2562, %div3A_2541 : i32
      %rem3A_2564 = arith.constant 4 : i32
      %rem3A_2565 = arith.remsi %add3A_2539, %rem3A_2564 : i32
      %mul3A_2566 = arith.constant 1024 : i32
      %mul3A_2567 = arith.muli %rem3A_2565, %mul3A_2566 : i32
      %dma_start3A_2568 = tpu.memref_slice %arg6[%select_n3A_2563, %mul3A_2567] : memref<200x4096xf32, #tpu.memory_space<hbm>> -> memref<1x1024xf32, #tpu.memory_space<hbm>>
      %dma_start3A_2569 = tpu.memref_squeeze %dma_start3A_2568 : memref<1x1024xf32, #tpu.memory_space<hbm>> -> memref<1024xf32, #tpu.memory_space<hbm>>
      %dma_start3A_2570 = tpu.memref_slice %arg6[%select_n3A_2563, %mul3A_2567] : memref<200x4096xf32, #tpu.memory_space<hbm>> -> memref<1x1024xf32, #tpu.memory_space<hbm>>
      %dma_start3A_2571 = tpu.memref_squeeze %dma_start3A_2570 : memref<1x1024xf32, #tpu.memory_space<hbm>> -> memref<1024xf32, #tpu.memory_space<hbm>>
      tpu.enqueue_dma source(%arg11 : memref<1024xf32, #tpu.memory_space<vmem>>) target(%dma_start3A_2571 : memref<1024xf32, #tpu.memory_space<hbm>>) target_semaphore(%arg17 : memref<!tpu.dma_semaphore, #tpu.memory_space<semaphore_mem>>)
      %mul3A_2572 = arith.constant 25 : i32
      %mul3A_2573 = arith.muli %add3A, %mul3A_2572 : i32
      %add3A_2574 = arith.addi %mul3A_2573, %add3A_1340 : i32
      %jit3A_2575 = arith.constant 4 : i32
      %div3A_2576 = arith.divsi %add3A_2574, %jit3A_2575 : i32
      %sign3A_2577 = arith.constant 0 : i32
      %sign3A_2578 = arith.cmpi sgt, %add3A_2574, %sign3A_2577 : i32
      %sign3A_2579 = arith.extui %sign3A_2578 : i1 to i32
      %sign3A_2580 = arith.constant 0 : i32
      %sign3A_2581 = arith.cmpi slt, %add3A_2574, %sign3A_2580 : i32
      %sign3A_2582 = arith.extui %sign3A_2581 : i1 to i32
      %sign3A_2583 = arith.subi %sign3A_2579, %sign3A_2582 : i32
      %sign3A_2584 = arith.constant 0 : i32
      %sign3A_2585 = arith.cmpi sgt, %jit3A_2575, %sign3A_2584 : i32
      %sign3A_2586 = arith.extui %sign3A_2585 : i1 to i32
      %sign3A_2587 = arith.constant 0 : i32
      %sign3A_2588 = arith.cmpi slt, %jit3A_2575, %sign3A_2587 : i32
      %sign3A_2589 = arith.extui %sign3A_2588 : i1 to i32
      %sign3A_2590 = arith.subi %sign3A_2586, %sign3A_2589 : i32
      %ne3A_2591 = arith.cmpi ne, %sign3A_2583, %sign3A_2590 : i32
      %rem3A_2592 = arith.remsi %add3A_2574, %jit3A_2575 : i32
      %ne3A_2593 = arith.constant 0 : i32
      %ne3A_2594 = arith.cmpi ne, %rem3A_2592, %ne3A_2593 : i32
      %and3A_2595 = arith.andi %ne3A_2591, %ne3A_2594 : i1
      %sub3A_2596 = arith.constant 1 : i32
      %sub3A_2597 = arith.subi %div3A_2576, %sub3A_2596 : i32
      %select_n3A_2598 = arith.select %and3A_2595, %sub3A_2597, %div3A_2576 : i32
      %rem3A_2599 = arith.constant 4 : i32
      %rem3A_2600 = arith.remsi %add3A_2574, %rem3A_2599 : i32
      %broadcast_in_dim3A_2601 = vector.broadcast %select_n3A_2598 : i32 to vector<16xi32>
      %gather3A_2602 = tpu.vector_load_idx %arg13[%broadcast_in_dim3A_2601] : memref<256xi32, #tpu.memory_space<vmem>>[vector<16xi32>], vector<16xi32>,
      %reduce_max3A_2603 = arith.constant true
      %reduce_max3A_2604 = vector.broadcast %reduce_max3A_2603 : i1 to vector<16xi1>
      %reduce_max3A_2605 = arith.constant -2147483648 : i32
      %reduce_max3A_2606 = vector.broadcast %reduce_max3A_2605 : i32 to vector<16xi32>
      %reduce_max3A_2607 = arith.xori %gather3A_2602, %reduce_max3A_2606 : vector<16xi32>
      %reduce_max3A_2608 = tpu.scan <max>, %reduce_max3A_2607 masked %reduce_max3A_2604 : vector<16xi32>, vector<16xi1> -> vector<16xi32>
      %reduce_max3A_2609 = arith.xori %reduce_max3A_2608, %reduce_max3A_2606 : vector<16xi32>
      %reduce_max3A_2610 = vector.extract %reduce_max3A_2609[15] : i32 from vector<16xi32>
      %broadcast_in_dim3A_2611 = vector.broadcast %select_n3A_2598 : i32 to vector<16xi32>
      %gather3A_2612 = tpu.vector_load_idx %arg14[%broadcast_in_dim3A_2611] : memref<256xi32, #tpu.memory_space<vmem>>[vector<16xi32>], vector<16xi32>,
      %reduce_max3A_2613 = arith.constant true
      %reduce_max3A_2614 = vector.broadcast %reduce_max3A_2613 : i1 to vector<16xi1>
      %reduce_max3A_2615 = arith.constant -2147483648 : i32
      %reduce_max3A_2616 = vector.broadcast %reduce_max3A_2615 : i32 to vector<16xi32>
      %reduce_max3A_2617 = arith.xori %gather3A_2612, %reduce_max3A_2616 : vector<16xi32>
      %reduce_max3A_2618 = tpu.scan <max>, %reduce_max3A_2617 masked %reduce_max3A_2614 : vector<16xi32>, vector<16xi1> -> vector<16xi32>
      %reduce_max3A_2619 = arith.xori %reduce_max3A_2618, %reduce_max3A_2616 : vector<16xi32>
      %reduce_max3A_2620 = vector.extract %reduce_max3A_2619[15] : i32 from vector<16xi32>
      %jit3A_2621 = arith.constant 8 : i32
      %div3A_2622 = arith.divsi %reduce_max3A_2610, %jit3A_2621 : i32
      %sign3A_2623 = arith.constant 0 : i32
      %sign3A_2624 = arith.cmpi sgt, %reduce_max3A_2610, %sign3A_2623 : i32
      %sign3A_2625 = arith.extui %sign3A_2624 : i1 to i32
      %sign3A_2626 = arith.constant 0 : i32
      %sign3A_2627 = arith.cmpi slt, %reduce_max3A_2610, %sign3A_2626 : i32
      %sign3A_2628 = arith.extui %sign3A_2627 : i1 to i32
      %sign3A_2629 = arith.subi %sign3A_2625, %sign3A_2628 : i32
      %sign3A_2630 = arith.constant 0 : i32
      %sign3A_2631 = arith.cmpi sgt, %jit3A_2621, %sign3A_2630 : i32
      %sign3A_2632 = arith.extui %sign3A_2631 : i1 to i32
      %sign3A_2633 = arith.constant 0 : i32
      %sign3A_2634 = arith.cmpi slt, %jit3A_2621, %sign3A_2633 : i32
      %sign3A_2635 = arith.extui %sign3A_2634 : i1 to i32
      %sign3A_2636 = arith.subi %sign3A_2632, %sign3A_2635 : i32
      %ne3A_2637 = arith.cmpi ne, %sign3A_2629, %sign3A_2636 : i32
      %rem3A_2638 = arith.remsi %reduce_max3A_2610, %jit3A_2621 : i32
      %ne3A_2639 = arith.constant 0 : i32
      %ne3A_2640 = arith.cmpi ne, %rem3A_2638, %ne3A_2639 : i32
      %and3A_2641 = arith.andi %ne3A_2637, %ne3A_2640 : i1
      %sub3A_2642 = arith.constant 1 : i32
      %sub3A_2643 = arith.subi %div3A_2622, %sub3A_2642 : i32
      %select_n3A_2644 = arith.select %and3A_2641, %sub3A_2643, %div3A_2622 : i32
      %mul3A_2645 = arith.constant 8 : i32
      %mul3A_2646 = arith.muli %rem3A_2600, %mul3A_2645 : i32
      %rem3A_2647 = arith.constant 8 : i32
      %rem3A_2648 = arith.remsi %reduce_max3A_2610, %rem3A_2647 : i32
      %jit3A_2649 = arith.constant 8 : i32
      %div3A_2650 = arith.divsi %reduce_max3A_2620, %jit3A_2649 : i32
      %sign3A_2651 = arith.constant 0 : i32
      %sign3A_2652 = arith.cmpi sgt, %reduce_max3A_2620, %sign3A_2651 : i32
      %sign3A_2653 = arith.extui %sign3A_2652 : i1 to i32
      %sign3A_2654 = arith.constant 0 : i32
      %sign3A_2655 = arith.cmpi slt, %reduce_max3A_2620, %sign3A_2654 : i32
      %sign3A_2656 = arith.extui %sign3A_2655 : i1 to i32
      %sign3A_2657 = arith.subi %sign3A_2653, %sign3A_2656 : i32
      %sign3A_2658 = arith.constant 0 : i32
      %sign3A_2659 = arith.cmpi sgt, %jit3A_2649, %sign3A_2658 : i32
      %sign3A_2660 = arith.extui %sign3A_2659 : i1 to i32
      %sign3A_2661 = arith.constant 0 : i32
      %sign3A_2662 = arith.cmpi slt, %jit3A_2649, %sign3A_2661 : i32
      %sign3A_2663 = arith.extui %sign3A_2662 : i1 to i32
      %sign3A_2664 = arith.subi %sign3A_2660, %sign3A_2663 : i32
      %ne3A_2665 = arith.cmpi ne, %sign3A_2657, %sign3A_2664 : i32
      %rem3A_2666 = arith.remsi %reduce_max3A_2620, %jit3A_2649 : i32
      %ne3A_2667 = arith.constant 0 : i32
      %ne3A_2668 = arith.cmpi ne, %rem3A_2666, %ne3A_2667 : i32
      %and3A_2669 = arith.andi %ne3A_2665, %ne3A_2668 : i1
      %sub3A_2670 = arith.constant 1 : i32
      %sub3A_2671 = arith.subi %div3A_2650, %sub3A_2670 : i32
      %select_n3A_2672 = arith.select %and3A_2669, %sub3A_2671, %div3A_2650 : i32
      %mul3A_2673 = arith.constant 8 : i32
      %mul3A_2674 = arith.muli %rem3A_2600, %mul3A_2673 : i32
      %rem3A_2675 = arith.constant 8 : i32
      %rem3A_2676 = arith.remsi %reduce_max3A_2620, %rem3A_2675 : i32
      %dma_wait3A_2677 = arith.constant 0 : i32
      %dma_wait3A_2678 = tpu.memref_slice %arg2[%select_n3A_2644, %mul3A_2646, %rem3A_2648, %dma_wait3A_2677] : memref<1600x32x8x128xf32, #tpu.memory_space<hbm>> -> memref<1x8x1x128xf32, #tpu.memory_space<hbm>>
      %dma_wait3A_2679 = tpu.memref_squeeze %dma_wait3A_2678 : memref<1x8x1x128xf32, #tpu.memory_space<hbm>> -> memref<8x128xf32, #tpu.memory_space<hbm>>
      %dma_wait3A_2680 = arith.constant 0 : i32
      %dma_wait3A_2681 = tpu.memref_slice %arg2[%select_n3A_2644, %mul3A_2646, %rem3A_2648, %dma_wait3A_2680] : memref<1600x32x8x128xf32, #tpu.memory_space<hbm>> -> memref<1x8x1x128xf32, #tpu.memory_space<hbm>>
      %dma_wait3A_2682 = tpu.memref_squeeze %dma_wait3A_2681 : memref<1x8x1x128xf32, #tpu.memory_space<hbm>> -> memref<8x128xf32, #tpu.memory_space<hbm>>
      tpu.wait_dma2 semaphore(%arg16 : memref<!tpu.dma_semaphore, #tpu.memory_space<semaphore_mem>>) src(%dma_wait3A_2682 : memref<8x128xf32, #tpu.memory_space<hbm>>) dst(%arg9 : memref<8x128xf32, #tpu.memory_space<vmem>>)
      %dma_wait3A_2683 = arith.constant 0 : i32
      %dma_wait3A_2684 = tpu.memref_slice %arg2[%select_n3A_2672, %mul3A_2674, %rem3A_2676, %dma_wait3A_2683] : memref<1600x32x8x128xf32, #tpu.memory_space<hbm>> -> memref<1x8x1x128xf32, #tpu.memory_space<hbm>>
      %dma_wait3A_2685 = tpu.memref_squeeze %dma_wait3A_2684 : memref<1x8x1x128xf32, #tpu.memory_space<hbm>> -> memref<8x128xf32, #tpu.memory_space<hbm>>
      %dma_wait3A_2686 = arith.constant 0 : i32
      %dma_wait3A_2687 = tpu.memref_slice %arg2[%select_n3A_2672, %mul3A_2674, %rem3A_2676, %dma_wait3A_2686] : memref<1600x32x8x128xf32, #tpu.memory_space<hbm>> -> memref<1x8x1x128xf32, #tpu.memory_space<hbm>>
      %dma_wait3A_2688 = tpu.memref_squeeze %dma_wait3A_2687 : memref<1x8x1x128xf32, #tpu.memory_space<hbm>> -> memref<8x128xf32, #tpu.memory_space<hbm>>
      tpu.wait_dma2 semaphore(%arg16 : memref<!tpu.dma_semaphore, #tpu.memory_space<semaphore_mem>>) src(%dma_wait3A_2688 : memref<8x128xf32, #tpu.memory_space<hbm>>) dst(%arg10 : memref<8x128xf32, #tpu.memory_space<vmem>>)
      %add3A_2689 = arith.constant 1 : i32
      %add3A_2690 = arith.addi %add3A_1340, %add3A_2689 : i32
      %lt3A = arith.constant 25 : i32
      %lt3A_2691 = arith.cmpi slt, %add3A_2690, %lt3A : i32
      %convert_element_type3A_2692 = arith.extui %lt3A_2691 : i1 to i32
      %cond3A_2693 = arith.constant 0 : i32
      %cond3A_2694 = arith.cmpi ne, %convert_element_type3A_2692, %cond3A_2693 : i32
      scf.if %cond3A_2694 {
        %add3A_3696 = arith.constant 1 : i32
        %add3A_3697 = arith.addi %add3A_1340, %add3A_3696 : i32
        %mul3A_3698 = arith.constant 25 : i32
        %mul3A_3699 = arith.muli %add3A, %mul3A_3698 : i32
        %add3A_3700 = arith.addi %mul3A_3699, %add3A_3697 : i32
        %jit3A_3701 = arith.constant 4 : i32
        %div3A_3702 = arith.divsi %add3A_3700, %jit3A_3701 : i32
        %sign3A_3703 = arith.constant 0 : i32
        %sign3A_3704 = arith.cmpi sgt, %add3A_3700, %sign3A_3703 : i32
        %sign3A_3705 = arith.extui %sign3A_3704 : i1 to i32
        %sign3A_3706 = arith.constant 0 : i32
        %sign3A_3707 = arith.cmpi slt, %add3A_3700, %sign3A_3706 : i32
        %sign3A_3708 = arith.extui %sign3A_3707 : i1 to i32
        %sign3A_3709 = arith.subi %sign3A_3705, %sign3A_3708 : i32
        %sign3A_3710 = arith.constant 0 : i32
        %sign3A_3711 = arith.cmpi sgt, %jit3A_3701, %sign3A_3710 : i32
        %sign3A_3712 = arith.extui %sign3A_3711 : i1 to i32
        %sign3A_3713 = arith.constant 0 : i32
        %sign3A_3714 = arith.cmpi slt, %jit3A_3701, %sign3A_3713 : i32
        %sign3A_3715 = arith.extui %sign3A_3714 : i1 to i32
        %sign3A_3716 = arith.subi %sign3A_3712, %sign3A_3715 : i32
        %ne3A_3717 = arith.cmpi ne, %sign3A_3709, %sign3A_3716 : i32
        %rem3A_3718 = arith.remsi %add3A_3700, %jit3A_3701 : i32
        %ne3A_3719 = arith.constant 0 : i32
        %ne3A_3720 = arith.cmpi ne, %rem3A_3718, %ne3A_3719 : i32
        %and3A_3721 = arith.andi %ne3A_3717, %ne3A_3720 : i1
        %sub3A_3722 = arith.constant 1 : i32
        %sub3A_3723 = arith.subi %div3A_3702, %sub3A_3722 : i32
        %select_n3A_3724 = arith.select %and3A_3721, %sub3A_3723, %div3A_3702 : i32
        %rem3A_3725 = arith.constant 4 : i32
        %rem3A_3726 = arith.remsi %add3A_3700, %rem3A_3725 : i32
        %broadcast_in_dim3A_3727 = vector.broadcast %select_n3A_3724 : i32 to vector<16xi32>
        %gather3A_3728 = tpu.vector_load_idx %arg13[%broadcast_in_dim3A_3727] : memref<256xi32, #tpu.memory_space<vmem>>[vector<16xi32>], vector<16xi32>,
        %reduce_max3A_3729 = arith.constant true
        %reduce_max3A_3730 = vector.broadcast %reduce_max3A_3729 : i1 to vector<16xi1>
        %reduce_max3A_3731 = arith.constant -2147483648 : i32
        %reduce_max3A_3732 = vector.broadcast %reduce_max3A_3731 : i32 to vector<16xi32>
        %reduce_max3A_3733 = arith.xori %gather3A_3728, %reduce_max3A_3732 : vector<16xi32>
        %reduce_max3A_3734 = tpu.scan <max>, %reduce_max3A_3733 masked %reduce_max3A_3730 : vector<16xi32>, vector<16xi1> -> vector<16xi32>
        %reduce_max3A_3735 = arith.xori %reduce_max3A_3734, %reduce_max3A_3732 : vector<16xi32>
        %reduce_max3A_3736 = vector.extract %reduce_max3A_3735[15] : i32 from vector<16xi32>
        %broadcast_in_dim3A_3737 = vector.broadcast %select_n3A_3724 : i32 to vector<16xi32>
        %gather3A_3738 = tpu.vector_load_idx %arg14[%broadcast_in_dim3A_3737] : memref<256xi32, #tpu.memory_space<vmem>>[vector<16xi32>], vector<16xi32>,
        %reduce_max3A_3739 = arith.constant true
        %reduce_max3A_3740 = vector.broadcast %reduce_max3A_3739 : i1 to vector<16xi1>
        %reduce_max3A_3741 = arith.constant -2147483648 : i32
        %reduce_max3A_3742 = vector.broadcast %reduce_max3A_3741 : i32 to vector<16xi32>
        %reduce_max3A_3743 = arith.xori %gather3A_3738, %reduce_max3A_3742 : vector<16xi32>
        %reduce_max3A_3744 = tpu.scan <max>, %reduce_max3A_3743 masked %reduce_max3A_3740 : vector<16xi32>, vector<16xi1> -> vector<16xi32>
        %reduce_max3A_3745 = arith.xori %reduce_max3A_3744, %reduce_max3A_3742 : vector<16xi32>
        %reduce_max3A_3746 = vector.extract %reduce_max3A_3745[15] : i32 from vector<16xi32>
        %jit3A_3747 = arith.constant 8 : i32
        %div3A_3748 = arith.divsi %reduce_max3A_3736, %jit3A_3747 : i32
        %sign3A_3749 = arith.constant 0 : i32
        %sign3A_3750 = arith.cmpi sgt, %reduce_max3A_3736, %sign3A_3749 : i32
        %sign3A_3751 = arith.extui %sign3A_3750 : i1 to i32
        %sign3A_3752 = arith.constant 0 : i32
        %sign3A_3753 = arith.cmpi slt, %reduce_max3A_3736, %sign3A_3752 : i32
        %sign3A_3754 = arith.extui %sign3A_3753 : i1 to i32
        %sign3A_3755 = arith.subi %sign3A_3751, %sign3A_3754 : i32
        %sign3A_3756 = arith.constant 0 : i32
        %sign3A_3757 = arith.cmpi sgt, %jit3A_3747, %sign3A_3756 : i32
        %sign3A_3758 = arith.extui %sign3A_3757 : i1 to i32
        %sign3A_3759 = arith.constant 0 : i32
        %sign3A_3760 = arith.cmpi slt, %jit3A_3747, %sign3A_3759 : i32
        %sign3A_3761 = arith.extui %sign3A_3760 : i1 to i32
        %sign3A_3762 = arith.subi %sign3A_3758, %sign3A_3761 : i32
        %ne3A_3763 = arith.cmpi ne, %sign3A_3755, %sign3A_3762 : i32
        %rem3A_3764 = arith.remsi %reduce_max3A_3736, %jit3A_3747 : i32
        %ne3A_3765 = arith.constant 0 : i32
        %ne3A_3766 = arith.cmpi ne, %rem3A_3764, %ne3A_3765 : i32
        %and3A_3767 = arith.andi %ne3A_3763, %ne3A_3766 : i1
        %sub3A_3768 = arith.constant 1 : i32
        %sub3A_3769 = arith.subi %div3A_3748, %sub3A_3768 : i32
        %select_n3A_3770 = arith.select %and3A_3767, %sub3A_3769, %div3A_3748 : i32
        %mul3A_3771 = arith.constant 8 : i32
        %mul3A_3772 = arith.muli %rem3A_3726, %mul3A_3771 : i32
        %rem3A_3773 = arith.constant 8 : i32
        %rem3A_3774 = arith.remsi %reduce_max3A_3736, %rem3A_3773 : i32
        %jit3A_3775 = arith.constant 8 : i32
        %div3A_3776 = arith.divsi %reduce_max3A_3746, %jit3A_3775 : i32
        %sign3A_3777 = arith.constant 0 : i32
        %sign3A_3778 = arith.cmpi sgt, %reduce_max3A_3746, %sign3A_3777 : i32
        %sign3A_3779 = arith.extui %sign3A_3778 : i1 to i32
        %sign3A_3780 = arith.constant 0 : i32
        %sign3A_3781 = arith.cmpi slt, %reduce_max3A_3746, %sign3A_3780 : i32
        %sign3A_3782 = arith.extui %sign3A_3781 : i1 to i32
        %sign3A_3783 = arith.subi %sign3A_3779, %sign3A_3782 : i32
        %sign3A_3784 = arith.constant 0 : i32
        %sign3A_3785 = arith.cmpi sgt, %jit3A_3775, %sign3A_3784 : i32
        %sign3A_3786 = arith.extui %sign3A_3785 : i1 to i32
        %sign3A_3787 = arith.constant 0 : i32
        %sign3A_3788 = arith.cmpi slt, %jit3A_3775, %sign3A_3787 : i32
        %sign3A_3789 = arith.extui %sign3A_3788 : i1 to i32
        %sign3A_3790 = arith.subi %sign3A_3786, %sign3A_3789 : i32
        %ne3A_3791 = arith.cmpi ne, %sign3A_3783, %sign3A_3790 : i32
        %rem3A_3792 = arith.remsi %reduce_max3A_3746, %jit3A_3775 : i32
        %ne3A_3793 = arith.constant 0 : i32
        %ne3A_3794 = arith.cmpi ne, %rem3A_3792, %ne3A_3793 : i32
        %and3A_3795 = arith.andi %ne3A_3791, %ne3A_3794 : i1
        %sub3A_3796 = arith.constant 1 : i32
        %sub3A_3797 = arith.subi %div3A_3776, %sub3A_3796 : i32
        %select_n3A_3798 = arith.select %and3A_3795, %sub3A_3797, %div3A_3776 : i32
        %mul3A_3799 = arith.constant 8 : i32
        %mul3A_3800 = arith.muli %rem3A_3726, %mul3A_3799 : i32
        %rem3A_3801 = arith.constant 8 : i32
        %rem3A_3802 = arith.remsi %reduce_max3A_3746, %rem3A_3801 : i32
        %dma_start3A_3803 = arith.constant 0 : i32
        %dma_start3A_3804 = tpu.memref_slice %arg2[%select_n3A_3770, %mul3A_3772, %rem3A_3774, %dma_start3A_3803] : memref<1600x32x8x128xf32, #tpu.memory_space<hbm>> -> memref<1x8x1x128xf32, #tpu.memory_space<hbm>>
        %dma_start3A_3805 = tpu.memref_squeeze %dma_start3A_3804 : memref<1x8x1x128xf32, #tpu.memory_space<hbm>> -> memref<8x128xf32, #tpu.memory_space<hbm>>
        %dma_start3A_3806 = arith.constant 0 : i32
        %dma_start3A_3807 = tpu.memref_slice %arg2[%select_n3A_3770, %mul3A_3772, %rem3A_3774, %dma_start3A_3806] : memref<1600x32x8x128xf32, #tpu.memory_space<hbm>> -> memref<1x8x1x128xf32, #tpu.memory_space<hbm>>
        %dma_start3A_3808 = tpu.memref_squeeze %dma_start3A_3807 : memref<1x8x1x128xf32, #tpu.memory_space<hbm>> -> memref<8x128xf32, #tpu.memory_space<hbm>>
        tpu.enqueue_dma source(%dma_start3A_3808 : memref<8x128xf32, #tpu.memory_space<hbm>>) target(%arg7 : memref<8x128xf32, #tpu.memory_space<vmem>>) target_semaphore(%arg16 : memref<!tpu.dma_semaphore, #tpu.memory_space<semaphore_mem>>)
        %dma_start3A_3809 = arith.constant 0 : i32
        %dma_start3A_3810 = tpu.memref_slice %arg2[%select_n3A_3798, %mul3A_3800, %rem3A_3802, %dma_start3A_3809] : memref<1600x32x8x128xf32, #tpu.memory_space<hbm>> -> memref<1x8x1x128xf32, #tpu.memory_space<hbm>>
        %dma_start3A_3811 = tpu.memref_squeeze %dma_start3A_3810 : memref<1x8x1x128xf32, #tpu.memory_space<hbm>> -> memref<8x128xf32, #tpu.memory_space<hbm>>
        %dma_start3A_3812 = arith.constant 0 : i32
        %dma_start3A_3813 = tpu.memref_slice %arg2[%select_n3A_3798, %mul3A_3800, %rem3A_3802, %dma_start3A_3812] : memref<1600x32x8x128xf32, #tpu.memory_space<hbm>> -> memref<1x8x1x128xf32, #tpu.memory_space<hbm>>
        %dma_start3A_3814 = tpu.memref_squeeze %dma_start3A_3813 : memref<1x8x1x128xf32, #tpu.memory_space<hbm>> -> memref<8x128xf32, #tpu.memory_space<hbm>>
        tpu.enqueue_dma source(%dma_start3A_3814 : memref<8x128xf32, #tpu.memory_space<hbm>>) target(%arg8 : memref<8x128xf32, #tpu.memory_space<vmem>>) target_semaphore(%arg16 : memref<!tpu.dma_semaphore, #tpu.memory_space<semaphore_mem>>)
      } else {
      }
      %gt3A_2695 = arith.constant 0 : i32
      %gt3A_2696 = arith.cmpi sgt, %scan3A_1333, %gt3A_2695 : i32
      %convert_element_type3A_2697 = arith.extui %gt3A_2696 : i1 to i32
      %cond3A_2698 = arith.constant 0 : i32
      %cond3A_2699 = arith.cmpi ne, %convert_element_type3A_2697, %cond3A_2698 : i32
      scf.if %cond3A_2699 {
        %sub3A_3696 = arith.constant 2 : i32
        %sub3A_3697 = arith.subi %add3A_1340, %sub3A_3696 : i32
        %mul3A_3698 = arith.constant 25 : i32
        %mul3A_3699 = arith.muli %add3A, %mul3A_3698 : i32
        %add3A_3700 = arith.addi %mul3A_3699, %sub3A_3697 : i32
        %jit3A_3701 = arith.constant 4 : i32
        %div3A_3702 = arith.divsi %add3A_3700, %jit3A_3701 : i32
        %sign3A_3703 = arith.constant 0 : i32
        %sign3A_3704 = arith.cmpi sgt, %add3A_3700, %sign3A_3703 : i32
        %sign3A_3705 = arith.extui %sign3A_3704 : i1 to i32
        %sign3A_3706 = arith.constant 0 : i32
        %sign3A_3707 = arith.cmpi slt, %add3A_3700, %sign3A_3706 : i32
        %sign3A_3708 = arith.extui %sign3A_3707 : i1 to i32
        %sign3A_3709 = arith.subi %sign3A_3705, %sign3A_3708 : i32
        %sign3A_3710 = arith.constant 0 : i32
        %sign3A_3711 = arith.cmpi sgt, %jit3A_3701, %sign3A_3710 : i32
        %sign3A_3712 = arith.extui %sign3A_3711 : i1 to i32
        %sign3A_3713 = arith.constant 0 : i32
        %sign3A_3714 = arith.cmpi slt, %jit3A_3701, %sign3A_3713 : i32
        %sign3A_3715 = arith.extui %sign3A_3714 : i1 to i32
        %sign3A_3716 = arith.subi %sign3A_3712, %sign3A_3715 : i32
        %ne3A_3717 = arith.cmpi ne, %sign3A_3709, %sign3A_3716 : i32
        %rem3A_3718 = arith.remsi %add3A_3700, %jit3A_3701 : i32
        %ne3A_3719 = arith.constant 0 : i32
        %ne3A_3720 = arith.cmpi ne, %rem3A_3718, %ne3A_3719 : i32
        %and3A_3721 = arith.andi %ne3A_3717, %ne3A_3720 : i1
        %sub3A_3722 = arith.constant 1 : i32
        %sub3A_3723 = arith.subi %div3A_3702, %sub3A_3722 : i32
        %select_n3A_3724 = arith.select %and3A_3721, %sub3A_3723, %div3A_3702 : i32
        %rem3A_3725 = arith.constant 4 : i32
        %rem3A_3726 = arith.remsi %add3A_3700, %rem3A_3725 : i32
        %mul3A_3727 = arith.constant 1024 : i32
        %mul3A_3728 = arith.muli %rem3A_3726, %mul3A_3727 : i32
        %dma_wait3A_3729 = tpu.memref_slice %arg6[%select_n3A_3724, %mul3A_3728] : memref<200x4096xf32, #tpu.memory_space<hbm>> -> memref<1x1024xf32, #tpu.memory_space<hbm>>
        %dma_wait3A_3730 = tpu.memref_squeeze %dma_wait3A_3729 : memref<1x1024xf32, #tpu.memory_space<hbm>> -> memref<1024xf32, #tpu.memory_space<hbm>>
        %dma_wait3A_3731 = tpu.memref_slice %arg6[%select_n3A_3724, %mul3A_3728] : memref<200x4096xf32, #tpu.memory_space<hbm>> -> memref<1x1024xf32, #tpu.memory_space<hbm>>
        %dma_wait3A_3732 = tpu.memref_squeeze %dma_wait3A_3731 : memref<1x1024xf32, #tpu.memory_space<hbm>> -> memref<1024xf32, #tpu.memory_space<hbm>>
        tpu.wait_dma2 semaphore(%arg18 : memref<!tpu.dma_semaphore, #tpu.memory_space<semaphore_mem>>) src(%arg12 : memref<1024xf32, #tpu.memory_space<vmem>>) dst(%dma_wait3A_3732 : memref<1024xf32, #tpu.memory_space<hbm>>)
      } else {
      }
      %get3A_2700 = arith.constant 0 : i32
      %get3A_2701 = arith.index_cast %get3A_2700 : i32 to index
      %get3A_2702 = arith.constant 0 : index
      %get3A_2703 = tpu.vector_load %arg9[%get3A_2701, %get3A_2702] {strides = array<i32>} : memref<8x128xf32, #tpu.memory_space<vmem>>, vector<16xf32>,
      %mul3A_2704 = arith.mulf %get3A_2703, %get3A_1 : vector<16xf32>
      %exp3A_2705 = math.exp %mul3A_2704 : vector<16xf32>
      %get3A_2706 = arith.constant 0 : i32
      %get3A_2707 = arith.index_cast %get3A_2706 : i32 to index
      %get3A_2708 = arith.constant 0 : index
      %get3A_2709 = tpu.vector_load %arg10[%get3A_2707, %get3A_2708] {strides = array<i32>} : memref<8x128xf32, #tpu.memory_space<vmem>>, vector<16xf32>,
      %mul3A_2710 = arith.mulf %get3A_2709, %get3A_1 : vector<16xf32>
      %exp3A_2711 = math.exp %mul3A_2710 : vector<16xf32>
      %sub3A_2712 = arith.subf %exp3A_2705, %exp3A_2711 : vector<16xf32>
      %swap3A_2713 = arith.constant 0 : index
      %swap3A_2714 = tpu.vector_load %arg12[%swap3A_2713] {strides = array<i32>} : memref<1024xf32, #tpu.memory_space<vmem>>, vector<16xf32>,
      tpu.vector_store %arg12[%swap3A_2713], %sub3A_2712 {strides = array<i32>} : memref<1024xf32, #tpu.memory_space<vmem>>, vector<16xf32>,
      %get3A_2715 = arith.constant 0 : i32
      %get3A_2716 = arith.index_cast %get3A_2715 : i32 to index
      %get3A_2717 = arith.constant 16 : index
      %get3A_2718 = tpu.vector_load %arg9[%get3A_2716, %get3A_2717] {strides = array<i32>} : memref<8x128xf32, #tpu.memory_space<vmem>>, vector<16xf32>,
      %mul3A_2719 = arith.mulf %get3A_2718, %get3A_1 : vector<16xf32>
      %exp3A_2720 = math.exp %mul3A_2719 : vector<16xf32>
      %get3A_2721 = arith.constant 0 : i32
      %get3A_2722 = arith.index_cast %get3A_2721 : i32 to index
      %get3A_2723 = arith.constant 16 : index
      %get3A_2724 = tpu.vector_load %arg10[%get3A_2722, %get3A_2723] {strides = array<i32>} : memref<8x128xf32, #tpu.memory_space<vmem>>, vector<16xf32>,
      %mul3A_2725 = arith.mulf %get3A_2724, %get3A_1 : vector<16xf32>
      %exp3A_2726 = math.exp %mul3A_2725 : vector<16xf32>
      %sub3A_2727 = arith.subf %exp3A_2720, %exp3A_2726 : vector<16xf32>
      %swap3A_2728 = arith.constant 16 : index
      %swap3A_2729 = tpu.vector_load %arg12[%swap3A_2728] {strides = array<i32>} : memref<1024xf32, #tpu.memory_space<vmem>>, vector<16xf32>,
      tpu.vector_store %arg12[%swap3A_2728], %sub3A_2727 {strides = array<i32>} : memref<1024xf32, #tpu.memory_space<vmem>>, vector<16xf32>,
      %get3A_2730 = arith.constant 0 : i32
      %get3A_2731 = arith.index_cast %get3A_2730 : i32 to index
      %get3A_2732 = arith.constant 32 : index
      %get3A_2733 = tpu.vector_load %arg9[%get3A_2731, %get3A_2732] {strides = array<i32>} : memref<8x128xf32, #tpu.memory_space<vmem>>, vector<16xf32>,
      %mul3A_2734 = arith.mulf %get3A_2733, %get3A_1 : vector<16xf32>
      %exp3A_2735 = math.exp %mul3A_2734 : vector<16xf32>
      %get3A_2736 = arith.constant 0 : i32
      %get3A_2737 = arith.index_cast %get3A_2736 : i32 to index
      %get3A_2738 = arith.constant 32 : index
      %get3A_2739 = tpu.vector_load %arg10[%get3A_2737, %get3A_2738] {strides = array<i32>} : memref<8x128xf32, #tpu.memory_space<vmem>>, vector<16xf32>,
      %mul3A_2740 = arith.mulf %get3A_2739, %get3A_1 : vector<16xf32>
      %exp3A_2741 = math.exp %mul3A_2740 : vector<16xf32>
      %sub3A_2742 = arith.subf %exp3A_2735, %exp3A_2741 : vector<16xf32>
      %swap3A_2743 = arith.constant 32 : index
      %swap3A_2744 = tpu.vector_load %arg12[%swap3A_2743] {strides = array<i32>} : memref<1024xf32, #tpu.memory_space<vmem>>, vector<16xf32>,
      tpu.vector_store %arg12[%swap3A_2743], %sub3A_2742 {strides = array<i32>} : memref<1024xf32, #tpu.memory_space<vmem>>, vector<16xf32>,
      %get3A_2745 = arith.constant 0 : i32
      %get3A_2746 = arith.index_cast %get3A_2745 : i32 to index
      %get3A_2747 = arith.constant 48 : index
      %get3A_2748 = tpu.vector_load %arg9[%get3A_2746, %get3A_2747] {strides = array<i32>} : memref<8x128xf32, #tpu.memory_space<vmem>>, vector<16xf32>,
      %mul3A_2749 = arith.mulf %get3A_2748, %get3A_1 : vector<16xf32>
      %exp3A_2750 = math.exp %mul3A_2749 : vector<16xf32>
      %get3A_2751 = arith.constant 0 : i32
      %get3A_2752 = arith.index_cast %get3A_2751 : i32 to index
      %get3A_2753 = arith.constant 48 : index
      %get3A_2754 = tpu.vector_load %arg10[%get3A_2752, %get3A_2753] {strides = array<i32>} : memref<8x128xf32, #tpu.memory_space<vmem>>, vector<16xf32>,
      %mul3A_2755 = arith.mulf %get3A_2754, %get3A_1 : vector<16xf32>
      %exp3A_2756 = math.exp %mul3A_2755 : vector<16xf32>
      %sub3A_2757 = arith.subf %exp3A_2750, %exp3A_2756 : vector<16xf32>
      %swap3A_2758 = arith.constant 48 : index
      %swap3A_2759 = tpu.vector_load %arg12[%swap3A_2758] {strides = array<i32>} : memref<1024xf32, #tpu.memory_space<vmem>>, vector<16xf32>,
      tpu.vector_store %arg12[%swap3A_2758], %sub3A_2757 {strides = array<i32>} : memref<1024xf32, #tpu.memory_space<vmem>>, vector<16xf32>,
      %get3A_2760 = arith.constant 0 : i32
      %get3A_2761 = arith.index_cast %get3A_2760 : i32 to index
      %get3A_2762 = arith.constant 64 : index
      %get3A_2763 = tpu.vector_load %arg9[%get3A_2761, %get3A_2762] {strides = array<i32>} : memref<8x128xf32, #tpu.memory_space<vmem>>, vector<16xf32>,
      %mul3A_2764 = arith.mulf %get3A_2763, %get3A_1 : vector<16xf32>
      %exp3A_2765 = math.exp %mul3A_2764 : vector<16xf32>
      %get3A_2766 = arith.constant 0 : i32
      %get3A_2767 = arith.index_cast %get3A_2766 : i32 to index
      %get3A_2768 = arith.constant 64 : index
      %get3A_2769 = tpu.vector_load %arg10[%get3A_2767, %get3A_2768] {strides = array<i32>} : memref<8x128xf32, #tpu.memory_space<vmem>>, vector<16xf32>,
      %mul3A_2770 = arith.mulf %get3A_2769, %get3A_1 : vector<16xf32>
      %exp3A_2771 = math.exp %mul3A_2770 : vector<16xf32>
      %sub3A_2772 = arith.subf %exp3A_2765, %exp3A_2771 : vector<16xf32>
      %swap3A_2773 = arith.constant 64 : index
      %swap3A_2774 = tpu.vector_load %arg12[%swap3A_2773] {strides = array<i32>} : memref<1024xf32, #tpu.memory_space<vmem>>, vector<16xf32>,
      tpu.vector_store %arg12[%swap3A_2773], %sub3A_2772 {strides = array<i32>} : memref<1024xf32, #tpu.memory_space<vmem>>, vector<16xf32>,
      %get3A_2775 = arith.constant 0 : i32
      %get3A_2776 = arith.index_cast %get3A_2775 : i32 to index
      %get3A_2777 = arith.constant 80 : index
      %get3A_2778 = tpu.vector_load %arg9[%get3A_2776, %get3A_2777] {strides = array<i32>} : memref<8x128xf32, #tpu.memory_space<vmem>>, vector<16xf32>,
      %mul3A_2779 = arith.mulf %get3A_2778, %get3A_1 : vector<16xf32>
      %exp3A_2780 = math.exp %mul3A_2779 : vector<16xf32>
      %get3A_2781 = arith.constant 0 : i32
      %get3A_2782 = arith.index_cast %get3A_2781 : i32 to index
      %get3A_2783 = arith.constant 80 : index
      %get3A_2784 = tpu.vector_load %arg10[%get3A_2782, %get3A_2783] {strides = array<i32>} : memref<8x128xf32, #tpu.memory_space<vmem>>, vector<16xf32>,
      %mul3A_2785 = arith.mulf %get3A_2784, %get3A_1 : vector<16xf32>
      %exp3A_2786 = math.exp %mul3A_2785 : vector<16xf32>
      %sub3A_2787 = arith.subf %exp3A_2780, %exp3A_2786 : vector<16xf32>
      %swap3A_2788 = arith.constant 80 : index
      %swap3A_2789 = tpu.vector_load %arg12[%swap3A_2788] {strides = array<i32>} : memref<1024xf32, #tpu.memory_space<vmem>>, vector<16xf32>,
      tpu.vector_store %arg12[%swap3A_2788], %sub3A_2787 {strides = array<i32>} : memref<1024xf32, #tpu.memory_space<vmem>>, vector<16xf32>,
      %get3A_2790 = arith.constant 0 : i32
      %get3A_2791 = arith.index_cast %get3A_2790 : i32 to index
      %get3A_2792 = arith.constant 96 : index
      %get3A_2793 = tpu.vector_load %arg9[%get3A_2791, %get3A_2792] {strides = array<i32>} : memref<8x128xf32, #tpu.memory_space<vmem>>, vector<16xf32>,
      %mul3A_2794 = arith.mulf %get3A_2793, %get3A_1 : vector<16xf32>
      %exp3A_2795 = math.exp %mul3A_2794 : vector<16xf32>
      %get3A_2796 = arith.constant 0 : i32
      %get3A_2797 = arith.index_cast %get3A_2796 : i32 to index
      %get3A_2798 = arith.constant 96 : index
      %get3A_2799 = tpu.vector_load %arg10[%get3A_2797, %get3A_2798] {strides = array<i32>} : memref<8x128xf32, #tpu.memory_space<vmem>>, vector<16xf32>,
      %mul3A_2800 = arith.mulf %get3A_2799, %get3A_1 : vector<16xf32>
      %exp3A_2801 = math.exp %mul3A_2800 : vector<16xf32>
      %sub3A_2802 = arith.subf %exp3A_2795, %exp3A_2801 : vector<16xf32>
      %swap3A_2803 = arith.constant 96 : index
      %swap3A_2804 = tpu.vector_load %arg12[%swap3A_2803] {strides = array<i32>} : memref<1024xf32, #tpu.memory_space<vmem>>, vector<16xf32>,
      tpu.vector_store %arg12[%swap3A_2803], %sub3A_2802 {strides = array<i32>} : memref<1024xf32, #tpu.memory_space<vmem>>, vector<16xf32>,
      %get3A_2805 = arith.constant 0 : i32
      %get3A_2806 = arith.index_cast %get3A_2805 : i32 to index
      %get3A_2807 = arith.constant 112 : index
      %get3A_2808 = tpu.vector_load %arg9[%get3A_2806, %get3A_2807] {strides = array<i32>} : memref<8x128xf32, #tpu.memory_space<vmem>>, vector<16xf32>,
      %mul3A_2809 = arith.mulf %get3A_2808, %get3A_1 : vector<16xf32>
      %exp3A_2810 = math.exp %mul3A_2809 : vector<16xf32>
      %get3A_2811 = arith.constant 0 : i32
      %get3A_2812 = arith.index_cast %get3A_2811 : i32 to index
      %get3A_2813 = arith.constant 112 : index
      %get3A_2814 = tpu.vector_load %arg10[%get3A_2812, %get3A_2813] {strides = array<i32>} : memref<8x128xf32, #tpu.memory_space<vmem>>, vector<16xf32>,
      %mul3A_2815 = arith.mulf %get3A_2814, %get3A_1 : vector<16xf32>
      %exp3A_2816 = math.exp %mul3A_2815 : vector<16xf32>
      %sub3A_2817 = arith.subf %exp3A_2810, %exp3A_2816 : vector<16xf32>
      %swap3A_2818 = arith.constant 112 : index
      %swap3A_2819 = tpu.vector_load %arg12[%swap3A_2818] {strides = array<i32>} : memref<1024xf32, #tpu.memory_space<vmem>>, vector<16xf32>,
      tpu.vector_store %arg12[%swap3A_2818], %sub3A_2817 {strides = array<i32>} : memref<1024xf32, #tpu.memory_space<vmem>>, vector<16xf32>,
      %get3A_2820 = arith.constant 1 : i32
      %get3A_2821 = arith.index_cast %get3A_2820 : i32 to index
      %get3A_2822 = arith.constant 0 : index
      %get3A_2823 = tpu.vector_load %arg9[%get3A_2821, %get3A_2822] {strides = array<i32>} : memref<8x128xf32, #tpu.memory_space<vmem>>, vector<16xf32>,
      %mul3A_2824 = arith.mulf %get3A_2823, %get3A_1 : vector<16xf32>
      %exp3A_2825 = math.exp %mul3A_2824 : vector<16xf32>
      %get3A_2826 = arith.constant 1 : i32
      %get3A_2827 = arith.index_cast %get3A_2826 : i32 to index
      %get3A_2828 = arith.constant 0 : index
      %get3A_2829 = tpu.vector_load %arg10[%get3A_2827, %get3A_2828] {strides = array<i32>} : memref<8x128xf32, #tpu.memory_space<vmem>>, vector<16xf32>,
      %mul3A_2830 = arith.mulf %get3A_2829, %get3A_1 : vector<16xf32>
      %exp3A_2831 = math.exp %mul3A_2830 : vector<16xf32>
      %sub3A_2832 = arith.subf %exp3A_2825, %exp3A_2831 : vector<16xf32>
      %swap3A_2833 = arith.constant 128 : index
      %swap3A_2834 = tpu.vector_load %arg12[%swap3A_2833] {strides = array<i32>} : memref<1024xf32, #tpu.memory_space<vmem>>, vector<16xf32>,
      tpu.vector_store %arg12[%swap3A_2833], %sub3A_2832 {strides = array<i32>} : memref<1024xf32, #tpu.memory_space<vmem>>, vector<16xf32>,
      %get3A_2835 = arith.constant 1 : i32
      %get3A_2836 = arith.index_cast %get3A_2835 : i32 to index
      %get3A_2837 = arith.constant 16 : index
      %get3A_2838 = tpu.vector_load %arg9[%get3A_2836, %get3A_2837] {strides = array<i32>} : memref<8x128xf32, #tpu.memory_space<vmem>>, vector<16xf32>,
      %mul3A_2839 = arith.mulf %get3A_2838, %get3A_1 : vector<16xf32>
      %exp3A_2840 = math.exp %mul3A_2839 : vector<16xf32>
      %get3A_2841 = arith.constant 1 : i32
      %get3A_2842 = arith.index_cast %get3A_2841 : i32 to index
      %get3A_2843 = arith.constant 16 : index
      %get3A_2844 = tpu.vector_load %arg10[%get3A_2842, %get3A_2843] {strides = array<i32>} : memref<8x128xf32, #tpu.memory_space<vmem>>, vector<16xf32>,
      %mul3A_2845 = arith.mulf %get3A_2844, %get3A_1 : vector<16xf32>
      %exp3A_2846 = math.exp %mul3A_2845 : vector<16xf32>
      %sub3A_2847 = arith.subf %exp3A_2840, %exp3A_2846 : vector<16xf32>
      %swap3A_2848 = arith.constant 144 : index
      %swap3A_2849 = tpu.vector_load %arg12[%swap3A_2848] {strides = array<i32>} : memref<1024xf32, #tpu.memory_space<vmem>>, vector<16xf32>,
      tpu.vector_store %arg12[%swap3A_2848], %sub3A_2847 {strides = array<i32>} : memref<1024xf32, #tpu.memory_space<vmem>>, vector<16xf32>,
      %get3A_2850 = arith.constant 1 : i32
      %get3A_2851 = arith.index_cast %get3A_2850 : i32 to index
      %get3A_2852 = arith.constant 32 : index
      %get3A_2853 = tpu.vector_load %arg9[%get3A_2851, %get3A_2852] {strides = array<i32>} : memref<8x128xf32, #tpu.memory_space<vmem>>, vector<16xf32>,
      %mul3A_2854 = arith.mulf %get3A_2853, %get3A_1 : vector<16xf32>
      %exp3A_2855 = math.exp %mul3A_2854 : vector<16xf32>
      %get3A_2856 = arith.constant 1 : i32
      %get3A_2857 = arith.index_cast %get3A_2856 : i32 to index
      %get3A_2858 = arith.constant 32 : index
      %get3A_2859 = tpu.vector_load %arg10[%get3A_2857, %get3A_2858] {strides = array<i32>} : memref<8x128xf32, #tpu.memory_space<vmem>>, vector<16xf32>,
      %mul3A_2860 = arith.mulf %get3A_2859, %get3A_1 : vector<16xf32>
      %exp3A_2861 = math.exp %mul3A_2860 : vector<16xf32>
      %sub3A_2862 = arith.subf %exp3A_2855, %exp3A_2861 : vector<16xf32>
      %swap3A_2863 = arith.constant 160 : index
      %swap3A_2864 = tpu.vector_load %arg12[%swap3A_2863] {strides = array<i32>} : memref<1024xf32, #tpu.memory_space<vmem>>, vector<16xf32>,
      tpu.vector_store %arg12[%swap3A_2863], %sub3A_2862 {strides = array<i32>} : memref<1024xf32, #tpu.memory_space<vmem>>, vector<16xf32>,
      %get3A_2865 = arith.constant 1 : i32
      %get3A_2866 = arith.index_cast %get3A_2865 : i32 to index
      %get3A_2867 = arith.constant 48 : index
      %get3A_2868 = tpu.vector_load %arg9[%get3A_2866, %get3A_2867] {strides = array<i32>} : memref<8x128xf32, #tpu.memory_space<vmem>>, vector<16xf32>,
      %mul3A_2869 = arith.mulf %get3A_2868, %get3A_1 : vector<16xf32>
      %exp3A_2870 = math.exp %mul3A_2869 : vector<16xf32>
      %get3A_2871 = arith.constant 1 : i32
      %get3A_2872 = arith.index_cast %get3A_2871 : i32 to index
      %get3A_2873 = arith.constant 48 : index
      %get3A_2874 = tpu.vector_load %arg10[%get3A_2872, %get3A_2873] {strides = array<i32>} : memref<8x128xf32, #tpu.memory_space<vmem>>, vector<16xf32>,
      %mul3A_2875 = arith.mulf %get3A_2874, %get3A_1 : vector<16xf32>
      %exp3A_2876 = math.exp %mul3A_2875 : vector<16xf32>
      %sub3A_2877 = arith.subf %exp3A_2870, %exp3A_2876 : vector<16xf32>
      %swap3A_2878 = arith.constant 176 : index
      %swap3A_2879 = tpu.vector_load %arg12[%swap3A_2878] {strides = array<i32>} : memref<1024xf32, #tpu.memory_space<vmem>>, vector<16xf32>,
      tpu.vector_store %arg12[%swap3A_2878], %sub3A_2877 {strides = array<i32>} : memref<1024xf32, #tpu.memory_space<vmem>>, vector<16xf32>,
      %get3A_2880 = arith.constant 1 : i32
      %get3A_2881 = arith.index_cast %get3A_2880 : i32 to index
      %get3A_2882 = arith.constant 64 : index
      %get3A_2883 = tpu.vector_load %arg9[%get3A_2881, %get3A_2882] {strides = array<i32>} : memref<8x128xf32, #tpu.memory_space<vmem>>, vector<16xf32>,
      %mul3A_2884 = arith.mulf %get3A_2883, %get3A_1 : vector<16xf32>
      %exp3A_2885 = math.exp %mul3A_2884 : vector<16xf32>
      %get3A_2886 = arith.constant 1 : i32
      %get3A_2887 = arith.index_cast %get3A_2886 : i32 to index
      %get3A_2888 = arith.constant 64 : index
      %get3A_2889 = tpu.vector_load %arg10[%get3A_2887, %get3A_2888] {strides = array<i32>} : memref<8x128xf32, #tpu.memory_space<vmem>>, vector<16xf32>,
      %mul3A_2890 = arith.mulf %get3A_2889, %get3A_1 : vector<16xf32>
      %exp3A_2891 = math.exp %mul3A_2890 : vector<16xf32>
      %sub3A_2892 = arith.subf %exp3A_2885, %exp3A_2891 : vector<16xf32>
      %swap3A_2893 = arith.constant 192 : index
      %swap3A_2894 = tpu.vector_load %arg12[%swap3A_2893] {strides = array<i32>} : memref<1024xf32, #tpu.memory_space<vmem>>, vector<16xf32>,
      tpu.vector_store %arg12[%swap3A_2893], %sub3A_2892 {strides = array<i32>} : memref<1024xf32, #tpu.memory_space<vmem>>, vector<16xf32>,
      %get3A_2895 = arith.constant 1 : i32
      %get3A_2896 = arith.index_cast %get3A_2895 : i32 to index
      %get3A_2897 = arith.constant 80 : index
      %get3A_2898 = tpu.vector_load %arg9[%get3A_2896, %get3A_2897] {strides = array<i32>} : memref<8x128xf32, #tpu.memory_space<vmem>>, vector<16xf32>,
      %mul3A_2899 = arith.mulf %get3A_2898, %get3A_1 : vector<16xf32>
      %exp3A_2900 = math.exp %mul3A_2899 : vector<16xf32>
      %get3A_2901 = arith.constant 1 : i32
      %get3A_2902 = arith.index_cast %get3A_2901 : i32 to index
      %get3A_2903 = arith.constant 80 : index
      %get3A_2904 = tpu.vector_load %arg10[%get3A_2902, %get3A_2903] {strides = array<i32>} : memref<8x128xf32, #tpu.memory_space<vmem>>, vector<16xf32>,
      %mul3A_2905 = arith.mulf %get3A_2904, %get3A_1 : vector<16xf32>
      %exp3A_2906 = math.exp %mul3A_2905 : vector<16xf32>
      %sub3A_2907 = arith.subf %exp3A_2900, %exp3A_2906 : vector<16xf32>
      %swap3A_2908 = arith.constant 208 : index
      %swap3A_2909 = tpu.vector_load %arg12[%swap3A_2908] {strides = array<i32>} : memref<1024xf32, #tpu.memory_space<vmem>>, vector<16xf32>,
      tpu.vector_store %arg12[%swap3A_2908], %sub3A_2907 {strides = array<i32>} : memref<1024xf32, #tpu.memory_space<vmem>>, vector<16xf32>,
      %get3A_2910 = arith.constant 1 : i32
      %get3A_2911 = arith.index_cast %get3A_2910 : i32 to index
      %get3A_2912 = arith.constant 96 : index
      %get3A_2913 = tpu.vector_load %arg9[%get3A_2911, %get3A_2912] {strides = array<i32>} : memref<8x128xf32, #tpu.memory_space<vmem>>, vector<16xf32>,
      %mul3A_2914 = arith.mulf %get3A_2913, %get3A_1 : vector<16xf32>
      %exp3A_2915 = math.exp %mul3A_2914 : vector<16xf32>
      %get3A_2916 = arith.constant 1 : i32
      %get3A_2917 = arith.index_cast %get3A_2916 : i32 to index
      %get3A_2918 = arith.constant 96 : index
      %get3A_2919 = tpu.vector_load %arg10[%get3A_2917, %get3A_2918] {strides = array<i32>} : memref<8x128xf32, #tpu.memory_space<vmem>>, vector<16xf32>,
      %mul3A_2920 = arith.mulf %get3A_2919, %get3A_1 : vector<16xf32>
      %exp3A_2921 = math.exp %mul3A_2920 : vector<16xf32>
      %sub3A_2922 = arith.subf %exp3A_2915, %exp3A_2921 : vector<16xf32>
      %swap3A_2923 = arith.constant 224 : index
      %swap3A_2924 = tpu.vector_load %arg12[%swap3A_2923] {strides = array<i32>} : memref<1024xf32, #tpu.memory_space<vmem>>, vector<16xf32>,
      tpu.vector_store %arg12[%swap3A_2923], %sub3A_2922 {strides = array<i32>} : memref<1024xf32, #tpu.memory_space<vmem>>, vector<16xf32>,
      %get3A_2925 = arith.constant 1 : i32
      %get3A_2926 = arith.index_cast %get3A_2925 : i32 to index
      %get3A_2927 = arith.constant 112 : index
      %get3A_2928 = tpu.vector_load %arg9[%get3A_2926, %get3A_2927] {strides = array<i32>} : memref<8x128xf32, #tpu.memory_space<vmem>>, vector<16xf32>,
      %mul3A_2929 = arith.mulf %get3A_2928, %get3A_1 : vector<16xf32>
      %exp3A_2930 = math.exp %mul3A_2929 : vector<16xf32>
      %get3A_2931 = arith.constant 1 : i32
      %get3A_2932 = arith.index_cast %get3A_2931 : i32 to index
      %get3A_2933 = arith.constant 112 : index
      %get3A_2934 = tpu.vector_load %arg10[%get3A_2932, %get3A_2933] {strides = array<i32>} : memref<8x128xf32, #tpu.memory_space<vmem>>, vector<16xf32>,
      %mul3A_2935 = arith.mulf %get3A_2934, %get3A_1 : vector<16xf32>
      %exp3A_2936 = math.exp %mul3A_2935 : vector<16xf32>
      %sub3A_2937 = arith.subf %exp3A_2930, %exp3A_2936 : vector<16xf32>
      %swap3A_2938 = arith.constant 240 : index
      %swap3A_2939 = tpu.vector_load %arg12[%swap3A_2938] {strides = array<i32>} : memref<1024xf32, #tpu.memory_space<vmem>>, vector<16xf32>,
      tpu.vector_store %arg12[%swap3A_2938], %sub3A_2937 {strides = array<i32>} : memref<1024xf32, #tpu.memory_space<vmem>>, vector<16xf32>,
      %get3A_2940 = arith.constant 2 : i32
      %get3A_2941 = arith.index_cast %get3A_2940 : i32 to index
      %get3A_2942 = arith.constant 0 : index
      %get3A_2943 = tpu.vector_load %arg9[%get3A_2941, %get3A_2942] {strides = array<i32>} : memref<8x128xf32, #tpu.memory_space<vmem>>, vector<16xf32>,
      %mul3A_2944 = arith.mulf %get3A_2943, %get3A_1 : vector<16xf32>
      %exp3A_2945 = math.exp %mul3A_2944 : vector<16xf32>
      %get3A_2946 = arith.constant 2 : i32
      %get3A_2947 = arith.index_cast %get3A_2946 : i32 to index
      %get3A_2948 = arith.constant 0 : index
      %get3A_2949 = tpu.vector_load %arg10[%get3A_2947, %get3A_2948] {strides = array<i32>} : memref<8x128xf32, #tpu.memory_space<vmem>>, vector<16xf32>,
      %mul3A_2950 = arith.mulf %get3A_2949, %get3A_1 : vector<16xf32>
      %exp3A_2951 = math.exp %mul3A_2950 : vector<16xf32>
      %sub3A_2952 = arith.subf %exp3A_2945, %exp3A_2951 : vector<16xf32>
      %swap3A_2953 = arith.constant 256 : index
      %swap3A_2954 = tpu.vector_load %arg12[%swap3A_2953] {strides = array<i32>} : memref<1024xf32, #tpu.memory_space<vmem>>, vector<16xf32>,
      tpu.vector_store %arg12[%swap3A_2953], %sub3A_2952 {strides = array<i32>} : memref<1024xf32, #tpu.memory_space<vmem>>, vector<16xf32>,
      %get3A_2955 = arith.constant 2 : i32
      %get3A_2956 = arith.index_cast %get3A_2955 : i32 to index
      %get3A_2957 = arith.constant 16 : index
      %get3A_2958 = tpu.vector_load %arg9[%get3A_2956, %get3A_2957] {strides = array<i32>} : memref<8x128xf32, #tpu.memory_space<vmem>>, vector<16xf32>,
      %mul3A_2959 = arith.mulf %get3A_2958, %get3A_1 : vector<16xf32>
      %exp3A_2960 = math.exp %mul3A_2959 : vector<16xf32>
      %get3A_2961 = arith.constant 2 : i32
      %get3A_2962 = arith.index_cast %get3A_2961 : i32 to index
      %get3A_2963 = arith.constant 16 : index
      %get3A_2964 = tpu.vector_load %arg10[%get3A_2962, %get3A_2963] {strides = array<i32>} : memref<8x128xf32, #tpu.memory_space<vmem>>, vector<16xf32>,
      %mul3A_2965 = arith.mulf %get3A_2964, %get3A_1 : vector<16xf32>
      %exp3A_2966 = math.exp %mul3A_2965 : vector<16xf32>
      %sub3A_2967 = arith.subf %exp3A_2960, %exp3A_2966 : vector<16xf32>
      %swap3A_2968 = arith.constant 272 : index
      %swap3A_2969 = tpu.vector_load %arg12[%swap3A_2968] {strides = array<i32>} : memref<1024xf32, #tpu.memory_space<vmem>>, vector<16xf32>,
      tpu.vector_store %arg12[%swap3A_2968], %sub3A_2967 {strides = array<i32>} : memref<1024xf32, #tpu.memory_space<vmem>>, vector<16xf32>,
      %get3A_2970 = arith.constant 2 : i32
      %get3A_2971 = arith.index_cast %get3A_2970 : i32 to index
      %get3A_2972 = arith.constant 32 : index
      %get3A_2973 = tpu.vector_load %arg9[%get3A_2971, %get3A_2972] {strides = array<i32>} : memref<8x128xf32, #tpu.memory_space<vmem>>, vector<16xf32>,
      %mul3A_2974 = arith.mulf %get3A_2973, %get3A_1 : vector<16xf32>
      %exp3A_2975 = math.exp %mul3A_2974 : vector<16xf32>
      %get3A_2976 = arith.constant 2 : i32
      %get3A_2977 = arith.index_cast %get3A_2976 : i32 to index
      %get3A_2978 = arith.constant 32 : index
      %get3A_2979 = tpu.vector_load %arg10[%get3A_2977, %get3A_2978] {strides = array<i32>} : memref<8x128xf32, #tpu.memory_space<vmem>>, vector<16xf32>,
      %mul3A_2980 = arith.mulf %get3A_2979, %get3A_1 : vector<16xf32>
      %exp3A_2981 = math.exp %mul3A_2980 : vector<16xf32>
      %sub3A_2982 = arith.subf %exp3A_2975, %exp3A_2981 : vector<16xf32>
      %swap3A_2983 = arith.constant 288 : index
      %swap3A_2984 = tpu.vector_load %arg12[%swap3A_2983] {strides = array<i32>} : memref<1024xf32, #tpu.memory_space<vmem>>, vector<16xf32>,
      tpu.vector_store %arg12[%swap3A_2983], %sub3A_2982 {strides = array<i32>} : memref<1024xf32, #tpu.memory_space<vmem>>, vector<16xf32>,
      %get3A_2985 = arith.constant 2 : i32
      %get3A_2986 = arith.index_cast %get3A_2985 : i32 to index
      %get3A_2987 = arith.constant 48 : index
      %get3A_2988 = tpu.vector_load %arg9[%get3A_2986, %get3A_2987] {strides = array<i32>} : memref<8x128xf32, #tpu.memory_space<vmem>>, vector<16xf32>,
      %mul3A_2989 = arith.mulf %get3A_2988, %get3A_1 : vector<16xf32>
      %exp3A_2990 = math.exp %mul3A_2989 : vector<16xf32>
      %get3A_2991 = arith.constant 2 : i32
      %get3A_2992 = arith.index_cast %get3A_2991 : i32 to index
      %get3A_2993 = arith.constant 48 : index
      %get3A_2994 = tpu.vector_load %arg10[%get3A_2992, %get3A_2993] {strides = array<i32>} : memref<8x128xf32, #tpu.memory_space<vmem>>, vector<16xf32>,
      %mul3A_2995 = arith.mulf %get3A_2994, %get3A_1 : vector<16xf32>
      %exp3A_2996 = math.exp %mul3A_2995 : vector<16xf32>
      %sub3A_2997 = arith.subf %exp3A_2990, %exp3A_2996 : vector<16xf32>
      %swap3A_2998 = arith.constant 304 : index
      %swap3A_2999 = tpu.vector_load %arg12[%swap3A_2998] {strides = array<i32>} : memref<1024xf32, #tpu.memory_space<vmem>>, vector<16xf32>,
      tpu.vector_store %arg12[%swap3A_2998], %sub3A_2997 {strides = array<i32>} : memref<1024xf32, #tpu.memory_space<vmem>>, vector<16xf32>,
      %get3A_3000 = arith.constant 2 : i32
      %get3A_3001 = arith.index_cast %get3A_3000 : i32 to index
      %get3A_3002 = arith.constant 64 : index
      %get3A_3003 = tpu.vector_load %arg9[%get3A_3001, %get3A_3002] {strides = array<i32>} : memref<8x128xf32, #tpu.memory_space<vmem>>, vector<16xf32>,
      %mul3A_3004 = arith.mulf %get3A_3003, %get3A_1 : vector<16xf32>
      %exp3A_3005 = math.exp %mul3A_3004 : vector<16xf32>
      %get3A_3006 = arith.constant 2 : i32
      %get3A_3007 = arith.index_cast %get3A_3006 : i32 to index
      %get3A_3008 = arith.constant 64 : index
      %get3A_3009 = tpu.vector_load %arg10[%get3A_3007, %get3A_3008] {strides = array<i32>} : memref<8x128xf32, #tpu.memory_space<vmem>>, vector<16xf32>,
      %mul3A_3010 = arith.mulf %get3A_3009, %get3A_1 : vector<16xf32>
      %exp3A_3011 = math.exp %mul3A_3010 : vector<16xf32>
      %sub3A_3012 = arith.subf %exp3A_3005, %exp3A_3011 : vector<16xf32>
      %swap3A_3013 = arith.constant 320 : index
      %swap3A_3014 = tpu.vector_load %arg12[%swap3A_3013] {strides = array<i32>} : memref<1024xf32, #tpu.memory_space<vmem>>, vector<16xf32>,
      tpu.vector_store %arg12[%swap3A_3013], %sub3A_3012 {strides = array<i32>} : memref<1024xf32, #tpu.memory_space<vmem>>, vector<16xf32>,
      %get3A_3015 = arith.constant 2 : i32
      %get3A_3016 = arith.index_cast %get3A_3015 : i32 to index
      %get3A_3017 = arith.constant 80 : index
      %get3A_3018 = tpu.vector_load %arg9[%get3A_3016, %get3A_3017] {strides = array<i32>} : memref<8x128xf32, #tpu.memory_space<vmem>>, vector<16xf32>,
      %mul3A_3019 = arith.mulf %get3A_3018, %get3A_1 : vector<16xf32>
      %exp3A_3020 = math.exp %mul3A_3019 : vector<16xf32>
      %get3A_3021 = arith.constant 2 : i32
      %get3A_3022 = arith.index_cast %get3A_3021 : i32 to index
      %get3A_3023 = arith.constant 80 : index
      %get3A_3024 = tpu.vector_load %arg10[%get3A_3022, %get3A_3023] {strides = array<i32>} : memref<8x128xf32, #tpu.memory_space<vmem>>, vector<16xf32>,
      %mul3A_3025 = arith.mulf %get3A_3024, %get3A_1 : vector<16xf32>
      %exp3A_3026 = math.exp %mul3A_3025 : vector<16xf32>
      %sub3A_3027 = arith.subf %exp3A_3020, %exp3A_3026 : vector<16xf32>
      %swap3A_3028 = arith.constant 336 : index
      %swap3A_3029 = tpu.vector_load %arg12[%swap3A_3028] {strides = array<i32>} : memref<1024xf32, #tpu.memory_space<vmem>>, vector<16xf32>,
      tpu.vector_store %arg12[%swap3A_3028], %sub3A_3027 {strides = array<i32>} : memref<1024xf32, #tpu.memory_space<vmem>>, vector<16xf32>,
      %get3A_3030 = arith.constant 2 : i32
      %get3A_3031 = arith.index_cast %get3A_3030 : i32 to index
      %get3A_3032 = arith.constant 96 : index
      %get3A_3033 = tpu.vector_load %arg9[%get3A_3031, %get3A_3032] {strides = array<i32>} : memref<8x128xf32, #tpu.memory_space<vmem>>, vector<16xf32>,
      %mul3A_3034 = arith.mulf %get3A_3033, %get3A_1 : vector<16xf32>
      %exp3A_3035 = math.exp %mul3A_3034 : vector<16xf32>
      %get3A_3036 = arith.constant 2 : i32
      %get3A_3037 = arith.index_cast %get3A_3036 : i32 to index
      %get3A_3038 = arith.constant 96 : index
      %get3A_3039 = tpu.vector_load %arg10[%get3A_3037, %get3A_3038] {strides = array<i32>} : memref<8x128xf32, #tpu.memory_space<vmem>>, vector<16xf32>,
      %mul3A_3040 = arith.mulf %get3A_3039, %get3A_1 : vector<16xf32>
      %exp3A_3041 = math.exp %mul3A_3040 : vector<16xf32>
      %sub3A_3042 = arith.subf %exp3A_3035, %exp3A_3041 : vector<16xf32>
      %swap3A_3043 = arith.constant 352 : index
      %swap3A_3044 = tpu.vector_load %arg12[%swap3A_3043] {strides = array<i32>} : memref<1024xf32, #tpu.memory_space<vmem>>, vector<16xf32>,
      tpu.vector_store %arg12[%swap3A_3043], %sub3A_3042 {strides = array<i32>} : memref<1024xf32, #tpu.memory_space<vmem>>, vector<16xf32>,
      %get3A_3045 = arith.constant 2 : i32
      %get3A_3046 = arith.index_cast %get3A_3045 : i32 to index
      %get3A_3047 = arith.constant 112 : index
      %get3A_3048 = tpu.vector_load %arg9[%get3A_3046, %get3A_3047] {strides = array<i32>} : memref<8x128xf32, #tpu.memory_space<vmem>>, vector<16xf32>,
      %mul3A_3049 = arith.mulf %get3A_3048, %get3A_1 : vector<16xf32>
      %exp3A_3050 = math.exp %mul3A_3049 : vector<16xf32>
      %get3A_3051 = arith.constant 2 : i32
      %get3A_3052 = arith.index_cast %get3A_3051 : i32 to index
      %get3A_3053 = arith.constant 112 : index
      %get3A_3054 = tpu.vector_load %arg10[%get3A_3052, %get3A_3053] {strides = array<i32>} : memref<8x128xf32, #tpu.memory_space<vmem>>, vector<16xf32>,
      %mul3A_3055 = arith.mulf %get3A_3054, %get3A_1 : vector<16xf32>
      %exp3A_3056 = math.exp %mul3A_3055 : vector<16xf32>
      %sub3A_3057 = arith.subf %exp3A_3050, %exp3A_3056 : vector<16xf32>
      %swap3A_3058 = arith.constant 368 : index
      %swap3A_3059 = tpu.vector_load %arg12[%swap3A_3058] {strides = array<i32>} : memref<1024xf32, #tpu.memory_space<vmem>>, vector<16xf32>,
      tpu.vector_store %arg12[%swap3A_3058], %sub3A_3057 {strides = array<i32>} : memref<1024xf32, #tpu.memory_space<vmem>>, vector<16xf32>,
      %get3A_3060 = arith.constant 3 : i32
      %get3A_3061 = arith.index_cast %get3A_3060 : i32 to index
      %get3A_3062 = arith.constant 0 : index
      %get3A_3063 = tpu.vector_load %arg9[%get3A_3061, %get3A_3062] {strides = array<i32>} : memref<8x128xf32, #tpu.memory_space<vmem>>, vector<16xf32>,
      %mul3A_3064 = arith.mulf %get3A_3063, %get3A_1 : vector<16xf32>
      %exp3A_3065 = math.exp %mul3A_3064 : vector<16xf32>
      %get3A_3066 = arith.constant 3 : i32
      %get3A_3067 = arith.index_cast %get3A_3066 : i32 to index
      %get3A_3068 = arith.constant 0 : index
      %get3A_3069 = tpu.vector_load %arg10[%get3A_3067, %get3A_3068] {strides = array<i32>} : memref<8x128xf32, #tpu.memory_space<vmem>>, vector<16xf32>,
      %mul3A_3070 = arith.mulf %get3A_3069, %get3A_1 : vector<16xf32>
      %exp3A_3071 = math.exp %mul3A_3070 : vector<16xf32>
      %sub3A_3072 = arith.subf %exp3A_3065, %exp3A_3071 : vector<16xf32>
      %swap3A_3073 = arith.constant 384 : index
      %swap3A_3074 = tpu.vector_load %arg12[%swap3A_3073] {strides = array<i32>} : memref<1024xf32, #tpu.memory_space<vmem>>, vector<16xf32>,
      tpu.vector_store %arg12[%swap3A_3073], %sub3A_3072 {strides = array<i32>} : memref<1024xf32, #tpu.memory_space<vmem>>, vector<16xf32>,
      %get3A_3075 = arith.constant 3 : i32
      %get3A_3076 = arith.index_cast %get3A_3075 : i32 to index
      %get3A_3077 = arith.constant 16 : index
      %get3A_3078 = tpu.vector_load %arg9[%get3A_3076, %get3A_3077] {strides = array<i32>} : memref<8x128xf32, #tpu.memory_space<vmem>>, vector<16xf32>,
      %mul3A_3079 = arith.mulf %get3A_3078, %get3A_1 : vector<16xf32>
      %exp3A_3080 = math.exp %mul3A_3079 : vector<16xf32>
      %get3A_3081 = arith.constant 3 : i32
      %get3A_3082 = arith.index_cast %get3A_3081 : i32 to index
      %get3A_3083 = arith.constant 16 : index
      %get3A_3084 = tpu.vector_load %arg10[%get3A_3082, %get3A_3083] {strides = array<i32>} : memref<8x128xf32, #tpu.memory_space<vmem>>, vector<16xf32>,
      %mul3A_3085 = arith.mulf %get3A_3084, %get3A_1 : vector<16xf32>
      %exp3A_3086 = math.exp %mul3A_3085 : vector<16xf32>
      %sub3A_3087 = arith.subf %exp3A_3080, %exp3A_3086 : vector<16xf32>
      %swap3A_3088 = arith.constant 400 : index
      %swap3A_3089 = tpu.vector_load %arg12[%swap3A_3088] {strides = array<i32>} : memref<1024xf32, #tpu.memory_space<vmem>>, vector<16xf32>,
      tpu.vector_store %arg12[%swap3A_3088], %sub3A_3087 {strides = array<i32>} : memref<1024xf32, #tpu.memory_space<vmem>>, vector<16xf32>,
      %get3A_3090 = arith.constant 3 : i32
      %get3A_3091 = arith.index_cast %get3A_3090 : i32 to index
      %get3A_3092 = arith.constant 32 : index
      %get3A_3093 = tpu.vector_load %arg9[%get3A_3091, %get3A_3092] {strides = array<i32>} : memref<8x128xf32, #tpu.memory_space<vmem>>, vector<16xf32>,
      %mul3A_3094 = arith.mulf %get3A_3093, %get3A_1 : vector<16xf32>
      %exp3A_3095 = math.exp %mul3A_3094 : vector<16xf32>
      %get3A_3096 = arith.constant 3 : i32
      %get3A_3097 = arith.index_cast %get3A_3096 : i32 to index
      %get3A_3098 = arith.constant 32 : index
      %get3A_3099 = tpu.vector_load %arg10[%get3A_3097, %get3A_3098] {strides = array<i32>} : memref<8x128xf32, #tpu.memory_space<vmem>>, vector<16xf32>,
      %mul3A_3100 = arith.mulf %get3A_3099, %get3A_1 : vector<16xf32>
      %exp3A_3101 = math.exp %mul3A_3100 : vector<16xf32>
      %sub3A_3102 = arith.subf %exp3A_3095, %exp3A_3101 : vector<16xf32>
      %swap3A_3103 = arith.constant 416 : index
      %swap3A_3104 = tpu.vector_load %arg12[%swap3A_3103] {strides = array<i32>} : memref<1024xf32, #tpu.memory_space<vmem>>, vector<16xf32>,
      tpu.vector_store %arg12[%swap3A_3103], %sub3A_3102 {strides = array<i32>} : memref<1024xf32, #tpu.memory_space<vmem>>, vector<16xf32>,
      %get3A_3105 = arith.constant 3 : i32
      %get3A_3106 = arith.index_cast %get3A_3105 : i32 to index
      %get3A_3107 = arith.constant 48 : index
      %get3A_3108 = tpu.vector_load %arg9[%get3A_3106, %get3A_3107] {strides = array<i32>} : memref<8x128xf32, #tpu.memory_space<vmem>>, vector<16xf32>,
      %mul3A_3109 = arith.mulf %get3A_3108, %get3A_1 : vector<16xf32>
      %exp3A_3110 = math.exp %mul3A_3109 : vector<16xf32>
      %get3A_3111 = arith.constant 3 : i32
      %get3A_3112 = arith.index_cast %get3A_3111 : i32 to index
      %get3A_3113 = arith.constant 48 : index
      %get3A_3114 = tpu.vector_load %arg10[%get3A_3112, %get3A_3113] {strides = array<i32>} : memref<8x128xf32, #tpu.memory_space<vmem>>, vector<16xf32>,
      %mul3A_3115 = arith.mulf %get3A_3114, %get3A_1 : vector<16xf32>
      %exp3A_3116 = math.exp %mul3A_3115 : vector<16xf32>
      %sub3A_3117 = arith.subf %exp3A_3110, %exp3A_3116 : vector<16xf32>
      %swap3A_3118 = arith.constant 432 : index
      %swap3A_3119 = tpu.vector_load %arg12[%swap3A_3118] {strides = array<i32>} : memref<1024xf32, #tpu.memory_space<vmem>>, vector<16xf32>,
      tpu.vector_store %arg12[%swap3A_3118], %sub3A_3117 {strides = array<i32>} : memref<1024xf32, #tpu.memory_space<vmem>>, vector<16xf32>,
      %get3A_3120 = arith.constant 3 : i32
      %get3A_3121 = arith.index_cast %get3A_3120 : i32 to index
      %get3A_3122 = arith.constant 64 : index
      %get3A_3123 = tpu.vector_load %arg9[%get3A_3121, %get3A_3122] {strides = array<i32>} : memref<8x128xf32, #tpu.memory_space<vmem>>, vector<16xf32>,
      %mul3A_3124 = arith.mulf %get3A_3123, %get3A_1 : vector<16xf32>
      %exp3A_3125 = math.exp %mul3A_3124 : vector<16xf32>
      %get3A_3126 = arith.constant 3 : i32
      %get3A_3127 = arith.index_cast %get3A_3126 : i32 to index
      %get3A_3128 = arith.constant 64 : index
      %get3A_3129 = tpu.vector_load %arg10[%get3A_3127, %get3A_3128] {strides = array<i32>} : memref<8x128xf32, #tpu.memory_space<vmem>>, vector<16xf32>,
      %mul3A_3130 = arith.mulf %get3A_3129, %get3A_1 : vector<16xf32>
      %exp3A_3131 = math.exp %mul3A_3130 : vector<16xf32>
      %sub3A_3132 = arith.subf %exp3A_3125, %exp3A_3131 : vector<16xf32>
      %swap3A_3133 = arith.constant 448 : index
      %swap3A_3134 = tpu.vector_load %arg12[%swap3A_3133] {strides = array<i32>} : memref<1024xf32, #tpu.memory_space<vmem>>, vector<16xf32>,
      tpu.vector_store %arg12[%swap3A_3133], %sub3A_3132 {strides = array<i32>} : memref<1024xf32, #tpu.memory_space<vmem>>, vector<16xf32>,
      %get3A_3135 = arith.constant 3 : i32
      %get3A_3136 = arith.index_cast %get3A_3135 : i32 to index
      %get3A_3137 = arith.constant 80 : index
      %get3A_3138 = tpu.vector_load %arg9[%get3A_3136, %get3A_3137] {strides = array<i32>} : memref<8x128xf32, #tpu.memory_space<vmem>>, vector<16xf32>,
      %mul3A_3139 = arith.mulf %get3A_3138, %get3A_1 : vector<16xf32>
      %exp3A_3140 = math.exp %mul3A_3139 : vector<16xf32>
      %get3A_3141 = arith.constant 3 : i32
      %get3A_3142 = arith.index_cast %get3A_3141 : i32 to index
      %get3A_3143 = arith.constant 80 : index
      %get3A_3144 = tpu.vector_load %arg10[%get3A_3142, %get3A_3143] {strides = array<i32>} : memref<8x128xf32, #tpu.memory_space<vmem>>, vector<16xf32>,
      %mul3A_3145 = arith.mulf %get3A_3144, %get3A_1 : vector<16xf32>
      %exp3A_3146 = math.exp %mul3A_3145 : vector<16xf32>
      %sub3A_3147 = arith.subf %exp3A_3140, %exp3A_3146 : vector<16xf32>
      %swap3A_3148 = arith.constant 464 : index
      %swap3A_3149 = tpu.vector_load %arg12[%swap3A_3148] {strides = array<i32>} : memref<1024xf32, #tpu.memory_space<vmem>>, vector<16xf32>,
      tpu.vector_store %arg12[%swap3A_3148], %sub3A_3147 {strides = array<i32>} : memref<1024xf32, #tpu.memory_space<vmem>>, vector<16xf32>,
      %get3A_3150 = arith.constant 3 : i32
      %get3A_3151 = arith.index_cast %get3A_3150 : i32 to index
      %get3A_3152 = arith.constant 96 : index
      %get3A_3153 = tpu.vector_load %arg9[%get3A_3151, %get3A_3152] {strides = array<i32>} : memref<8x128xf32, #tpu.memory_space<vmem>>, vector<16xf32>,
      %mul3A_3154 = arith.mulf %get3A_3153, %get3A_1 : vector<16xf32>
      %exp3A_3155 = math.exp %mul3A_3154 : vector<16xf32>
      %get3A_3156 = arith.constant 3 : i32
      %get3A_3157 = arith.index_cast %get3A_3156 : i32 to index
      %get3A_3158 = arith.constant 96 : index
      %get3A_3159 = tpu.vector_load %arg10[%get3A_3157, %get3A_3158] {strides = array<i32>} : memref<8x128xf32, #tpu.memory_space<vmem>>, vector<16xf32>,
      %mul3A_3160 = arith.mulf %get3A_3159, %get3A_1 : vector<16xf32>
      %exp3A_3161 = math.exp %mul3A_3160 : vector<16xf32>
      %sub3A_3162 = arith.subf %exp3A_3155, %exp3A_3161 : vector<16xf32>
      %swap3A_3163 = arith.constant 480 : index
      %swap3A_3164 = tpu.vector_load %arg12[%swap3A_3163] {strides = array<i32>} : memref<1024xf32, #tpu.memory_space<vmem>>, vector<16xf32>,
      tpu.vector_store %arg12[%swap3A_3163], %sub3A_3162 {strides = array<i32>} : memref<1024xf32, #tpu.memory_space<vmem>>, vector<16xf32>,
      %get3A_3165 = arith.constant 3 : i32
      %get3A_3166 = arith.index_cast %get3A_3165 : i32 to index
      %get3A_3167 = arith.constant 112 : index
      %get3A_3168 = tpu.vector_load %arg9[%get3A_3166, %get3A_3167] {strides = array<i32>} : memref<8x128xf32, #tpu.memory_space<vmem>>, vector<16xf32>,
      %mul3A_3169 = arith.mulf %get3A_3168, %get3A_1 : vector<16xf32>
      %exp3A_3170 = math.exp %mul3A_3169 : vector<16xf32>
      %get3A_3171 = arith.constant 3 : i32
      %get3A_3172 = arith.index_cast %get3A_3171 : i32 to index
      %get3A_3173 = arith.constant 112 : index
      %get3A_3174 = tpu.vector_load %arg10[%get3A_3172, %get3A_3173] {strides = array<i32>} : memref<8x128xf32, #tpu.memory_space<vmem>>, vector<16xf32>,
      %mul3A_3175 = arith.mulf %get3A_3174, %get3A_1 : vector<16xf32>
      %exp3A_3176 = math.exp %mul3A_3175 : vector<16xf32>
      %sub3A_3177 = arith.subf %exp3A_3170, %exp3A_3176 : vector<16xf32>
      %swap3A_3178 = arith.constant 496 : index
      %swap3A_3179 = tpu.vector_load %arg12[%swap3A_3178] {strides = array<i32>} : memref<1024xf32, #tpu.memory_space<vmem>>, vector<16xf32>,
      tpu.vector_store %arg12[%swap3A_3178], %sub3A_3177 {strides = array<i32>} : memref<1024xf32, #tpu.memory_space<vmem>>, vector<16xf32>,
      %get3A_3180 = arith.constant 4 : i32
      %get3A_3181 = arith.index_cast %get3A_3180 : i32 to index
      %get3A_3182 = arith.constant 0 : index
      %get3A_3183 = tpu.vector_load %arg9[%get3A_3181, %get3A_3182] {strides = array<i32>} : memref<8x128xf32, #tpu.memory_space<vmem>>, vector<16xf32>,
      %mul3A_3184 = arith.mulf %get3A_3183, %get3A_1 : vector<16xf32>
      %exp3A_3185 = math.exp %mul3A_3184 : vector<16xf32>
      %get3A_3186 = arith.constant 4 : i32
      %get3A_3187 = arith.index_cast %get3A_3186 : i32 to index
      %get3A_3188 = arith.constant 0 : index
      %get3A_3189 = tpu.vector_load %arg10[%get3A_3187, %get3A_3188] {strides = array<i32>} : memref<8x128xf32, #tpu.memory_space<vmem>>, vector<16xf32>,
      %mul3A_3190 = arith.mulf %get3A_3189, %get3A_1 : vector<16xf32>
      %exp3A_3191 = math.exp %mul3A_3190 : vector<16xf32>
      %sub3A_3192 = arith.subf %exp3A_3185, %exp3A_3191 : vector<16xf32>
      %swap3A_3193 = arith.constant 512 : index
      %swap3A_3194 = tpu.vector_load %arg12[%swap3A_3193] {strides = array<i32>} : memref<1024xf32, #tpu.memory_space<vmem>>, vector<16xf32>,
      tpu.vector_store %arg12[%swap3A_3193], %sub3A_3192 {strides = array<i32>} : memref<1024xf32, #tpu.memory_space<vmem>>, vector<16xf32>,
      %get3A_3195 = arith.constant 4 : i32
      %get3A_3196 = arith.index_cast %get3A_3195 : i32 to index
      %get3A_3197 = arith.constant 16 : index
      %get3A_3198 = tpu.vector_load %arg9[%get3A_3196, %get3A_3197] {strides = array<i32>} : memref<8x128xf32, #tpu.memory_space<vmem>>, vector<16xf32>,
      %mul3A_3199 = arith.mulf %get3A_3198, %get3A_1 : vector<16xf32>
      %exp3A_3200 = math.exp %mul3A_3199 : vector<16xf32>
      %get3A_3201 = arith.constant 4 : i32
      %get3A_3202 = arith.index_cast %get3A_3201 : i32 to index
      %get3A_3203 = arith.constant 16 : index
      %get3A_3204 = tpu.vector_load %arg10[%get3A_3202, %get3A_3203] {strides = array<i32>} : memref<8x128xf32, #tpu.memory_space<vmem>>, vector<16xf32>,
      %mul3A_3205 = arith.mulf %get3A_3204, %get3A_1 : vector<16xf32>
      %exp3A_3206 = math.exp %mul3A_3205 : vector<16xf32>
      %sub3A_3207 = arith.subf %exp3A_3200, %exp3A_3206 : vector<16xf32>
      %swap3A_3208 = arith.constant 528 : index
      %swap3A_3209 = tpu.vector_load %arg12[%swap3A_3208] {strides = array<i32>} : memref<1024xf32, #tpu.memory_space<vmem>>, vector<16xf32>,
      tpu.vector_store %arg12[%swap3A_3208], %sub3A_3207 {strides = array<i32>} : memref<1024xf32, #tpu.memory_space<vmem>>, vector<16xf32>,
      %get3A_3210 = arith.constant 4 : i32
      %get3A_3211 = arith.index_cast %get3A_3210 : i32 to index
      %get3A_3212 = arith.constant 32 : index
      %get3A_3213 = tpu.vector_load %arg9[%get3A_3211, %get3A_3212] {strides = array<i32>} : memref<8x128xf32, #tpu.memory_space<vmem>>, vector<16xf32>,
      %mul3A_3214 = arith.mulf %get3A_3213, %get3A_1 : vector<16xf32>
      %exp3A_3215 = math.exp %mul3A_3214 : vector<16xf32>
      %get3A_3216 = arith.constant 4 : i32
      %get3A_3217 = arith.index_cast %get3A_3216 : i32 to index
      %get3A_3218 = arith.constant 32 : index
      %get3A_3219 = tpu.vector_load %arg10[%get3A_3217, %get3A_3218] {strides = array<i32>} : memref<8x128xf32, #tpu.memory_space<vmem>>, vector<16xf32>,
      %mul3A_3220 = arith.mulf %get3A_3219, %get3A_1 : vector<16xf32>
      %exp3A_3221 = math.exp %mul3A_3220 : vector<16xf32>
      %sub3A_3222 = arith.subf %exp3A_3215, %exp3A_3221 : vector<16xf32>
      %swap3A_3223 = arith.constant 544 : index
      %swap3A_3224 = tpu.vector_load %arg12[%swap3A_3223] {strides = array<i32>} : memref<1024xf32, #tpu.memory_space<vmem>>, vector<16xf32>,
      tpu.vector_store %arg12[%swap3A_3223], %sub3A_3222 {strides = array<i32>} : memref<1024xf32, #tpu.memory_space<vmem>>, vector<16xf32>,
      %get3A_3225 = arith.constant 4 : i32
      %get3A_3226 = arith.index_cast %get3A_3225 : i32 to index
      %get3A_3227 = arith.constant 48 : index
      %get3A_3228 = tpu.vector_load %arg9[%get3A_3226, %get3A_3227] {strides = array<i32>} : memref<8x128xf32, #tpu.memory_space<vmem>>, vector<16xf32>,
      %mul3A_3229 = arith.mulf %get3A_3228, %get3A_1 : vector<16xf32>
      %exp3A_3230 = math.exp %mul3A_3229 : vector<16xf32>
      %get3A_3231 = arith.constant 4 : i32
      %get3A_3232 = arith.index_cast %get3A_3231 : i32 to index
      %get3A_3233 = arith.constant 48 : index
      %get3A_3234 = tpu.vector_load %arg10[%get3A_3232, %get3A_3233] {strides = array<i32>} : memref<8x128xf32, #tpu.memory_space<vmem>>, vector<16xf32>,
      %mul3A_3235 = arith.mulf %get3A_3234, %get3A_1 : vector<16xf32>
      %exp3A_3236 = math.exp %mul3A_3235 : vector<16xf32>
      %sub3A_3237 = arith.subf %exp3A_3230, %exp3A_3236 : vector<16xf32>
      %swap3A_3238 = arith.constant 560 : index
      %swap3A_3239 = tpu.vector_load %arg12[%swap3A_3238] {strides = array<i32>} : memref<1024xf32, #tpu.memory_space<vmem>>, vector<16xf32>,
      tpu.vector_store %arg12[%swap3A_3238], %sub3A_3237 {strides = array<i32>} : memref<1024xf32, #tpu.memory_space<vmem>>, vector<16xf32>,
      %get3A_3240 = arith.constant 4 : i32
      %get3A_3241 = arith.index_cast %get3A_3240 : i32 to index
      %get3A_3242 = arith.constant 64 : index
      %get3A_3243 = tpu.vector_load %arg9[%get3A_3241, %get3A_3242] {strides = array<i32>} : memref<8x128xf32, #tpu.memory_space<vmem>>, vector<16xf32>,
      %mul3A_3244 = arith.mulf %get3A_3243, %get3A_1 : vector<16xf32>
      %exp3A_3245 = math.exp %mul3A_3244 : vector<16xf32>
      %get3A_3246 = arith.constant 4 : i32
      %get3A_3247 = arith.index_cast %get3A_3246 : i32 to index
      %get3A_3248 = arith.constant 64 : index
      %get3A_3249 = tpu.vector_load %arg10[%get3A_3247, %get3A_3248] {strides = array<i32>} : memref<8x128xf32, #tpu.memory_space<vmem>>, vector<16xf32>,
      %mul3A_3250 = arith.mulf %get3A_3249, %get3A_1 : vector<16xf32>
      %exp3A_3251 = math.exp %mul3A_3250 : vector<16xf32>
      %sub3A_3252 = arith.subf %exp3A_3245, %exp3A_3251 : vector<16xf32>
      %swap3A_3253 = arith.constant 576 : index
      %swap3A_3254 = tpu.vector_load %arg12[%swap3A_3253] {strides = array<i32>} : memref<1024xf32, #tpu.memory_space<vmem>>, vector<16xf32>,
      tpu.vector_store %arg12[%swap3A_3253], %sub3A_3252 {strides = array<i32>} : memref<1024xf32, #tpu.memory_space<vmem>>, vector<16xf32>,
      %get3A_3255 = arith.constant 4 : i32
      %get3A_3256 = arith.index_cast %get3A_3255 : i32 to index
      %get3A_3257 = arith.constant 80 : index
      %get3A_3258 = tpu.vector_load %arg9[%get3A_3256, %get3A_3257] {strides = array<i32>} : memref<8x128xf32, #tpu.memory_space<vmem>>, vector<16xf32>,
      %mul3A_3259 = arith.mulf %get3A_3258, %get3A_1 : vector<16xf32>
      %exp3A_3260 = math.exp %mul3A_3259 : vector<16xf32>
      %get3A_3261 = arith.constant 4 : i32
      %get3A_3262 = arith.index_cast %get3A_3261 : i32 to index
      %get3A_3263 = arith.constant 80 : index
      %get3A_3264 = tpu.vector_load %arg10[%get3A_3262, %get3A_3263] {strides = array<i32>} : memref<8x128xf32, #tpu.memory_space<vmem>>, vector<16xf32>,
      %mul3A_3265 = arith.mulf %get3A_3264, %get3A_1 : vector<16xf32>
      %exp3A_3266 = math.exp %mul3A_3265 : vector<16xf32>
      %sub3A_3267 = arith.subf %exp3A_3260, %exp3A_3266 : vector<16xf32>
      %swap3A_3268 = arith.constant 592 : index
      %swap3A_3269 = tpu.vector_load %arg12[%swap3A_3268] {strides = array<i32>} : memref<1024xf32, #tpu.memory_space<vmem>>, vector<16xf32>,
      tpu.vector_store %arg12[%swap3A_3268], %sub3A_3267 {strides = array<i32>} : memref<1024xf32, #tpu.memory_space<vmem>>, vector<16xf32>,
      %get3A_3270 = arith.constant 4 : i32
      %get3A_3271 = arith.index_cast %get3A_3270 : i32 to index
      %get3A_3272 = arith.constant 96 : index
      %get3A_3273 = tpu.vector_load %arg9[%get3A_3271, %get3A_3272] {strides = array<i32>} : memref<8x128xf32, #tpu.memory_space<vmem>>, vector<16xf32>,
      %mul3A_3274 = arith.mulf %get3A_3273, %get3A_1 : vector<16xf32>
      %exp3A_3275 = math.exp %mul3A_3274 : vector<16xf32>
      %get3A_3276 = arith.constant 4 : i32
      %get3A_3277 = arith.index_cast %get3A_3276 : i32 to index
      %get3A_3278 = arith.constant 96 : index
      %get3A_3279 = tpu.vector_load %arg10[%get3A_3277, %get3A_3278] {strides = array<i32>} : memref<8x128xf32, #tpu.memory_space<vmem>>, vector<16xf32>,
      %mul3A_3280 = arith.mulf %get3A_3279, %get3A_1 : vector<16xf32>
      %exp3A_3281 = math.exp %mul3A_3280 : vector<16xf32>
      %sub3A_3282 = arith.subf %exp3A_3275, %exp3A_3281 : vector<16xf32>
      %swap3A_3283 = arith.constant 608 : index
      %swap3A_3284 = tpu.vector_load %arg12[%swap3A_3283] {strides = array<i32>} : memref<1024xf32, #tpu.memory_space<vmem>>, vector<16xf32>,
      tpu.vector_store %arg12[%swap3A_3283], %sub3A_3282 {strides = array<i32>} : memref<1024xf32, #tpu.memory_space<vmem>>, vector<16xf32>,
      %get3A_3285 = arith.constant 4 : i32
      %get3A_3286 = arith.index_cast %get3A_3285 : i32 to index
      %get3A_3287 = arith.constant 112 : index
      %get3A_3288 = tpu.vector_load %arg9[%get3A_3286, %get3A_3287] {strides = array<i32>} : memref<8x128xf32, #tpu.memory_space<vmem>>, vector<16xf32>,
      %mul3A_3289 = arith.mulf %get3A_3288, %get3A_1 : vector<16xf32>
      %exp3A_3290 = math.exp %mul3A_3289 : vector<16xf32>
      %get3A_3291 = arith.constant 4 : i32
      %get3A_3292 = arith.index_cast %get3A_3291 : i32 to index
      %get3A_3293 = arith.constant 112 : index
      %get3A_3294 = tpu.vector_load %arg10[%get3A_3292, %get3A_3293] {strides = array<i32>} : memref<8x128xf32, #tpu.memory_space<vmem>>, vector<16xf32>,
      %mul3A_3295 = arith.mulf %get3A_3294, %get3A_1 : vector<16xf32>
      %exp3A_3296 = math.exp %mul3A_3295 : vector<16xf32>
      %sub3A_3297 = arith.subf %exp3A_3290, %exp3A_3296 : vector<16xf32>
      %swap3A_3298 = arith.constant 624 : index
      %swap3A_3299 = tpu.vector_load %arg12[%swap3A_3298] {strides = array<i32>} : memref<1024xf32, #tpu.memory_space<vmem>>, vector<16xf32>,
      tpu.vector_store %arg12[%swap3A_3298], %sub3A_3297 {strides = array<i32>} : memref<1024xf32, #tpu.memory_space<vmem>>, vector<16xf32>,
      %get3A_3300 = arith.constant 5 : i32
      %get3A_3301 = arith.index_cast %get3A_3300 : i32 to index
      %get3A_3302 = arith.constant 0 : index
      %get3A_3303 = tpu.vector_load %arg9[%get3A_3301, %get3A_3302] {strides = array<i32>} : memref<8x128xf32, #tpu.memory_space<vmem>>, vector<16xf32>,
      %mul3A_3304 = arith.mulf %get3A_3303, %get3A_1 : vector<16xf32>
      %exp3A_3305 = math.exp %mul3A_3304 : vector<16xf32>
      %get3A_3306 = arith.constant 5 : i32
      %get3A_3307 = arith.index_cast %get3A_3306 : i32 to index
      %get3A_3308 = arith.constant 0 : index
      %get3A_3309 = tpu.vector_load %arg10[%get3A_3307, %get3A_3308] {strides = array<i32>} : memref<8x128xf32, #tpu.memory_space<vmem>>, vector<16xf32>,
      %mul3A_3310 = arith.mulf %get3A_3309, %get3A_1 : vector<16xf32>
      %exp3A_3311 = math.exp %mul3A_3310 : vector<16xf32>
      %sub3A_3312 = arith.subf %exp3A_3305, %exp3A_3311 : vector<16xf32>
      %swap3A_3313 = arith.constant 640 : index
      %swap3A_3314 = tpu.vector_load %arg12[%swap3A_3313] {strides = array<i32>} : memref<1024xf32, #tpu.memory_space<vmem>>, vector<16xf32>,
      tpu.vector_store %arg12[%swap3A_3313], %sub3A_3312 {strides = array<i32>} : memref<1024xf32, #tpu.memory_space<vmem>>, vector<16xf32>,
      %get3A_3315 = arith.constant 5 : i32
      %get3A_3316 = arith.index_cast %get3A_3315 : i32 to index
      %get3A_3317 = arith.constant 16 : index
      %get3A_3318 = tpu.vector_load %arg9[%get3A_3316, %get3A_3317] {strides = array<i32>} : memref<8x128xf32, #tpu.memory_space<vmem>>, vector<16xf32>,
      %mul3A_3319 = arith.mulf %get3A_3318, %get3A_1 : vector<16xf32>
      %exp3A_3320 = math.exp %mul3A_3319 : vector<16xf32>
      %get3A_3321 = arith.constant 5 : i32
      %get3A_3322 = arith.index_cast %get3A_3321 : i32 to index
      %get3A_3323 = arith.constant 16 : index
      %get3A_3324 = tpu.vector_load %arg10[%get3A_3322, %get3A_3323] {strides = array<i32>} : memref<8x128xf32, #tpu.memory_space<vmem>>, vector<16xf32>,
      %mul3A_3325 = arith.mulf %get3A_3324, %get3A_1 : vector<16xf32>
      %exp3A_3326 = math.exp %mul3A_3325 : vector<16xf32>
      %sub3A_3327 = arith.subf %exp3A_3320, %exp3A_3326 : vector<16xf32>
      %swap3A_3328 = arith.constant 656 : index
      %swap3A_3329 = tpu.vector_load %arg12[%swap3A_3328] {strides = array<i32>} : memref<1024xf32, #tpu.memory_space<vmem>>, vector<16xf32>,
      tpu.vector_store %arg12[%swap3A_3328], %sub3A_3327 {strides = array<i32>} : memref<1024xf32, #tpu.memory_space<vmem>>, vector<16xf32>,
      %get3A_3330 = arith.constant 5 : i32
      %get3A_3331 = arith.index_cast %get3A_3330 : i32 to index
      %get3A_3332 = arith.constant 32 : index
      %get3A_3333 = tpu.vector_load %arg9[%get3A_3331, %get3A_3332] {strides = array<i32>} : memref<8x128xf32, #tpu.memory_space<vmem>>, vector<16xf32>,
      %mul3A_3334 = arith.mulf %get3A_3333, %get3A_1 : vector<16xf32>
      %exp3A_3335 = math.exp %mul3A_3334 : vector<16xf32>
      %get3A_3336 = arith.constant 5 : i32
      %get3A_3337 = arith.index_cast %get3A_3336 : i32 to index
      %get3A_3338 = arith.constant 32 : index
      %get3A_3339 = tpu.vector_load %arg10[%get3A_3337, %get3A_3338] {strides = array<i32>} : memref<8x128xf32, #tpu.memory_space<vmem>>, vector<16xf32>,
      %mul3A_3340 = arith.mulf %get3A_3339, %get3A_1 : vector<16xf32>
      %exp3A_3341 = math.exp %mul3A_3340 : vector<16xf32>
      %sub3A_3342 = arith.subf %exp3A_3335, %exp3A_3341 : vector<16xf32>
      %swap3A_3343 = arith.constant 672 : index
      %swap3A_3344 = tpu.vector_load %arg12[%swap3A_3343] {strides = array<i32>} : memref<1024xf32, #tpu.memory_space<vmem>>, vector<16xf32>,
      tpu.vector_store %arg12[%swap3A_3343], %sub3A_3342 {strides = array<i32>} : memref<1024xf32, #tpu.memory_space<vmem>>, vector<16xf32>,
      %get3A_3345 = arith.constant 5 : i32
      %get3A_3346 = arith.index_cast %get3A_3345 : i32 to index
      %get3A_3347 = arith.constant 48 : index
      %get3A_3348 = tpu.vector_load %arg9[%get3A_3346, %get3A_3347] {strides = array<i32>} : memref<8x128xf32, #tpu.memory_space<vmem>>, vector<16xf32>,
      %mul3A_3349 = arith.mulf %get3A_3348, %get3A_1 : vector<16xf32>
      %exp3A_3350 = math.exp %mul3A_3349 : vector<16xf32>
      %get3A_3351 = arith.constant 5 : i32
      %get3A_3352 = arith.index_cast %get3A_3351 : i32 to index
      %get3A_3353 = arith.constant 48 : index
      %get3A_3354 = tpu.vector_load %arg10[%get3A_3352, %get3A_3353] {strides = array<i32>} : memref<8x128xf32, #tpu.memory_space<vmem>>, vector<16xf32>,
      %mul3A_3355 = arith.mulf %get3A_3354, %get3A_1 : vector<16xf32>
      %exp3A_3356 = math.exp %mul3A_3355 : vector<16xf32>
      %sub3A_3357 = arith.subf %exp3A_3350, %exp3A_3356 : vector<16xf32>
      %swap3A_3358 = arith.constant 688 : index
      %swap3A_3359 = tpu.vector_load %arg12[%swap3A_3358] {strides = array<i32>} : memref<1024xf32, #tpu.memory_space<vmem>>, vector<16xf32>,
      tpu.vector_store %arg12[%swap3A_3358], %sub3A_3357 {strides = array<i32>} : memref<1024xf32, #tpu.memory_space<vmem>>, vector<16xf32>,
      %get3A_3360 = arith.constant 5 : i32
      %get3A_3361 = arith.index_cast %get3A_3360 : i32 to index
      %get3A_3362 = arith.constant 64 : index
      %get3A_3363 = tpu.vector_load %arg9[%get3A_3361, %get3A_3362] {strides = array<i32>} : memref<8x128xf32, #tpu.memory_space<vmem>>, vector<16xf32>,
      %mul3A_3364 = arith.mulf %get3A_3363, %get3A_1 : vector<16xf32>
      %exp3A_3365 = math.exp %mul3A_3364 : vector<16xf32>
      %get3A_3366 = arith.constant 5 : i32
      %get3A_3367 = arith.index_cast %get3A_3366 : i32 to index
      %get3A_3368 = arith.constant 64 : index
      %get3A_3369 = tpu.vector_load %arg10[%get3A_3367, %get3A_3368] {strides = array<i32>} : memref<8x128xf32, #tpu.memory_space<vmem>>, vector<16xf32>,
      %mul3A_3370 = arith.mulf %get3A_3369, %get3A_1 : vector<16xf32>
      %exp3A_3371 = math.exp %mul3A_3370 : vector<16xf32>
      %sub3A_3372 = arith.subf %exp3A_3365, %exp3A_3371 : vector<16xf32>
      %swap3A_3373 = arith.constant 704 : index
      %swap3A_3374 = tpu.vector_load %arg12[%swap3A_3373] {strides = array<i32>} : memref<1024xf32, #tpu.memory_space<vmem>>, vector<16xf32>,
      tpu.vector_store %arg12[%swap3A_3373], %sub3A_3372 {strides = array<i32>} : memref<1024xf32, #tpu.memory_space<vmem>>, vector<16xf32>,
      %get3A_3375 = arith.constant 5 : i32
      %get3A_3376 = arith.index_cast %get3A_3375 : i32 to index
      %get3A_3377 = arith.constant 80 : index
      %get3A_3378 = tpu.vector_load %arg9[%get3A_3376, %get3A_3377] {strides = array<i32>} : memref<8x128xf32, #tpu.memory_space<vmem>>, vector<16xf32>,
      %mul3A_3379 = arith.mulf %get3A_3378, %get3A_1 : vector<16xf32>
      %exp3A_3380 = math.exp %mul3A_3379 : vector<16xf32>
      %get3A_3381 = arith.constant 5 : i32
      %get3A_3382 = arith.index_cast %get3A_3381 : i32 to index
      %get3A_3383 = arith.constant 80 : index
      %get3A_3384 = tpu.vector_load %arg10[%get3A_3382, %get3A_3383] {strides = array<i32>} : memref<8x128xf32, #tpu.memory_space<vmem>>, vector<16xf32>,
      %mul3A_3385 = arith.mulf %get3A_3384, %get3A_1 : vector<16xf32>
      %exp3A_3386 = math.exp %mul3A_3385 : vector<16xf32>
      %sub3A_3387 = arith.subf %exp3A_3380, %exp3A_3386 : vector<16xf32>
      %swap3A_3388 = arith.constant 720 : index
      %swap3A_3389 = tpu.vector_load %arg12[%swap3A_3388] {strides = array<i32>} : memref<1024xf32, #tpu.memory_space<vmem>>, vector<16xf32>,
      tpu.vector_store %arg12[%swap3A_3388], %sub3A_3387 {strides = array<i32>} : memref<1024xf32, #tpu.memory_space<vmem>>, vector<16xf32>,
      %get3A_3390 = arith.constant 5 : i32
      %get3A_3391 = arith.index_cast %get3A_3390 : i32 to index
      %get3A_3392 = arith.constant 96 : index
      %get3A_3393 = tpu.vector_load %arg9[%get3A_3391, %get3A_3392] {strides = array<i32>} : memref<8x128xf32, #tpu.memory_space<vmem>>, vector<16xf32>,
      %mul3A_3394 = arith.mulf %get3A_3393, %get3A_1 : vector<16xf32>
      %exp3A_3395 = math.exp %mul3A_3394 : vector<16xf32>
      %get3A_3396 = arith.constant 5 : i32
      %get3A_3397 = arith.index_cast %get3A_3396 : i32 to index
      %get3A_3398 = arith.constant 96 : index
      %get3A_3399 = tpu.vector_load %arg10[%get3A_3397, %get3A_3398] {strides = array<i32>} : memref<8x128xf32, #tpu.memory_space<vmem>>, vector<16xf32>,
      %mul3A_3400 = arith.mulf %get3A_3399, %get3A_1 : vector<16xf32>
      %exp3A_3401 = math.exp %mul3A_3400 : vector<16xf32>
      %sub3A_3402 = arith.subf %exp3A_3395, %exp3A_3401 : vector<16xf32>
      %swap3A_3403 = arith.constant 736 : index
      %swap3A_3404 = tpu.vector_load %arg12[%swap3A_3403] {strides = array<i32>} : memref<1024xf32, #tpu.memory_space<vmem>>, vector<16xf32>,
      tpu.vector_store %arg12[%swap3A_3403], %sub3A_3402 {strides = array<i32>} : memref<1024xf32, #tpu.memory_space<vmem>>, vector<16xf32>,
      %get3A_3405 = arith.constant 5 : i32
      %get3A_3406 = arith.index_cast %get3A_3405 : i32 to index
      %get3A_3407 = arith.constant 112 : index
      %get3A_3408 = tpu.vector_load %arg9[%get3A_3406, %get3A_3407] {strides = array<i32>} : memref<8x128xf32, #tpu.memory_space<vmem>>, vector<16xf32>,
      %mul3A_3409 = arith.mulf %get3A_3408, %get3A_1 : vector<16xf32>
      %exp3A_3410 = math.exp %mul3A_3409 : vector<16xf32>
      %get3A_3411 = arith.constant 5 : i32
      %get3A_3412 = arith.index_cast %get3A_3411 : i32 to index
      %get3A_3413 = arith.constant 112 : index
      %get3A_3414 = tpu.vector_load %arg10[%get3A_3412, %get3A_3413] {strides = array<i32>} : memref<8x128xf32, #tpu.memory_space<vmem>>, vector<16xf32>,
      %mul3A_3415 = arith.mulf %get3A_3414, %get3A_1 : vector<16xf32>
      %exp3A_3416 = math.exp %mul3A_3415 : vector<16xf32>
      %sub3A_3417 = arith.subf %exp3A_3410, %exp3A_3416 : vector<16xf32>
      %swap3A_3418 = arith.constant 752 : index
      %swap3A_3419 = tpu.vector_load %arg12[%swap3A_3418] {strides = array<i32>} : memref<1024xf32, #tpu.memory_space<vmem>>, vector<16xf32>,
      tpu.vector_store %arg12[%swap3A_3418], %sub3A_3417 {strides = array<i32>} : memref<1024xf32, #tpu.memory_space<vmem>>, vector<16xf32>,
      %get3A_3420 = arith.constant 6 : i32
      %get3A_3421 = arith.index_cast %get3A_3420 : i32 to index
      %get3A_3422 = arith.constant 0 : index
      %get3A_3423 = tpu.vector_load %arg9[%get3A_3421, %get3A_3422] {strides = array<i32>} : memref<8x128xf32, #tpu.memory_space<vmem>>, vector<16xf32>,
      %mul3A_3424 = arith.mulf %get3A_3423, %get3A_1 : vector<16xf32>
      %exp3A_3425 = math.exp %mul3A_3424 : vector<16xf32>
      %get3A_3426 = arith.constant 6 : i32
      %get3A_3427 = arith.index_cast %get3A_3426 : i32 to index
      %get3A_3428 = arith.constant 0 : index
      %get3A_3429 = tpu.vector_load %arg10[%get3A_3427, %get3A_3428] {strides = array<i32>} : memref<8x128xf32, #tpu.memory_space<vmem>>, vector<16xf32>,
      %mul3A_3430 = arith.mulf %get3A_3429, %get3A_1 : vector<16xf32>
      %exp3A_3431 = math.exp %mul3A_3430 : vector<16xf32>
      %sub3A_3432 = arith.subf %exp3A_3425, %exp3A_3431 : vector<16xf32>
      %swap3A_3433 = arith.constant 768 : index
      %swap3A_3434 = tpu.vector_load %arg12[%swap3A_3433] {strides = array<i32>} : memref<1024xf32, #tpu.memory_space<vmem>>, vector<16xf32>,
      tpu.vector_store %arg12[%swap3A_3433], %sub3A_3432 {strides = array<i32>} : memref<1024xf32, #tpu.memory_space<vmem>>, vector<16xf32>,
      %get3A_3435 = arith.constant 6 : i32
      %get3A_3436 = arith.index_cast %get3A_3435 : i32 to index
      %get3A_3437 = arith.constant 16 : index
      %get3A_3438 = tpu.vector_load %arg9[%get3A_3436, %get3A_3437] {strides = array<i32>} : memref<8x128xf32, #tpu.memory_space<vmem>>, vector<16xf32>,
      %mul3A_3439 = arith.mulf %get3A_3438, %get3A_1 : vector<16xf32>
      %exp3A_3440 = math.exp %mul3A_3439 : vector<16xf32>
      %get3A_3441 = arith.constant 6 : i32
      %get3A_3442 = arith.index_cast %get3A_3441 : i32 to index
      %get3A_3443 = arith.constant 16 : index
      %get3A_3444 = tpu.vector_load %arg10[%get3A_3442, %get3A_3443] {strides = array<i32>} : memref<8x128xf32, #tpu.memory_space<vmem>>, vector<16xf32>,
      %mul3A_3445 = arith.mulf %get3A_3444, %get3A_1 : vector<16xf32>
      %exp3A_3446 = math.exp %mul3A_3445 : vector<16xf32>
      %sub3A_3447 = arith.subf %exp3A_3440, %exp3A_3446 : vector<16xf32>
      %swap3A_3448 = arith.constant 784 : index
      %swap3A_3449 = tpu.vector_load %arg12[%swap3A_3448] {strides = array<i32>} : memref<1024xf32, #tpu.memory_space<vmem>>, vector<16xf32>,
      tpu.vector_store %arg12[%swap3A_3448], %sub3A_3447 {strides = array<i32>} : memref<1024xf32, #tpu.memory_space<vmem>>, vector<16xf32>,
      %get3A_3450 = arith.constant 6 : i32
      %get3A_3451 = arith.index_cast %get3A_3450 : i32 to index
      %get3A_3452 = arith.constant 32 : index
      %get3A_3453 = tpu.vector_load %arg9[%get3A_3451, %get3A_3452] {strides = array<i32>} : memref<8x128xf32, #tpu.memory_space<vmem>>, vector<16xf32>,
      %mul3A_3454 = arith.mulf %get3A_3453, %get3A_1 : vector<16xf32>
      %exp3A_3455 = math.exp %mul3A_3454 : vector<16xf32>
      %get3A_3456 = arith.constant 6 : i32
      %get3A_3457 = arith.index_cast %get3A_3456 : i32 to index
      %get3A_3458 = arith.constant 32 : index
      %get3A_3459 = tpu.vector_load %arg10[%get3A_3457, %get3A_3458] {strides = array<i32>} : memref<8x128xf32, #tpu.memory_space<vmem>>, vector<16xf32>,
      %mul3A_3460 = arith.mulf %get3A_3459, %get3A_1 : vector<16xf32>
      %exp3A_3461 = math.exp %mul3A_3460 : vector<16xf32>
      %sub3A_3462 = arith.subf %exp3A_3455, %exp3A_3461 : vector<16xf32>
      %swap3A_3463 = arith.constant 800 : index
      %swap3A_3464 = tpu.vector_load %arg12[%swap3A_3463] {strides = array<i32>} : memref<1024xf32, #tpu.memory_space<vmem>>, vector<16xf32>,
      tpu.vector_store %arg12[%swap3A_3463], %sub3A_3462 {strides = array<i32>} : memref<1024xf32, #tpu.memory_space<vmem>>, vector<16xf32>,
      %get3A_3465 = arith.constant 6 : i32
      %get3A_3466 = arith.index_cast %get3A_3465 : i32 to index
      %get3A_3467 = arith.constant 48 : index
      %get3A_3468 = tpu.vector_load %arg9[%get3A_3466, %get3A_3467] {strides = array<i32>} : memref<8x128xf32, #tpu.memory_space<vmem>>, vector<16xf32>,
      %mul3A_3469 = arith.mulf %get3A_3468, %get3A_1 : vector<16xf32>
      %exp3A_3470 = math.exp %mul3A_3469 : vector<16xf32>
      %get3A_3471 = arith.constant 6 : i32
      %get3A_3472 = arith.index_cast %get3A_3471 : i32 to index
      %get3A_3473 = arith.constant 48 : index
      %get3A_3474 = tpu.vector_load %arg10[%get3A_3472, %get3A_3473] {strides = array<i32>} : memref<8x128xf32, #tpu.memory_space<vmem>>, vector<16xf32>,
      %mul3A_3475 = arith.mulf %get3A_3474, %get3A_1 : vector<16xf32>
      %exp3A_3476 = math.exp %mul3A_3475 : vector<16xf32>
      %sub3A_3477 = arith.subf %exp3A_3470, %exp3A_3476 : vector<16xf32>
      %swap3A_3478 = arith.constant 816 : index
      %swap3A_3479 = tpu.vector_load %arg12[%swap3A_3478] {strides = array<i32>} : memref<1024xf32, #tpu.memory_space<vmem>>, vector<16xf32>,
      tpu.vector_store %arg12[%swap3A_3478], %sub3A_3477 {strides = array<i32>} : memref<1024xf32, #tpu.memory_space<vmem>>, vector<16xf32>,
      %get3A_3480 = arith.constant 6 : i32
      %get3A_3481 = arith.index_cast %get3A_3480 : i32 to index
      %get3A_3482 = arith.constant 64 : index
      %get3A_3483 = tpu.vector_load %arg9[%get3A_3481, %get3A_3482] {strides = array<i32>} : memref<8x128xf32, #tpu.memory_space<vmem>>, vector<16xf32>,
      %mul3A_3484 = arith.mulf %get3A_3483, %get3A_1 : vector<16xf32>
      %exp3A_3485 = math.exp %mul3A_3484 : vector<16xf32>
      %get3A_3486 = arith.constant 6 : i32
      %get3A_3487 = arith.index_cast %get3A_3486 : i32 to index
      %get3A_3488 = arith.constant 64 : index
      %get3A_3489 = tpu.vector_load %arg10[%get3A_3487, %get3A_3488] {strides = array<i32>} : memref<8x128xf32, #tpu.memory_space<vmem>>, vector<16xf32>,
      %mul3A_3490 = arith.mulf %get3A_3489, %get3A_1 : vector<16xf32>
      %exp3A_3491 = math.exp %mul3A_3490 : vector<16xf32>
      %sub3A_3492 = arith.subf %exp3A_3485, %exp3A_3491 : vector<16xf32>
      %swap3A_3493 = arith.constant 832 : index
      %swap3A_3494 = tpu.vector_load %arg12[%swap3A_3493] {strides = array<i32>} : memref<1024xf32, #tpu.memory_space<vmem>>, vector<16xf32>,
      tpu.vector_store %arg12[%swap3A_3493], %sub3A_3492 {strides = array<i32>} : memref<1024xf32, #tpu.memory_space<vmem>>, vector<16xf32>,
      %get3A_3495 = arith.constant 6 : i32
      %get3A_3496 = arith.index_cast %get3A_3495 : i32 to index
      %get3A_3497 = arith.constant 80 : index
      %get3A_3498 = tpu.vector_load %arg9[%get3A_3496, %get3A_3497] {strides = array<i32>} : memref<8x128xf32, #tpu.memory_space<vmem>>, vector<16xf32>,
      %mul3A_3499 = arith.mulf %get3A_3498, %get3A_1 : vector<16xf32>
      %exp3A_3500 = math.exp %mul3A_3499 : vector<16xf32>
      %get3A_3501 = arith.constant 6 : i32
      %get3A_3502 = arith.index_cast %get3A_3501 : i32 to index
      %get3A_3503 = arith.constant 80 : index
      %get3A_3504 = tpu.vector_load %arg10[%get3A_3502, %get3A_3503] {strides = array<i32>} : memref<8x128xf32, #tpu.memory_space<vmem>>, vector<16xf32>,
      %mul3A_3505 = arith.mulf %get3A_3504, %get3A_1 : vector<16xf32>
      %exp3A_3506 = math.exp %mul3A_3505 : vector<16xf32>
      %sub3A_3507 = arith.subf %exp3A_3500, %exp3A_3506 : vector<16xf32>
      %swap3A_3508 = arith.constant 848 : index
      %swap3A_3509 = tpu.vector_load %arg12[%swap3A_3508] {strides = array<i32>} : memref<1024xf32, #tpu.memory_space<vmem>>, vector<16xf32>,
      tpu.vector_store %arg12[%swap3A_3508], %sub3A_3507 {strides = array<i32>} : memref<1024xf32, #tpu.memory_space<vmem>>, vector<16xf32>,
      %get3A_3510 = arith.constant 6 : i32
      %get3A_3511 = arith.index_cast %get3A_3510 : i32 to index
      %get3A_3512 = arith.constant 96 : index
      %get3A_3513 = tpu.vector_load %arg9[%get3A_3511, %get3A_3512] {strides = array<i32>} : memref<8x128xf32, #tpu.memory_space<vmem>>, vector<16xf32>,
      %mul3A_3514 = arith.mulf %get3A_3513, %get3A_1 : vector<16xf32>
      %exp3A_3515 = math.exp %mul3A_3514 : vector<16xf32>
      %get3A_3516 = arith.constant 6 : i32
      %get3A_3517 = arith.index_cast %get3A_3516 : i32 to index
      %get3A_3518 = arith.constant 96 : index
      %get3A_3519 = tpu.vector_load %arg10[%get3A_3517, %get3A_3518] {strides = array<i32>} : memref<8x128xf32, #tpu.memory_space<vmem>>, vector<16xf32>,
      %mul3A_3520 = arith.mulf %get3A_3519, %get3A_1 : vector<16xf32>
      %exp3A_3521 = math.exp %mul3A_3520 : vector<16xf32>
      %sub3A_3522 = arith.subf %exp3A_3515, %exp3A_3521 : vector<16xf32>
      %swap3A_3523 = arith.constant 864 : index
      %swap3A_3524 = tpu.vector_load %arg12[%swap3A_3523] {strides = array<i32>} : memref<1024xf32, #tpu.memory_space<vmem>>, vector<16xf32>,
      tpu.vector_store %arg12[%swap3A_3523], %sub3A_3522 {strides = array<i32>} : memref<1024xf32, #tpu.memory_space<vmem>>, vector<16xf32>,
      %get3A_3525 = arith.constant 6 : i32
      %get3A_3526 = arith.index_cast %get3A_3525 : i32 to index
      %get3A_3527 = arith.constant 112 : index
      %get3A_3528 = tpu.vector_load %arg9[%get3A_3526, %get3A_3527] {strides = array<i32>} : memref<8x128xf32, #tpu.memory_space<vmem>>, vector<16xf32>,
      %mul3A_3529 = arith.mulf %get3A_3528, %get3A_1 : vector<16xf32>
      %exp3A_3530 = math.exp %mul3A_3529 : vector<16xf32>
      %get3A_3531 = arith.constant 6 : i32
      %get3A_3532 = arith.index_cast %get3A_3531 : i32 to index
      %get3A_3533 = arith.constant 112 : index
      %get3A_3534 = tpu.vector_load %arg10[%get3A_3532, %get3A_3533] {strides = array<i32>} : memref<8x128xf32, #tpu.memory_space<vmem>>, vector<16xf32>,
      %mul3A_3535 = arith.mulf %get3A_3534, %get3A_1 : vector<16xf32>
      %exp3A_3536 = math.exp %mul3A_3535 : vector<16xf32>
      %sub3A_3537 = arith.subf %exp3A_3530, %exp3A_3536 : vector<16xf32>
      %swap3A_3538 = arith.constant 880 : index
      %swap3A_3539 = tpu.vector_load %arg12[%swap3A_3538] {strides = array<i32>} : memref<1024xf32, #tpu.memory_space<vmem>>, vector<16xf32>,
      tpu.vector_store %arg12[%swap3A_3538], %sub3A_3537 {strides = array<i32>} : memref<1024xf32, #tpu.memory_space<vmem>>, vector<16xf32>,
      %get3A_3540 = arith.constant 7 : i32
      %get3A_3541 = arith.index_cast %get3A_3540 : i32 to index
      %get3A_3542 = arith.constant 0 : index
      %get3A_3543 = tpu.vector_load %arg9[%get3A_3541, %get3A_3542] {strides = array<i32>} : memref<8x128xf32, #tpu.memory_space<vmem>>, vector<16xf32>,
      %mul3A_3544 = arith.mulf %get3A_3543, %get3A_1 : vector<16xf32>
      %exp3A_3545 = math.exp %mul3A_3544 : vector<16xf32>
      %get3A_3546 = arith.constant 7 : i32
      %get3A_3547 = arith.index_cast %get3A_3546 : i32 to index
      %get3A_3548 = arith.constant 0 : index
      %get3A_3549 = tpu.vector_load %arg10[%get3A_3547, %get3A_3548] {strides = array<i32>} : memref<8x128xf32, #tpu.memory_space<vmem>>, vector<16xf32>,
      %mul3A_3550 = arith.mulf %get3A_3549, %get3A_1 : vector<16xf32>
      %exp3A_3551 = math.exp %mul3A_3550 : vector<16xf32>
      %sub3A_3552 = arith.subf %exp3A_3545, %exp3A_3551 : vector<16xf32>
      %swap3A_3553 = arith.constant 896 : index
      %swap3A_3554 = tpu.vector_load %arg12[%swap3A_3553] {strides = array<i32>} : memref<1024xf32, #tpu.memory_space<vmem>>, vector<16xf32>,
      tpu.vector_store %arg12[%swap3A_3553], %sub3A_3552 {strides = array<i32>} : memref<1024xf32, #tpu.memory_space<vmem>>, vector<16xf32>,
      %get3A_3555 = arith.constant 7 : i32
      %get3A_3556 = arith.index_cast %get3A_3555 : i32 to index
      %get3A_3557 = arith.constant 16 : index
      %get3A_3558 = tpu.vector_load %arg9[%get3A_3556, %get3A_3557] {strides = array<i32>} : memref<8x128xf32, #tpu.memory_space<vmem>>, vector<16xf32>,
      %mul3A_3559 = arith.mulf %get3A_3558, %get3A_1 : vector<16xf32>
      %exp3A_3560 = math.exp %mul3A_3559 : vector<16xf32>
      %get3A_3561 = arith.constant 7 : i32
      %get3A_3562 = arith.index_cast %get3A_3561 : i32 to index
      %get3A_3563 = arith.constant 16 : index
      %get3A_3564 = tpu.vector_load %arg10[%get3A_3562, %get3A_3563] {strides = array<i32>} : memref<8x128xf32, #tpu.memory_space<vmem>>, vector<16xf32>,
      %mul3A_3565 = arith.mulf %get3A_3564, %get3A_1 : vector<16xf32>
      %exp3A_3566 = math.exp %mul3A_3565 : vector<16xf32>
      %sub3A_3567 = arith.subf %exp3A_3560, %exp3A_3566 : vector<16xf32>
      %swap3A_3568 = arith.constant 912 : index
      %swap3A_3569 = tpu.vector_load %arg12[%swap3A_3568] {strides = array<i32>} : memref<1024xf32, #tpu.memory_space<vmem>>, vector<16xf32>,
      tpu.vector_store %arg12[%swap3A_3568], %sub3A_3567 {strides = array<i32>} : memref<1024xf32, #tpu.memory_space<vmem>>, vector<16xf32>,
      %get3A_3570 = arith.constant 7 : i32
      %get3A_3571 = arith.index_cast %get3A_3570 : i32 to index
      %get3A_3572 = arith.constant 32 : index
      %get3A_3573 = tpu.vector_load %arg9[%get3A_3571, %get3A_3572] {strides = array<i32>} : memref<8x128xf32, #tpu.memory_space<vmem>>, vector<16xf32>,
      %mul3A_3574 = arith.mulf %get3A_3573, %get3A_1 : vector<16xf32>
      %exp3A_3575 = math.exp %mul3A_3574 : vector<16xf32>
      %get3A_3576 = arith.constant 7 : i32
      %get3A_3577 = arith.index_cast %get3A_3576 : i32 to index
      %get3A_3578 = arith.constant 32 : index
      %get3A_3579 = tpu.vector_load %arg10[%get3A_3577, %get3A_3578] {strides = array<i32>} : memref<8x128xf32, #tpu.memory_space<vmem>>, vector<16xf32>,
      %mul3A_3580 = arith.mulf %get3A_3579, %get3A_1 : vector<16xf32>
      %exp3A_3581 = math.exp %mul3A_3580 : vector<16xf32>
      %sub3A_3582 = arith.subf %exp3A_3575, %exp3A_3581 : vector<16xf32>
      %swap3A_3583 = arith.constant 928 : index
      %swap3A_3584 = tpu.vector_load %arg12[%swap3A_3583] {strides = array<i32>} : memref<1024xf32, #tpu.memory_space<vmem>>, vector<16xf32>,
      tpu.vector_store %arg12[%swap3A_3583], %sub3A_3582 {strides = array<i32>} : memref<1024xf32, #tpu.memory_space<vmem>>, vector<16xf32>,
      %get3A_3585 = arith.constant 7 : i32
      %get3A_3586 = arith.index_cast %get3A_3585 : i32 to index
      %get3A_3587 = arith.constant 48 : index
      %get3A_3588 = tpu.vector_load %arg9[%get3A_3586, %get3A_3587] {strides = array<i32>} : memref<8x128xf32, #tpu.memory_space<vmem>>, vector<16xf32>,
      %mul3A_3589 = arith.mulf %get3A_3588, %get3A_1 : vector<16xf32>
      %exp3A_3590 = math.exp %mul3A_3589 : vector<16xf32>
      %get3A_3591 = arith.constant 7 : i32
      %get3A_3592 = arith.index_cast %get3A_3591 : i32 to index
      %get3A_3593 = arith.constant 48 : index
      %get3A_3594 = tpu.vector_load %arg10[%get3A_3592, %get3A_3593] {strides = array<i32>} : memref<8x128xf32, #tpu.memory_space<vmem>>, vector<16xf32>,
      %mul3A_3595 = arith.mulf %get3A_3594, %get3A_1 : vector<16xf32>
      %exp3A_3596 = math.exp %mul3A_3595 : vector<16xf32>
      %sub3A_3597 = arith.subf %exp3A_3590, %exp3A_3596 : vector<16xf32>
      %swap3A_3598 = arith.constant 944 : index
      %swap3A_3599 = tpu.vector_load %arg12[%swap3A_3598] {strides = array<i32>} : memref<1024xf32, #tpu.memory_space<vmem>>, vector<16xf32>,
      tpu.vector_store %arg12[%swap3A_3598], %sub3A_3597 {strides = array<i32>} : memref<1024xf32, #tpu.memory_space<vmem>>, vector<16xf32>,
      %get3A_3600 = arith.constant 7 : i32
      %get3A_3601 = arith.index_cast %get3A_3600 : i32 to index
      %get3A_3602 = arith.constant 64 : index
      %get3A_3603 = tpu.vector_load %arg9[%get3A_3601, %get3A_3602] {strides = array<i32>} : memref<8x128xf32, #tpu.memory_space<vmem>>, vector<16xf32>,
      %mul3A_3604 = arith.mulf %get3A_3603, %get3A_1 : vector<16xf32>
      %exp3A_3605 = math.exp %mul3A_3604 : vector<16xf32>
      %get3A_3606 = arith.constant 7 : i32
      %get3A_3607 = arith.index_cast %get3A_3606 : i32 to index
      %get3A_3608 = arith.constant 64 : index
      %get3A_3609 = tpu.vector_load %arg10[%get3A_3607, %get3A_3608] {strides = array<i32>} : memref<8x128xf32, #tpu.memory_space<vmem>>, vector<16xf32>,
      %mul3A_3610 = arith.mulf %get3A_3609, %get3A_1 : vector<16xf32>
      %exp3A_3611 = math.exp %mul3A_3610 : vector<16xf32>
      %sub3A_3612 = arith.subf %exp3A_3605, %exp3A_3611 : vector<16xf32>
      %swap3A_3613 = arith.constant 960 : index
      %swap3A_3614 = tpu.vector_load %arg12[%swap3A_3613] {strides = array<i32>} : memref<1024xf32, #tpu.memory_space<vmem>>, vector<16xf32>,
      tpu.vector_store %arg12[%swap3A_3613], %sub3A_3612 {strides = array<i32>} : memref<1024xf32, #tpu.memory_space<vmem>>, vector<16xf32>,
      %get3A_3615 = arith.constant 7 : i32
      %get3A_3616 = arith.index_cast %get3A_3615 : i32 to index
      %get3A_3617 = arith.constant 80 : index
      %get3A_3618 = tpu.vector_load %arg9[%get3A_3616, %get3A_3617] {strides = array<i32>} : memref<8x128xf32, #tpu.memory_space<vmem>>, vector<16xf32>,
      %mul3A_3619 = arith.mulf %get3A_3618, %get3A_1 : vector<16xf32>
      %exp3A_3620 = math.exp %mul3A_3619 : vector<16xf32>
      %get3A_3621 = arith.constant 7 : i32
      %get3A_3622 = arith.index_cast %get3A_3621 : i32 to index
      %get3A_3623 = arith.constant 80 : index
      %get3A_3624 = tpu.vector_load %arg10[%get3A_3622, %get3A_3623] {strides = array<i32>} : memref<8x128xf32, #tpu.memory_space<vmem>>, vector<16xf32>,
      %mul3A_3625 = arith.mulf %get3A_3624, %get3A_1 : vector<16xf32>
      %exp3A_3626 = math.exp %mul3A_3625 : vector<16xf32>
      %sub3A_3627 = arith.subf %exp3A_3620, %exp3A_3626 : vector<16xf32>
      %swap3A_3628 = arith.constant 976 : index
      %swap3A_3629 = tpu.vector_load %arg12[%swap3A_3628] {strides = array<i32>} : memref<1024xf32, #tpu.memory_space<vmem>>, vector<16xf32>,
      tpu.vector_store %arg12[%swap3A_3628], %sub3A_3627 {strides = array<i32>} : memref<1024xf32, #tpu.memory_space<vmem>>, vector<16xf32>,
      %get3A_3630 = arith.constant 7 : i32
      %get3A_3631 = arith.index_cast %get3A_3630 : i32 to index
      %get3A_3632 = arith.constant 96 : index
      %get3A_3633 = tpu.vector_load %arg9[%get3A_3631, %get3A_3632] {strides = array<i32>} : memref<8x128xf32, #tpu.memory_space<vmem>>, vector<16xf32>,
      %mul3A_3634 = arith.mulf %get3A_3633, %get3A_1 : vector<16xf32>
      %exp3A_3635 = math.exp %mul3A_3634 : vector<16xf32>
      %get3A_3636 = arith.constant 7 : i32
      %get3A_3637 = arith.index_cast %get3A_3636 : i32 to index
      %get3A_3638 = arith.constant 96 : index
      %get3A_3639 = tpu.vector_load %arg10[%get3A_3637, %get3A_3638] {strides = array<i32>} : memref<8x128xf32, #tpu.memory_space<vmem>>, vector<16xf32>,
      %mul3A_3640 = arith.mulf %get3A_3639, %get3A_1 : vector<16xf32>
      %exp3A_3641 = math.exp %mul3A_3640 : vector<16xf32>
      %sub3A_3642 = arith.subf %exp3A_3635, %exp3A_3641 : vector<16xf32>
      %swap3A_3643 = arith.constant 992 : index
      %swap3A_3644 = tpu.vector_load %arg12[%swap3A_3643] {strides = array<i32>} : memref<1024xf32, #tpu.memory_space<vmem>>, vector<16xf32>,
      tpu.vector_store %arg12[%swap3A_3643], %sub3A_3642 {strides = array<i32>} : memref<1024xf32, #tpu.memory_space<vmem>>, vector<16xf32>,
      %get3A_3645 = arith.constant 7 : i32
      %get3A_3646 = arith.index_cast %get3A_3645 : i32 to index
      %get3A_3647 = arith.constant 112 : index
      %get3A_3648 = tpu.vector_load %arg9[%get3A_3646, %get3A_3647] {strides = array<i32>} : memref<8x128xf32, #tpu.memory_space<vmem>>, vector<16xf32>,
      %mul3A_3649 = arith.mulf %get3A_3648, %get3A_1 : vector<16xf32>
      %exp3A_3650 = math.exp %mul3A_3649 : vector<16xf32>
      %get3A_3651 = arith.constant 7 : i32
      %get3A_3652 = arith.index_cast %get3A_3651 : i32 to index
      %get3A_3653 = arith.constant 112 : index
      %get3A_3654 = tpu.vector_load %arg10[%get3A_3652, %get3A_3653] {strides = array<i32>} : memref<8x128xf32, #tpu.memory_space<vmem>>, vector<16xf32>,
      %mul3A_3655 = arith.mulf %get3A_3654, %get3A_1 : vector<16xf32>
      %exp3A_3656 = math.exp %mul3A_3655 : vector<16xf32>
      %sub3A_3657 = arith.subf %exp3A_3650, %exp3A_3656 : vector<16xf32>
      %swap3A_3658 = arith.constant 1008 : index
      %swap3A_3659 = tpu.vector_load %arg12[%swap3A_3658] {strides = array<i32>} : memref<1024xf32, #tpu.memory_space<vmem>>, vector<16xf32>,
      tpu.vector_store %arg12[%swap3A_3658], %sub3A_3657 {strides = array<i32>} : memref<1024xf32, #tpu.memory_space<vmem>>, vector<16xf32>,
      %mul3A_3660 = arith.constant 25 : i32
      %mul3A_3661 = arith.muli %add3A, %mul3A_3660 : i32
      %add3A_3662 = arith.addi %mul3A_3661, %add3A_1340 : i32
      %jit3A_3663 = arith.constant 4 : i32
      %div3A_3664 = arith.divsi %add3A_3662, %jit3A_3663 : i32
      %sign3A_3665 = arith.constant 0 : i32
      %sign3A_3666 = arith.cmpi sgt, %add3A_3662, %sign3A_3665 : i32
      %sign3A_3667 = arith.extui %sign3A_3666 : i1 to i32
      %sign3A_3668 = arith.constant 0 : i32
      %sign3A_3669 = arith.cmpi slt, %add3A_3662, %sign3A_3668 : i32
      %sign3A_3670 = arith.extui %sign3A_3669 : i1 to i32
      %sign3A_3671 = arith.subi %sign3A_3667, %sign3A_3670 : i32
      %sign3A_3672 = arith.constant 0 : i32
      %sign3A_3673 = arith.cmpi sgt, %jit3A_3663, %sign3A_3672 : i32
      %sign3A_3674 = arith.extui %sign3A_3673 : i1 to i32
      %sign3A_3675 = arith.constant 0 : i32
      %sign3A_3676 = arith.cmpi slt, %jit3A_3663, %sign3A_3675 : i32
      %sign3A_3677 = arith.extui %sign3A_3676 : i1 to i32
      %sign3A_3678 = arith.subi %sign3A_3674, %sign3A_3677 : i32
      %ne3A_3679 = arith.cmpi ne, %sign3A_3671, %sign3A_3678 : i32
      %rem3A_3680 = arith.remsi %add3A_3662, %jit3A_3663 : i32
      %ne3A_3681 = arith.constant 0 : i32
      %ne3A_3682 = arith.cmpi ne, %rem3A_3680, %ne3A_3681 : i32
      %and3A_3683 = arith.andi %ne3A_3679, %ne3A_3682 : i1
      %sub3A_3684 = arith.constant 1 : i32
      %sub3A_3685 = arith.subi %div3A_3664, %sub3A_3684 : i32
      %select_n3A_3686 = arith.select %and3A_3683, %sub3A_3685, %div3A_3664 : i32
      %rem3A_3687 = arith.constant 4 : i32
      %rem3A_3688 = arith.remsi %add3A_3662, %rem3A_3687 : i32
      %mul3A_3689 = arith.constant 1024 : i32
      %mul3A_3690 = arith.muli %rem3A_3688, %mul3A_3689 : i32
      %dma_start3A_3691 = tpu.memref_slice %arg6[%select_n3A_3686, %mul3A_3690] : memref<200x4096xf32, #tpu.memory_space<hbm>> -> memref<1x1024xf32, #tpu.memory_space<hbm>>
      %dma_start3A_3692 = tpu.memref_squeeze %dma_start3A_3691 : memref<1x1024xf32, #tpu.memory_space<hbm>> -> memref<1024xf32, #tpu.memory_space<hbm>>
      %dma_start3A_3693 = tpu.memref_slice %arg6[%select_n3A_3686, %mul3A_3690] : memref<200x4096xf32, #tpu.memory_space<hbm>> -> memref<1x1024xf32, #tpu.memory_space<hbm>>
      %dma_start3A_3694 = tpu.memref_squeeze %dma_start3A_3693 : memref<1x1024xf32, #tpu.memory_space<hbm>> -> memref<1024xf32, #tpu.memory_space<hbm>>
      tpu.enqueue_dma source(%arg12 : memref<1024xf32, #tpu.memory_space<vmem>>) target(%dma_start3A_3694 : memref<1024xf32, #tpu.memory_space<hbm>>) target_semaphore(%arg18 : memref<!tpu.dma_semaphore, #tpu.memory_space<semaphore_mem>>)
      %scan3A_3695 = arith.constant 0 : i32
      scf.yield %scan3A_3695 : i32
    }
    %scan3A_113 = arith.constant 12 : i32
    %mul3A_114 = arith.constant 25 : i32
    %mul3A_115 = arith.muli %add3A, %mul3A_114 : i32
    %add3A_116 = arith.constant 24 : i32
    %add3A_117 = arith.addi %mul3A_115, %add3A_116 : i32
    %jit3A_118 = arith.constant 4 : i32
    %div3A_119 = arith.divsi %add3A_117, %jit3A_118 : i32
    %sign3A_120 = arith.constant 0 : i32
    %sign3A_121 = arith.cmpi sgt, %add3A_117, %sign3A_120 : i32
    %sign3A_122 = arith.extui %sign3A_121 : i1 to i32
    %sign3A_123 = arith.constant 0 : i32
    %sign3A_124 = arith.cmpi slt, %add3A_117, %sign3A_123 : i32
    %sign3A_125 = arith.extui %sign3A_124 : i1 to i32
    %sign3A_126 = arith.subi %sign3A_122, %sign3A_125 : i32
    %sign3A_127 = arith.constant 0 : i32
    %sign3A_128 = arith.cmpi sgt, %jit3A_118, %sign3A_127 : i32
    %sign3A_129 = arith.extui %sign3A_128 : i1 to i32
    %sign3A_130 = arith.constant 0 : i32
    %sign3A_131 = arith.cmpi slt, %jit3A_118, %sign3A_130 : i32
    %sign3A_132 = arith.extui %sign3A_131 : i1 to i32
    %sign3A_133 = arith.subi %sign3A_129, %sign3A_132 : i32
    %ne3A_134 = arith.cmpi ne, %sign3A_126, %sign3A_133 : i32
    %rem3A_135 = arith.remsi %add3A_117, %jit3A_118 : i32
    %ne3A_136 = arith.constant 0 : i32
    %ne3A_137 = arith.cmpi ne, %rem3A_135, %ne3A_136 : i32
    %and3A_138 = arith.andi %ne3A_134, %ne3A_137 : i1
    %sub3A_139 = arith.constant 1 : i32
    %sub3A_140 = arith.subi %div3A_119, %sub3A_139 : i32
    %select_n3A_141 = arith.select %and3A_138, %sub3A_140, %div3A_119 : i32
    %rem3A_142 = arith.constant 4 : i32
    %rem3A_143 = arith.remsi %add3A_117, %rem3A_142 : i32
    %broadcast_in_dim3A_144 = vector.broadcast %select_n3A_141 : i32 to vector<16xi32>
    %gather3A_145 = tpu.vector_load_idx %arg13[%broadcast_in_dim3A_144] : memref<256xi32, #tpu.memory_space<vmem>>[vector<16xi32>], vector<16xi32>,
    %reduce_max3A_146 = arith.constant true
    %reduce_max3A_147 = vector.broadcast %reduce_max3A_146 : i1 to vector<16xi1>
    %reduce_max3A_148 = arith.constant -2147483648 : i32
    %reduce_max3A_149 = vector.broadcast %reduce_max3A_148 : i32 to vector<16xi32>
    %reduce_max3A_150 = arith.xori %gather3A_145, %reduce_max3A_149 : vector<16xi32>
    %reduce_max3A_151 = tpu.scan <max>, %reduce_max3A_150 masked %reduce_max3A_147 : vector<16xi32>, vector<16xi1> -> vector<16xi32>
    %reduce_max3A_152 = arith.xori %reduce_max3A_151, %reduce_max3A_149 : vector<16xi32>
    %reduce_max3A_153 = vector.extract %reduce_max3A_152[15] : i32 from vector<16xi32>
    %broadcast_in_dim3A_154 = vector.broadcast %select_n3A_141 : i32 to vector<16xi32>
    %gather3A_155 = tpu.vector_load_idx %arg14[%broadcast_in_dim3A_154] : memref<256xi32, #tpu.memory_space<vmem>>[vector<16xi32>], vector<16xi32>,
    %reduce_max3A_156 = arith.constant true
    %reduce_max3A_157 = vector.broadcast %reduce_max3A_156 : i1 to vector<16xi1>
    %reduce_max3A_158 = arith.constant -2147483648 : i32
    %reduce_max3A_159 = vector.broadcast %reduce_max3A_158 : i32 to vector<16xi32>
    %reduce_max3A_160 = arith.xori %gather3A_155, %reduce_max3A_159 : vector<16xi32>
    %reduce_max3A_161 = tpu.scan <max>, %reduce_max3A_160 masked %reduce_max3A_157 : vector<16xi32>, vector<16xi1> -> vector<16xi32>
    %reduce_max3A_162 = arith.xori %reduce_max3A_161, %reduce_max3A_159 : vector<16xi32>
    %reduce_max3A_163 = vector.extract %reduce_max3A_162[15] : i32 from vector<16xi32>
    %jit3A_164 = arith.constant 8 : i32
    %div3A_165 = arith.divsi %reduce_max3A_153, %jit3A_164 : i32
    %sign3A_166 = arith.constant 0 : i32
    %sign3A_167 = arith.cmpi sgt, %reduce_max3A_153, %sign3A_166 : i32
    %sign3A_168 = arith.extui %sign3A_167 : i1 to i32
    %sign3A_169 = arith.constant 0 : i32
    %sign3A_170 = arith.cmpi slt, %reduce_max3A_153, %sign3A_169 : i32
    %sign3A_171 = arith.extui %sign3A_170 : i1 to i32
    %sign3A_172 = arith.subi %sign3A_168, %sign3A_171 : i32
    %sign3A_173 = arith.constant 0 : i32
    %sign3A_174 = arith.cmpi sgt, %jit3A_164, %sign3A_173 : i32
    %sign3A_175 = arith.extui %sign3A_174 : i1 to i32
    %sign3A_176 = arith.constant 0 : i32
    %sign3A_177 = arith.cmpi slt, %jit3A_164, %sign3A_176 : i32
    %sign3A_178 = arith.extui %sign3A_177 : i1 to i32
    %sign3A_179 = arith.subi %sign3A_175, %sign3A_178 : i32
    %ne3A_180 = arith.cmpi ne, %sign3A_172, %sign3A_179 : i32
    %rem3A_181 = arith.remsi %reduce_max3A_153, %jit3A_164 : i32
    %ne3A_182 = arith.constant 0 : i32
    %ne3A_183 = arith.cmpi ne, %rem3A_181, %ne3A_182 : i32
    %and3A_184 = arith.andi %ne3A_180, %ne3A_183 : i1
    %sub3A_185 = arith.constant 1 : i32
    %sub3A_186 = arith.subi %div3A_165, %sub3A_185 : i32
    %select_n3A_187 = arith.select %and3A_184, %sub3A_186, %div3A_165 : i32
    %mul3A_188 = arith.constant 8 : i32
    %mul3A_189 = arith.muli %rem3A_143, %mul3A_188 : i32
    %rem3A_190 = arith.constant 8 : i32
    %rem3A_191 = arith.remsi %reduce_max3A_153, %rem3A_190 : i32
    %jit3A_192 = arith.constant 8 : i32
    %div3A_193 = arith.divsi %reduce_max3A_163, %jit3A_192 : i32
    %sign3A_194 = arith.constant 0 : i32
    %sign3A_195 = arith.cmpi sgt, %reduce_max3A_163, %sign3A_194 : i32
    %sign3A_196 = arith.extui %sign3A_195 : i1 to i32
    %sign3A_197 = arith.constant 0 : i32
    %sign3A_198 = arith.cmpi slt, %reduce_max3A_163, %sign3A_197 : i32
    %sign3A_199 = arith.extui %sign3A_198 : i1 to i32
    %sign3A_200 = arith.subi %sign3A_196, %sign3A_199 : i32
    %sign3A_201 = arith.constant 0 : i32
    %sign3A_202 = arith.cmpi sgt, %jit3A_192, %sign3A_201 : i32
    %sign3A_203 = arith.extui %sign3A_202 : i1 to i32
    %sign3A_204 = arith.constant 0 : i32
    %sign3A_205 = arith.cmpi slt, %jit3A_192, %sign3A_204 : i32
    %sign3A_206 = arith.extui %sign3A_205 : i1 to i32
    %sign3A_207 = arith.subi %sign3A_203, %sign3A_206 : i32
    %ne3A_208 = arith.cmpi ne, %sign3A_200, %sign3A_207 : i32
    %rem3A_209 = arith.remsi %reduce_max3A_163, %jit3A_192 : i32
    %ne3A_210 = arith.constant 0 : i32
    %ne3A_211 = arith.cmpi ne, %rem3A_209, %ne3A_210 : i32
    %and3A_212 = arith.andi %ne3A_208, %ne3A_211 : i1
    %sub3A_213 = arith.constant 1 : i32
    %sub3A_214 = arith.subi %div3A_193, %sub3A_213 : i32
    %select_n3A_215 = arith.select %and3A_212, %sub3A_214, %div3A_193 : i32
    %mul3A_216 = arith.constant 8 : i32
    %mul3A_217 = arith.muli %rem3A_143, %mul3A_216 : i32
    %rem3A_218 = arith.constant 8 : i32
    %rem3A_219 = arith.remsi %reduce_max3A_163, %rem3A_218 : i32
    %dma_wait3A = arith.constant 0 : i32
    %dma_wait3A_220 = tpu.memref_slice %arg2[%select_n3A_187, %mul3A_189, %rem3A_191, %dma_wait3A] : memref<1600x32x8x128xf32, #tpu.memory_space<hbm>> -> memref<1x8x1x128xf32, #tpu.memory_space<hbm>>
    %dma_wait3A_221 = tpu.memref_squeeze %dma_wait3A_220 : memref<1x8x1x128xf32, #tpu.memory_space<hbm>> -> memref<8x128xf32, #tpu.memory_space<hbm>>
    %dma_wait3A_222 = arith.constant 0 : i32
    %dma_wait3A_223 = tpu.memref_slice %arg2[%select_n3A_187, %mul3A_189, %rem3A_191, %dma_wait3A_222] : memref<1600x32x8x128xf32, #tpu.memory_space<hbm>> -> memref<1x8x1x128xf32, #tpu.memory_space<hbm>>
    %dma_wait3A_224 = tpu.memref_squeeze %dma_wait3A_223 : memref<1x8x1x128xf32, #tpu.memory_space<hbm>> -> memref<8x128xf32, #tpu.memory_space<hbm>>
    tpu.wait_dma2 semaphore(%arg16 : memref<!tpu.dma_semaphore, #tpu.memory_space<semaphore_mem>>) src(%dma_wait3A_224 : memref<8x128xf32, #tpu.memory_space<hbm>>) dst(%arg7 : memref<8x128xf32, #tpu.memory_space<vmem>>)
    %dma_wait3A_225 = arith.constant 0 : i32
    %dma_wait3A_226 = tpu.memref_slice %arg2[%select_n3A_215, %mul3A_217, %rem3A_219, %dma_wait3A_225] : memref<1600x32x8x128xf32, #tpu.memory_space<hbm>> -> memref<1x8x1x128xf32, #tpu.memory_space<hbm>>
    %dma_wait3A_227 = tpu.memref_squeeze %dma_wait3A_226 : memref<1x8x1x128xf32, #tpu.memory_space<hbm>> -> memref<8x128xf32, #tpu.memory_space<hbm>>
    %dma_wait3A_228 = arith.constant 0 : i32
    %dma_wait3A_229 = tpu.memref_slice %arg2[%select_n3A_215, %mul3A_217, %rem3A_219, %dma_wait3A_228] : memref<1600x32x8x128xf32, #tpu.memory_space<hbm>> -> memref<1x8x1x128xf32, #tpu.memory_space<hbm>>
    %dma_wait3A_230 = tpu.memref_squeeze %dma_wait3A_229 : memref<1x8x1x128xf32, #tpu.memory_space<hbm>> -> memref<8x128xf32, #tpu.memory_space<hbm>>
    tpu.wait_dma2 semaphore(%arg16 : memref<!tpu.dma_semaphore, #tpu.memory_space<semaphore_mem>>) src(%dma_wait3A_230 : memref<8x128xf32, #tpu.memory_space<hbm>>) dst(%arg8 : memref<8x128xf32, #tpu.memory_space<vmem>>)
    %mul3A_231 = arith.constant 25 : i32
    %mul3A_232 = arith.muli %add3A, %mul3A_231 : i32
    %add3A_233 = arith.constant 22 : i32
    %add3A_234 = arith.addi %mul3A_232, %add3A_233 : i32
    %jit3A_235 = arith.constant 4 : i32
    %div3A_236 = arith.divsi %add3A_234, %jit3A_235 : i32
    %sign3A_237 = arith.constant 0 : i32
    %sign3A_238 = arith.cmpi sgt, %add3A_234, %sign3A_237 : i32
    %sign3A_239 = arith.extui %sign3A_238 : i1 to i32
    %sign3A_240 = arith.constant 0 : i32
    %sign3A_241 = arith.cmpi slt, %add3A_234, %sign3A_240 : i32
    %sign3A_242 = arith.extui %sign3A_241 : i1 to i32
    %sign3A_243 = arith.subi %sign3A_239, %sign3A_242 : i32
    %sign3A_244 = arith.constant 0 : i32
    %sign3A_245 = arith.cmpi sgt, %jit3A_235, %sign3A_244 : i32
    %sign3A_246 = arith.extui %sign3A_245 : i1 to i32
    %sign3A_247 = arith.constant 0 : i32
    %sign3A_248 = arith.cmpi slt, %jit3A_235, %sign3A_247 : i32
    %sign3A_249 = arith.extui %sign3A_248 : i1 to i32
    %sign3A_250 = arith.subi %sign3A_246, %sign3A_249 : i32
    %ne3A_251 = arith.cmpi ne, %sign3A_243, %sign3A_250 : i32
    %rem3A_252 = arith.remsi %add3A_234, %jit3A_235 : i32
    %ne3A_253 = arith.constant 0 : i32
    %ne3A_254 = arith.cmpi ne, %rem3A_252, %ne3A_253 : i32
    %and3A_255 = arith.andi %ne3A_251, %ne3A_254 : i1
    %sub3A_256 = arith.constant 1 : i32
    %sub3A_257 = arith.subi %div3A_236, %sub3A_256 : i32
    %select_n3A_258 = arith.select %and3A_255, %sub3A_257, %div3A_236 : i32
    %rem3A_259 = arith.constant 4 : i32
    %rem3A_260 = arith.remsi %add3A_234, %rem3A_259 : i32
    %mul3A_261 = arith.constant 1024 : i32
    %mul3A_262 = arith.muli %rem3A_260, %mul3A_261 : i32
    %dma_wait3A_263 = tpu.memref_slice %arg6[%select_n3A_258, %mul3A_262] : memref<200x4096xf32, #tpu.memory_space<hbm>> -> memref<1x1024xf32, #tpu.memory_space<hbm>>
    %dma_wait3A_264 = tpu.memref_squeeze %dma_wait3A_263 : memref<1x1024xf32, #tpu.memory_space<hbm>> -> memref<1024xf32, #tpu.memory_space<hbm>>
    %dma_wait3A_265 = tpu.memref_slice %arg6[%select_n3A_258, %mul3A_262] : memref<200x4096xf32, #tpu.memory_space<hbm>> -> memref<1x1024xf32, #tpu.memory_space<hbm>>
    %dma_wait3A_266 = tpu.memref_squeeze %dma_wait3A_265 : memref<1x1024xf32, #tpu.memory_space<hbm>> -> memref<1024xf32, #tpu.memory_space<hbm>>
    tpu.wait_dma2 semaphore(%arg17 : memref<!tpu.dma_semaphore, #tpu.memory_space<semaphore_mem>>) src(%arg11 : memref<1024xf32, #tpu.memory_space<vmem>>) dst(%dma_wait3A_266 : memref<1024xf32, #tpu.memory_space<hbm>>)
    %get3A_267 = arith.constant 0 : i32
    %get3A_268 = arith.index_cast %get3A_267 : i32 to index
    %get3A_269 = arith.constant 0 : index
    %get3A_270 = tpu.vector_load %arg7[%get3A_268, %get3A_269] {strides = array<i32>} : memref<8x128xf32, #tpu.memory_space<vmem>>, vector<16xf32>,
    %mul3A_271 = arith.mulf %get3A_270, %get3A_1 : vector<16xf32>
    %exp3A = math.exp %mul3A_271 : vector<16xf32>
    %get3A_272 = arith.constant 0 : i32
    %get3A_273 = arith.index_cast %get3A_272 : i32 to index
    %get3A_274 = arith.constant 0 : index
    %get3A_275 = tpu.vector_load %arg8[%get3A_273, %get3A_274] {strides = array<i32>} : memref<8x128xf32, #tpu.memory_space<vmem>>, vector<16xf32>,
    %mul3A_276 = arith.mulf %get3A_275, %get3A_1 : vector<16xf32>
    %exp3A_277 = math.exp %mul3A_276 : vector<16xf32>
    %sub3A_278 = arith.subf %exp3A, %exp3A_277 : vector<16xf32>
    %swap3A = arith.constant 0 : index
    %swap3A_279 = tpu.vector_load %arg11[%swap3A] {strides = array<i32>} : memref<1024xf32, #tpu.memory_space<vmem>>, vector<16xf32>,
    tpu.vector_store %arg11[%swap3A], %sub3A_278 {strides = array<i32>} : memref<1024xf32, #tpu.memory_space<vmem>>, vector<16xf32>,
    %get3A_280 = arith.constant 0 : i32
    %get3A_281 = arith.index_cast %get3A_280 : i32 to index
    %get3A_282 = arith.constant 16 : index
    %get3A_283 = tpu.vector_load %arg7[%get3A_281, %get3A_282] {strides = array<i32>} : memref<8x128xf32, #tpu.memory_space<vmem>>, vector<16xf32>,
    %mul3A_284 = arith.mulf %get3A_283, %get3A_1 : vector<16xf32>
    %exp3A_285 = math.exp %mul3A_284 : vector<16xf32>
    %get3A_286 = arith.constant 0 : i32
    %get3A_287 = arith.index_cast %get3A_286 : i32 to index
    %get3A_288 = arith.constant 16 : index
    %get3A_289 = tpu.vector_load %arg8[%get3A_287, %get3A_288] {strides = array<i32>} : memref<8x128xf32, #tpu.memory_space<vmem>>, vector<16xf32>,
    %mul3A_290 = arith.mulf %get3A_289, %get3A_1 : vector<16xf32>
    %exp3A_291 = math.exp %mul3A_290 : vector<16xf32>
    %sub3A_292 = arith.subf %exp3A_285, %exp3A_291 : vector<16xf32>
    %swap3A_293 = arith.constant 16 : index
    %swap3A_294 = tpu.vector_load %arg11[%swap3A_293] {strides = array<i32>} : memref<1024xf32, #tpu.memory_space<vmem>>, vector<16xf32>,
    tpu.vector_store %arg11[%swap3A_293], %sub3A_292 {strides = array<i32>} : memref<1024xf32, #tpu.memory_space<vmem>>, vector<16xf32>,
    %get3A_295 = arith.constant 0 : i32
    %get3A_296 = arith.index_cast %get3A_295 : i32 to index
    %get3A_297 = arith.constant 32 : index
    %get3A_298 = tpu.vector_load %arg7[%get3A_296, %get3A_297] {strides = array<i32>} : memref<8x128xf32, #tpu.memory_space<vmem>>, vector<16xf32>,
    %mul3A_299 = arith.mulf %get3A_298, %get3A_1 : vector<16xf32>
    %exp3A_300 = math.exp %mul3A_299 : vector<16xf32>
    %get3A_301 = arith.constant 0 : i32
    %get3A_302 = arith.index_cast %get3A_301 : i32 to index
    %get3A_303 = arith.constant 32 : index
    %get3A_304 = tpu.vector_load %arg8[%get3A_302, %get3A_303] {strides = array<i32>} : memref<8x128xf32, #tpu.memory_space<vmem>>, vector<16xf32>,
    %mul3A_305 = arith.mulf %get3A_304, %get3A_1 : vector<16xf32>
    %exp3A_306 = math.exp %mul3A_305 : vector<16xf32>
    %sub3A_307 = arith.subf %exp3A_300, %exp3A_306 : vector<16xf32>
    %swap3A_308 = arith.constant 32 : index
    %swap3A_309 = tpu.vector_load %arg11[%swap3A_308] {strides = array<i32>} : memref<1024xf32, #tpu.memory_space<vmem>>, vector<16xf32>,
    tpu.vector_store %arg11[%swap3A_308], %sub3A_307 {strides = array<i32>} : memref<1024xf32, #tpu.memory_space<vmem>>, vector<16xf32>,
    %get3A_310 = arith.constant 0 : i32
    %get3A_311 = arith.index_cast %get3A_310 : i32 to index
    %get3A_312 = arith.constant 48 : index
    %get3A_313 = tpu.vector_load %arg7[%get3A_311, %get3A_312] {strides = array<i32>} : memref<8x128xf32, #tpu.memory_space<vmem>>, vector<16xf32>,
    %mul3A_314 = arith.mulf %get3A_313, %get3A_1 : vector<16xf32>
    %exp3A_315 = math.exp %mul3A_314 : vector<16xf32>
    %get3A_316 = arith.constant 0 : i32
    %get3A_317 = arith.index_cast %get3A_316 : i32 to index
    %get3A_318 = arith.constant 48 : index
    %get3A_319 = tpu.vector_load %arg8[%get3A_317, %get3A_318] {strides = array<i32>} : memref<8x128xf32, #tpu.memory_space<vmem>>, vector<16xf32>,
    %mul3A_320 = arith.mulf %get3A_319, %get3A_1 : vector<16xf32>
    %exp3A_321 = math.exp %mul3A_320 : vector<16xf32>
    %sub3A_322 = arith.subf %exp3A_315, %exp3A_321 : vector<16xf32>
    %swap3A_323 = arith.constant 48 : index
    %swap3A_324 = tpu.vector_load %arg11[%swap3A_323] {strides = array<i32>} : memref<1024xf32, #tpu.memory_space<vmem>>, vector<16xf32>,
    tpu.vector_store %arg11[%swap3A_323], %sub3A_322 {strides = array<i32>} : memref<1024xf32, #tpu.memory_space<vmem>>, vector<16xf32>,
    %get3A_325 = arith.constant 0 : i32
    %get3A_326 = arith.index_cast %get3A_325 : i32 to index
    %get3A_327 = arith.constant 64 : index
    %get3A_328 = tpu.vector_load %arg7[%get3A_326, %get3A_327] {strides = array<i32>} : memref<8x128xf32, #tpu.memory_space<vmem>>, vector<16xf32>,
    %mul3A_329 = arith.mulf %get3A_328, %get3A_1 : vector<16xf32>
    %exp3A_330 = math.exp %mul3A_329 : vector<16xf32>
    %get3A_331 = arith.constant 0 : i32
    %get3A_332 = arith.index_cast %get3A_331 : i32 to index
    %get3A_333 = arith.constant 64 : index
    %get3A_334 = tpu.vector_load %arg8[%get3A_332, %get3A_333] {strides = array<i32>} : memref<8x128xf32, #tpu.memory_space<vmem>>, vector<16xf32>,
    %mul3A_335 = arith.mulf %get3A_334, %get3A_1 : vector<16xf32>
    %exp3A_336 = math.exp %mul3A_335 : vector<16xf32>
    %sub3A_337 = arith.subf %exp3A_330, %exp3A_336 : vector<16xf32>
    %swap3A_338 = arith.constant 64 : index
    %swap3A_339 = tpu.vector_load %arg11[%swap3A_338] {strides = array<i32>} : memref<1024xf32, #tpu.memory_space<vmem>>, vector<16xf32>,
    tpu.vector_store %arg11[%swap3A_338], %sub3A_337 {strides = array<i32>} : memref<1024xf32, #tpu.memory_space<vmem>>, vector<16xf32>,
    %get3A_340 = arith.constant 0 : i32
    %get3A_341 = arith.index_cast %get3A_340 : i32 to index
    %get3A_342 = arith.constant 80 : index
    %get3A_343 = tpu.vector_load %arg7[%get3A_341, %get3A_342] {strides = array<i32>} : memref<8x128xf32, #tpu.memory_space<vmem>>, vector<16xf32>,
    %mul3A_344 = arith.mulf %get3A_343, %get3A_1 : vector<16xf32>
    %exp3A_345 = math.exp %mul3A_344 : vector<16xf32>
    %get3A_346 = arith.constant 0 : i32
    %get3A_347 = arith.index_cast %get3A_346 : i32 to index
    %get3A_348 = arith.constant 80 : index
    %get3A_349 = tpu.vector_load %arg8[%get3A_347, %get3A_348] {strides = array<i32>} : memref<8x128xf32, #tpu.memory_space<vmem>>, vector<16xf32>,
    %mul3A_350 = arith.mulf %get3A_349, %get3A_1 : vector<16xf32>
    %exp3A_351 = math.exp %mul3A_350 : vector<16xf32>
    %sub3A_352 = arith.subf %exp3A_345, %exp3A_351 : vector<16xf32>
    %swap3A_353 = arith.constant 80 : index
    %swap3A_354 = tpu.vector_load %arg11[%swap3A_353] {strides = array<i32>} : memref<1024xf32, #tpu.memory_space<vmem>>, vector<16xf32>,
    tpu.vector_store %arg11[%swap3A_353], %sub3A_352 {strides = array<i32>} : memref<1024xf32, #tpu.memory_space<vmem>>, vector<16xf32>,
    %get3A_355 = arith.constant 0 : i32
    %get3A_356 = arith.index_cast %get3A_355 : i32 to index
    %get3A_357 = arith.constant 96 : index
    %get3A_358 = tpu.vector_load %arg7[%get3A_356, %get3A_357] {strides = array<i32>} : memref<8x128xf32, #tpu.memory_space<vmem>>, vector<16xf32>,
    %mul3A_359 = arith.mulf %get3A_358, %get3A_1 : vector<16xf32>
    %exp3A_360 = math.exp %mul3A_359 : vector<16xf32>
    %get3A_361 = arith.constant 0 : i32
    %get3A_362 = arith.index_cast %get3A_361 : i32 to index
    %get3A_363 = arith.constant 96 : index
    %get3A_364 = tpu.vector_load %arg8[%get3A_362, %get3A_363] {strides = array<i32>} : memref<8x128xf32, #tpu.memory_space<vmem>>, vector<16xf32>,
    %mul3A_365 = arith.mulf %get3A_364, %get3A_1 : vector<16xf32>
    %exp3A_366 = math.exp %mul3A_365 : vector<16xf32>
    %sub3A_367 = arith.subf %exp3A_360, %exp3A_366 : vector<16xf32>
    %swap3A_368 = arith.constant 96 : index
    %swap3A_369 = tpu.vector_load %arg11[%swap3A_368] {strides = array<i32>} : memref<1024xf32, #tpu.memory_space<vmem>>, vector<16xf32>,
    tpu.vector_store %arg11[%swap3A_368], %sub3A_367 {strides = array<i32>} : memref<1024xf32, #tpu.memory_space<vmem>>, vector<16xf32>,
    %get3A_370 = arith.constant 0 : i32
    %get3A_371 = arith.index_cast %get3A_370 : i32 to index
    %get3A_372 = arith.constant 112 : index
    %get3A_373 = tpu.vector_load %arg7[%get3A_371, %get3A_372] {strides = array<i32>} : memref<8x128xf32, #tpu.memory_space<vmem>>, vector<16xf32>,
    %mul3A_374 = arith.mulf %get3A_373, %get3A_1 : vector<16xf32>
    %exp3A_375 = math.exp %mul3A_374 : vector<16xf32>
    %get3A_376 = arith.constant 0 : i32
    %get3A_377 = arith.index_cast %get3A_376 : i32 to index
    %get3A_378 = arith.constant 112 : index
    %get3A_379 = tpu.vector_load %arg8[%get3A_377, %get3A_378] {strides = array<i32>} : memref<8x128xf32, #tpu.memory_space<vmem>>, vector<16xf32>,
    %mul3A_380 = arith.mulf %get3A_379, %get3A_1 : vector<16xf32>
    %exp3A_381 = math.exp %mul3A_380 : vector<16xf32>
    %sub3A_382 = arith.subf %exp3A_375, %exp3A_381 : vector<16xf32>
    %swap3A_383 = arith.constant 112 : index
    %swap3A_384 = tpu.vector_load %arg11[%swap3A_383] {strides = array<i32>} : memref<1024xf32, #tpu.memory_space<vmem>>, vector<16xf32>,
    tpu.vector_store %arg11[%swap3A_383], %sub3A_382 {strides = array<i32>} : memref<1024xf32, #tpu.memory_space<vmem>>, vector<16xf32>,
    %get3A_385 = arith.constant 1 : i32
    %get3A_386 = arith.index_cast %get3A_385 : i32 to index
    %get3A_387 = arith.constant 0 : index
    %get3A_388 = tpu.vector_load %arg7[%get3A_386, %get3A_387] {strides = array<i32>} : memref<8x128xf32, #tpu.memory_space<vmem>>, vector<16xf32>,
    %mul3A_389 = arith.mulf %get3A_388, %get3A_1 : vector<16xf32>
    %exp3A_390 = math.exp %mul3A_389 : vector<16xf32>
    %get3A_391 = arith.constant 1 : i32
    %get3A_392 = arith.index_cast %get3A_391 : i32 to index
    %get3A_393 = arith.constant 0 : index
    %get3A_394 = tpu.vector_load %arg8[%get3A_392, %get3A_393] {strides = array<i32>} : memref<8x128xf32, #tpu.memory_space<vmem>>, vector<16xf32>,
    %mul3A_395 = arith.mulf %get3A_394, %get3A_1 : vector<16xf32>
    %exp3A_396 = math.exp %mul3A_395 : vector<16xf32>
    %sub3A_397 = arith.subf %exp3A_390, %exp3A_396 : vector<16xf32>
    %swap3A_398 = arith.constant 128 : index
    %swap3A_399 = tpu.vector_load %arg11[%swap3A_398] {strides = array<i32>} : memref<1024xf32, #tpu.memory_space<vmem>>, vector<16xf32>,
    tpu.vector_store %arg11[%swap3A_398], %sub3A_397 {strides = array<i32>} : memref<1024xf32, #tpu.memory_space<vmem>>, vector<16xf32>,
    %get3A_400 = arith.constant 1 : i32
    %get3A_401 = arith.index_cast %get3A_400 : i32 to index
    %get3A_402 = arith.constant 16 : index
    %get3A_403 = tpu.vector_load %arg7[%get3A_401, %get3A_402] {strides = array<i32>} : memref<8x128xf32, #tpu.memory_space<vmem>>, vector<16xf32>,
    %mul3A_404 = arith.mulf %get3A_403, %get3A_1 : vector<16xf32>
    %exp3A_405 = math.exp %mul3A_404 : vector<16xf32>
    %get3A_406 = arith.constant 1 : i32
    %get3A_407 = arith.index_cast %get3A_406 : i32 to index
    %get3A_408 = arith.constant 16 : index
    %get3A_409 = tpu.vector_load %arg8[%get3A_407, %get3A_408] {strides = array<i32>} : memref<8x128xf32, #tpu.memory_space<vmem>>, vector<16xf32>,
    %mul3A_410 = arith.mulf %get3A_409, %get3A_1 : vector<16xf32>
    %exp3A_411 = math.exp %mul3A_410 : vector<16xf32>
    %sub3A_412 = arith.subf %exp3A_405, %exp3A_411 : vector<16xf32>
    %swap3A_413 = arith.constant 144 : index
    %swap3A_414 = tpu.vector_load %arg11[%swap3A_413] {strides = array<i32>} : memref<1024xf32, #tpu.memory_space<vmem>>, vector<16xf32>,
    tpu.vector_store %arg11[%swap3A_413], %sub3A_412 {strides = array<i32>} : memref<1024xf32, #tpu.memory_space<vmem>>, vector<16xf32>,
    %get3A_415 = arith.constant 1 : i32
    %get3A_416 = arith.index_cast %get3A_415 : i32 to index
    %get3A_417 = arith.constant 32 : index
    %get3A_418 = tpu.vector_load %arg7[%get3A_416, %get3A_417] {strides = array<i32>} : memref<8x128xf32, #tpu.memory_space<vmem>>, vector<16xf32>,
    %mul3A_419 = arith.mulf %get3A_418, %get3A_1 : vector<16xf32>
    %exp3A_420 = math.exp %mul3A_419 : vector<16xf32>
    %get3A_421 = arith.constant 1 : i32
    %get3A_422 = arith.index_cast %get3A_421 : i32 to index
    %get3A_423 = arith.constant 32 : index
    %get3A_424 = tpu.vector_load %arg8[%get3A_422, %get3A_423] {strides = array<i32>} : memref<8x128xf32, #tpu.memory_space<vmem>>, vector<16xf32>,
    %mul3A_425 = arith.mulf %get3A_424, %get3A_1 : vector<16xf32>
    %exp3A_426 = math.exp %mul3A_425 : vector<16xf32>
    %sub3A_427 = arith.subf %exp3A_420, %exp3A_426 : vector<16xf32>
    %swap3A_428 = arith.constant 160 : index
    %swap3A_429 = tpu.vector_load %arg11[%swap3A_428] {strides = array<i32>} : memref<1024xf32, #tpu.memory_space<vmem>>, vector<16xf32>,
    tpu.vector_store %arg11[%swap3A_428], %sub3A_427 {strides = array<i32>} : memref<1024xf32, #tpu.memory_space<vmem>>, vector<16xf32>,
    %get3A_430 = arith.constant 1 : i32
    %get3A_431 = arith.index_cast %get3A_430 : i32 to index
    %get3A_432 = arith.constant 48 : index
    %get3A_433 = tpu.vector_load %arg7[%get3A_431, %get3A_432] {strides = array<i32>} : memref<8x128xf32, #tpu.memory_space<vmem>>, vector<16xf32>,
    %mul3A_434 = arith.mulf %get3A_433, %get3A_1 : vector<16xf32>
    %exp3A_435 = math.exp %mul3A_434 : vector<16xf32>
    %get3A_436 = arith.constant 1 : i32
    %get3A_437 = arith.index_cast %get3A_436 : i32 to index
    %get3A_438 = arith.constant 48 : index
    %get3A_439 = tpu.vector_load %arg8[%get3A_437, %get3A_438] {strides = array<i32>} : memref<8x128xf32, #tpu.memory_space<vmem>>, vector<16xf32>,
    %mul3A_440 = arith.mulf %get3A_439, %get3A_1 : vector<16xf32>
    %exp3A_441 = math.exp %mul3A_440 : vector<16xf32>
    %sub3A_442 = arith.subf %exp3A_435, %exp3A_441 : vector<16xf32>
    %swap3A_443 = arith.constant 176 : index
    %swap3A_444 = tpu.vector_load %arg11[%swap3A_443] {strides = array<i32>} : memref<1024xf32, #tpu.memory_space<vmem>>, vector<16xf32>,
    tpu.vector_store %arg11[%swap3A_443], %sub3A_442 {strides = array<i32>} : memref<1024xf32, #tpu.memory_space<vmem>>, vector<16xf32>,
    %get3A_445 = arith.constant 1 : i32
    %get3A_446 = arith.index_cast %get3A_445 : i32 to index
    %get3A_447 = arith.constant 64 : index
    %get3A_448 = tpu.vector_load %arg7[%get3A_446, %get3A_447] {strides = array<i32>} : memref<8x128xf32, #tpu.memory_space<vmem>>, vector<16xf32>,
    %mul3A_449 = arith.mulf %get3A_448, %get3A_1 : vector<16xf32>
    %exp3A_450 = math.exp %mul3A_449 : vector<16xf32>
    %get3A_451 = arith.constant 1 : i32
    %get3A_452 = arith.index_cast %get3A_451 : i32 to index
    %get3A_453 = arith.constant 64 : index
    %get3A_454 = tpu.vector_load %arg8[%get3A_452, %get3A_453] {strides = array<i32>} : memref<8x128xf32, #tpu.memory_space<vmem>>, vector<16xf32>,
    %mul3A_455 = arith.mulf %get3A_454, %get3A_1 : vector<16xf32>
    %exp3A_456 = math.exp %mul3A_455 : vector<16xf32>
    %sub3A_457 = arith.subf %exp3A_450, %exp3A_456 : vector<16xf32>
    %swap3A_458 = arith.constant 192 : index
    %swap3A_459 = tpu.vector_load %arg11[%swap3A_458] {strides = array<i32>} : memref<1024xf32, #tpu.memory_space<vmem>>, vector<16xf32>,
    tpu.vector_store %arg11[%swap3A_458], %sub3A_457 {strides = array<i32>} : memref<1024xf32, #tpu.memory_space<vmem>>, vector<16xf32>,
    %get3A_460 = arith.constant 1 : i32
    %get3A_461 = arith.index_cast %get3A_460 : i32 to index
    %get3A_462 = arith.constant 80 : index
    %get3A_463 = tpu.vector_load %arg7[%get3A_461, %get3A_462] {strides = array<i32>} : memref<8x128xf32, #tpu.memory_space<vmem>>, vector<16xf32>,
    %mul3A_464 = arith.mulf %get3A_463, %get3A_1 : vector<16xf32>
    %exp3A_465 = math.exp %mul3A_464 : vector<16xf32>
    %get3A_466 = arith.constant 1 : i32
    %get3A_467 = arith.index_cast %get3A_466 : i32 to index
    %get3A_468 = arith.constant 80 : index
    %get3A_469 = tpu.vector_load %arg8[%get3A_467, %get3A_468] {strides = array<i32>} : memref<8x128xf32, #tpu.memory_space<vmem>>, vector<16xf32>,
    %mul3A_470 = arith.mulf %get3A_469, %get3A_1 : vector<16xf32>
    %exp3A_471 = math.exp %mul3A_470 : vector<16xf32>
    %sub3A_472 = arith.subf %exp3A_465, %exp3A_471 : vector<16xf32>
    %swap3A_473 = arith.constant 208 : index
    %swap3A_474 = tpu.vector_load %arg11[%swap3A_473] {strides = array<i32>} : memref<1024xf32, #tpu.memory_space<vmem>>, vector<16xf32>,
    tpu.vector_store %arg11[%swap3A_473], %sub3A_472 {strides = array<i32>} : memref<1024xf32, #tpu.memory_space<vmem>>, vector<16xf32>,
    %get3A_475 = arith.constant 1 : i32
    %get3A_476 = arith.index_cast %get3A_475 : i32 to index
    %get3A_477 = arith.constant 96 : index
    %get3A_478 = tpu.vector_load %arg7[%get3A_476, %get3A_477] {strides = array<i32>} : memref<8x128xf32, #tpu.memory_space<vmem>>, vector<16xf32>,
    %mul3A_479 = arith.mulf %get3A_478, %get3A_1 : vector<16xf32>
    %exp3A_480 = math.exp %mul3A_479 : vector<16xf32>
    %get3A_481 = arith.constant 1 : i32
    %get3A_482 = arith.index_cast %get3A_481 : i32 to index
    %get3A_483 = arith.constant 96 : index
    %get3A_484 = tpu.vector_load %arg8[%get3A_482, %get3A_483] {strides = array<i32>} : memref<8x128xf32, #tpu.memory_space<vmem>>, vector<16xf32>,
    %mul3A_485 = arith.mulf %get3A_484, %get3A_1 : vector<16xf32>
    %exp3A_486 = math.exp %mul3A_485 : vector<16xf32>
    %sub3A_487 = arith.subf %exp3A_480, %exp3A_486 : vector<16xf32>
    %swap3A_488 = arith.constant 224 : index
    %swap3A_489 = tpu.vector_load %arg11[%swap3A_488] {strides = array<i32>} : memref<1024xf32, #tpu.memory_space<vmem>>, vector<16xf32>,
    tpu.vector_store %arg11[%swap3A_488], %sub3A_487 {strides = array<i32>} : memref<1024xf32, #tpu.memory_space<vmem>>, vector<16xf32>,
    %get3A_490 = arith.constant 1 : i32
    %get3A_491 = arith.index_cast %get3A_490 : i32 to index
    %get3A_492 = arith.constant 112 : index
    %get3A_493 = tpu.vector_load %arg7[%get3A_491, %get3A_492] {strides = array<i32>} : memref<8x128xf32, #tpu.memory_space<vmem>>, vector<16xf32>,
    %mul3A_494 = arith.mulf %get3A_493, %get3A_1 : vector<16xf32>
    %exp3A_495 = math.exp %mul3A_494 : vector<16xf32>
    %get3A_496 = arith.constant 1 : i32
    %get3A_497 = arith.index_cast %get3A_496 : i32 to index
    %get3A_498 = arith.constant 112 : index
    %get3A_499 = tpu.vector_load %arg8[%get3A_497, %get3A_498] {strides = array<i32>} : memref<8x128xf32, #tpu.memory_space<vmem>>, vector<16xf32>,
    %mul3A_500 = arith.mulf %get3A_499, %get3A_1 : vector<16xf32>
    %exp3A_501 = math.exp %mul3A_500 : vector<16xf32>
    %sub3A_502 = arith.subf %exp3A_495, %exp3A_501 : vector<16xf32>
    %swap3A_503 = arith.constant 240 : index
    %swap3A_504 = tpu.vector_load %arg11[%swap3A_503] {strides = array<i32>} : memref<1024xf32, #tpu.memory_space<vmem>>, vector<16xf32>,
    tpu.vector_store %arg11[%swap3A_503], %sub3A_502 {strides = array<i32>} : memref<1024xf32, #tpu.memory_space<vmem>>, vector<16xf32>,
    %get3A_505 = arith.constant 2 : i32
    %get3A_506 = arith.index_cast %get3A_505 : i32 to index
    %get3A_507 = arith.constant 0 : index
    %get3A_508 = tpu.vector_load %arg7[%get3A_506, %get3A_507] {strides = array<i32>} : memref<8x128xf32, #tpu.memory_space<vmem>>, vector<16xf32>,
    %mul3A_509 = arith.mulf %get3A_508, %get3A_1 : vector<16xf32>
    %exp3A_510 = math.exp %mul3A_509 : vector<16xf32>
    %get3A_511 = arith.constant 2 : i32
    %get3A_512 = arith.index_cast %get3A_511 : i32 to index
    %get3A_513 = arith.constant 0 : index
    %get3A_514 = tpu.vector_load %arg8[%get3A_512, %get3A_513] {strides = array<i32>} : memref<8x128xf32, #tpu.memory_space<vmem>>, vector<16xf32>,
    %mul3A_515 = arith.mulf %get3A_514, %get3A_1 : vector<16xf32>
    %exp3A_516 = math.exp %mul3A_515 : vector<16xf32>
    %sub3A_517 = arith.subf %exp3A_510, %exp3A_516 : vector<16xf32>
    %swap3A_518 = arith.constant 256 : index
    %swap3A_519 = tpu.vector_load %arg11[%swap3A_518] {strides = array<i32>} : memref<1024xf32, #tpu.memory_space<vmem>>, vector<16xf32>,
    tpu.vector_store %arg11[%swap3A_518], %sub3A_517 {strides = array<i32>} : memref<1024xf32, #tpu.memory_space<vmem>>, vector<16xf32>,
    %get3A_520 = arith.constant 2 : i32
    %get3A_521 = arith.index_cast %get3A_520 : i32 to index
    %get3A_522 = arith.constant 16 : index
    %get3A_523 = tpu.vector_load %arg7[%get3A_521, %get3A_522] {strides = array<i32>} : memref<8x128xf32, #tpu.memory_space<vmem>>, vector<16xf32>,
    %mul3A_524 = arith.mulf %get3A_523, %get3A_1 : vector<16xf32>
    %exp3A_525 = math.exp %mul3A_524 : vector<16xf32>
    %get3A_526 = arith.constant 2 : i32
    %get3A_527 = arith.index_cast %get3A_526 : i32 to index
    %get3A_528 = arith.constant 16 : index
    %get3A_529 = tpu.vector_load %arg8[%get3A_527, %get3A_528] {strides = array<i32>} : memref<8x128xf32, #tpu.memory_space<vmem>>, vector<16xf32>,
    %mul3A_530 = arith.mulf %get3A_529, %get3A_1 : vector<16xf32>
    %exp3A_531 = math.exp %mul3A_530 : vector<16xf32>
    %sub3A_532 = arith.subf %exp3A_525, %exp3A_531 : vector<16xf32>
    %swap3A_533 = arith.constant 272 : index
    %swap3A_534 = tpu.vector_load %arg11[%swap3A_533] {strides = array<i32>} : memref<1024xf32, #tpu.memory_space<vmem>>, vector<16xf32>,
    tpu.vector_store %arg11[%swap3A_533], %sub3A_532 {strides = array<i32>} : memref<1024xf32, #tpu.memory_space<vmem>>, vector<16xf32>,
    %get3A_535 = arith.constant 2 : i32
    %get3A_536 = arith.index_cast %get3A_535 : i32 to index
    %get3A_537 = arith.constant 32 : index
    %get3A_538 = tpu.vector_load %arg7[%get3A_536, %get3A_537] {strides = array<i32>} : memref<8x128xf32, #tpu.memory_space<vmem>>, vector<16xf32>,
    %mul3A_539 = arith.mulf %get3A_538, %get3A_1 : vector<16xf32>
    %exp3A_540 = math.exp %mul3A_539 : vector<16xf32>
    %get3A_541 = arith.constant 2 : i32
    %get3A_542 = arith.index_cast %get3A_541 : i32 to index
    %get3A_543 = arith.constant 32 : index
    %get3A_544 = tpu.vector_load %arg8[%get3A_542, %get3A_543] {strides = array<i32>} : memref<8x128xf32, #tpu.memory_space<vmem>>, vector<16xf32>,
    %mul3A_545 = arith.mulf %get3A_544, %get3A_1 : vector<16xf32>
    %exp3A_546 = math.exp %mul3A_545 : vector<16xf32>
    %sub3A_547 = arith.subf %exp3A_540, %exp3A_546 : vector<16xf32>
    %swap3A_548 = arith.constant 288 : index
    %swap3A_549 = tpu.vector_load %arg11[%swap3A_548] {strides = array<i32>} : memref<1024xf32, #tpu.memory_space<vmem>>, vector<16xf32>,
    tpu.vector_store %arg11[%swap3A_548], %sub3A_547 {strides = array<i32>} : memref<1024xf32, #tpu.memory_space<vmem>>, vector<16xf32>,
    %get3A_550 = arith.constant 2 : i32
    %get3A_551 = arith.index_cast %get3A_550 : i32 to index
    %get3A_552 = arith.constant 48 : index
    %get3A_553 = tpu.vector_load %arg7[%get3A_551, %get3A_552] {strides = array<i32>} : memref<8x128xf32, #tpu.memory_space<vmem>>, vector<16xf32>,
    %mul3A_554 = arith.mulf %get3A_553, %get3A_1 : vector<16xf32>
    %exp3A_555 = math.exp %mul3A_554 : vector<16xf32>
    %get3A_556 = arith.constant 2 : i32
    %get3A_557 = arith.index_cast %get3A_556 : i32 to index
    %get3A_558 = arith.constant 48 : index
    %get3A_559 = tpu.vector_load %arg8[%get3A_557, %get3A_558] {strides = array<i32>} : memref<8x128xf32, #tpu.memory_space<vmem>>, vector<16xf32>,
    %mul3A_560 = arith.mulf %get3A_559, %get3A_1 : vector<16xf32>
    %exp3A_561 = math.exp %mul3A_560 : vector<16xf32>
    %sub3A_562 = arith.subf %exp3A_555, %exp3A_561 : vector<16xf32>
    %swap3A_563 = arith.constant 304 : index
    %swap3A_564 = tpu.vector_load %arg11[%swap3A_563] {strides = array<i32>} : memref<1024xf32, #tpu.memory_space<vmem>>, vector<16xf32>,
    tpu.vector_store %arg11[%swap3A_563], %sub3A_562 {strides = array<i32>} : memref<1024xf32, #tpu.memory_space<vmem>>, vector<16xf32>,
    %get3A_565 = arith.constant 2 : i32
    %get3A_566 = arith.index_cast %get3A_565 : i32 to index
    %get3A_567 = arith.constant 64 : index
    %get3A_568 = tpu.vector_load %arg7[%get3A_566, %get3A_567] {strides = array<i32>} : memref<8x128xf32, #tpu.memory_space<vmem>>, vector<16xf32>,
    %mul3A_569 = arith.mulf %get3A_568, %get3A_1 : vector<16xf32>
    %exp3A_570 = math.exp %mul3A_569 : vector<16xf32>
    %get3A_571 = arith.constant 2 : i32
    %get3A_572 = arith.index_cast %get3A_571 : i32 to index
    %get3A_573 = arith.constant 64 : index
    %get3A_574 = tpu.vector_load %arg8[%get3A_572, %get3A_573] {strides = array<i32>} : memref<8x128xf32, #tpu.memory_space<vmem>>, vector<16xf32>,
    %mul3A_575 = arith.mulf %get3A_574, %get3A_1 : vector<16xf32>
    %exp3A_576 = math.exp %mul3A_575 : vector<16xf32>
    %sub3A_577 = arith.subf %exp3A_570, %exp3A_576 : vector<16xf32>
    %swap3A_578 = arith.constant 320 : index
    %swap3A_579 = tpu.vector_load %arg11[%swap3A_578] {strides = array<i32>} : memref<1024xf32, #tpu.memory_space<vmem>>, vector<16xf32>,
    tpu.vector_store %arg11[%swap3A_578], %sub3A_577 {strides = array<i32>} : memref<1024xf32, #tpu.memory_space<vmem>>, vector<16xf32>,
    %get3A_580 = arith.constant 2 : i32
    %get3A_581 = arith.index_cast %get3A_580 : i32 to index
    %get3A_582 = arith.constant 80 : index
    %get3A_583 = tpu.vector_load %arg7[%get3A_581, %get3A_582] {strides = array<i32>} : memref<8x128xf32, #tpu.memory_space<vmem>>, vector<16xf32>,
    %mul3A_584 = arith.mulf %get3A_583, %get3A_1 : vector<16xf32>
    %exp3A_585 = math.exp %mul3A_584 : vector<16xf32>
    %get3A_586 = arith.constant 2 : i32
    %get3A_587 = arith.index_cast %get3A_586 : i32 to index
    %get3A_588 = arith.constant 80 : index
    %get3A_589 = tpu.vector_load %arg8[%get3A_587, %get3A_588] {strides = array<i32>} : memref<8x128xf32, #tpu.memory_space<vmem>>, vector<16xf32>,
    %mul3A_590 = arith.mulf %get3A_589, %get3A_1 : vector<16xf32>
    %exp3A_591 = math.exp %mul3A_590 : vector<16xf32>
    %sub3A_592 = arith.subf %exp3A_585, %exp3A_591 : vector<16xf32>
    %swap3A_593 = arith.constant 336 : index
    %swap3A_594 = tpu.vector_load %arg11[%swap3A_593] {strides = array<i32>} : memref<1024xf32, #tpu.memory_space<vmem>>, vector<16xf32>,
    tpu.vector_store %arg11[%swap3A_593], %sub3A_592 {strides = array<i32>} : memref<1024xf32, #tpu.memory_space<vmem>>, vector<16xf32>,
    %get3A_595 = arith.constant 2 : i32
    %get3A_596 = arith.index_cast %get3A_595 : i32 to index
    %get3A_597 = arith.constant 96 : index
    %get3A_598 = tpu.vector_load %arg7[%get3A_596, %get3A_597] {strides = array<i32>} : memref<8x128xf32, #tpu.memory_space<vmem>>, vector<16xf32>,
    %mul3A_599 = arith.mulf %get3A_598, %get3A_1 : vector<16xf32>
    %exp3A_600 = math.exp %mul3A_599 : vector<16xf32>
    %get3A_601 = arith.constant 2 : i32
    %get3A_602 = arith.index_cast %get3A_601 : i32 to index
    %get3A_603 = arith.constant 96 : index
    %get3A_604 = tpu.vector_load %arg8[%get3A_602, %get3A_603] {strides = array<i32>} : memref<8x128xf32, #tpu.memory_space<vmem>>, vector<16xf32>,
    %mul3A_605 = arith.mulf %get3A_604, %get3A_1 : vector<16xf32>
    %exp3A_606 = math.exp %mul3A_605 : vector<16xf32>
    %sub3A_607 = arith.subf %exp3A_600, %exp3A_606 : vector<16xf32>
    %swap3A_608 = arith.constant 352 : index
    %swap3A_609 = tpu.vector_load %arg11[%swap3A_608] {strides = array<i32>} : memref<1024xf32, #tpu.memory_space<vmem>>, vector<16xf32>,
    tpu.vector_store %arg11[%swap3A_608], %sub3A_607 {strides = array<i32>} : memref<1024xf32, #tpu.memory_space<vmem>>, vector<16xf32>,
    %get3A_610 = arith.constant 2 : i32
    %get3A_611 = arith.index_cast %get3A_610 : i32 to index
    %get3A_612 = arith.constant 112 : index
    %get3A_613 = tpu.vector_load %arg7[%get3A_611, %get3A_612] {strides = array<i32>} : memref<8x128xf32, #tpu.memory_space<vmem>>, vector<16xf32>,
    %mul3A_614 = arith.mulf %get3A_613, %get3A_1 : vector<16xf32>
    %exp3A_615 = math.exp %mul3A_614 : vector<16xf32>
    %get3A_616 = arith.constant 2 : i32
    %get3A_617 = arith.index_cast %get3A_616 : i32 to index
    %get3A_618 = arith.constant 112 : index
    %get3A_619 = tpu.vector_load %arg8[%get3A_617, %get3A_618] {strides = array<i32>} : memref<8x128xf32, #tpu.memory_space<vmem>>, vector<16xf32>,
    %mul3A_620 = arith.mulf %get3A_619, %get3A_1 : vector<16xf32>
    %exp3A_621 = math.exp %mul3A_620 : vector<16xf32>
    %sub3A_622 = arith.subf %exp3A_615, %exp3A_621 : vector<16xf32>
    %swap3A_623 = arith.constant 368 : index
    %swap3A_624 = tpu.vector_load %arg11[%swap3A_623] {strides = array<i32>} : memref<1024xf32, #tpu.memory_space<vmem>>, vector<16xf32>,
    tpu.vector_store %arg11[%swap3A_623], %sub3A_622 {strides = array<i32>} : memref<1024xf32, #tpu.memory_space<vmem>>, vector<16xf32>,
    %get3A_625 = arith.constant 3 : i32
    %get3A_626 = arith.index_cast %get3A_625 : i32 to index
    %get3A_627 = arith.constant 0 : index
    %get3A_628 = tpu.vector_load %arg7[%get3A_626, %get3A_627] {strides = array<i32>} : memref<8x128xf32, #tpu.memory_space<vmem>>, vector<16xf32>,
    %mul3A_629 = arith.mulf %get3A_628, %get3A_1 : vector<16xf32>
    %exp3A_630 = math.exp %mul3A_629 : vector<16xf32>
    %get3A_631 = arith.constant 3 : i32
    %get3A_632 = arith.index_cast %get3A_631 : i32 to index
    %get3A_633 = arith.constant 0 : index
    %get3A_634 = tpu.vector_load %arg8[%get3A_632, %get3A_633] {strides = array<i32>} : memref<8x128xf32, #tpu.memory_space<vmem>>, vector<16xf32>,
    %mul3A_635 = arith.mulf %get3A_634, %get3A_1 : vector<16xf32>
    %exp3A_636 = math.exp %mul3A_635 : vector<16xf32>
    %sub3A_637 = arith.subf %exp3A_630, %exp3A_636 : vector<16xf32>
    %swap3A_638 = arith.constant 384 : index
    %swap3A_639 = tpu.vector_load %arg11[%swap3A_638] {strides = array<i32>} : memref<1024xf32, #tpu.memory_space<vmem>>, vector<16xf32>,
    tpu.vector_store %arg11[%swap3A_638], %sub3A_637 {strides = array<i32>} : memref<1024xf32, #tpu.memory_space<vmem>>, vector<16xf32>,
    %get3A_640 = arith.constant 3 : i32
    %get3A_641 = arith.index_cast %get3A_640 : i32 to index
    %get3A_642 = arith.constant 16 : index
    %get3A_643 = tpu.vector_load %arg7[%get3A_641, %get3A_642] {strides = array<i32>} : memref<8x128xf32, #tpu.memory_space<vmem>>, vector<16xf32>,
    %mul3A_644 = arith.mulf %get3A_643, %get3A_1 : vector<16xf32>
    %exp3A_645 = math.exp %mul3A_644 : vector<16xf32>
    %get3A_646 = arith.constant 3 : i32
    %get3A_647 = arith.index_cast %get3A_646 : i32 to index
    %get3A_648 = arith.constant 16 : index
    %get3A_649 = tpu.vector_load %arg8[%get3A_647, %get3A_648] {strides = array<i32>} : memref<8x128xf32, #tpu.memory_space<vmem>>, vector<16xf32>,
    %mul3A_650 = arith.mulf %get3A_649, %get3A_1 : vector<16xf32>
    %exp3A_651 = math.exp %mul3A_650 : vector<16xf32>
    %sub3A_652 = arith.subf %exp3A_645, %exp3A_651 : vector<16xf32>
    %swap3A_653 = arith.constant 400 : index
    %swap3A_654 = tpu.vector_load %arg11[%swap3A_653] {strides = array<i32>} : memref<1024xf32, #tpu.memory_space<vmem>>, vector<16xf32>,
    tpu.vector_store %arg11[%swap3A_653], %sub3A_652 {strides = array<i32>} : memref<1024xf32, #tpu.memory_space<vmem>>, vector<16xf32>,
    %get3A_655 = arith.constant 3 : i32
    %get3A_656 = arith.index_cast %get3A_655 : i32 to index
    %get3A_657 = arith.constant 32 : index
    %get3A_658 = tpu.vector_load %arg7[%get3A_656, %get3A_657] {strides = array<i32>} : memref<8x128xf32, #tpu.memory_space<vmem>>, vector<16xf32>,
    %mul3A_659 = arith.mulf %get3A_658, %get3A_1 : vector<16xf32>
    %exp3A_660 = math.exp %mul3A_659 : vector<16xf32>
    %get3A_661 = arith.constant 3 : i32
    %get3A_662 = arith.index_cast %get3A_661 : i32 to index
    %get3A_663 = arith.constant 32 : index
    %get3A_664 = tpu.vector_load %arg8[%get3A_662, %get3A_663] {strides = array<i32>} : memref<8x128xf32, #tpu.memory_space<vmem>>, vector<16xf32>,
    %mul3A_665 = arith.mulf %get3A_664, %get3A_1 : vector<16xf32>
    %exp3A_666 = math.exp %mul3A_665 : vector<16xf32>
    %sub3A_667 = arith.subf %exp3A_660, %exp3A_666 : vector<16xf32>
    %swap3A_668 = arith.constant 416 : index
    %swap3A_669 = tpu.vector_load %arg11[%swap3A_668] {strides = array<i32>} : memref<1024xf32, #tpu.memory_space<vmem>>, vector<16xf32>,
    tpu.vector_store %arg11[%swap3A_668], %sub3A_667 {strides = array<i32>} : memref<1024xf32, #tpu.memory_space<vmem>>, vector<16xf32>,
    %get3A_670 = arith.constant 3 : i32
    %get3A_671 = arith.index_cast %get3A_670 : i32 to index
    %get3A_672 = arith.constant 48 : index
    %get3A_673 = tpu.vector_load %arg7[%get3A_671, %get3A_672] {strides = array<i32>} : memref<8x128xf32, #tpu.memory_space<vmem>>, vector<16xf32>,
    %mul3A_674 = arith.mulf %get3A_673, %get3A_1 : vector<16xf32>
    %exp3A_675 = math.exp %mul3A_674 : vector<16xf32>
    %get3A_676 = arith.constant 3 : i32
    %get3A_677 = arith.index_cast %get3A_676 : i32 to index
    %get3A_678 = arith.constant 48 : index
    %get3A_679 = tpu.vector_load %arg8[%get3A_677, %get3A_678] {strides = array<i32>} : memref<8x128xf32, #tpu.memory_space<vmem>>, vector<16xf32>,
    %mul3A_680 = arith.mulf %get3A_679, %get3A_1 : vector<16xf32>
    %exp3A_681 = math.exp %mul3A_680 : vector<16xf32>
    %sub3A_682 = arith.subf %exp3A_675, %exp3A_681 : vector<16xf32>
    %swap3A_683 = arith.constant 432 : index
    %swap3A_684 = tpu.vector_load %arg11[%swap3A_683] {strides = array<i32>} : memref<1024xf32, #tpu.memory_space<vmem>>, vector<16xf32>,
    tpu.vector_store %arg11[%swap3A_683], %sub3A_682 {strides = array<i32>} : memref<1024xf32, #tpu.memory_space<vmem>>, vector<16xf32>,
    %get3A_685 = arith.constant 3 : i32
    %get3A_686 = arith.index_cast %get3A_685 : i32 to index
    %get3A_687 = arith.constant 64 : index
    %get3A_688 = tpu.vector_load %arg7[%get3A_686, %get3A_687] {strides = array<i32>} : memref<8x128xf32, #tpu.memory_space<vmem>>, vector<16xf32>,
    %mul3A_689 = arith.mulf %get3A_688, %get3A_1 : vector<16xf32>
    %exp3A_690 = math.exp %mul3A_689 : vector<16xf32>
    %get3A_691 = arith.constant 3 : i32
    %get3A_692 = arith.index_cast %get3A_691 : i32 to index
    %get3A_693 = arith.constant 64 : index
    %get3A_694 = tpu.vector_load %arg8[%get3A_692, %get3A_693] {strides = array<i32>} : memref<8x128xf32, #tpu.memory_space<vmem>>, vector<16xf32>,
    %mul3A_695 = arith.mulf %get3A_694, %get3A_1 : vector<16xf32>
    %exp3A_696 = math.exp %mul3A_695 : vector<16xf32>
    %sub3A_697 = arith.subf %exp3A_690, %exp3A_696 : vector<16xf32>
    %swap3A_698 = arith.constant 448 : index
    %swap3A_699 = tpu.vector_load %arg11[%swap3A_698] {strides = array<i32>} : memref<1024xf32, #tpu.memory_space<vmem>>, vector<16xf32>,
    tpu.vector_store %arg11[%swap3A_698], %sub3A_697 {strides = array<i32>} : memref<1024xf32, #tpu.memory_space<vmem>>, vector<16xf32>,
    %get3A_700 = arith.constant 3 : i32
    %get3A_701 = arith.index_cast %get3A_700 : i32 to index
    %get3A_702 = arith.constant 80 : index
    %get3A_703 = tpu.vector_load %arg7[%get3A_701, %get3A_702] {strides = array<i32>} : memref<8x128xf32, #tpu.memory_space<vmem>>, vector<16xf32>,
    %mul3A_704 = arith.mulf %get3A_703, %get3A_1 : vector<16xf32>
    %exp3A_705 = math.exp %mul3A_704 : vector<16xf32>
    %get3A_706 = arith.constant 3 : i32
    %get3A_707 = arith.index_cast %get3A_706 : i32 to index
    %get3A_708 = arith.constant 80 : index
    %get3A_709 = tpu.vector_load %arg8[%get3A_707, %get3A_708] {strides = array<i32>} : memref<8x128xf32, #tpu.memory_space<vmem>>, vector<16xf32>,
    %mul3A_710 = arith.mulf %get3A_709, %get3A_1 : vector<16xf32>
    %exp3A_711 = math.exp %mul3A_710 : vector<16xf32>
    %sub3A_712 = arith.subf %exp3A_705, %exp3A_711 : vector<16xf32>
    %swap3A_713 = arith.constant 464 : index
    %swap3A_714 = tpu.vector_load %arg11[%swap3A_713] {strides = array<i32>} : memref<1024xf32, #tpu.memory_space<vmem>>, vector<16xf32>,
    tpu.vector_store %arg11[%swap3A_713], %sub3A_712 {strides = array<i32>} : memref<1024xf32, #tpu.memory_space<vmem>>, vector<16xf32>,
    %get3A_715 = arith.constant 3 : i32
    %get3A_716 = arith.index_cast %get3A_715 : i32 to index
    %get3A_717 = arith.constant 96 : index
    %get3A_718 = tpu.vector_load %arg7[%get3A_716, %get3A_717] {strides = array<i32>} : memref<8x128xf32, #tpu.memory_space<vmem>>, vector<16xf32>,
    %mul3A_719 = arith.mulf %get3A_718, %get3A_1 : vector<16xf32>
    %exp3A_720 = math.exp %mul3A_719 : vector<16xf32>
    %get3A_721 = arith.constant 3 : i32
    %get3A_722 = arith.index_cast %get3A_721 : i32 to index
    %get3A_723 = arith.constant 96 : index
    %get3A_724 = tpu.vector_load %arg8[%get3A_722, %get3A_723] {strides = array<i32>} : memref<8x128xf32, #tpu.memory_space<vmem>>, vector<16xf32>,
    %mul3A_725 = arith.mulf %get3A_724, %get3A_1 : vector<16xf32>
    %exp3A_726 = math.exp %mul3A_725 : vector<16xf32>
    %sub3A_727 = arith.subf %exp3A_720, %exp3A_726 : vector<16xf32>
    %swap3A_728 = arith.constant 480 : index
    %swap3A_729 = tpu.vector_load %arg11[%swap3A_728] {strides = array<i32>} : memref<1024xf32, #tpu.memory_space<vmem>>, vector<16xf32>,
    tpu.vector_store %arg11[%swap3A_728], %sub3A_727 {strides = array<i32>} : memref<1024xf32, #tpu.memory_space<vmem>>, vector<16xf32>,
    %get3A_730 = arith.constant 3 : i32
    %get3A_731 = arith.index_cast %get3A_730 : i32 to index
    %get3A_732 = arith.constant 112 : index
    %get3A_733 = tpu.vector_load %arg7[%get3A_731, %get3A_732] {strides = array<i32>} : memref<8x128xf32, #tpu.memory_space<vmem>>, vector<16xf32>,
    %mul3A_734 = arith.mulf %get3A_733, %get3A_1 : vector<16xf32>
    %exp3A_735 = math.exp %mul3A_734 : vector<16xf32>
    %get3A_736 = arith.constant 3 : i32
    %get3A_737 = arith.index_cast %get3A_736 : i32 to index
    %get3A_738 = arith.constant 112 : index
    %get3A_739 = tpu.vector_load %arg8[%get3A_737, %get3A_738] {strides = array<i32>} : memref<8x128xf32, #tpu.memory_space<vmem>>, vector<16xf32>,
    %mul3A_740 = arith.mulf %get3A_739, %get3A_1 : vector<16xf32>
    %exp3A_741 = math.exp %mul3A_740 : vector<16xf32>
    %sub3A_742 = arith.subf %exp3A_735, %exp3A_741 : vector<16xf32>
    %swap3A_743 = arith.constant 496 : index
    %swap3A_744 = tpu.vector_load %arg11[%swap3A_743] {strides = array<i32>} : memref<1024xf32, #tpu.memory_space<vmem>>, vector<16xf32>,
    tpu.vector_store %arg11[%swap3A_743], %sub3A_742 {strides = array<i32>} : memref<1024xf32, #tpu.memory_space<vmem>>, vector<16xf32>,
    %get3A_745 = arith.constant 4 : i32
    %get3A_746 = arith.index_cast %get3A_745 : i32 to index
    %get3A_747 = arith.constant 0 : index
    %get3A_748 = tpu.vector_load %arg7[%get3A_746, %get3A_747] {strides = array<i32>} : memref<8x128xf32, #tpu.memory_space<vmem>>, vector<16xf32>,
    %mul3A_749 = arith.mulf %get3A_748, %get3A_1 : vector<16xf32>
    %exp3A_750 = math.exp %mul3A_749 : vector<16xf32>
    %get3A_751 = arith.constant 4 : i32
    %get3A_752 = arith.index_cast %get3A_751 : i32 to index
    %get3A_753 = arith.constant 0 : index
    %get3A_754 = tpu.vector_load %arg8[%get3A_752, %get3A_753] {strides = array<i32>} : memref<8x128xf32, #tpu.memory_space<vmem>>, vector<16xf32>,
    %mul3A_755 = arith.mulf %get3A_754, %get3A_1 : vector<16xf32>
    %exp3A_756 = math.exp %mul3A_755 : vector<16xf32>
    %sub3A_757 = arith.subf %exp3A_750, %exp3A_756 : vector<16xf32>
    %swap3A_758 = arith.constant 512 : index
    %swap3A_759 = tpu.vector_load %arg11[%swap3A_758] {strides = array<i32>} : memref<1024xf32, #tpu.memory_space<vmem>>, vector<16xf32>,
    tpu.vector_store %arg11[%swap3A_758], %sub3A_757 {strides = array<i32>} : memref<1024xf32, #tpu.memory_space<vmem>>, vector<16xf32>,
    %get3A_760 = arith.constant 4 : i32
    %get3A_761 = arith.index_cast %get3A_760 : i32 to index
    %get3A_762 = arith.constant 16 : index
    %get3A_763 = tpu.vector_load %arg7[%get3A_761, %get3A_762] {strides = array<i32>} : memref<8x128xf32, #tpu.memory_space<vmem>>, vector<16xf32>,
    %mul3A_764 = arith.mulf %get3A_763, %get3A_1 : vector<16xf32>
    %exp3A_765 = math.exp %mul3A_764 : vector<16xf32>
    %get3A_766 = arith.constant 4 : i32
    %get3A_767 = arith.index_cast %get3A_766 : i32 to index
    %get3A_768 = arith.constant 16 : index
    %get3A_769 = tpu.vector_load %arg8[%get3A_767, %get3A_768] {strides = array<i32>} : memref<8x128xf32, #tpu.memory_space<vmem>>, vector<16xf32>,
    %mul3A_770 = arith.mulf %get3A_769, %get3A_1 : vector<16xf32>
    %exp3A_771 = math.exp %mul3A_770 : vector<16xf32>
    %sub3A_772 = arith.subf %exp3A_765, %exp3A_771 : vector<16xf32>
    %swap3A_773 = arith.constant 528 : index
    %swap3A_774 = tpu.vector_load %arg11[%swap3A_773] {strides = array<i32>} : memref<1024xf32, #tpu.memory_space<vmem>>, vector<16xf32>,
    tpu.vector_store %arg11[%swap3A_773], %sub3A_772 {strides = array<i32>} : memref<1024xf32, #tpu.memory_space<vmem>>, vector<16xf32>,
    %get3A_775 = arith.constant 4 : i32
    %get3A_776 = arith.index_cast %get3A_775 : i32 to index
    %get3A_777 = arith.constant 32 : index
    %get3A_778 = tpu.vector_load %arg7[%get3A_776, %get3A_777] {strides = array<i32>} : memref<8x128xf32, #tpu.memory_space<vmem>>, vector<16xf32>,
    %mul3A_779 = arith.mulf %get3A_778, %get3A_1 : vector<16xf32>
    %exp3A_780 = math.exp %mul3A_779 : vector<16xf32>
    %get3A_781 = arith.constant 4 : i32
    %get3A_782 = arith.index_cast %get3A_781 : i32 to index
    %get3A_783 = arith.constant 32 : index
    %get3A_784 = tpu.vector_load %arg8[%get3A_782, %get3A_783] {strides = array<i32>} : memref<8x128xf32, #tpu.memory_space<vmem>>, vector<16xf32>,
    %mul3A_785 = arith.mulf %get3A_784, %get3A_1 : vector<16xf32>
    %exp3A_786 = math.exp %mul3A_785 : vector<16xf32>
    %sub3A_787 = arith.subf %exp3A_780, %exp3A_786 : vector<16xf32>
    %swap3A_788 = arith.constant 544 : index
    %swap3A_789 = tpu.vector_load %arg11[%swap3A_788] {strides = array<i32>} : memref<1024xf32, #tpu.memory_space<vmem>>, vector<16xf32>,
    tpu.vector_store %arg11[%swap3A_788], %sub3A_787 {strides = array<i32>} : memref<1024xf32, #tpu.memory_space<vmem>>, vector<16xf32>,
    %get3A_790 = arith.constant 4 : i32
    %get3A_791 = arith.index_cast %get3A_790 : i32 to index
    %get3A_792 = arith.constant 48 : index
    %get3A_793 = tpu.vector_load %arg7[%get3A_791, %get3A_792] {strides = array<i32>} : memref<8x128xf32, #tpu.memory_space<vmem>>, vector<16xf32>,
    %mul3A_794 = arith.mulf %get3A_793, %get3A_1 : vector<16xf32>
    %exp3A_795 = math.exp %mul3A_794 : vector<16xf32>
    %get3A_796 = arith.constant 4 : i32
    %get3A_797 = arith.index_cast %get3A_796 : i32 to index
    %get3A_798 = arith.constant 48 : index
    %get3A_799 = tpu.vector_load %arg8[%get3A_797, %get3A_798] {strides = array<i32>} : memref<8x128xf32, #tpu.memory_space<vmem>>, vector<16xf32>,
    %mul3A_800 = arith.mulf %get3A_799, %get3A_1 : vector<16xf32>
    %exp3A_801 = math.exp %mul3A_800 : vector<16xf32>
    %sub3A_802 = arith.subf %exp3A_795, %exp3A_801 : vector<16xf32>
    %swap3A_803 = arith.constant 560 : index
    %swap3A_804 = tpu.vector_load %arg11[%swap3A_803] {strides = array<i32>} : memref<1024xf32, #tpu.memory_space<vmem>>, vector<16xf32>,
    tpu.vector_store %arg11[%swap3A_803], %sub3A_802 {strides = array<i32>} : memref<1024xf32, #tpu.memory_space<vmem>>, vector<16xf32>,
    %get3A_805 = arith.constant 4 : i32
    %get3A_806 = arith.index_cast %get3A_805 : i32 to index
    %get3A_807 = arith.constant 64 : index
    %get3A_808 = tpu.vector_load %arg7[%get3A_806, %get3A_807] {strides = array<i32>} : memref<8x128xf32, #tpu.memory_space<vmem>>, vector<16xf32>,
    %mul3A_809 = arith.mulf %get3A_808, %get3A_1 : vector<16xf32>
    %exp3A_810 = math.exp %mul3A_809 : vector<16xf32>
    %get3A_811 = arith.constant 4 : i32
    %get3A_812 = arith.index_cast %get3A_811 : i32 to index
    %get3A_813 = arith.constant 64 : index
    %get3A_814 = tpu.vector_load %arg8[%get3A_812, %get3A_813] {strides = array<i32>} : memref<8x128xf32, #tpu.memory_space<vmem>>, vector<16xf32>,
    %mul3A_815 = arith.mulf %get3A_814, %get3A_1 : vector<16xf32>
    %exp3A_816 = math.exp %mul3A_815 : vector<16xf32>
    %sub3A_817 = arith.subf %exp3A_810, %exp3A_816 : vector<16xf32>
    %swap3A_818 = arith.constant 576 : index
    %swap3A_819 = tpu.vector_load %arg11[%swap3A_818] {strides = array<i32>} : memref<1024xf32, #tpu.memory_space<vmem>>, vector<16xf32>,
    tpu.vector_store %arg11[%swap3A_818], %sub3A_817 {strides = array<i32>} : memref<1024xf32, #tpu.memory_space<vmem>>, vector<16xf32>,
    %get3A_820 = arith.constant 4 : i32
    %get3A_821 = arith.index_cast %get3A_820 : i32 to index
    %get3A_822 = arith.constant 80 : index
    %get3A_823 = tpu.vector_load %arg7[%get3A_821, %get3A_822] {strides = array<i32>} : memref<8x128xf32, #tpu.memory_space<vmem>>, vector<16xf32>,
    %mul3A_824 = arith.mulf %get3A_823, %get3A_1 : vector<16xf32>
    %exp3A_825 = math.exp %mul3A_824 : vector<16xf32>
    %get3A_826 = arith.constant 4 : i32
    %get3A_827 = arith.index_cast %get3A_826 : i32 to index
    %get3A_828 = arith.constant 80 : index
    %get3A_829 = tpu.vector_load %arg8[%get3A_827, %get3A_828] {strides = array<i32>} : memref<8x128xf32, #tpu.memory_space<vmem>>, vector<16xf32>,
    %mul3A_830 = arith.mulf %get3A_829, %get3A_1 : vector<16xf32>
    %exp3A_831 = math.exp %mul3A_830 : vector<16xf32>
    %sub3A_832 = arith.subf %exp3A_825, %exp3A_831 : vector<16xf32>
    %swap3A_833 = arith.constant 592 : index
    %swap3A_834 = tpu.vector_load %arg11[%swap3A_833] {strides = array<i32>} : memref<1024xf32, #tpu.memory_space<vmem>>, vector<16xf32>,
    tpu.vector_store %arg11[%swap3A_833], %sub3A_832 {strides = array<i32>} : memref<1024xf32, #tpu.memory_space<vmem>>, vector<16xf32>,
    %get3A_835 = arith.constant 4 : i32
    %get3A_836 = arith.index_cast %get3A_835 : i32 to index
    %get3A_837 = arith.constant 96 : index
    %get3A_838 = tpu.vector_load %arg7[%get3A_836, %get3A_837] {strides = array<i32>} : memref<8x128xf32, #tpu.memory_space<vmem>>, vector<16xf32>,
    %mul3A_839 = arith.mulf %get3A_838, %get3A_1 : vector<16xf32>
    %exp3A_840 = math.exp %mul3A_839 : vector<16xf32>
    %get3A_841 = arith.constant 4 : i32
    %get3A_842 = arith.index_cast %get3A_841 : i32 to index
    %get3A_843 = arith.constant 96 : index
    %get3A_844 = tpu.vector_load %arg8[%get3A_842, %get3A_843] {strides = array<i32>} : memref<8x128xf32, #tpu.memory_space<vmem>>, vector<16xf32>,
    %mul3A_845 = arith.mulf %get3A_844, %get3A_1 : vector<16xf32>
    %exp3A_846 = math.exp %mul3A_845 : vector<16xf32>
    %sub3A_847 = arith.subf %exp3A_840, %exp3A_846 : vector<16xf32>
    %swap3A_848 = arith.constant 608 : index
    %swap3A_849 = tpu.vector_load %arg11[%swap3A_848] {strides = array<i32>} : memref<1024xf32, #tpu.memory_space<vmem>>, vector<16xf32>,
    tpu.vector_store %arg11[%swap3A_848], %sub3A_847 {strides = array<i32>} : memref<1024xf32, #tpu.memory_space<vmem>>, vector<16xf32>,
    %get3A_850 = arith.constant 4 : i32
    %get3A_851 = arith.index_cast %get3A_850 : i32 to index
    %get3A_852 = arith.constant 112 : index
    %get3A_853 = tpu.vector_load %arg7[%get3A_851, %get3A_852] {strides = array<i32>} : memref<8x128xf32, #tpu.memory_space<vmem>>, vector<16xf32>,
    %mul3A_854 = arith.mulf %get3A_853, %get3A_1 : vector<16xf32>
    %exp3A_855 = math.exp %mul3A_854 : vector<16xf32>
    %get3A_856 = arith.constant 4 : i32
    %get3A_857 = arith.index_cast %get3A_856 : i32 to index
    %get3A_858 = arith.constant 112 : index
    %get3A_859 = tpu.vector_load %arg8[%get3A_857, %get3A_858] {strides = array<i32>} : memref<8x128xf32, #tpu.memory_space<vmem>>, vector<16xf32>,
    %mul3A_860 = arith.mulf %get3A_859, %get3A_1 : vector<16xf32>
    %exp3A_861 = math.exp %mul3A_860 : vector<16xf32>
    %sub3A_862 = arith.subf %exp3A_855, %exp3A_861 : vector<16xf32>
    %swap3A_863 = arith.constant 624 : index
    %swap3A_864 = tpu.vector_load %arg11[%swap3A_863] {strides = array<i32>} : memref<1024xf32, #tpu.memory_space<vmem>>, vector<16xf32>,
    tpu.vector_store %arg11[%swap3A_863], %sub3A_862 {strides = array<i32>} : memref<1024xf32, #tpu.memory_space<vmem>>, vector<16xf32>,
    %get3A_865 = arith.constant 5 : i32
    %get3A_866 = arith.index_cast %get3A_865 : i32 to index
    %get3A_867 = arith.constant 0 : index
    %get3A_868 = tpu.vector_load %arg7[%get3A_866, %get3A_867] {strides = array<i32>} : memref<8x128xf32, #tpu.memory_space<vmem>>, vector<16xf32>,
    %mul3A_869 = arith.mulf %get3A_868, %get3A_1 : vector<16xf32>
    %exp3A_870 = math.exp %mul3A_869 : vector<16xf32>
    %get3A_871 = arith.constant 5 : i32
    %get3A_872 = arith.index_cast %get3A_871 : i32 to index
    %get3A_873 = arith.constant 0 : index
    %get3A_874 = tpu.vector_load %arg8[%get3A_872, %get3A_873] {strides = array<i32>} : memref<8x128xf32, #tpu.memory_space<vmem>>, vector<16xf32>,
    %mul3A_875 = arith.mulf %get3A_874, %get3A_1 : vector<16xf32>
    %exp3A_876 = math.exp %mul3A_875 : vector<16xf32>
    %sub3A_877 = arith.subf %exp3A_870, %exp3A_876 : vector<16xf32>
    %swap3A_878 = arith.constant 640 : index
    %swap3A_879 = tpu.vector_load %arg11[%swap3A_878] {strides = array<i32>} : memref<1024xf32, #tpu.memory_space<vmem>>, vector<16xf32>,
    tpu.vector_store %arg11[%swap3A_878], %sub3A_877 {strides = array<i32>} : memref<1024xf32, #tpu.memory_space<vmem>>, vector<16xf32>,
    %get3A_880 = arith.constant 5 : i32
    %get3A_881 = arith.index_cast %get3A_880 : i32 to index
    %get3A_882 = arith.constant 16 : index
    %get3A_883 = tpu.vector_load %arg7[%get3A_881, %get3A_882] {strides = array<i32>} : memref<8x128xf32, #tpu.memory_space<vmem>>, vector<16xf32>,
    %mul3A_884 = arith.mulf %get3A_883, %get3A_1 : vector<16xf32>
    %exp3A_885 = math.exp %mul3A_884 : vector<16xf32>
    %get3A_886 = arith.constant 5 : i32
    %get3A_887 = arith.index_cast %get3A_886 : i32 to index
    %get3A_888 = arith.constant 16 : index
    %get3A_889 = tpu.vector_load %arg8[%get3A_887, %get3A_888] {strides = array<i32>} : memref<8x128xf32, #tpu.memory_space<vmem>>, vector<16xf32>,
    %mul3A_890 = arith.mulf %get3A_889, %get3A_1 : vector<16xf32>
    %exp3A_891 = math.exp %mul3A_890 : vector<16xf32>
    %sub3A_892 = arith.subf %exp3A_885, %exp3A_891 : vector<16xf32>
    %swap3A_893 = arith.constant 656 : index
    %swap3A_894 = tpu.vector_load %arg11[%swap3A_893] {strides = array<i32>} : memref<1024xf32, #tpu.memory_space<vmem>>, vector<16xf32>,
    tpu.vector_store %arg11[%swap3A_893], %sub3A_892 {strides = array<i32>} : memref<1024xf32, #tpu.memory_space<vmem>>, vector<16xf32>,
    %get3A_895 = arith.constant 5 : i32
    %get3A_896 = arith.index_cast %get3A_895 : i32 to index
    %get3A_897 = arith.constant 32 : index
    %get3A_898 = tpu.vector_load %arg7[%get3A_896, %get3A_897] {strides = array<i32>} : memref<8x128xf32, #tpu.memory_space<vmem>>, vector<16xf32>,
    %mul3A_899 = arith.mulf %get3A_898, %get3A_1 : vector<16xf32>
    %exp3A_900 = math.exp %mul3A_899 : vector<16xf32>
    %get3A_901 = arith.constant 5 : i32
    %get3A_902 = arith.index_cast %get3A_901 : i32 to index
    %get3A_903 = arith.constant 32 : index
    %get3A_904 = tpu.vector_load %arg8[%get3A_902, %get3A_903] {strides = array<i32>} : memref<8x128xf32, #tpu.memory_space<vmem>>, vector<16xf32>,
    %mul3A_905 = arith.mulf %get3A_904, %get3A_1 : vector<16xf32>
    %exp3A_906 = math.exp %mul3A_905 : vector<16xf32>
    %sub3A_907 = arith.subf %exp3A_900, %exp3A_906 : vector<16xf32>
    %swap3A_908 = arith.constant 672 : index
    %swap3A_909 = tpu.vector_load %arg11[%swap3A_908] {strides = array<i32>} : memref<1024xf32, #tpu.memory_space<vmem>>, vector<16xf32>,
    tpu.vector_store %arg11[%swap3A_908], %sub3A_907 {strides = array<i32>} : memref<1024xf32, #tpu.memory_space<vmem>>, vector<16xf32>,
    %get3A_910 = arith.constant 5 : i32
    %get3A_911 = arith.index_cast %get3A_910 : i32 to index
    %get3A_912 = arith.constant 48 : index
    %get3A_913 = tpu.vector_load %arg7[%get3A_911, %get3A_912] {strides = array<i32>} : memref<8x128xf32, #tpu.memory_space<vmem>>, vector<16xf32>,
    %mul3A_914 = arith.mulf %get3A_913, %get3A_1 : vector<16xf32>
    %exp3A_915 = math.exp %mul3A_914 : vector<16xf32>
    %get3A_916 = arith.constant 5 : i32
    %get3A_917 = arith.index_cast %get3A_916 : i32 to index
    %get3A_918 = arith.constant 48 : index
    %get3A_919 = tpu.vector_load %arg8[%get3A_917, %get3A_918] {strides = array<i32>} : memref<8x128xf32, #tpu.memory_space<vmem>>, vector<16xf32>,
    %mul3A_920 = arith.mulf %get3A_919, %get3A_1 : vector<16xf32>
    %exp3A_921 = math.exp %mul3A_920 : vector<16xf32>
    %sub3A_922 = arith.subf %exp3A_915, %exp3A_921 : vector<16xf32>
    %swap3A_923 = arith.constant 688 : index
    %swap3A_924 = tpu.vector_load %arg11[%swap3A_923] {strides = array<i32>} : memref<1024xf32, #tpu.memory_space<vmem>>, vector<16xf32>,
    tpu.vector_store %arg11[%swap3A_923], %sub3A_922 {strides = array<i32>} : memref<1024xf32, #tpu.memory_space<vmem>>, vector<16xf32>,
    %get3A_925 = arith.constant 5 : i32
    %get3A_926 = arith.index_cast %get3A_925 : i32 to index
    %get3A_927 = arith.constant 64 : index
    %get3A_928 = tpu.vector_load %arg7[%get3A_926, %get3A_927] {strides = array<i32>} : memref<8x128xf32, #tpu.memory_space<vmem>>, vector<16xf32>,
    %mul3A_929 = arith.mulf %get3A_928, %get3A_1 : vector<16xf32>
    %exp3A_930 = math.exp %mul3A_929 : vector<16xf32>
    %get3A_931 = arith.constant 5 : i32
    %get3A_932 = arith.index_cast %get3A_931 : i32 to index
    %get3A_933 = arith.constant 64 : index
    %get3A_934 = tpu.vector_load %arg8[%get3A_932, %get3A_933] {strides = array<i32>} : memref<8x128xf32, #tpu.memory_space<vmem>>, vector<16xf32>,
    %mul3A_935 = arith.mulf %get3A_934, %get3A_1 : vector<16xf32>
    %exp3A_936 = math.exp %mul3A_935 : vector<16xf32>
    %sub3A_937 = arith.subf %exp3A_930, %exp3A_936 : vector<16xf32>
    %swap3A_938 = arith.constant 704 : index
    %swap3A_939 = tpu.vector_load %arg11[%swap3A_938] {strides = array<i32>} : memref<1024xf32, #tpu.memory_space<vmem>>, vector<16xf32>,
    tpu.vector_store %arg11[%swap3A_938], %sub3A_937 {strides = array<i32>} : memref<1024xf32, #tpu.memory_space<vmem>>, vector<16xf32>,
    %get3A_940 = arith.constant 5 : i32
    %get3A_941 = arith.index_cast %get3A_940 : i32 to index
    %get3A_942 = arith.constant 80 : index
    %get3A_943 = tpu.vector_load %arg7[%get3A_941, %get3A_942] {strides = array<i32>} : memref<8x128xf32, #tpu.memory_space<vmem>>, vector<16xf32>,
    %mul3A_944 = arith.mulf %get3A_943, %get3A_1 : vector<16xf32>
    %exp3A_945 = math.exp %mul3A_944 : vector<16xf32>
    %get3A_946 = arith.constant 5 : i32
    %get3A_947 = arith.index_cast %get3A_946 : i32 to index
    %get3A_948 = arith.constant 80 : index
    %get3A_949 = tpu.vector_load %arg8[%get3A_947, %get3A_948] {strides = array<i32>} : memref<8x128xf32, #tpu.memory_space<vmem>>, vector<16xf32>,
    %mul3A_950 = arith.mulf %get3A_949, %get3A_1 : vector<16xf32>
    %exp3A_951 = math.exp %mul3A_950 : vector<16xf32>
    %sub3A_952 = arith.subf %exp3A_945, %exp3A_951 : vector<16xf32>
    %swap3A_953 = arith.constant 720 : index
    %swap3A_954 = tpu.vector_load %arg11[%swap3A_953] {strides = array<i32>} : memref<1024xf32, #tpu.memory_space<vmem>>, vector<16xf32>,
    tpu.vector_store %arg11[%swap3A_953], %sub3A_952 {strides = array<i32>} : memref<1024xf32, #tpu.memory_space<vmem>>, vector<16xf32>,
    %get3A_955 = arith.constant 5 : i32
    %get3A_956 = arith.index_cast %get3A_955 : i32 to index
    %get3A_957 = arith.constant 96 : index
    %get3A_958 = tpu.vector_load %arg7[%get3A_956, %get3A_957] {strides = array<i32>} : memref<8x128xf32, #tpu.memory_space<vmem>>, vector<16xf32>,
    %mul3A_959 = arith.mulf %get3A_958, %get3A_1 : vector<16xf32>
    %exp3A_960 = math.exp %mul3A_959 : vector<16xf32>
    %get3A_961 = arith.constant 5 : i32
    %get3A_962 = arith.index_cast %get3A_961 : i32 to index
    %get3A_963 = arith.constant 96 : index
    %get3A_964 = tpu.vector_load %arg8[%get3A_962, %get3A_963] {strides = array<i32>} : memref<8x128xf32, #tpu.memory_space<vmem>>, vector<16xf32>,
    %mul3A_965 = arith.mulf %get3A_964, %get3A_1 : vector<16xf32>
    %exp3A_966 = math.exp %mul3A_965 : vector<16xf32>
    %sub3A_967 = arith.subf %exp3A_960, %exp3A_966 : vector<16xf32>
    %swap3A_968 = arith.constant 736 : index
    %swap3A_969 = tpu.vector_load %arg11[%swap3A_968] {strides = array<i32>} : memref<1024xf32, #tpu.memory_space<vmem>>, vector<16xf32>,
    tpu.vector_store %arg11[%swap3A_968], %sub3A_967 {strides = array<i32>} : memref<1024xf32, #tpu.memory_space<vmem>>, vector<16xf32>,
    %get3A_970 = arith.constant 5 : i32
    %get3A_971 = arith.index_cast %get3A_970 : i32 to index
    %get3A_972 = arith.constant 112 : index
    %get3A_973 = tpu.vector_load %arg7[%get3A_971, %get3A_972] {strides = array<i32>} : memref<8x128xf32, #tpu.memory_space<vmem>>, vector<16xf32>,
    %mul3A_974 = arith.mulf %get3A_973, %get3A_1 : vector<16xf32>
    %exp3A_975 = math.exp %mul3A_974 : vector<16xf32>
    %get3A_976 = arith.constant 5 : i32
    %get3A_977 = arith.index_cast %get3A_976 : i32 to index
    %get3A_978 = arith.constant 112 : index
    %get3A_979 = tpu.vector_load %arg8[%get3A_977, %get3A_978] {strides = array<i32>} : memref<8x128xf32, #tpu.memory_space<vmem>>, vector<16xf32>,
    %mul3A_980 = arith.mulf %get3A_979, %get3A_1 : vector<16xf32>
    %exp3A_981 = math.exp %mul3A_980 : vector<16xf32>
    %sub3A_982 = arith.subf %exp3A_975, %exp3A_981 : vector<16xf32>
    %swap3A_983 = arith.constant 752 : index
    %swap3A_984 = tpu.vector_load %arg11[%swap3A_983] {strides = array<i32>} : memref<1024xf32, #tpu.memory_space<vmem>>, vector<16xf32>,
    tpu.vector_store %arg11[%swap3A_983], %sub3A_982 {strides = array<i32>} : memref<1024xf32, #tpu.memory_space<vmem>>, vector<16xf32>,
    %get3A_985 = arith.constant 6 : i32
    %get3A_986 = arith.index_cast %get3A_985 : i32 to index
    %get3A_987 = arith.constant 0 : index
    %get3A_988 = tpu.vector_load %arg7[%get3A_986, %get3A_987] {strides = array<i32>} : memref<8x128xf32, #tpu.memory_space<vmem>>, vector<16xf32>,
    %mul3A_989 = arith.mulf %get3A_988, %get3A_1 : vector<16xf32>
    %exp3A_990 = math.exp %mul3A_989 : vector<16xf32>
    %get3A_991 = arith.constant 6 : i32
    %get3A_992 = arith.index_cast %get3A_991 : i32 to index
    %get3A_993 = arith.constant 0 : index
    %get3A_994 = tpu.vector_load %arg8[%get3A_992, %get3A_993] {strides = array<i32>} : memref<8x128xf32, #tpu.memory_space<vmem>>, vector<16xf32>,
    %mul3A_995 = arith.mulf %get3A_994, %get3A_1 : vector<16xf32>
    %exp3A_996 = math.exp %mul3A_995 : vector<16xf32>
    %sub3A_997 = arith.subf %exp3A_990, %exp3A_996 : vector<16xf32>
    %swap3A_998 = arith.constant 768 : index
    %swap3A_999 = tpu.vector_load %arg11[%swap3A_998] {strides = array<i32>} : memref<1024xf32, #tpu.memory_space<vmem>>, vector<16xf32>,
    tpu.vector_store %arg11[%swap3A_998], %sub3A_997 {strides = array<i32>} : memref<1024xf32, #tpu.memory_space<vmem>>, vector<16xf32>,
    %get3A_1000 = arith.constant 6 : i32
    %get3A_1001 = arith.index_cast %get3A_1000 : i32 to index
    %get3A_1002 = arith.constant 16 : index
    %get3A_1003 = tpu.vector_load %arg7[%get3A_1001, %get3A_1002] {strides = array<i32>} : memref<8x128xf32, #tpu.memory_space<vmem>>, vector<16xf32>,
    %mul3A_1004 = arith.mulf %get3A_1003, %get3A_1 : vector<16xf32>
    %exp3A_1005 = math.exp %mul3A_1004 : vector<16xf32>
    %get3A_1006 = arith.constant 6 : i32
    %get3A_1007 = arith.index_cast %get3A_1006 : i32 to index
    %get3A_1008 = arith.constant 16 : index
    %get3A_1009 = tpu.vector_load %arg8[%get3A_1007, %get3A_1008] {strides = array<i32>} : memref<8x128xf32, #tpu.memory_space<vmem>>, vector<16xf32>,
    %mul3A_1010 = arith.mulf %get3A_1009, %get3A_1 : vector<16xf32>
    %exp3A_1011 = math.exp %mul3A_1010 : vector<16xf32>
    %sub3A_1012 = arith.subf %exp3A_1005, %exp3A_1011 : vector<16xf32>
    %swap3A_1013 = arith.constant 784 : index
    %swap3A_1014 = tpu.vector_load %arg11[%swap3A_1013] {strides = array<i32>} : memref<1024xf32, #tpu.memory_space<vmem>>, vector<16xf32>,
    tpu.vector_store %arg11[%swap3A_1013], %sub3A_1012 {strides = array<i32>} : memref<1024xf32, #tpu.memory_space<vmem>>, vector<16xf32>,
    %get3A_1015 = arith.constant 6 : i32
    %get3A_1016 = arith.index_cast %get3A_1015 : i32 to index
    %get3A_1017 = arith.constant 32 : index
    %get3A_1018 = tpu.vector_load %arg7[%get3A_1016, %get3A_1017] {strides = array<i32>} : memref<8x128xf32, #tpu.memory_space<vmem>>, vector<16xf32>,
    %mul3A_1019 = arith.mulf %get3A_1018, %get3A_1 : vector<16xf32>
    %exp3A_1020 = math.exp %mul3A_1019 : vector<16xf32>
    %get3A_1021 = arith.constant 6 : i32
    %get3A_1022 = arith.index_cast %get3A_1021 : i32 to index
    %get3A_1023 = arith.constant 32 : index
    %get3A_1024 = tpu.vector_load %arg8[%get3A_1022, %get3A_1023] {strides = array<i32>} : memref<8x128xf32, #tpu.memory_space<vmem>>, vector<16xf32>,
    %mul3A_1025 = arith.mulf %get3A_1024, %get3A_1 : vector<16xf32>
    %exp3A_1026 = math.exp %mul3A_1025 : vector<16xf32>
    %sub3A_1027 = arith.subf %exp3A_1020, %exp3A_1026 : vector<16xf32>
    %swap3A_1028 = arith.constant 800 : index
    %swap3A_1029 = tpu.vector_load %arg11[%swap3A_1028] {strides = array<i32>} : memref<1024xf32, #tpu.memory_space<vmem>>, vector<16xf32>,
    tpu.vector_store %arg11[%swap3A_1028], %sub3A_1027 {strides = array<i32>} : memref<1024xf32, #tpu.memory_space<vmem>>, vector<16xf32>,
    %get3A_1030 = arith.constant 6 : i32
    %get3A_1031 = arith.index_cast %get3A_1030 : i32 to index
    %get3A_1032 = arith.constant 48 : index
    %get3A_1033 = tpu.vector_load %arg7[%get3A_1031, %get3A_1032] {strides = array<i32>} : memref<8x128xf32, #tpu.memory_space<vmem>>, vector<16xf32>,
    %mul3A_1034 = arith.mulf %get3A_1033, %get3A_1 : vector<16xf32>
    %exp3A_1035 = math.exp %mul3A_1034 : vector<16xf32>
    %get3A_1036 = arith.constant 6 : i32
    %get3A_1037 = arith.index_cast %get3A_1036 : i32 to index
    %get3A_1038 = arith.constant 48 : index
    %get3A_1039 = tpu.vector_load %arg8[%get3A_1037, %get3A_1038] {strides = array<i32>} : memref<8x128xf32, #tpu.memory_space<vmem>>, vector<16xf32>,
    %mul3A_1040 = arith.mulf %get3A_1039, %get3A_1 : vector<16xf32>
    %exp3A_1041 = math.exp %mul3A_1040 : vector<16xf32>
    %sub3A_1042 = arith.subf %exp3A_1035, %exp3A_1041 : vector<16xf32>
    %swap3A_1043 = arith.constant 816 : index
    %swap3A_1044 = tpu.vector_load %arg11[%swap3A_1043] {strides = array<i32>} : memref<1024xf32, #tpu.memory_space<vmem>>, vector<16xf32>,
    tpu.vector_store %arg11[%swap3A_1043], %sub3A_1042 {strides = array<i32>} : memref<1024xf32, #tpu.memory_space<vmem>>, vector<16xf32>,
    %get3A_1045 = arith.constant 6 : i32
    %get3A_1046 = arith.index_cast %get3A_1045 : i32 to index
    %get3A_1047 = arith.constant 64 : index
    %get3A_1048 = tpu.vector_load %arg7[%get3A_1046, %get3A_1047] {strides = array<i32>} : memref<8x128xf32, #tpu.memory_space<vmem>>, vector<16xf32>,
    %mul3A_1049 = arith.mulf %get3A_1048, %get3A_1 : vector<16xf32>
    %exp3A_1050 = math.exp %mul3A_1049 : vector<16xf32>
    %get3A_1051 = arith.constant 6 : i32
    %get3A_1052 = arith.index_cast %get3A_1051 : i32 to index
    %get3A_1053 = arith.constant 64 : index
    %get3A_1054 = tpu.vector_load %arg8[%get3A_1052, %get3A_1053] {strides = array<i32>} : memref<8x128xf32, #tpu.memory_space<vmem>>, vector<16xf32>,
    %mul3A_1055 = arith.mulf %get3A_1054, %get3A_1 : vector<16xf32>
    %exp3A_1056 = math.exp %mul3A_1055 : vector<16xf32>
    %sub3A_1057 = arith.subf %exp3A_1050, %exp3A_1056 : vector<16xf32>
    %swap3A_1058 = arith.constant 832 : index
    %swap3A_1059 = tpu.vector_load %arg11[%swap3A_1058] {strides = array<i32>} : memref<1024xf32, #tpu.memory_space<vmem>>, vector<16xf32>,
    tpu.vector_store %arg11[%swap3A_1058], %sub3A_1057 {strides = array<i32>} : memref<1024xf32, #tpu.memory_space<vmem>>, vector<16xf32>,
    %get3A_1060 = arith.constant 6 : i32
    %get3A_1061 = arith.index_cast %get3A_1060 : i32 to index
    %get3A_1062 = arith.constant 80 : index
    %get3A_1063 = tpu.vector_load %arg7[%get3A_1061, %get3A_1062] {strides = array<i32>} : memref<8x128xf32, #tpu.memory_space<vmem>>, vector<16xf32>,
    %mul3A_1064 = arith.mulf %get3A_1063, %get3A_1 : vector<16xf32>
    %exp3A_1065 = math.exp %mul3A_1064 : vector<16xf32>
    %get3A_1066 = arith.constant 6 : i32
    %get3A_1067 = arith.index_cast %get3A_1066 : i32 to index
    %get3A_1068 = arith.constant 80 : index
    %get3A_1069 = tpu.vector_load %arg8[%get3A_1067, %get3A_1068] {strides = array<i32>} : memref<8x128xf32, #tpu.memory_space<vmem>>, vector<16xf32>,
    %mul3A_1070 = arith.mulf %get3A_1069, %get3A_1 : vector<16xf32>
    %exp3A_1071 = math.exp %mul3A_1070 : vector<16xf32>
    %sub3A_1072 = arith.subf %exp3A_1065, %exp3A_1071 : vector<16xf32>
    %swap3A_1073 = arith.constant 848 : index
    %swap3A_1074 = tpu.vector_load %arg11[%swap3A_1073] {strides = array<i32>} : memref<1024xf32, #tpu.memory_space<vmem>>, vector<16xf32>,
    tpu.vector_store %arg11[%swap3A_1073], %sub3A_1072 {strides = array<i32>} : memref<1024xf32, #tpu.memory_space<vmem>>, vector<16xf32>,
    %get3A_1075 = arith.constant 6 : i32
    %get3A_1076 = arith.index_cast %get3A_1075 : i32 to index
    %get3A_1077 = arith.constant 96 : index
    %get3A_1078 = tpu.vector_load %arg7[%get3A_1076, %get3A_1077] {strides = array<i32>} : memref<8x128xf32, #tpu.memory_space<vmem>>, vector<16xf32>,
    %mul3A_1079 = arith.mulf %get3A_1078, %get3A_1 : vector<16xf32>
    %exp3A_1080 = math.exp %mul3A_1079 : vector<16xf32>
    %get3A_1081 = arith.constant 6 : i32
    %get3A_1082 = arith.index_cast %get3A_1081 : i32 to index
    %get3A_1083 = arith.constant 96 : index
    %get3A_1084 = tpu.vector_load %arg8[%get3A_1082, %get3A_1083] {strides = array<i32>} : memref<8x128xf32, #tpu.memory_space<vmem>>, vector<16xf32>,
    %mul3A_1085 = arith.mulf %get3A_1084, %get3A_1 : vector<16xf32>
    %exp3A_1086 = math.exp %mul3A_1085 : vector<16xf32>
    %sub3A_1087 = arith.subf %exp3A_1080, %exp3A_1086 : vector<16xf32>
    %swap3A_1088 = arith.constant 864 : index
    %swap3A_1089 = tpu.vector_load %arg11[%swap3A_1088] {strides = array<i32>} : memref<1024xf32, #tpu.memory_space<vmem>>, vector<16xf32>,
    tpu.vector_store %arg11[%swap3A_1088], %sub3A_1087 {strides = array<i32>} : memref<1024xf32, #tpu.memory_space<vmem>>, vector<16xf32>,
    %get3A_1090 = arith.constant 6 : i32
    %get3A_1091 = arith.index_cast %get3A_1090 : i32 to index
    %get3A_1092 = arith.constant 112 : index
    %get3A_1093 = tpu.vector_load %arg7[%get3A_1091, %get3A_1092] {strides = array<i32>} : memref<8x128xf32, #tpu.memory_space<vmem>>, vector<16xf32>,
    %mul3A_1094 = arith.mulf %get3A_1093, %get3A_1 : vector<16xf32>
    %exp3A_1095 = math.exp %mul3A_1094 : vector<16xf32>
    %get3A_1096 = arith.constant 6 : i32
    %get3A_1097 = arith.index_cast %get3A_1096 : i32 to index
    %get3A_1098 = arith.constant 112 : index
    %get3A_1099 = tpu.vector_load %arg8[%get3A_1097, %get3A_1098] {strides = array<i32>} : memref<8x128xf32, #tpu.memory_space<vmem>>, vector<16xf32>,
    %mul3A_1100 = arith.mulf %get3A_1099, %get3A_1 : vector<16xf32>
    %exp3A_1101 = math.exp %mul3A_1100 : vector<16xf32>
    %sub3A_1102 = arith.subf %exp3A_1095, %exp3A_1101 : vector<16xf32>
    %swap3A_1103 = arith.constant 880 : index
    %swap3A_1104 = tpu.vector_load %arg11[%swap3A_1103] {strides = array<i32>} : memref<1024xf32, #tpu.memory_space<vmem>>, vector<16xf32>,
    tpu.vector_store %arg11[%swap3A_1103], %sub3A_1102 {strides = array<i32>} : memref<1024xf32, #tpu.memory_space<vmem>>, vector<16xf32>,
    %get3A_1105 = arith.constant 7 : i32
    %get3A_1106 = arith.index_cast %get3A_1105 : i32 to index
    %get3A_1107 = arith.constant 0 : index
    %get3A_1108 = tpu.vector_load %arg7[%get3A_1106, %get3A_1107] {strides = array<i32>} : memref<8x128xf32, #tpu.memory_space<vmem>>, vector<16xf32>,
    %mul3A_1109 = arith.mulf %get3A_1108, %get3A_1 : vector<16xf32>
    %exp3A_1110 = math.exp %mul3A_1109 : vector<16xf32>
    %get3A_1111 = arith.constant 7 : i32
    %get3A_1112 = arith.index_cast %get3A_1111 : i32 to index
    %get3A_1113 = arith.constant 0 : index
    %get3A_1114 = tpu.vector_load %arg8[%get3A_1112, %get3A_1113] {strides = array<i32>} : memref<8x128xf32, #tpu.memory_space<vmem>>, vector<16xf32>,
    %mul3A_1115 = arith.mulf %get3A_1114, %get3A_1 : vector<16xf32>
    %exp3A_1116 = math.exp %mul3A_1115 : vector<16xf32>
    %sub3A_1117 = arith.subf %exp3A_1110, %exp3A_1116 : vector<16xf32>
    %swap3A_1118 = arith.constant 896 : index
    %swap3A_1119 = tpu.vector_load %arg11[%swap3A_1118] {strides = array<i32>} : memref<1024xf32, #tpu.memory_space<vmem>>, vector<16xf32>,
    tpu.vector_store %arg11[%swap3A_1118], %sub3A_1117 {strides = array<i32>} : memref<1024xf32, #tpu.memory_space<vmem>>, vector<16xf32>,
    %get3A_1120 = arith.constant 7 : i32
    %get3A_1121 = arith.index_cast %get3A_1120 : i32 to index
    %get3A_1122 = arith.constant 16 : index
    %get3A_1123 = tpu.vector_load %arg7[%get3A_1121, %get3A_1122] {strides = array<i32>} : memref<8x128xf32, #tpu.memory_space<vmem>>, vector<16xf32>,
    %mul3A_1124 = arith.mulf %get3A_1123, %get3A_1 : vector<16xf32>
    %exp3A_1125 = math.exp %mul3A_1124 : vector<16xf32>
    %get3A_1126 = arith.constant 7 : i32
    %get3A_1127 = arith.index_cast %get3A_1126 : i32 to index
    %get3A_1128 = arith.constant 16 : index
    %get3A_1129 = tpu.vector_load %arg8[%get3A_1127, %get3A_1128] {strides = array<i32>} : memref<8x128xf32, #tpu.memory_space<vmem>>, vector<16xf32>,
    %mul3A_1130 = arith.mulf %get3A_1129, %get3A_1 : vector<16xf32>
    %exp3A_1131 = math.exp %mul3A_1130 : vector<16xf32>
    %sub3A_1132 = arith.subf %exp3A_1125, %exp3A_1131 : vector<16xf32>
    %swap3A_1133 = arith.constant 912 : index
    %swap3A_1134 = tpu.vector_load %arg11[%swap3A_1133] {strides = array<i32>} : memref<1024xf32, #tpu.memory_space<vmem>>, vector<16xf32>,
    tpu.vector_store %arg11[%swap3A_1133], %sub3A_1132 {strides = array<i32>} : memref<1024xf32, #tpu.memory_space<vmem>>, vector<16xf32>,
    %get3A_1135 = arith.constant 7 : i32
    %get3A_1136 = arith.index_cast %get3A_1135 : i32 to index
    %get3A_1137 = arith.constant 32 : index
    %get3A_1138 = tpu.vector_load %arg7[%get3A_1136, %get3A_1137] {strides = array<i32>} : memref<8x128xf32, #tpu.memory_space<vmem>>, vector<16xf32>,
    %mul3A_1139 = arith.mulf %get3A_1138, %get3A_1 : vector<16xf32>
    %exp3A_1140 = math.exp %mul3A_1139 : vector<16xf32>
    %get3A_1141 = arith.constant 7 : i32
    %get3A_1142 = arith.index_cast %get3A_1141 : i32 to index
    %get3A_1143 = arith.constant 32 : index
    %get3A_1144 = tpu.vector_load %arg8[%get3A_1142, %get3A_1143] {strides = array<i32>} : memref<8x128xf32, #tpu.memory_space<vmem>>, vector<16xf32>,
    %mul3A_1145 = arith.mulf %get3A_1144, %get3A_1 : vector<16xf32>
    %exp3A_1146 = math.exp %mul3A_1145 : vector<16xf32>
    %sub3A_1147 = arith.subf %exp3A_1140, %exp3A_1146 : vector<16xf32>
    %swap3A_1148 = arith.constant 928 : index
    %swap3A_1149 = tpu.vector_load %arg11[%swap3A_1148] {strides = array<i32>} : memref<1024xf32, #tpu.memory_space<vmem>>, vector<16xf32>,
    tpu.vector_store %arg11[%swap3A_1148], %sub3A_1147 {strides = array<i32>} : memref<1024xf32, #tpu.memory_space<vmem>>, vector<16xf32>,
    %get3A_1150 = arith.constant 7 : i32
    %get3A_1151 = arith.index_cast %get3A_1150 : i32 to index
    %get3A_1152 = arith.constant 48 : index
    %get3A_1153 = tpu.vector_load %arg7[%get3A_1151, %get3A_1152] {strides = array<i32>} : memref<8x128xf32, #tpu.memory_space<vmem>>, vector<16xf32>,
    %mul3A_1154 = arith.mulf %get3A_1153, %get3A_1 : vector<16xf32>
    %exp3A_1155 = math.exp %mul3A_1154 : vector<16xf32>
    %get3A_1156 = arith.constant 7 : i32
    %get3A_1157 = arith.index_cast %get3A_1156 : i32 to index
    %get3A_1158 = arith.constant 48 : index
    %get3A_1159 = tpu.vector_load %arg8[%get3A_1157, %get3A_1158] {strides = array<i32>} : memref<8x128xf32, #tpu.memory_space<vmem>>, vector<16xf32>,
    %mul3A_1160 = arith.mulf %get3A_1159, %get3A_1 : vector<16xf32>
    %exp3A_1161 = math.exp %mul3A_1160 : vector<16xf32>
    %sub3A_1162 = arith.subf %exp3A_1155, %exp3A_1161 : vector<16xf32>
    %swap3A_1163 = arith.constant 944 : index
    %swap3A_1164 = tpu.vector_load %arg11[%swap3A_1163] {strides = array<i32>} : memref<1024xf32, #tpu.memory_space<vmem>>, vector<16xf32>,
    tpu.vector_store %arg11[%swap3A_1163], %sub3A_1162 {strides = array<i32>} : memref<1024xf32, #tpu.memory_space<vmem>>, vector<16xf32>,
    %get3A_1165 = arith.constant 7 : i32
    %get3A_1166 = arith.index_cast %get3A_1165 : i32 to index
    %get3A_1167 = arith.constant 64 : index
    %get3A_1168 = tpu.vector_load %arg7[%get3A_1166, %get3A_1167] {strides = array<i32>} : memref<8x128xf32, #tpu.memory_space<vmem>>, vector<16xf32>,
    %mul3A_1169 = arith.mulf %get3A_1168, %get3A_1 : vector<16xf32>
    %exp3A_1170 = math.exp %mul3A_1169 : vector<16xf32>
    %get3A_1171 = arith.constant 7 : i32
    %get3A_1172 = arith.index_cast %get3A_1171 : i32 to index
    %get3A_1173 = arith.constant 64 : index
    %get3A_1174 = tpu.vector_load %arg8[%get3A_1172, %get3A_1173] {strides = array<i32>} : memref<8x128xf32, #tpu.memory_space<vmem>>, vector<16xf32>,
    %mul3A_1175 = arith.mulf %get3A_1174, %get3A_1 : vector<16xf32>
    %exp3A_1176 = math.exp %mul3A_1175 : vector<16xf32>
    %sub3A_1177 = arith.subf %exp3A_1170, %exp3A_1176 : vector<16xf32>
    %swap3A_1178 = arith.constant 960 : index
    %swap3A_1179 = tpu.vector_load %arg11[%swap3A_1178] {strides = array<i32>} : memref<1024xf32, #tpu.memory_space<vmem>>, vector<16xf32>,
    tpu.vector_store %arg11[%swap3A_1178], %sub3A_1177 {strides = array<i32>} : memref<1024xf32, #tpu.memory_space<vmem>>, vector<16xf32>,
    %get3A_1180 = arith.constant 7 : i32
    %get3A_1181 = arith.index_cast %get3A_1180 : i32 to index
    %get3A_1182 = arith.constant 80 : index
    %get3A_1183 = tpu.vector_load %arg7[%get3A_1181, %get3A_1182] {strides = array<i32>} : memref<8x128xf32, #tpu.memory_space<vmem>>, vector<16xf32>,
    %mul3A_1184 = arith.mulf %get3A_1183, %get3A_1 : vector<16xf32>
    %exp3A_1185 = math.exp %mul3A_1184 : vector<16xf32>
    %get3A_1186 = arith.constant 7 : i32
    %get3A_1187 = arith.index_cast %get3A_1186 : i32 to index
    %get3A_1188 = arith.constant 80 : index
    %get3A_1189 = tpu.vector_load %arg8[%get3A_1187, %get3A_1188] {strides = array<i32>} : memref<8x128xf32, #tpu.memory_space<vmem>>, vector<16xf32>,
    %mul3A_1190 = arith.mulf %get3A_1189, %get3A_1 : vector<16xf32>
    %exp3A_1191 = math.exp %mul3A_1190 : vector<16xf32>
    %sub3A_1192 = arith.subf %exp3A_1185, %exp3A_1191 : vector<16xf32>
    %swap3A_1193 = arith.constant 976 : index
    %swap3A_1194 = tpu.vector_load %arg11[%swap3A_1193] {strides = array<i32>} : memref<1024xf32, #tpu.memory_space<vmem>>, vector<16xf32>,
    tpu.vector_store %arg11[%swap3A_1193], %sub3A_1192 {strides = array<i32>} : memref<1024xf32, #tpu.memory_space<vmem>>, vector<16xf32>,
    %get3A_1195 = arith.constant 7 : i32
    %get3A_1196 = arith.index_cast %get3A_1195 : i32 to index
    %get3A_1197 = arith.constant 96 : index
    %get3A_1198 = tpu.vector_load %arg7[%get3A_1196, %get3A_1197] {strides = array<i32>} : memref<8x128xf32, #tpu.memory_space<vmem>>, vector<16xf32>,
    %mul3A_1199 = arith.mulf %get3A_1198, %get3A_1 : vector<16xf32>
    %exp3A_1200 = math.exp %mul3A_1199 : vector<16xf32>
    %get3A_1201 = arith.constant 7 : i32
    %get3A_1202 = arith.index_cast %get3A_1201 : i32 to index
    %get3A_1203 = arith.constant 96 : index
    %get3A_1204 = tpu.vector_load %arg8[%get3A_1202, %get3A_1203] {strides = array<i32>} : memref<8x128xf32, #tpu.memory_space<vmem>>, vector<16xf32>,
    %mul3A_1205 = arith.mulf %get3A_1204, %get3A_1 : vector<16xf32>
    %exp3A_1206 = math.exp %mul3A_1205 : vector<16xf32>
    %sub3A_1207 = arith.subf %exp3A_1200, %exp3A_1206 : vector<16xf32>
    %swap3A_1208 = arith.constant 992 : index
    %swap3A_1209 = tpu.vector_load %arg11[%swap3A_1208] {strides = array<i32>} : memref<1024xf32, #tpu.memory_space<vmem>>, vector<16xf32>,
    tpu.vector_store %arg11[%swap3A_1208], %sub3A_1207 {strides = array<i32>} : memref<1024xf32, #tpu.memory_space<vmem>>, vector<16xf32>,
    %get3A_1210 = arith.constant 7 : i32
    %get3A_1211 = arith.index_cast %get3A_1210 : i32 to index
    %get3A_1212 = arith.constant 112 : index
    %get3A_1213 = tpu.vector_load %arg7[%get3A_1211, %get3A_1212] {strides = array<i32>} : memref<8x128xf32, #tpu.memory_space<vmem>>, vector<16xf32>,
    %mul3A_1214 = arith.mulf %get3A_1213, %get3A_1 : vector<16xf32>
    %exp3A_1215 = math.exp %mul3A_1214 : vector<16xf32>
    %get3A_1216 = arith.constant 7 : i32
    %get3A_1217 = arith.index_cast %get3A_1216 : i32 to index
    %get3A_1218 = arith.constant 112 : index
    %get3A_1219 = tpu.vector_load %arg8[%get3A_1217, %get3A_1218] {strides = array<i32>} : memref<8x128xf32, #tpu.memory_space<vmem>>, vector<16xf32>,
    %mul3A_1220 = arith.mulf %get3A_1219, %get3A_1 : vector<16xf32>
    %exp3A_1221 = math.exp %mul3A_1220 : vector<16xf32>
    %sub3A_1222 = arith.subf %exp3A_1215, %exp3A_1221 : vector<16xf32>
    %swap3A_1223 = arith.constant 1008 : index
    %swap3A_1224 = tpu.vector_load %arg11[%swap3A_1223] {strides = array<i32>} : memref<1024xf32, #tpu.memory_space<vmem>>, vector<16xf32>,
    tpu.vector_store %arg11[%swap3A_1223], %sub3A_1222 {strides = array<i32>} : memref<1024xf32, #tpu.memory_space<vmem>>, vector<16xf32>,
    %mul3A_1225 = arith.constant 25 : i32
    %mul3A_1226 = arith.muli %add3A, %mul3A_1225 : i32
    %add3A_1227 = arith.constant 24 : i32
    %add3A_1228 = arith.addi %mul3A_1226, %add3A_1227 : i32
    %jit3A_1229 = arith.constant 4 : i32
    %div3A_1230 = arith.divsi %add3A_1228, %jit3A_1229 : i32
    %sign3A_1231 = arith.constant 0 : i32
    %sign3A_1232 = arith.cmpi sgt, %add3A_1228, %sign3A_1231 : i32
    %sign3A_1233 = arith.extui %sign3A_1232 : i1 to i32
    %sign3A_1234 = arith.constant 0 : i32
    %sign3A_1235 = arith.cmpi slt, %add3A_1228, %sign3A_1234 : i32
    %sign3A_1236 = arith.extui %sign3A_1235 : i1 to i32
    %sign3A_1237 = arith.subi %sign3A_1233, %sign3A_1236 : i32
    %sign3A_1238 = arith.constant 0 : i32
    %sign3A_1239 = arith.cmpi sgt, %jit3A_1229, %sign3A_1238 : i32
    %sign3A_1240 = arith.extui %sign3A_1239 : i1 to i32
    %sign3A_1241 = arith.constant 0 : i32
    %sign3A_1242 = arith.cmpi slt, %jit3A_1229, %sign3A_1241 : i32
    %sign3A_1243 = arith.extui %sign3A_1242 : i1 to i32
    %sign3A_1244 = arith.subi %sign3A_1240, %sign3A_1243 : i32
    %ne3A_1245 = arith.cmpi ne, %sign3A_1237, %sign3A_1244 : i32
    %rem3A_1246 = arith.remsi %add3A_1228, %jit3A_1229 : i32
    %ne3A_1247 = arith.constant 0 : i32
    %ne3A_1248 = arith.cmpi ne, %rem3A_1246, %ne3A_1247 : i32
    %and3A_1249 = arith.andi %ne3A_1245, %ne3A_1248 : i1
    %sub3A_1250 = arith.constant 1 : i32
    %sub3A_1251 = arith.subi %div3A_1230, %sub3A_1250 : i32
    %select_n3A_1252 = arith.select %and3A_1249, %sub3A_1251, %div3A_1230 : i32
    %rem3A_1253 = arith.constant 4 : i32
    %rem3A_1254 = arith.remsi %add3A_1228, %rem3A_1253 : i32
    %mul3A_1255 = arith.constant 1024 : i32
    %mul3A_1256 = arith.muli %rem3A_1254, %mul3A_1255 : i32
    %dma_start3A_1257 = tpu.memref_slice %arg6[%select_n3A_1252, %mul3A_1256] : memref<200x4096xf32, #tpu.memory_space<hbm>> -> memref<1x1024xf32, #tpu.memory_space<hbm>>
    %dma_start3A_1258 = tpu.memref_squeeze %dma_start3A_1257 : memref<1x1024xf32, #tpu.memory_space<hbm>> -> memref<1024xf32, #tpu.memory_space<hbm>>
    %dma_start3A_1259 = tpu.memref_slice %arg6[%select_n3A_1252, %mul3A_1256] : memref<200x4096xf32, #tpu.memory_space<hbm>> -> memref<1x1024xf32, #tpu.memory_space<hbm>>
    %dma_start3A_1260 = tpu.memref_squeeze %dma_start3A_1259 : memref<1x1024xf32, #tpu.memory_space<hbm>> -> memref<1024xf32, #tpu.memory_space<hbm>>
    tpu.enqueue_dma source(%arg11 : memref<1024xf32, #tpu.memory_space<vmem>>) target(%dma_start3A_1260 : memref<1024xf32, #tpu.memory_space<hbm>>) target_semaphore(%arg17 : memref<!tpu.dma_semaphore, #tpu.memory_space<semaphore_mem>>)
    %mul3A_1261 = arith.constant 25 : i32
    %mul3A_1262 = arith.muli %add3A, %mul3A_1261 : i32
    %add3A_1263 = arith.constant 23 : i32
    %add3A_1264 = arith.addi %mul3A_1262, %add3A_1263 : i32
    %jit3A_1265 = arith.constant 4 : i32
    %div3A_1266 = arith.divsi %add3A_1264, %jit3A_1265 : i32
    %sign3A_1267 = arith.constant 0 : i32
    %sign3A_1268 = arith.cmpi sgt, %add3A_1264, %sign3A_1267 : i32
    %sign3A_1269 = arith.extui %sign3A_1268 : i1 to i32
    %sign3A_1270 = arith.constant 0 : i32
    %sign3A_1271 = arith.cmpi slt, %add3A_1264, %sign3A_1270 : i32
    %sign3A_1272 = arith.extui %sign3A_1271 : i1 to i32
    %sign3A_1273 = arith.subi %sign3A_1269, %sign3A_1272 : i32
    %sign3A_1274 = arith.constant 0 : i32
    %sign3A_1275 = arith.cmpi sgt, %jit3A_1265, %sign3A_1274 : i32
    %sign3A_1276 = arith.extui %sign3A_1275 : i1 to i32
    %sign3A_1277 = arith.constant 0 : i32
    %sign3A_1278 = arith.cmpi slt, %jit3A_1265, %sign3A_1277 : i32
    %sign3A_1279 = arith.extui %sign3A_1278 : i1 to i32
    %sign3A_1280 = arith.subi %sign3A_1276, %sign3A_1279 : i32
    %ne3A_1281 = arith.cmpi ne, %sign3A_1273, %sign3A_1280 : i32
    %rem3A_1282 = arith.remsi %add3A_1264, %jit3A_1265 : i32
    %ne3A_1283 = arith.constant 0 : i32
    %ne3A_1284 = arith.cmpi ne, %rem3A_1282, %ne3A_1283 : i32
    %and3A_1285 = arith.andi %ne3A_1281, %ne3A_1284 : i1
    %sub3A_1286 = arith.constant 1 : i32
    %sub3A_1287 = arith.subi %div3A_1266, %sub3A_1286 : i32
    %select_n3A_1288 = arith.select %and3A_1285, %sub3A_1287, %div3A_1266 : i32
    %rem3A_1289 = arith.constant 4 : i32
    %rem3A_1290 = arith.remsi %add3A_1264, %rem3A_1289 : i32
    %mul3A_1291 = arith.constant 1024 : i32
    %mul3A_1292 = arith.muli %rem3A_1290, %mul3A_1291 : i32
    %dma_wait3A_1293 = tpu.memref_slice %arg6[%select_n3A_1288, %mul3A_1292] : memref<200x4096xf32, #tpu.memory_space<hbm>> -> memref<1x1024xf32, #tpu.memory_space<hbm>>
    %dma_wait3A_1294 = tpu.memref_squeeze %dma_wait3A_1293 : memref<1x1024xf32, #tpu.memory_space<hbm>> -> memref<1024xf32, #tpu.memory_space<hbm>>
    %dma_wait3A_1295 = tpu.memref_slice %arg6[%select_n3A_1288, %mul3A_1292] : memref<200x4096xf32, #tpu.memory_space<hbm>> -> memref<1x1024xf32, #tpu.memory_space<hbm>>
    %dma_wait3A_1296 = tpu.memref_squeeze %dma_wait3A_1295 : memref<1x1024xf32, #tpu.memory_space<hbm>> -> memref<1024xf32, #tpu.memory_space<hbm>>
    tpu.wait_dma2 semaphore(%arg18 : memref<!tpu.dma_semaphore, #tpu.memory_space<semaphore_mem>>) src(%arg12 : memref<1024xf32, #tpu.memory_space<vmem>>) dst(%dma_wait3A_1296 : memref<1024xf32, #tpu.memory_space<hbm>>)
    %mul3A_1297 = arith.constant 25 : i32
    %mul3A_1298 = arith.muli %add3A, %mul3A_1297 : i32
    %add3A_1299 = arith.constant 24 : i32
    %add3A_1300 = arith.addi %mul3A_1298, %add3A_1299 : i32
    %jit3A_1301 = arith.constant 4 : i32
    %div3A_1302 = arith.divsi %add3A_1300, %jit3A_1301 : i32
    %sign3A_1303 = arith.constant 0 : i32
    %sign3A_1304 = arith.cmpi sgt, %add3A_1300, %sign3A_1303 : i32
    %sign3A_1305 = arith.extui %sign3A_1304 : i1 to i32
    %sign3A_1306 = arith.constant 0 : i32
    %sign3A_1307 = arith.cmpi slt, %add3A_1300, %sign3A_1306 : i32
    %sign3A_1308 = arith.extui %sign3A_1307 : i1 to i32
    %sign3A_1309 = arith.subi %sign3A_1305, %sign3A_1308 : i32
    %sign3A_1310 = arith.constant 0 : i32
    %sign3A_1311 = arith.cmpi sgt, %jit3A_1301, %sign3A_1310 : i32
    %sign3A_1312 = arith.extui %sign3A_1311 : i1 to i32
    %sign3A_1313 = arith.constant 0 : i32
    %sign3A_1314 = arith.cmpi slt, %jit3A_1301, %sign3A_1313 : i32
    %sign3A_1315 = arith.extui %sign3A_1314 : i1 to i32
    %sign3A_1316 = arith.subi %sign3A_1312, %sign3A_1315 : i32
    %ne3A_1317 = arith.cmpi ne, %sign3A_1309, %sign3A_1316 : i32
    %rem3A_1318 = arith.remsi %add3A_1300, %jit3A_1301 : i32
    %ne3A_1319 = arith.constant 0 : i32
    %ne3A_1320 = arith.cmpi ne, %rem3A_1318, %ne3A_1319 : i32
    %and3A_1321 = arith.andi %ne3A_1317, %ne3A_1320 : i1
    %sub3A_1322 = arith.constant 1 : i32
    %sub3A_1323 = arith.subi %div3A_1302, %sub3A_1322 : i32
    %select_n3A_1324 = arith.select %and3A_1321, %sub3A_1323, %div3A_1302 : i32
    %rem3A_1325 = arith.constant 4 : i32
    %rem3A_1326 = arith.remsi %add3A_1300, %rem3A_1325 : i32
    %mul3A_1327 = arith.constant 1024 : i32
    %mul3A_1328 = arith.muli %rem3A_1326, %mul3A_1327 : i32
    %dma_wait3A_1329 = tpu.memref_slice %arg6[%select_n3A_1324, %mul3A_1328] : memref<200x4096xf32, #tpu.memory_space<hbm>> -> memref<1x1024xf32, #tpu.memory_space<hbm>>
    %dma_wait3A_1330 = tpu.memref_squeeze %dma_wait3A_1329 : memref<1x1024xf32, #tpu.memory_space<hbm>> -> memref<1024xf32, #tpu.memory_space<hbm>>
    %dma_wait3A_1331 = tpu.memref_slice %arg6[%select_n3A_1324, %mul3A_1328] : memref<200x4096xf32, #tpu.memory_space<hbm>> -> memref<1x1024xf32, #tpu.memory_space<hbm>>
    %dma_wait3A_1332 = tpu.memref_squeeze %dma_wait3A_1331 : memref<1x1024xf32, #tpu.memory_space<hbm>> -> memref<1024xf32, #tpu.memory_space<hbm>>
    tpu.wait_dma2 semaphore(%arg17 : memref<!tpu.dma_semaphore, #tpu.memory_space<semaphore_mem>>) src(%arg11 : memref<1024xf32, #tpu.memory_space<vmem>>) dst(%dma_wait3A_1332 : memref<1024xf32, #tpu.memory_space<hbm>>)
    return
  }
}

module attributes {stable_mosaic.version = 14 : i64} {
  func.func @_div_body(%arg0: i32, %arg1: memref<40x4096xf32, #tpu.memory_space<vmem>>, %arg2: memref<40x4096xf32, #tpu.memory_space<vmem>>, %arg3: memref<40x4096xf32, #tpu.memory_space<vmem>>) attributes {dimension_semantics = [#tpu.dimension_semantics<arbitrary>], iteration_bounds = array<i64: 5>, scalar_prefetch = 0 : i64, scratch_operands = 0 : i64, tpu.core_type = #tpu.core_type<tc>, window_params = [{transform_indices = @transform_0, window_bounds = array<i64: 40, 4096>}, {transform_indices = @transform_1, window_bounds = array<i64: 40, 4096>}, {transform_indices = @transform_2, window_bounds = array<i64: 40, 4096>}]} {
    %get3A = arith.constant 0 : index
    %get3A_0 = arith.constant 0 : index
    %get3A_1 = vector.load %arg1[%get3A, %get3A_0] : memref<40x4096xf32, #tpu.memory_space<vmem>>, vector<40x4096xf32>
    %get3A_2 = arith.constant 0 : index
    %get3A_3 = arith.constant 0 : index
    %get3A_4 = vector.load %arg2[%get3A_2, %get3A_3] : memref<40x4096xf32, #tpu.memory_space<vmem>>, vector<40x4096xf32>
    %div3A = arith.divf %get3A_1, %get3A_4 : vector<40x4096xf32>
    %swap3A = arith.constant 0 : index
    %swap3A_5 = arith.constant 0 : index
    %swap3A_6 = vector.load %arg3[%swap3A, %swap3A_5] : memref<40x4096xf32, #tpu.memory_space<vmem>>, vector<40x4096xf32>
    tpu.vector_store %arg3[%swap3A, %swap3A_5], %div3A {strides = array<i32>} : memref<40x4096xf32, #tpu.memory_space<vmem>>, vector<40x4096xf32>,
    return
  }
  func.func @transform_0(%arg0: i32) -> (i32, i32) {
    %c0_i32 = arith.constant 0 : i32
    %c0_i32_0 = arith.constant 0 : i32
    return %arg0, %c0_i32 : i32, i32
  }
  func.func @transform_1(%arg0: i32) -> (i32, i32) {
    %c0_i32 = arith.constant 0 : i32
    %c0_i32_0 = arith.constant 0 : i32
    return %arg0, %c0_i32 : i32, i32
  }
  func.func @transform_2(%arg0: i32) -> (i32, i32) {
    %c0_i32 = arith.constant 0 : i32
    %c0_i32_0 = arith.constant 0 : i32
    return %arg0, %c0_i32 : i32, i32
  }
}

module attributes {stable_mosaic.version = 14 : i64} {
  func.func @_den_body(%arg0: i32, %arg1: i32, %arg2: memref<1x1xf32, #tpu.memory_space<smem>>, %arg3: memref<8x64x4096xf32, #tpu.memory_space<vmem>>, %arg4: memref<8x4096xf32, #tpu.memory_space<vmem>>) attributes {dimension_semantics = [#tpu.dimension_semantics<arbitrary>, #tpu.dimension_semantics<arbitrary>], iteration_bounds = array<i64: 25, 1>, scalar_prefetch = 0 : i64, scratch_operands = 0 : i64, tpu.core_type = #tpu.core_type<tc>, window_params = [{transform_indices = @transform_0, window_bounds = array<i64: 1, 1>}, {transform_indices = @transform_1, window_bounds = array<i64: 8, 64, 4096>}, {transform_indices = @transform_2, window_bounds = array<i64: 8, 4096>}]} {
    %get3A = arith.constant 0 : index
    %get3A_0 = arith.constant 0 : index
    %get3A_1 = arith.constant 0 : index
    %get3A_2 = vector.load %arg3[%get3A, %get3A_0, %get3A_1] : memref<8x64x4096xf32, #tpu.memory_space<vmem>>, vector<8x64x4096xf32>
    %get3A_3 = arith.constant 0 : index
    %get3A_4 = arith.constant 0 : index
    %get3A_5 = memref.load %arg2[%get3A_3, %get3A_4] : memref<1x1xf32, #tpu.memory_space<smem>>
    %mul3A = vector.broadcast %get3A_5 : f32 to vector<8x64x4096xf32>
    %mul3A_6 = arith.mulf %get3A_2, %mul3A : vector<8x64x4096xf32>
    %exp3A = math.exp %mul3A_6 : vector<8x64x4096xf32>
    %reduce_sum3A = arith.constant dense<0.000000e+00> : vector<8x4096xf32>
    %reduce_sum3A_7 = vector.multi_reduction <add>, %exp3A, %reduce_sum3A [1] : vector<8x64x4096xf32> to vector<8x4096xf32>
    %swap3A = arith.constant 0 : index
    %swap3A_8 = arith.constant 0 : index
    %swap3A_9 = vector.load %arg4[%swap3A, %swap3A_8] : memref<8x4096xf32, #tpu.memory_space<vmem>>, vector<8x4096xf32>
    tpu.vector_store %arg4[%swap3A, %swap3A_8], %reduce_sum3A_7 {strides = array<i32>} : memref<8x4096xf32, #tpu.memory_space<vmem>>, vector<8x4096xf32>,
    return
  }
  func.func @transform_0(%arg0: i32, %arg1: i32) -> (i32, i32) {
    %c0_i32 = arith.constant 0 : i32
    %c0_i32_0 = arith.constant 0 : i32
    %c0_i32_1 = arith.constant 0 : i32
    return %c0_i32, %c0_i32_0 : i32, i32
  }
  func.func @transform_1(%arg0: i32, %arg1: i32) -> (i32, i32, i32) {
    %c0_i32 = arith.constant 0 : i32
    %c0_i32_0 = arith.constant 0 : i32
    return %arg0, %c0_i32, %arg1 : i32, i32, i32
  }
  func.func @transform_2(%arg0: i32, %arg1: i32) -> (i32, i32) {
    %c0_i32 = arith.constant 0 : i32
    return %arg0, %arg1 : i32, i32
  }
}

</mosaic_0001>

<sc_bundles>
// kernel: kernel.5.cloned.1.call-start
scs
__scs_entry_jumppad:
0x0: {  	(pc) =	sbr.rel $0x88, $3  }
0x1: {  	(tag) =	ssettag $0x0;
	lr =	simm.s32 $0x1  }
0x2: {  	[smem:$0x3F9D] =	sst lr;
	_ =	strace $0xD0000000  }
0x3: {  	_ = 	snop  }
0x4: {  	_ = 	snop  }
0x5: {  	_ = 	snop  }
0x6: {  	_ = 	snop  }
0x7: {  	_ = 	snop  }
__scs_overlays_trampoline_lowered:
0x8: {  	[smem:$0x3FAC] =	sst s0  }
0x9: {  	[smem:$0x3FAD] =	sst s1  }
0xa: {  	[smem:$0x3FAE] =	sst s2  }
0xb: {  	[smem:$0x3FAF] =	sst s3  }
0xc: {  	[smem:$0x3FB0] =	sst s4  }
0xd: {  	[smem:$0x3FB1] =	sst s5  }
0xe: {  	[smem:$0x3FB2] =	sst s6  }
0xf: {  	[smem:$0x3FB3] =	sst s7  }
0x10: {  	[smem:$0x3FB4] =	sst s8  }
0x11: {  	[smem:$0x3FB5] =	sst s9;
	s0 =	simm.s32 @!p0 $0x0  }
0x12: {  	s1 =	sld [smem:$0x3F9B];
	s0 =	simm.s32 @p0 $0x1  }
0x13: {  	[smem:$0x3FB6] =	sst s0;
	s0 =	simm.s32 @!p1 $0x0  }
0x14: {  	s2 =	sld [smem:$0x3F9A];
	s0 =	simm.s32 @p1 $0x1  }
0x15: {  	[smem:$0x3FB7] =	sst s0;
	s0 =	simm.s32 @!p2 $0x0  }
0x16: {  	s3 =	sld [smem:$0x3FDB];
	s0 =	simm.s32 @p2 $0x1  }
0x17: {  	s4 =	simm.s32 $0x1BF5;
	[smem:$0x3FB9] =	sst s0  }
0x18: {  	s0 =	sld [smem:$0x3F9C];
	_ =	swait.ge [sflag:s4], $0x0  }
0x19: {  	s7 =	sld [smem:$0x3F9D]  }
0x1a: {  	s8 =	sadd.s32 $0xFFFFE003, lr  }
0x1b: {  	s9 =	sadd.s32 $0xFFFFFEF7, lr;
	s5 =	simm.s32 $0xFFFFFFFF;
	p2 =	slt.u32 s8, $0xFFFFF086  }
0x1c: {  	p1 =	slt.u32 s9, $0xF7A;
	s5 =	simm.s32 @!p2 $0x0  }
0x1d: {  	s5 =	simm.s32 @p1 $0x1;
	p0 =	seq.s32 s7, s2  }
0x1e: {  	s7 =	smul.u32 @!p0 $0xF7A, s2;
	p2 =	seq.s32 @!p0 s5, $0x0  }
0x1f: {  	s9 =	smul.u32 $0xF7A, s1;
	s8 =	simm.s32 @!p0 $0x1BF5;
	p2 =	por !p2, p0  }
0x20: {  	[sflag:s8] =	ssyncset.s32 @!p0 $0xFFFFF086;
	s6 =	sadd.s32 @!p0 s3, s7;
	s7 =	simm.s32 @!p0 $0x108  }
0x21: {  	s3 =	sadd.s32 s3, s9;
	s6 =	sadd.s32 @!p0 $0x88, s6;
	s7 =	simm.s32 @p2 $0x1082  }
0x22: {  	[simem:s7], [sflag:s8] =	dma.local @!p0 [hbm:s6], $0xF7A  }
0x23: {  	s9 =	sor.u32 $0xD0000000, s2;
	s6 =	simm.s32 $0x108;
	_ =	swait.ge @!p0 [sflag:s8], $0x0  }
0x24: {  	s3 =	sadd.s32 $0x88, s3;
	s6 =	simm.s32 @!p1 $0x1082;
	[sflag:s4] =	ssyncset.s32 $0xFFFFF086  }
0x25: {  	[simem:s6], [sflag:s4] =	dma.local [hbm:s3], $0xF7A  }
0x26: {  	[smem:$0x3F9D] =	sst s1;
	(tag) =	ssettag s2;
	_ =	strace s9  }
0x27: {  	s1 =	sld [smem:$0x3FAD]  }
0x28: {  	s2 =	sld [smem:$0x3FAE]  }
0x29: {  	s4 =	sld [smem:$0x3FB0]  }
0x2a: {  	p0 =	seq.s32 s5, $0x0;
	s5 =	sld [smem:$0x3FB1]  }
0x2b: {  	s6 =	sld [smem:$0x3FB2]  }
0x2c: {  	s7 =	sld [smem:$0x3FB3]  }
0x2d: {  	s3 =	simm.s32 $0x108;
	s8 =	sld [smem:$0x3FB4]  }
0x2e: {  	s3 =	simm.s32 @!p0 $0x1082;
	s9 =	sld [smem:$0x3FB5]  }
0x2f: {  	lr =	sadd.s32 s0, s3;
	s0 =	sld [smem:$0x3FAC]  }
0x30: {  	s3 =	sld [smem:$0x3FAF]  }
0x31: {  	[smem:$0x3FB8] =	sst s10  }
0x32: {  	s10 =	sld [smem:$0x3FB6];
	_ =	sdelay $0x3  }
0x33: {  	p0 =	seq.s32 s10, $0x1;
	s10 =	sld [smem:$0x3FB8];
	_ =	sdelay $0x3  }
0x34: {  	[smem:$0x3FB8] =	sst s10  }
0x35: {  	s10 =	sld [smem:$0x3FB7];
	_ =	sdelay $0x3  }
0x36: {  	p1 =	seq.s32 s10, $0x1;
	s10 =	sld [smem:$0x3FB8];
	_ =	sdelay $0x3  }
0x37: {  	[smem:$0x3FB8] =	sst s10  }
0x38: {  	s10 =	sld [smem:$0x3FB9]  }
0x39: {  	_ = 	snop;
	(pc) =	sbr.ind lr, $3  }
0x3a: {  	_ = 	snop  }
0x3b: {  	_ = 	snop  }
0x3c: {  	p2 =	seq.s32 s10, $0x1;
	s10 =	sld [smem:$0x3FB8]  }
0x3d: {  	_ =	shalt  }
0x3e: {  	_ =	shalt  }
0x3f: {  	_ =	shalt  }
0x40: {  	_ =	shalt  }
0x41: {  	_ =	shalt  }
0x42: {  	_ =	shalt  }
0x43: {  	_ =	shalt  }
0x44: {  	_ =	shalt  }
0x45: {  	_ =	shalt  }
0x46: {  	_ =	shalt  }
0x47: {  	_ =	shalt  }
0x48: {  	_ =	shalt  }
0x49: {  	_ =	shalt  }
0x4a: {  	_ =	shalt  }
0x4b: {  	_ =	shalt  }
0x4c: {  	_ =	shalt  }
0x4d: {  	_ =	shalt  }
0x4e: {  	_ =	shalt  }
0x4f: {  	_ =	shalt  }
0x50: {  	_ =	shalt  }
0x51: {  	_ =	shalt  }
0x52: {  	_ =	shalt  }
0x53: {  	_ =	shalt  }
0x54: {  	_ =	shalt  }
0x55: {  	_ =	shalt  }
0x56: {  	_ =	shalt  }
0x57: {  	_ =	shalt  }
0x58: {  	_ =	shalt  }
0x59: {  	_ =	shalt  }
0x5a: {  	_ =	shalt  }
0x5b: {  	_ =	shalt  }
0x5c: {  	_ =	shalt  }
0x5d: {  	_ =	shalt  }
0x5e: {  	_ =	shalt  }
0x5f: {  	_ =	shalt  }
0x60: {  	_ =	shalt  }
0x61: {  	_ =	shalt  }
0x62: {  	_ =	shalt  }
0x63: {  	_ =	shalt  }
0x64: {  	_ =	shalt  }
0x65: {  	_ =	shalt  }
0x66: {  	_ =	shalt  }
0x67: {  	_ =	shalt  }
0x68: {  	_ =	shalt  }
0x69: {  	_ =	shalt  }
0x6a: {  	_ =	shalt  }
0x6b: {  	_ =	shalt  }
0x6c: {  	_ =	shalt  }
0x6d: {  	_ =	shalt  }
0x6e: {  	_ =	shalt  }
0x6f: {  	_ =	shalt  }
0x70: {  	_ =	shalt  }
0x71: {  	_ =	shalt  }
0x72: {  	_ =	shalt  }
0x73: {  	_ =	shalt  }
0x74: {  	_ =	shalt  }
0x75: {  	_ =	shalt  }
0x76: {  	_ =	shalt  }
0x77: {  	_ =	shalt  }
0x78: {  	_ =	shalt  }
0x79: {  	_ =	shalt  }
0x7a: {  	_ =	shalt  }
0x7b: {  	_ =	shalt  }
0x7c: {  	_ =	shalt  }
0x7d: {  	_ =	shalt  }
0x7e: {  	_ =	shalt  }
0x7f: {  	_ =	shalt  }
0x80: {  	_ =	shalt  }
0x81: {  	_ =	shalt  }
0x82: {  	_ =	shalt  }
0x83: {  	_ =	shalt  }
0x84: {  	_ =	shalt  }
0x85: {  	_ =	shalt  }
0x86: {  	_ =	shalt  }
0x87: {  	_ =	shalt  }
.Lfunc_end0:
.L_simem_size_0:
called_computation_lowered:
.L_overlay_start_0:
0x88: {  	s2 =	sld [smem:$0x3FD9]  }
0x89: {  	s3 =	sld [smem:$0x3FFE];
	_ =	sdelay $0x1  }
0x8a: {  	s1 =	srdreg.scid  }
0x8b: {  	s0 =	sand.u32 $0x1, s1  }
0x8c: {  	s17 =	sshll.u32 s0, $0xA;
	s2 =	sadd.s32 s3, s2  }
0x8d: {  	s2 =	sadd.s32 s2, s17  }
0x8e: {  	[smem:$0x3FC4] =	sst s2  }
0x8f: {  	_ = 	snop  }
0x90: {  	s2 =	sld [smem:$0x3FC9]  }
0x91: {  	s18 =	sld [smem:$0x3FD0];
	(tm) =	ssettm $0x1  }
0x92: {  	s4 =	sld [smem:$0x3FFB];
	_ =	sdelay $0x3  }
0x93: {  	_ =	strace s4  }
0x94: {  	s4 =	sld [smem:$0x3FFC];
	_ =	sdelay $0x3  }
0x95: {  	_ =	strace s4  }
0x96: {  	s4 =	sld [smem:$0x3FFD];
	_ =	sdelay $0x3  }
0x97: {  	_ =	strace s4  }
0x98: {  	_ =	strace $0x8FFFFFFF  }
0x99: {  	s19 =	sld [smem:$0x3FDB];
	_ =	sdelay $0x1  }
0x9a: {  	s5 =	simm.s32 $_scs_section_size  }
0x9b: {  	s6 =	simm.s32 $_size__tile_overlayer_lowered;
	s7 =	simm.s32 $_tile_overlayer_lowered  }
0x9c: {  	s22 =	simm.s32 $0x1BFF;
	s21 =	sshll.u32 s7, $0x1;
	s4 =	sadd.s32 s5, s19  }
0x9d: {  	s8 =	simm.s32 $0x0;
	s20 =	sshll.u32 s6, $0x1;
	s6 =	sadd.s32 s21, s4  }
0x9e: {  	[timem:s8], [sflag:s22] =	dma.local [hbm:s6], s20  }
0x9f: {  	_ =	swait.ge [sflag:s22], s20  }
0xa0: {  	s5 =	ssub.s32 $0x0, s20;
	[sflag:s22] =	ssyncset.done $0x0  }
0xa1: {  	[sflag:s22] =	ssyncadd.s32 s5;
	_ =	sdelay $0x1  }
0xa2: {  	s23 =	simm.s32 $0x1B8B  }
0xa3: {  	_ =	swait.ge [sflag:s23], $0x1  }
0xa4: {  	[sflag:s23] =	ssyncset.done $0x0  }
0xa5: {  	s25 =	simm.s32 $0x1B8E;
	s24 =	sld [smem:$0x3FFE];
	[sflag:s23] =	ssyncadd.s32 $0xFFFFFFFF  }
0xa6: {  	s26 =	simm.s32 $execute0_lowered;
	[smem:$0x3FD2] =	sst s25  }
0xa7: {  	s6 =	sshll.u32 s26, $0x1;
	_ =	strace $0x80000046;
	[dreg:$0x1] =	wrdreg $0xFFFFFFFF  }
0xa8: {  	s28 =	simm.s32 $_size_execute0_lowered;
	s4 =	sadd.s32 s4, s6;
	[dreg:$0x0] =	wrdreg $0x0  }
0xa9: {  	s6 =	sshll.u32 s28, $0x1;
	[dreg:$0x2] =	wrdreg s4  }
0xaa: {  	[dreg:$0x3] =	wrdreg s6  }
0xab: {  	[dreg:$0x4] =	wrdreg $0xC0  }
0xac: {  	_ =	task [dreg:s8], $0x5FFFF  }
0xad: {  	[dreg:$0x1] =	wrdreg $0xFFFFFFFF  }
0xae: {  	[dreg:$0x0] =	wrdreg $0x60  }
0xaf: {  	[dreg:$0x2] =	wrdreg s2  }
0xb0: {  	[dreg:$0x3] =	wrdreg s24  }
0xb1: {  	[dreg:$0x4] =	wrdreg s18  }
0xb2: {  	[dreg:$0x5] =	wrdreg $0x9  }
0xb3: {  	_ =	task.clear_ibuf [dreg:s8], $0x6FFFF;
	_ =	strace $0x90000046  }
0xb4: {  	s29 =	simm.s32 $0x9;
	_ =	strace $0x80000048  }
0xb5: {  	_ =	swait.ge [sflag:s29], $0x1  }
0xb6: {  	[sflag:s29] =	ssyncadd.s32 $0xFFFFFFFF  }
0xb7: {  	_ =	strace $0x90000048  }
0xb8: {  	_ =	sfence  }
0xb9: {  	s30 =	sld [smem:$0x0];
	_ =	sdelay $0x2  }
0xba: {  	s31 =	sshll.u32 s1, $0xD;
	s1 =	sshrl.u32 s1, $0x2  }
0xbb: {  	s3 =	sand.u32 $0x4000, s31;
	s1 =	sadd.s32 s1, s30  }
0xbc: {  	s0 =	sor.u32 s3, s0;
	s1 =	sshll.u32 s1, $0x11  }
0xbd: {  	s0 =	sor.u32 s1, s0  }
0xbe: {  	s0 =	sadd.s32 $0x8F2B, s0  }
0xbf: {  	[sflag:s0] =	ssyncadd.remote.s32 $0x1  }
0xc0: {  	_ =	sfence.sel $0xFFFF  }
0xc1: {  	[dreg:$0x0] =	wrdreg $0xFFFFFFFF;
	(pc) =	sbr.abs _section_cstart, $3  }
0xc2: {  	[dreg:$0x1] =	wrdreg $0xFFFFFFFF  }
0xc3: {  	_ =	task.clear_ibuf [dreg:s8], $0x2FFFF;
	_ =	strace $0x9FFFFFFF  }
0xc4: {  	(tm) =	ssettm $0x7FFFFFFF  }
0xc5: {  	_ =	shalt  }
tec
execute0_lowered:
.L_overlay_start_1:
0x0: {  	(tag) =	ssettag $0x1  }
0x1: {  	s1 =	rddreg [dreg:$0x0]  }
0x2: {  	s7 =	rddreg [dreg:$0x1]  }
0x3: {  	s3 =	rddreg [dreg:$0x2]  }
0x4: {  	s4 =	simm.s32 $0x0;
	s5 =	srdreg.scid;
	s0 =	stileid.u32  }
0x5: {  	s16 =	simm.s32 $0x1900;
	s19 =	simm.s32 $0x800;
	s18 =	simm.s32 $0x1  }
0x6: {  	s20 =	simm.s32 $0xC00;
	s23 =	simm.s32 $0x1400;
	s21 =	simm.s32 $0x1000  }
0x7: {  	s24 =	simm.s32 $0x0;
	[smem:$0x7FF] =	sst s4;
	s10 =	sand.u32 $0x1, s5  }
0x8: {  	s25 =	sshll.u32 s0, $0x1;
	s2 =	sadd.s32 $0x600, s7;
	s14 =	smul.u32 $0x32, s0  }
0x9: {  	s26 =	sadd.s32 $0x800, s7;
	s7 =	sadd.s32 $0xC00, s7;
	s30 =	smul.u32 $0xC800, s0  }
0xa: {  	_ =	strace $0x80000047;
	[dreg:$0x7] =	wrdreg s2;
	s15 =	smul.u32 $0x19, s10  }
0xb: {  	s8 =	sor.u32 s10, s25;
	[dreg:$0x8] =	wrdreg s26;
	s31 =	smul.u32 $0x6400, s10  }
0xc: {  	s9 =	ssub.s32 $0x2, s10;
	[dreg:$0x4] =	wrdreg s19;
	s11 =	smul.u32 $0x19, s8  }
0xd: {  	s19 =	simm.s32 $0x80;
	[dreg:$0x5] =	wrdreg s20;
	s20 =	simm.s32 $0x400  }
0xe: {  	[dreg:$0x6] =	wrdreg s23;
	s12 =	sshrl.u32 s9, $0x1;
	s28 =	sadd.s32 $0x18, s11  }
0xf: {  	s12 =	ssub.s32 s9, s12;
	s13 =	sshll.u32 s28, $0xA;
	s9 =	sshll.u32 s28, $0x5  }
0x10: {  	s8 =	sshll.u32 s8, $0xD;
	s13 =	sand.u32 $0x1F8000, s13;
	s9 =	sand.u32 $0x380, s9  }
0x11: {  	s8 =	sand.u32 $0x6000, s8;
	s22 =	sshrl.u32 s11, $0x2;
	s9 =	sor.u32 s13, s9  }
0x12: {  	s23 =	simm.s32 $0x3;
	v0 =	vmov s22;
	s22 =	simm.s32 $0x2;
	s29 =	sor.u32 s8, s9  }
0x13: {  	s13 =	sadd.s32 s31, s30;
	s9 =	sadd.s32 s15, s14;
	s11 =	sshrl.u32 s29, $0x3  }
0x14: {  	s15 =	simm.s32 $0x4;
	s14 =	sshll.u32 s9, $0xD;
	s10 =	sadd.s32 s3, s11  }
0x15: {  	[tilespmem:$0x1FFF0] =	vst v0;
	s11 =	smax.u32 s12, $0x1;
	s12 =	sadd.s32 $0x4000, s14;
	s14 =	simm.s32 $0x1800  }
.LBB2_1:
0x16: {  	s0 =	rddreg [dreg:$0x7]  }
0x17: {  	[tilespmem:s14], [sflag:$0x4] =	stream.linear.gather [hbm4b:s0+s4], $0x100, $0x38;
	[tilespmem:$0x1A80] =	vst v63  }
0x18: {  	_ =	swait.ge [sflag:s15], $0x100  }
0x19: {  	[sflag:s15] =	ssyncset.done $0x0  }
0x1a: {  	s5 =	rddreg [dreg:$0x8];
	[sflag:s15] =	ssyncadd.s32 $0xFFFFFF00  }
0x1b: {  	[tilespmem:s16], [sflag:$0x4] =	stream.linear.gather [hbm4b:s5+s4], $0x100, $0x38;
	[tilespmem:$0x1A80] =	vst v63  }
0x1c: {  	_ =	swait.ge [sflag:s15], $0x100  }
0x1d: {  	[sflag:s15] =	ssyncset.done $0x0  }
0x1e: {  	s6 =	simm.s32 $0x1A00;
	[sflag:s15] =	ssyncadd.s32 $0xFFFFFF00  }
0x1f: {  	[tilespmem:s6], [sflag:$0x4] =	stream.linear.gather [hbm4b:s7+s4], $0x80, $0x38;
	[tilespmem:$0x1A80] =	vst v63  }
0x20: {  	_ =	swait.ge [sflag:s15], $0x80  }
0x21: {  	v1 =	vld [tilespmem:$0x1FFF0];
	_ =	sdelay $0x5  }
0x22: {  	[sflag:s15] =	ssyncset.done $0x0  }
0x23: {  	[sflag:s15] =	ssyncadd.s32 $0xFFFFFF80  }
0x24: {  	v0 =	vld.idx.msk [tilespmem:v1+s14+$0x0], $0xffff;
	_ =	sdelay $0x4  }
0x25: {  	v0 =	vxor.u32 $0x80000000, v0  }
0x26: {  	(xrf0) =	vmax.scan.msk.u32 $0xffff, v0;
	_ =	sdelay $0x5  }
0x27: {  	v0, _, _ =	vpop (xrf0)  }
0x28: {  	(v2sf) =	vpush v0, $0xF;
	_ =	sdelay $0x2  }
0x29: {  	v0 =	vld.idx.msk [tilespmem:v1+s16+$0x0], $0xffff;
	_ =	sdelay $0x4  }
0x2a: {  	v0 =	vxor.u32 $0x80000000, v0  }
0x2b: {  	(xrf0) =	vmax.scan.msk.u32 $0xffff, v0;
	_ =	sdelay $0x5  }
0x2c: {  	v0, _, _ =	vpop (xrf0);
	s25 =	spop (v2sf)  }
0x2d: {  	(v2sf) =	vpush v0, $0xF;
	s26 =	sxor.u32 $0x80000000, s25  }
0x2e: {  	s28 =	sshra.s32 s26, $0x1F  }
0x2f: {  	s28 =	sshrl.u32 s28, $0x1D  }
0x30: {  	s28 =	sadd.s32 s28, s26  }
0x31: {  	p0 =	sgt.s32 s25, $0xFFFFFFFF;
	p1 =	slt.s32 s26, $0x1;
	s17 =	sand.u32 $0xFFFFFFF8, s28  }
0x32: {  	p0 =	por p0, p1;
	p3 =	sne.s32 s26, s17  }
0x33: {  	s28 =	sshrl.u32 s28, $0x3;
	p0 =	por !p0, !p3  }
0x34: {  	s25 =	ssub.s32 s26, s17;
	s26 =	simm.s32 $0x1;
	p0 =	por !p0, !p0  }
0x35: {  	s29 =	sand.u32 $0xFFFFFC00, s25;
	s25 =	sshll.u32 s25, $0x7;
	s26 =	simm.s32 @!p0 $0x0  }
0x36: {  	s25 =	sand.u32 $0x380, s25;
	s26 =	ssub.s32 s28, s26;
	s28 =	sadd.s32 s8, s29  }
0x37: {  	s26 =	sshll.u32 s26, $0xF;
	s25 =	sor.u32 s25, s28  }
0x38: {  	s25 =	sadd.s32 s26, s25  }
0x39: {  	s25 =	sshrl.u32 s25, $0x3  }
0x3a: {  	s25 =	sadd.s32 s1, s25  }
0x3b: {  	v1 =	vld [tilespmem:$0x1A00];
	[tilespmem:s4], [sflag:$0x1] =	stream.strided.gather [hbm4b:s25+s19], $0x400, s20, s19, $0x38  }
0x3c: {  	s26 =	spop (v2sf)  }
0x3d: {  	s29 =	sxor.u32 $0x80000000, s26  }
0x3e: {  	s28 =	sshra.s32 s29, $0x1F  }
0x3f: {  	s28 =	sshrl.u32 s28, $0x1D  }
0x40: {  	s28 =	sadd.s32 s28, s29  }
0x41: {  	p4 =	sgt.s32 s26, $0xFFFFFFFF;
	p5 =	slt.s32 s29, $0x1;
	s30 =	sand.u32 $0xFFFFFFF8, s28  }
0x42: {  	p0 =	por p4, p5;
	p6 =	sne.s32 s29, s30  }
0x43: {  	s26 =	simm.s32 $0x1;
	p0 =	por !p0, !p6  }
0x44: {  	s28 =	sshrl.u32 s28, $0x3;
	s25 =	ssub.s32 s29, s30;
	p0 =	por !p0, !p0  }
0x45: {  	s31 =	sand.u32 $0xFFFFFC00, s25;
	s25 =	sshll.u32 s25, $0x7;
	s26 =	simm.s32 @!p0 $0x0  }
0x46: {  	s25 =	sand.u32 $0x380, s25;
	s26 =	ssub.s32 s28, s26;
	s28 =	sadd.s32 s8, s31  }
0x47: {  	s26 =	sshll.u32 s26, $0xF;
	s25 =	sor.u32 s25, s28  }
0x48: {  	s25 =	sadd.s32 s26, s25  }
0x49: {  	s25 =	sshrl.u32 s25, $0x3  }
0x4a: {  	s25 =	sadd.s32 s1, s25  }
0x4b: {  	[tilespmem:s20], [sflag:$0x1] =	stream.strided.gather [hbm4b:s25+s19], $0x400, s20, s19, $0x38;
	[tilespmem:$0x1A80] =	vst v63  }
0x4c: {  	s28 =	simm.s32 $0x0;
	s26 =	smov.u32 s12;
	s25 =	smov.u32 s13  }
.LBB2_2:
0x4d: {  	s31 =	sadd.s32 s28, s9  }
0x4e: {  	s30 =	sadd.s32 $0x1, s31  }
0x4f: {  	_ =	swait.ge [sflag:s18], $0x400;
	s29 =	sshrl.u32 s30, $0x2  }
0x50: {  	[sflag:s18] =	ssyncset.done $0x0;
	v0 =	vmov s29  }
0x51: {  	[sflag:s18] =	ssyncadd.s32 $0xFFFFFC00  }
0x52: {  	_ =	swait.ge [sflag:s18], $0x400  }
0x53: {  	[sflag:s18] =	ssyncset.done $0x0  }
0x54: {  	[sflag:s18] =	ssyncadd.s32 $0xFFFFFC00  }
0x55: {  	v2 =	vld.idx.msk [tilespmem:v0+s14+$0x0], $0xffff;
	_ =	sdelay $0x4  }
0x56: {  	v2 =	vxor.u32 $0x80000000, v2  }
0x57: {  	(xrf0) =	vmax.scan.msk.u32 $0xffff, v2;
	_ =	sdelay $0x5  }
0x58: {  	v2, _, _ =	vpop (xrf0)  }
0x59: {  	(v2sf) =	vpush v2, $0xF;
	_ =	sdelay $0x2  }
0x5a: {  	v0 =	vld.idx.msk [tilespmem:v0+s16+$0x0], $0xffff;
	_ =	sdelay $0x4  }
0x5b: {  	v0 =	vxor.u32 $0x80000000, v0  }
0x5c: {  	(xrf0) =	vmax.scan.msk.u32 $0xffff, v0;
	_ =	sdelay $0x5  }
0x5d: {  	v0, _, _ =	vpop (xrf0);
	s0 =	spop (v2sf)  }
0x5e: {  	(v2sf) =	vpush v0, $0xF;
	s2 =	sxor.u32 $0x80000000, s0  }
0x5f: {  	s17 =	sshra.s32 s2, $0x1F  }
0x60: {  	s17 =	sshrl.u32 s17, $0x1D  }
0x61: {  	s17 =	sadd.s32 s17, s2  }
0x62: {  	p0 =	sgt.s32 s0, $0xFFFFFFFF;
	p1 =	slt.s32 s2, $0x1;
	s6 =	sand.u32 $0xFFFFFFF8, s17  }
0x63: {  	s5 =	simm.s32 $0x1;
	p0 =	por p0, p1;
	p2 =	sne.s32 s2, s6  }
0x64: {  	s30 =	sand.u32 $0x3, s30;
	s17 =	sshrl.u32 s17, $0x3;
	p0 =	por !p0, !p2  }
0x65: {  	s0 =	ssub.s32 s2, s6;
	s2 =	sshll.u32 s30, $0xD;
	p0 =	por !p0, !p0  }
0x66: {  	s6 =	sand.u32 $0xFFFFFC00, s0;
	s0 =	sshll.u32 s0, $0x7;
	s5 =	simm.s32 @!p0 $0x0  }
0x67: {  	s6 =	sadd.s32 s2, s6;
	s0 =	sand.u32 $0x380, s0;
	s5 =	ssub.s32 s17, s5  }
0x68: {  	s0 =	sor.u32 s0, s6;
	s5 =	sshll.u32 s5, $0xF  }
0x69: {  	s0 =	sadd.s32 s5, s0  }
0x6a: {  	s0 =	sshrl.u32 s0, $0x3  }
0x6b: {  	s6 =	rddreg [dreg:$0x4];
	s0 =	sadd.s32 s1, s0  }
0x6c: {  	[tilespmem:s6], [sflag:$0x1] =	stream.strided.gather [hbm4b:s0+s19], $0x400, s20, s19, $0x38;
	[tilespmem:$0x1A80] =	vst v63  }
0x6d: {  	s0 =	spop (v2sf)  }
0x6e: {  	s5 =	sxor.u32 $0x80000000, s0  }
0x6f: {  	s17 =	sshra.s32 s5, $0x1F  }
0x70: {  	s6 =	sshrl.u32 s17, $0x1D  }
0x71: {  	s6 =	sadd.s32 s6, s5  }
0x72: {  	p3 =	sgt.s32 s0, $0xFFFFFFFF;
	p4 =	slt.s32 s5, $0x1;
	s17 =	sand.u32 $0xFFFFFFF8, s6  }
0x73: {  	p0 =	por p3, p4;
	p5 =	sne.s32 s5, s17  }
0x74: {  	s6 =	sshrl.u32 s6, $0x3;
	p0 =	por !p0, !p5  }
0x75: {  	s0 =	ssub.s32 s5, s17;
	s5 =	simm.s32 $0x1;
	p0 =	por !p0, !p0  }
0x76: {  	s17 =	sand.u32 $0xFFFFFC00, s0;
	s0 =	sshll.u32 s0, $0x7;
	s5 =	simm.s32 @!p0 $0x0  }
0x77: {  	s2 =	sadd.s32 s2, s17;
	s0 =	sand.u32 $0x380, s0;
	s5 =	ssub.s32 s6, s5  }
0x78: {  	s0 =	sor.u32 s0, s2;
	s5 =	sshll.u32 s5, $0xF  }
0x79: {  	s0 =	sadd.s32 s5, s0  }
0x7a: {  	s0 =	sshrl.u32 s0, $0x3  }
0x7b: {  	s17 =	rddreg [dreg:$0x5];
	p0 =	seq.s32 s28, $0x0;
	s0 =	sadd.s32 s1, s0  }
0x7c: {  	[tilespmem:s17], [sflag:$0x1] =	stream.strided.gather [hbm4b:s0+s19], $0x400, s20, s19, $0x38;
	[tilespmem:$0x1A80] =	vst v63  }
0x7d: {  	s0 =	simm.s32 @!p0 $0x2  }
0x7e: {  	_ =	swait.ge @!p0 [sflag:s0], $0x400  }
0x7f: {  	[sflag:s0] =	ssyncset.done @!p0 $0x0  }
0x80: {  	[sflag:s0] =	ssyncadd.s32 @!p0 $0xFFFFFC00  }
0x81: {  	v0 =	vld [tilespmem:$0x0]  }
0x82: {  	v2 =	vld [tilespmem:$0x400];
	_ =	sdelay $0x2  }
0x83: {  	v3 =	vld [tilespmem:$0x10]  }
0x84: {  	v4 =	vld [tilespmem:$0x410];
	v0 =	vmul.f32 v0, v1  }
0x85: {  	v5 =	vld [tilespmem:$0x20];
	v2 =	vmul.f32 v2, v1  }
0x86: {  	v6 =	vld [tilespmem:$0x420];
	v0 =	vmul.f32 $1.442695020e+00, v0  }
0x87: {  	v2 =	vmul.f32 $1.442695020e+00, v2  }
0x88: {  	(erf) = vpow2.f32 v0;
	v0 =	vmul.f32 v3, v1  }
0x89: {  	v3 =	vld [tilespmem:$0x30];
	(erf) = vpow2.f32 v2;
	v2 =	vmul.f32 v4, v1  }
0x8a: {  	v43 =	vmul.f32 v5, v1;
	v0 =	vmul.f32 $1.442695020e+00, v0;
	v44 =	vld [tilespmem:$0x430]  }
0x8b: {  	v6 =	vmul.f32 v6, v1;
	v7 =	vld [tilespmem:$0x40];
	v2 =	vmul.f32 $1.442695020e+00, v2  }
0x8c: {  	v45 =	vld [tilespmem:$0x440];
	(erf) = vpow2.f32 v0;
	v0 =	vmul.f32 $1.442695020e+00, v43  }
0x8d: {  	(erf) = vpow2.f32 v2;
	v2 =	vmul.f32 $1.442695020e+00, v6  }
0x8e: {  	(erf) = vpow2.f32 v0;
	v0 =	vmul.f32 v3, v1  }
0x8f: {  	v3 =	vld [tilespmem:$0x50];
	(erf) = vpow2.f32 v2;
	v2 =	vmul.f32 v44, v1  }
0x90: {  	v47 =	vld [tilespmem:$0x450];
	v46 =	vmul.f32 v7, v1;
	v0 =	vmul.f32 $1.442695020e+00, v0  }
0x91: {  	v48 =	vld [tilespmem:$0x60];
	v4 =	vmul.f32 v45, v1;
	v2 =	vmul.f32 $1.442695020e+00, v2  }
0x92: {  	v49 =	vld [tilespmem:$0x460];
	(erf) = vpow2.f32 v0;
	v0 =	vmul.f32 $1.442695020e+00, v46  }
0x93: {  	(erf) = vpow2.f32 v2;
	v2 =	vmul.f32 $1.442695020e+00, v4  }
0x94: {  	(erf) = vpow2.f32 v0;
	v0 =	vmul.f32 v3, v1  }
0x95: {  	v3 =	vld [tilespmem:$0x70];
	(erf) = vpow2.f32 v2;
	v2 =	vmul.f32 v47, v1  }
0x96: {  	v51 =	vld [tilespmem:$0x470];
	v50 =	vmul.f32 v48, v1;
	v0 =	vmul.f32 $1.442695020e+00, v0  }
0x97: {  	v52 =	vld [tilespmem:$0x80];
	v5 =	vmul.f32 v49, v1;
	v2 =	vmul.f32 $1.442695020e+00, v2  }
0x98: {  	v53 =	vld [tilespmem:$0x480];
	(erf) = vpow2.f32 v0;
	v0 =	vmul.f32 $1.442695020e+00, v50  }
0x99: {  	(erf) = vpow2.f32 v2;
	v2 =	vmul.f32 $1.442695020e+00, v5  }
0x9a: {  	v9 =	vpop (erf);
	(erf) = vpow2.f32 v0;
	v0 =	vmul.f32 v3, v1  }
0x9b: {  	v10 =	vpop (erf);
	v3 =	vld [tilespmem:$0x90];
	(erf) = vpow2.f32 v2;
	v2 =	vmul.f32 v51, v1  }
0x9c: {  	v55 =	vld [tilespmem:$0x490];
	v54 =	vmul.f32 v52, v1;
	v0 =	vmul.f32 $1.442695020e+00, v0  }
0x9d: {  	v56 =	vld [tilespmem:$0xA0];
	v4 =	vmul.f32 v53, v1;
	v11 =	vpop (erf);
	v2 =	vmul.f32 $1.442695020e+00, v2  }
0x9e: {  	v57 =	vld [tilespmem:$0x4A0];
	v13 =	vpop (erf);
	(erf) = vpow2.f32 v0;
	v0 =	vmul.f32 $1.442695020e+00, v54  }
0x9f: {  	v12 =	vpop (erf);
	(erf) = vpow2.f32 v2;
	v2 =	vmul.f32 $1.442695020e+00, v4  }
0xa0: {  	v58 =	vpop (erf);
	(erf) = vpow2.f32 v0;
	v0 =	vmul.f32 v3, v1  }
0xa1: {  	v3 =	vld [tilespmem:$0xB0];
	(erf) = vpow2.f32 v2;
	v2 =	vmul.f32 v55, v1  }
0xa2: {  	v60 =	vld [tilespmem:$0x4B0];
	v59 =	vmul.f32 v56, v1;
	v0 =	vmul.f32 $1.442695020e+00, v0  }
0xa3: {  	v62 =	vld [tilespmem:$0xC0];
	v5 =	vmul.f32 v57, v1;
	v61 =	vpop (erf);
	v2 =	vmul.f32 $1.442695020e+00, v2  }
0xa4: {  	v63 =	vld [tilespmem:$0x4C0];
	v8 =	vpop (erf);
	(erf) = vpow2.f32 v0;
	v0 =	vmul.f32 $1.442695020e+00, v59  }
0xa5: {  	(erf) = vpow2.f32 v2;
	v2 =	vmul.f32 $1.442695020e+00, v5  }
0xa6: {  	v14 =	vpop (erf);
	(erf) = vpow2.f32 v0;
	v0 =	vmul.f32 v3, v1  }
0xa7: {  	v15 =	vpop (erf);
	v3 =	vld [tilespmem:$0xD0];
	(erf) = vpow2.f32 v2;
	v2 =	vmul.f32 v60, v1  }
0xa8: {  	v17 =	vld [tilespmem:$0x4D0];
	v16 =	vmul.f32 v62, v1;
	v0 =	vmul.f32 $1.442695020e+00, v0  }
0xa9: {  	v19 =	vld [tilespmem:$0xE0];
	v4 =	vmul.f32 v63, v1;
	v18 =	vpop (erf);
	v2 =	vmul.f32 $1.442695020e+00, v2  }
0xaa: {  	v21 =	vld [tilespmem:$0x4E0];
	v20 =	vpop (erf);
	(erf) = vpow2.f32 v0;
	v0 =	vmul.f32 $1.442695020e+00, v16  }
0xab: {  	(erf) = vpow2.f32 v2;
	v2 =	vmul.f32 $1.442695020e+00, v4  }
0xac: {  	v22 =	vpop (erf);
	(erf) = vpow2.f32 v0;
	v0 =	vmul.f32 v3, v1  }
0xad: {  	v23 =	vpop (erf);
	v3 =	vld [tilespmem:$0xF0];
	(erf) = vpow2.f32 v2;
	v2 =	vmul.f32 v17, v1  }
0xae: {  	v25 =	vld [tilespmem:$0x4F0];
	v24 =	vmul.f32 v19, v1;
	v0 =	vmul.f32 $1.442695020e+00, v0  }
0xaf: {  	v27 =	vld [tilespmem:$0x100];
	v5 =	vmul.f32 v21, v1;
	v2 =	vmul.f32 $1.442695020e+00, v2  }
0xb0: {  	v29 =	vld [tilespmem:$0x500];
	v26 =	vpop (erf);
	(erf) = vpow2.f32 v0;
	v0 =	vmul.f32 $1.442695020e+00, v24  }
0xb1: {  	v28 =	vpop (erf);
	(erf) = vpow2.f32 v2;
	v2 =	vmul.f32 $1.442695020e+00, v5  }
0xb2: {  	v30 =	vpop (erf);
	(erf) = vpow2.f32 v0;
	v0 =	vmul.f32 v3, v1  }
0xb3: {  	v17 =	vpop (erf);
	v3 =	vld [tilespmem:$0x110];
	(erf) = vpow2.f32 v2;
	v2 =	vmul.f32 v25, v1  }
0xb4: {  	v32 =	vld [tilespmem:$0x510];
	v31 =	vmul.f32 v27, v1;
	v0 =	vmul.f32 $1.442695020e+00, v0  }
0xb5: {  	v34 =	vld [tilespmem:$0x120];
	v4 =	vmul.f32 v29, v1;
	v2 =	vmul.f32 $1.442695020e+00, v2  }
0xb6: {  	v35 =	vld [tilespmem:$0x520];
	v33 =	vpop (erf);
	(erf) = vpow2.f32 v0;
	v0 =	vmul.f32 $1.442695020e+00, v31  }
0xb7: {  	[tilespmem:$0x1FD60] =	vst v18;
	v18 =	vpop (erf);
	(erf) = vpow2.f32 v2;
	v2 =	vmul.f32 $1.442695020e+00, v4  }
0xb8: {  	v36 =	vpop (erf);
	(erf) = vpow2.f32 v0;
	v0 =	vmul.f32 v3, v1  }
0xb9: {  	v19 =	vpop (erf);
	v3 =	vld [tilespmem:$0x130];
	(erf) = vpow2.f32 v2;
	v2 =	vmul.f32 v32, v1  }
0xba: {  	v38 =	vld [tilespmem:$0x530];
	v37 =	vmul.f32 v34, v1;
	v0 =	vmul.f32 $1.442695020e+00, v0  }
0xbb: {  	v40 =	vld [tilespmem:$0x140];
	v5 =	vmul.f32 v35, v1;
	v2 =	vmul.f32 $1.442695020e+00, v2  }
0xbc: {  	v41 =	vld [tilespmem:$0x540];
	v39 =	vpop (erf);
	(erf) = vpow2.f32 v0;
	v0 =	vmul.f32 $1.442695020e+00, v37  }
0xbd: {  	[tilespmem:$0x1FD70] =	vst v20;
	v20 =	vpop (erf);
	(erf) = vpow2.f32 v2;
	v2 =	vmul.f32 $1.442695020e+00, v5  }
0xbe: {  	v42 =	vpop (erf);
	(erf) = vpow2.f32 v0;
	v0 =	vmul.f32 v3, v1  }
0xbf: {  	v43 =	vpop (erf);
	v3 =	vld [tilespmem:$0x150];
	(erf) = vpow2.f32 v2;
	v2 =	vmul.f32 v38, v1  }
0xc0: {  	v44 =	vmul.f32 v40, v1;
	v45 =	vld [tilespmem:$0x550];
	v0 =	vmul.f32 $1.442695020e+00, v0  }
0xc1: {  	v47 =	vld [tilespmem:$0x160];
	v4 =	vmul.f32 v41, v1;
	v46 =	vpop (erf);
	v2 =	vmul.f32 $1.442695020e+00, v2  }
0xc2: {  	v48 =	vld [tilespmem:$0x560];
	v24 =	vpop (erf);
	(erf) = vpow2.f32 v0;
	v0 =	vmul.f32 $1.442695020e+00, v44  }
0xc3: {  	v49 =	vpop (erf);
	(erf) = vpow2.f32 v2;
	v2 =	vmul.f32 $1.442695020e+00, v4  }
0xc4: {  	v21 =	vpop (erf);
	(erf) = vpow2.f32 v0;
	v0 =	vmul.f32 v3, v1  }
0xc5: {  	v3 =	vld [tilespmem:$0x170];
	(erf) = vpow2.f32 v2;
	v2 =	vmul.f32 v45, v1  }
0xc6: {  	v50 =	vmul.f32 v47, v1;
	v51 =	vld [tilespmem:$0x570];
	v0 =	vmul.f32 $1.442695020e+00, v0  }
0xc7: {  	v52 =	vld [tilespmem:$0x180];
	v5 =	vmul.f32 v48, v1;
	v2 =	vmul.f32 $1.442695020e+00, v2  }
0xc8: {  	v53 =	vld [tilespmem:$0x580];
	[tilespmem:$0x1FD80] =	vst v22;
	v22 =	vpop (erf);
	(erf) = vpow2.f32 v0;
	v0 =	vmul.f32 $1.442695020e+00, v50  }
0xc9: {  	v34 =	vpop (erf);
	(erf) = vpow2.f32 v2;
	v2 =	vmul.f32 $1.442695020e+00, v5  }
0xca: {  	[tilespmem:$0x1FD90] =	vst v23;
	v23 =	vpop (erf);
	(erf) = vpow2.f32 v0;
	v0 =	vmul.f32 v3, v1  }
0xcb: {  	v35 =	vpop (erf);
	v3 =	vld [tilespmem:$0x190];
	(erf) = vpow2.f32 v2;
	v2 =	vmul.f32 v51, v1  }
0xcc: {  	v54 =	vmul.f32 v52, v1;
	v55 =	vld [tilespmem:$0x590];
	v0 =	vmul.f32 $1.442695020e+00, v0  }
0xcd: {  	v56 =	vld [tilespmem:$0x1A0];
	[tilespmem:$0x1FDE0] =	vst v36;
	v4 =	vmul.f32 v53, v1;
	v36 =	vpop (erf);
	v2 =	vmul.f32 $1.442695020e+00, v2  }
0xce: {  	v57 =	vld [tilespmem:$0x5A0];
	v38 =	vpop (erf);
	(erf) = vpow2.f32 v0;
	v0 =	vmul.f32 $1.442695020e+00, v54  }
0xcf: {  	v37 =	vpop (erf);
	(erf) = vpow2.f32 v2;
	v2 =	vmul.f32 $1.442695020e+00, v4  }
0xd0: {  	(erf) = vpow2.f32 v0;
	v0 =	vmul.f32 v3, v1  }
0xd1: {  	[tilespmem:$0x1FDF0] =	vst v39;
	v39 =	vpop (erf);
	v3 =	vld [tilespmem:$0x1B0];
	(erf) = vpow2.f32 v2;
	v2 =	vmul.f32 v55, v1  }
0xd2: {  	[tilespmem:$0x1FD10] =	vst v58;
	v58 =	vmul.f32 v56, v1;
	v59 =	vld [tilespmem:$0x5B0];
	v0 =	vmul.f32 $1.442695020e+00, v0  }
0xd3: {  	[tilespmem:$0x1FD20] =	vst v61;
	v60 =	vld [tilespmem:$0x1C0];
	v5 =	vmul.f32 v57, v1;
	v40 =	vpop (erf);
	v2 =	vmul.f32 $1.442695020e+00, v2  }
0xd4: {  	v61 =	vld [tilespmem:$0x5C0];
	[tilespmem:$0x1FE00] =	vst v42;
	v42 =	vpop (erf);
	(erf) = vpow2.f32 v0;
	v0 =	vmul.f32 $1.442695020e+00, v58  }
0xd5: {  	v41 =	vpop (erf);
	(erf) = vpow2.f32 v2;
	v2 =	vmul.f32 $1.442695020e+00, v5  }
0xd6: {  	[tilespmem:$0x1FE10] =	vst v43;
	v43 =	vpop (erf);
	(erf) = vpow2.f32 v0;
	v0 =	vmul.f32 v3, v1  }
0xd7: {  	v3 =	vld [tilespmem:$0x1D0];
	(erf) = vpow2.f32 v2;
	v2 =	vmul.f32 v59, v1  }
0xd8: {  	[tilespmem:$0x1FD40] =	vst v14;
	v63 =	vld [tilespmem:$0x5D0];
	v62 =	vmul.f32 v60, v1;
	v0 =	vmul.f32 $1.442695020e+00, v0  }
0xd9: {  	v14 =	vld [tilespmem:$0x1E0];
	[tilespmem:$0x1FD50] =	vst v15;
	v4 =	vmul.f32 v61, v1;
	v44 =	vpop (erf);
	v2 =	vmul.f32 $1.442695020e+00, v2  }
0xda: {  	v15 =	vld [tilespmem:$0x5E0];
	[tilespmem:$0x1FE20] =	vst v46;
	v46 =	vpop (erf);
	(erf) = vpow2.f32 v0;
	v0 =	vmul.f32 $1.442695020e+00, v62  }
0xdb: {  	(erf) = vpow2.f32 v2;
	v2 =	vmul.f32 $1.442695020e+00, v4  }
0xdc: {  	v45 =	vpop (erf);
	(erf) = vpow2.f32 v0;
	v0 =	vmul.f32 v3, v1  }
0xdd: {  	v47 =	vpop (erf);
	v3 =	vld [tilespmem:$0x1F0];
	(erf) = vpow2.f32 v2;
	v2 =	vmul.f32 v63, v1  }
0xde: {  	v16 =	vmul.f32 v14, v1;
	v25 =	vld [tilespmem:$0x5F0];
	v0 =	vmul.f32 $1.442695020e+00, v0  }
0xdf: {  	[tilespmem:$0x1FDA0] =	vst v26;
	v26 =	vld [tilespmem:$0x200];
	v5 =	vmul.f32 v15, v1;
	v48 =	vpop (erf);
	v2 =	vmul.f32 $1.442695020e+00, v2  }
0xe0: {  	v27 =	vld [tilespmem:$0x600];
	v50 =	vpop (erf);
	(erf) = vpow2.f32 v0;
	v0 =	vmul.f32 $1.442695020e+00, v16  }
0xe1: {  	(erf) = vpow2.f32 v2;
	v2 =	vmul.f32 $1.442695020e+00, v5  }
0xe2: {  	[tilespmem:$0x1FE30] =	vst v49;
	v49 =	vpop (erf);
	(erf) = vpow2.f32 v0;
	v0 =	vmul.f32 v3, v1  }
0xe3: {  	v51 =	vpop (erf);
	v3 =	vld [tilespmem:$0x210];
	(erf) = vpow2.f32 v2;
	v2 =	vmul.f32 v25, v1  }
0xe4: {  	[tilespmem:$0x1FDB0] =	vst v28;
	v29 =	vld [tilespmem:$0x610];
	v28 =	vmul.f32 v26, v1;
	v0 =	vmul.f32 $1.442695020e+00, v0  }
0xe5: {  	[tilespmem:$0x1FDC0] =	vst v30;
	v30 =	vld [tilespmem:$0x220];
	v4 =	vmul.f32 v27, v1;
	v2 =	vmul.f32 $1.442695020e+00, v2  }
0xe6: {  	[tilespmem:$0x1FDD0] =	vst v33;
	v31 =	vld [tilespmem:$0x620];
	v33 =	vpop (erf);
	(erf) = vpow2.f32 v0;
	v0 =	vmul.f32 $1.442695020e+00, v28  }
0xe7: {  	v53 =	vpop (erf);
	(erf) = vpow2.f32 v2;
	v2 =	vmul.f32 $1.442695020e+00, v4  }
0xe8: {  	v52 =	vpop (erf);
	(erf) = vpow2.f32 v0;
	v0 =	vmul.f32 v3, v1  }
0xe9: {  	v54 =	vpop (erf);
	v3 =	vld [tilespmem:$0x230];
	(erf) = vpow2.f32 v2;
	v2 =	vmul.f32 v29, v1  }
0xea: {  	v60 =	vld [tilespmem:$0x630];
	v32 =	vmul.f32 v30, v1;
	v0 =	vmul.f32 $1.442695020e+00, v0  }
0xeb: {  	v61 =	vld [tilespmem:$0x240];
	v5 =	vmul.f32 v31, v1;
	v2 =	vmul.f32 $1.442695020e+00, v2  }
0xec: {  	v62 =	vld [tilespmem:$0x640];
	v55 =	vpop (erf);
	(erf) = vpow2.f32 v0;
	v0 =	vmul.f32 $1.442695020e+00, v32  }
0xed: {  	v57 =	vpop (erf);
	(erf) = vpow2.f32 v2;
	v2 =	vmul.f32 $1.442695020e+00, v5  }
0xee: {  	v56 =	vpop (erf);
	(erf) = vpow2.f32 v0;
	v0 =	vmul.f32 v3, v1  }
0xef: {  	v58 =	vpop (erf);
	v3 =	vld [tilespmem:$0x250];
	(erf) = vpow2.f32 v2;
	v2 =	vmul.f32 v60, v1  }
0xf0: {  	v14 =	vld [tilespmem:$0x650];
	v63 =	vmul.f32 v61, v1;
	v0 =	vmul.f32 $1.442695020e+00, v0  }
0xf1: {  	v15 =	vld [tilespmem:$0x260];
	v4 =	vmul.f32 v62, v1;
	v2 =	vmul.f32 $1.442695020e+00, v2  }
0xf2: {  	v16 =	vld [tilespmem:$0x660];
	v59 =	vpop (erf);
	(erf) = vpow2.f32 v0;
	v0 =	vmul.f32 $1.442695020e+00, v63  }
0xf3: {  	v61 =	vpop (erf);
	(erf) = vpow2.f32 v2;
	v2 =	vmul.f32 $1.442695020e+00, v4  }
0xf4: {  	v60 =	vpop (erf);
	(erf) = vpow2.f32 v0;
	v0 =	vmul.f32 v3, v1  }
0xf5: {  	v62 =	vpop (erf);
	v3 =	vld [tilespmem:$0x270];
	(erf) = vpow2.f32 v2;
	v2 =	vmul.f32 v14, v1  }
0xf6: {  	v26 =	vld [tilespmem:$0x670];
	v25 =	vmul.f32 v15, v1;
	v0 =	vmul.f32 $1.442695020e+00, v0  }
0xf7: {  	v27 =	vld [tilespmem:$0x280];
	v5 =	vmul.f32 v16, v1;
	v2 =	vmul.f32 $1.442695020e+00, v2  }
0xf8: {  	v63 =	vpop (erf);
	v14 =	vld [tilespmem:$0x680];
	(erf) = vpow2.f32 v0;
	v0 =	vmul.f32 $1.442695020e+00, v25  }
0xf9: {  	v31 =	vpop (erf);
	(erf) = vpow2.f32 v2;
	v2 =	vmul.f32 $1.442695020e+00, v5  }
0xfa: {  	v32 =	vpop (erf);
	(erf) = vpow2.f32 v0;
	v0 =	vmul.f32 v3, v1  }
0xfb: {  	v30 =	vpop (erf);
	v3 =	vld [tilespmem:$0x290];
	(erf) = vpow2.f32 v2;
	v2 =	vmul.f32 v26, v1  }
0xfc: {  	v15 =	vmul.f32 v27, v1;
	v16 =	vld [tilespmem:$0x690];
	v0 =	vmul.f32 $1.442695020e+00, v0  }
0xfd: {  	v4 =	vmul.f32 v14, v1;
	v14 =	vld [tilespmem:$0x2A0];
	v2 =	vmul.f32 $1.442695020e+00, v2  }
0xfe: {  	v29 =	vpop (erf);
	(erf) = vpow2.f32 v0;
	v0 =	vmul.f32 $1.442695020e+00, v15  }
0xff: {  	v27 =	vpop (erf);
	(erf) = vpow2.f32 v2;
	v2 =	vmul.f32 $1.442695020e+00, v4  }
0x100: {  	v28 =	vpop (erf);
	v15 =	vld [tilespmem:$0x6A0];
	(erf) = vpow2.f32 v0;
	v0 =	vmul.f32 v3, v1  }
0x101: {  	v26 =	vpop (erf);
	v3 =	vld [tilespmem:$0x2B0];
	(erf) = vpow2.f32 v2;
	v2 =	vmul.f32 v16, v1  }
0x102: {  	v16 =	vmul.f32 v14, v1;
	v0 =	vmul.f32 $1.442695020e+00, v0  }
0x103: {  	v2 =	vmul.f32 $1.442695020e+00, v2  }
0x104: {  	v25 =	vpop (erf);
	(erf) = vpow2.f32 v0;
	v0 =	vmul.f32 $1.442695020e+00, v16  }
0x105: {  	v5 =	vmul.f32 v15, v1;
	v15 =	vpop (erf);
	(erf) = vpow2.f32 v2  }
0x106: {  	v6 =	vld [tilespmem:$0x6B0];
	v16 =	vpop (erf);
	(erf) = vpow2.f32 v0;
	v0 =	vmul.f32 v3, v1;
	v3 =	vsub.f32 v9, v10  }
0x107: {  	[tilespmem:$0x1FD30] =	vst v8;
	v8 =	vld [tilespmem:$0x6C0]  }
0x108: {  	[tilespmem:$0x1000] =	vst v3;
	v3 =	vld [tilespmem:$0x1FD10];
	_ =	sdelay $0x1  }
0x109: {  	v4 =	vsub.f32 v11, v13;
	v2 =	vmul.f32 $1.442695020e+00, v5  }
0x10a: {  	v7 =	vld [tilespmem:$0x2C0]  }
0x10b: {  	[tilespmem:$0x1010] =	vst v4;
	v4 =	vld [tilespmem:$0x1FD20];
	v14 =	vpop (erf);
	(erf) = vpow2.f32 v2  }
0x10c: {  	v2 =	vmul.f32 v6, v1;
	v6 =	vmul.f32 v8, v1;
	v8 =	vld [tilespmem:$0x1FD50];
	v3 =	vsub.f32 v12, v3  }
0x10d: {  	v12 =	vld [tilespmem:$0x1FD30]  }
0x10e: {  	[tilespmem:$0x1020] =	vst v3;
	v3 =	vld [tilespmem:$0x1FD40]  }
0x10f: {  	v0 =	vmul.f32 $1.442695020e+00, v0  }
0x110: {  	v2 =	vmul.f32 $1.442695020e+00, v2  }
0x111: {  	v13 =	vpop (erf);
	(erf) = vpow2.f32 v0  }
0x112: {  	v4 =	vsub.f32 v4, v12;
	v12 =	vpop (erf);
	(erf) = vpow2.f32 v2;
	v2 =	vld [tilespmem:$0x1FD60]  }
0x113: {  	v5 =	vmul.f32 v7, v1;
	v3 =	vsub.f32 v3, v8;
	v8 =	vld [tilespmem:$0x1FD70];
	_ =	sdelay $0x1  }
0x114: {  	v0 =	vmul.f32 $1.442695020e+00, v5;
	_ =	sdelay $0x1  }
0x115: {  	v11 =	vpop (erf);
	(erf) = vpow2.f32 v0;
	v0 =	vld [tilespmem:$0x1FD80]  }
0x116: {  	[tilespmem:$0x1030] =	vst v4;
	v4 =	vsub.f32 v2, v8;
	v2 =	vld [tilespmem:$0x1FD90];
	_ =	sdelay $0x4  }
0x117: {  	[tilespmem:$0x1040] =	vst v3;
	v3 =	vsub.f32 v0, v2;
	v0 =	vld [tilespmem:$0x1FDA0]  }
0x118: {  	v2 =	vld [tilespmem:$0x1FDB0];
	_ =	sdelay $0x4  }
0x119: {  	[tilespmem:$0x1050] =	vst v4;
	v4 =	vsub.f32 v0, v2;
	v0 =	vld [tilespmem:$0x1FDC0]  }
0x11a: {  	v10 =	vld [tilespmem:$0x6D0];
	_ =	sdelay $0x1  }
0x11b: {  	v9 =	vld [tilespmem:$0x2D0]  }
0x11c: {  	v6 =	vmul.f32 $1.442695020e+00, v6  }
0x11d: {  	[tilespmem:$0x1060] =	vst v3;
	v3 =	vsub.f32 v0, v17  }
0x11e: {  	v8 =	vpop (erf);
	(erf) = vpow2.f32 v6;
	v6 =	vmul.f32 v10, v1;
	v10 =	vld [tilespmem:$0x2F0]  }
0x11f: {  	[tilespmem:$0x1080] =	vst v3;
	v3 =	vld [tilespmem:$0x1FDE0]  }
0x120: {  	v9 =	vmul.f32 v9, v1;
	[tilespmem:$0x1070] =	vst v4;
	v4 =	vld [tilespmem:$0x1FDD0];
	_ =	sdelay $0x1  }
0x121: {  	v9 =	vmul.f32 $1.442695020e+00, v9  }
0x122: {  	v6 =	vmul.f32 $1.442695020e+00, v6  }
0x123: {  	v17 =	vpop (erf);
	(erf) = vpow2.f32 v9;
	v3 =	vsub.f32 v3, v19  }
0x124: {  	v4 =	vsub.f32 v4, v18;
	v18 =	vpop (erf);
	(erf) = vpow2.f32 v6;
	v6 =	vmul.f32 v10, v1;
	v10 =	vld [tilespmem:$0x1FE10]  }
0x125: {  	[tilespmem:$0x10A0] =	vst v3;
	v3 =	vld [tilespmem:$0x1FE00]  }
0x126: {  	v7 =	vld [tilespmem:$0x2E0]  }
0x127: {  	v5 =	vld [tilespmem:$0x6E0]  }
0x128: {  	v2 =	vld [tilespmem:$0x6F0]  }
0x129: {  	v0 =	vld [tilespmem:$0x300]  }
0x12a: {  	v9 =	vld [tilespmem:$0x700];
	v3 =	vsub.f32 v3, v10  }
0x12b: {  	[tilespmem:$0x1090] =	vst v4;
	v4 =	vld [tilespmem:$0x1FDF0]  }
0x12c: {  	v7 =	vmul.f32 v7, v1;
	[tilespmem:$0x10C0] =	vst v3;
	v3 =	vld [tilespmem:$0x1FE30]  }
0x12d: {  	v5 =	vmul.f32 v5, v1;
	v2 =	vmul.f32 v2, v1;
	v10 =	vld [tilespmem:$0x1FE20]  }
0x12e: {  	v7 =	vmul.f32 $1.442695020e+00, v7  }
0x12f: {  	v5 =	vmul.f32 $1.442695020e+00, v5;
	v2 =	vmul.f32 $1.442695020e+00, v2  }
0x130: {  	v6 =	vmul.f32 $1.442695020e+00, v6;
	v19 =	vpop (erf);
	(erf) = vpow2.f32 v7;
	v7 =	vld [tilespmem:$0x710];
	v4 =	vsub.f32 v4, v20  }
0x131: {  	v0 =	vmul.f32 v0, v1;
	v20 =	vpop (erf);
	(erf) = vpow2.f32 v5;
	v5 =	vld [tilespmem:$0x310];
	v3 =	vsub.f32 v3, v21  }
0x132: {  	v9 =	vmul.f32 v9, v1;
	[tilespmem:$0x10B0] =	vst v4;
	v4 =	vsub.f32 v10, v24;
	v24 =	vsub.f32 v22, v34;
	v34 =	vld [tilespmem:$0x720]  }
0x133: {  	v0 =	vmul.f32 $1.442695020e+00, v0;
	v10 =	vld [tilespmem:$0x320];
	v21 =	vpop (erf);
	(erf) = vpow2.f32 v6;
	[tilespmem:$0x10E0] =	vst v3;
	v3 =	vsub.f32 v23, v35  }
0x134: {  	v22 =	vpop (erf);
	(erf) = vpow2.f32 v2;
	v2 =	vmul.f32 $1.442695020e+00, v9  }
0x135: {  	v23 =	vpop (erf);
	(erf) = vpow2.f32 v0;
	[tilespmem:$0x1100] =	vst v3;
	v3 =	vsub.f32 v37, v39  }
0x136: {  	[tilespmem:$0x10F0] =	vst v24;
	v0 =	vmul.f32 v5, v1;
	v24 =	vpop (erf);
	(erf) = vpow2.f32 v2  }
0x137: {  	v5 =	vld [tilespmem:$0x330];
	v2 =	vmul.f32 v7, v1;
	v6 =	vmul.f32 v34, v1;
	[tilespmem:$0x1120] =	vst v3;
	v3 =	vsub.f32 v41, v43  }
0x138: {  	v39 =	vsub.f32 v40, v42;
	v0 =	vmul.f32 $1.442695020e+00, v0;
	v40 =	vmul.f32 v10, v1;
	v42 =	vld [tilespmem:$0x730]  }
0x139: {  	v38 =	vsub.f32 v36, v38;
	v10 =	vpop (erf);
	v2 =	vmul.f32 $1.442695020e+00, v2;
	v43 =	vld [tilespmem:$0x340];
	[tilespmem:$0x1140] =	vst v3;
	v3 =	vsub.f32 v45, v47  }
0x13a: {  	v44 =	vsub.f32 v44, v46;
	v46 =	vld [tilespmem:$0x740];
	v35 =	vpop (erf);
	(erf) = vpow2.f32 v0;
	v0 =	vmul.f32 $1.442695020e+00, v40  }
0x13b: {  	v36 =	vpop (erf);
	(erf) = vpow2.f32 v2;
	v2 =	vmul.f32 $1.442695020e+00, v6;
	[tilespmem:$0x1160] =	vst v3;
	v3 =	vsub.f32 v49, v51  }
0x13c: {  	v48 =	vsub.f32 v48, v50;
	v6 =	vpop (erf);
	(erf) = vpow2.f32 v0;
	v0 =	vmul.f32 v5, v1  }
0x13d: {  	(erf) = vpow2.f32 v2;
	v2 =	vmul.f32 v42, v1;
	v49 =	vld [tilespmem:$0x350];
	[tilespmem:$0x1180] =	vst v3;
	v3 =	vsub.f32 v52, v54  }
0x13e: {  	[tilespmem:$0x1110] =	vst v38;
	v50 =	vsub.f32 v33, v53;
	v53 =	vld [tilespmem:$0x750];
	v0 =	vmul.f32 $1.442695020e+00, v0;
	v51 =	vmul.f32 v43, v1  }
0x13f: {  	v7 =	vmul.f32 v46, v1;
	v2 =	vmul.f32 $1.442695020e+00, v2;
	v54 =	vld [tilespmem:$0x360];
	[tilespmem:$0x11A0] =	vst v3;
	v3 =	vsub.f32 v56, v58  }
0x140: {  	[tilespmem:$0x1170] =	vst v48;
	v34 =	vpop (erf);
	v43 =	vld [tilespmem:$0x760];
	(erf) = vpow2.f32 v0;
	v0 =	vmul.f32 $1.442695020e+00, v51  }
0x141: {  	v38 =	vpop (erf);
	(erf) = vpow2.f32 v2;
	v2 =	vmul.f32 $1.442695020e+00, v7;
	[tilespmem:$0x11C0] =	vst v3;
	v3 =	vsub.f32 v60, v62  }
0x142: {  	[tilespmem:$0x1130] =	vst v39;
	v39 =	vpop (erf);
	(erf) = vpow2.f32 v0;
	v0 =	vmul.f32 v49, v1  }
0x143: {  	v45 =	vld [tilespmem:$0x370];
	v7 =	vpop (erf);
	(erf) = vpow2.f32 v2;
	v2 =	vmul.f32 v53, v1;
	[tilespmem:$0x11E0] =	vst v3;
	v3 =	vsub.f32 v32, v30  }
0x144: {  	v48 =	vld [tilespmem:$0x770];
	[tilespmem:$0x1190] =	vst v50;
	v0 =	vmul.f32 $1.442695020e+00, v0;
	v47 =	vmul.f32 v54, v1  }
0x145: {  	v50 =	vld [tilespmem:$0x380];
	v49 =	vpop (erf);
	v9 =	vmul.f32 v43, v1;
	v2 =	vmul.f32 $1.442695020e+00, v2;
	[tilespmem:$0x1200] =	vst v3;
	v3 =	vsub.f32 v28, v26  }
0x146: {  	[tilespmem:$0x1150] =	vst v44;
	v44 =	vsub.f32 v59, v61;
	v52 =	vpop (erf);
	v53 =	vld [tilespmem:$0x780];
	(erf) = vpow2.f32 v0;
	v0 =	vmul.f32 $1.442695020e+00, v47  }
0x147: {  	v54 =	vpop (erf);
	(erf) = vpow2.f32 v2;
	v2 =	vmul.f32 $1.442695020e+00, v9;
	[tilespmem:$0x1220] =	vst v3;
	v3 =	vsub.f32 v16, v14  }
0x148: {  	v42 =	vsub.f32 v55, v57;
	v56 =	vpop (erf);
	(erf) = vpow2.f32 v0;
	v0 =	vmul.f32 v45, v1  }
0x149: {  	v57 =	vld [tilespmem:$0x390];
	(erf) = vpow2.f32 v2;
	v2 =	vmul.f32 v48, v1;
	[tilespmem:$0x1240] =	vst v3;
	v3 =	vsub.f32 v11, v8  }
0x14a: {  	v59 =	vmul.f32 v50, v1;
	v46 =	vsub.f32 v63, v31;
	v60 =	vld [tilespmem:$0x790];
	v0 =	vmul.f32 $1.442695020e+00, v0  }
0x14b: {  	v63 =	vld [tilespmem:$0x3A0];
	v61 =	vpop (erf);
	v62 =	vmul.f32 v53, v1;
	v2 =	vmul.f32 $1.442695020e+00, v2;
	[tilespmem:$0x1260] =	vst v3;
	v3 =	vsub.f32 v19, v20  }
0x14c: {  	v51 =	vsub.f32 v29, v27;
	v29 =	vld [tilespmem:$0x7A0];
	v28 =	vpop (erf);
	(erf) = vpow2.f32 v0;
	v0 =	vmul.f32 $1.442695020e+00, v59  }
0x14d: {  	v31 =	vpop (erf);
	(erf) = vpow2.f32 v2;
	v2 =	vmul.f32 $1.442695020e+00, v62;
	[tilespmem:$0x1280] =	vst v3;
	v3 =	vsub.f32 v23, v24  }
0x14e: {  	v33 =	vpop (erf);
	(erf) = vpow2.f32 v0;
	v0 =	vmul.f32 v57, v1  }
0x14f: {  	v37 =	vpop (erf);
	(erf) = vpow2.f32 v2;
	v2 =	vmul.f32 v60, v1;
	[tilespmem:$0x12A0] =	vst v3;
	v3 =	vsub.f32 v36, v6  }
0x150: {  	[tilespmem:$0x11B0] =	vst v42;
	v58 =	vsub.f32 v13, v12;
	v14 =	vmul.f32 v63, v1;
	v42 =	vpop (erf);
	v0 =	vmul.f32 $1.442695020e+00, v0  }
0x151: {  	v12 =	vmul.f32 v29, v1;
	v43 =	vpop (erf);
	v2 =	vmul.f32 $1.442695020e+00, v2;
	[tilespmem:$0x12C0] =	vst v3;
	v3 =	vsub.f32 v39, v7  }
0x152: {  	[tilespmem:$0x11F0] =	vst v46;
	v45 =	vpop (erf);
	(erf) = vpow2.f32 v0;
	v0 =	vmul.f32 $1.442695020e+00, v14  }
0x153: {  	v40 =	vld [tilespmem:$0x3B0];
	v46 =	vpop (erf);
	(erf) = vpow2.f32 v2;
	v2 =	vmul.f32 $1.442695020e+00, v12;
	[tilespmem:$0x12E0] =	vst v3;
	v3 =	vsub.f32 v54, v56  }
0x154: {  	v47 =	vsub.f32 v49, v52;
	v48 =	vpop (erf);
	(erf) = vpow2.f32 v0  }
0x155: {  	v49 =	vpop (erf);
	(erf) = vpow2.f32 v2;
	v2 =	vsub.f32 v61, v28;
	[tilespmem:$0x1300] =	vst v3;
	v3 =	vsub.f32 v31, v33  }
0x156: {  	[tilespmem:$0x1210] =	vst v51;
	v50 =	vpop (erf)  }
0x157: {  	v55 =	vsub.f32 v25, v15;
	v51 =	vpop (erf);
	[tilespmem:$0x1310] =	vst v2;
	v2 =	vsub.f32 v37, v42  }
0x158: {  	v53 =	vld [tilespmem:$0x7B0];
	v0 =	vmul.f32 v40, v1;
	v52 =	vpop (erf);
	[tilespmem:$0x1320] =	vst v3  }
0x159: {  	[tilespmem:$0x1330] =	vst v2;
	v2 =	vsub.f32 v46, v48;
	v3 =	vpop (erf)  }
0x15a: {  	[tilespmem:$0x1230] =	vst v55;
	v0 =	vmul.f32 $1.442695020e+00, v0;
	v54 =	vpop (erf)  }
0x15b: {  	[tilespmem:$0x1350] =	vst v2;
	v2 =	vsub.f32 v51, v52;
	v55 =	vpop (erf)  }
0x15c: {  	[tilespmem:$0x1250] =	vst v58;
	(erf) = vpow2.f32 v0;
	v0 =	vsub.f32 v43, v45;
	v56 =	vpop (erf)  }
0x15d: {  	v58 =	vmul.f32 v53, v1;
	[tilespmem:$0x1370] =	vst v2;
	v2 =	vsub.f32 v55, v56  }
0x15e: {  	[tilespmem:$0x1340] =	vst v0;
	v0 =	vsub.f32 v49, v50  }
0x15f: {  	[tilespmem:$0x1390] =	vst v2;
	v2 =	vmul.f32 $1.442695020e+00, v58  }
0x160: {  	[tilespmem:$0x1360] =	vst v0;
	v0 =	vsub.f32 v3, v54;
	v3 =	vpop (erf)  }
0x161: {  	v57 =	vpop (erf);
	(erf) = vpow2.f32 v2;
	v2 =	vld [tilespmem:$0x3C0]  }
0x162: {  	[tilespmem:$0x1380] =	vst v0;
	v0 =	vsub.f32 v3, v57;
	v3 =	vld [tilespmem:$0x7C0]  }
0x163: {  	v59 =	vld [tilespmem:$0x3D0]  }
0x164: {  	v60 =	vld [tilespmem:$0x7D0];
	_ =	sdelay $0x1  }
0x165: {  	v2 =	vmul.f32 v2, v1  }
0x166: {  	v61 =	vld [tilespmem:$0x3E0];
	v3 =	vmul.f32 v3, v1  }
0x167: {  	[tilespmem:$0x10D0] =	vst v4;
	v62 =	vld [tilespmem:$0x7E0];
	v4 =	vmul.f32 v59, v1;
	v2 =	vmul.f32 $1.442695020e+00, v2  }
0x168: {  	v63 =	vld [tilespmem:$0x3F0];
	v5 =	vmul.f32 v60, v1;
	v3 =	vmul.f32 $1.442695020e+00, v3  }
0x169: {  	v9 =	vld [tilespmem:$0x7F0];
	(erf) = vpow2.f32 v2;
	v2 =	vmul.f32 $1.442695020e+00, v4  }
0x16a: {  	(erf) = vpow2.f32 v3;
	v3 =	vmul.f32 $1.442695020e+00, v5  }
0x16b: {  	(erf) = vpow2.f32 v2;
	v2 =	vmul.f32 v61, v1  }
0x16c: {  	(erf) = vpow2.f32 v3;
	v3 =	vmul.f32 v62, v1  }
0x16d: {  	v41 =	vsub.f32 v10, v35;
	v10 =	vmul.f32 v63, v1;
	v2 =	vmul.f32 $1.442695020e+00, v2  }
0x16e: {  	v4 =	vmul.f32 v9, v1;
	v3 =	vmul.f32 $1.442695020e+00, v3  }
0x16f: {  	(erf) = vpow2.f32 v2;
	v2 =	vmul.f32 $1.442695020e+00, v10  }
0x170: {  	(erf) = vpow2.f32 v3;
	v3 =	vmul.f32 $1.442695020e+00, v4  }
0x171: {  	(erf) = vpow2.f32 v2  }
0x172: {  	[tilespmem:$0x13A0] =	vst v0;
	v0 =	vpop (erf);
	(erf) = vpow2.f32 v3  }
0x173: {  	v2 =	vpop (erf)  }
0x174: {  	[tilespmem:$0x11D0] =	vst v44;
	v25 =	vsub.f32 v17, v18;
	v3 =	vpop (erf)  }
0x175: {  	[tilespmem:$0x12B0] =	vst v41;
	v44 =	vsub.f32 v34, v38;
	v11 =	vpop (erf)  }
0x176: {  	[tilespmem:$0x1270] =	vst v25;
	v32 =	vsub.f32 v21, v22;
	v12 =	vpop (erf)  }
0x177: {  	[tilespmem:$0x12D0] =	vst v44;
	v3 =	vsub.f32 v3, v11;
	v13 =	vpop (erf)  }
0x178: {  	[tilespmem:$0x1290] =	vst v32;
	v0 =	vsub.f32 v0, v2;
	v2 =	vpop (erf)  }
0x179: {  	[tilespmem:$0x12F0] =	vst v47;
	v14 =	vpop (erf)  }
0x17a: {  	s5 =	sshrl.u32 s31, $0x2;
	[tilespmem:$0x13B0] =	vst v0;
	v0 =	vsub.f32 v12, v13;
	v15 =	vpop (erf)  }
0x17b: {  	s6 =	sshll.u32 s5, $0x9;
	s0 =	sshll.u32 s5, $0x4;
	[tilespmem:$0x13C0] =	vst v3;
	v2 =	vsub.f32 v2, v14;
	v3 =	vpop (erf)  }
0x17c: {  	s2 =	sand.u32 $0xFFFF000, s6;
	s17 =	sand.u32 $0xC00, s25;
	s0 =	sand.u32 $0x70, s0;
	[tilespmem:$0x13D0] =	vst v0;
	v0 =	vsub.f32 v15, v3  }
0x17d: {  	s2 =	sor.u32 s2, s17;
	s0 =	sadd.s32 s3, s0;
	[tilespmem:$0x13E0] =	vst v2  }
0x17e: {  	s6 =	sadd.s32 $0x2, s31;
	s0 =	sadd.s32 s2, s0;
	[tilespmem:$0x13F0] =	vst v0  }
0x17f: {  	[hbm4b:s0+s19] =	stream.strided.scatter [tilespmem:s21], [sflag:$0x2], $0x400, s20, s19, $0x38;
	[tilespmem:$0x1A80] =	vst v63  }
0x180: {  	s0 =	sshrl.u32 s6, $0x2;
	_ =	swait.ge [sflag:s18], $0x400  }
0x181: {  	v0 =	vmov s0;
	[sflag:s18] =	ssyncset.done $0x0  }
0x182: {  	[sflag:s18] =	ssyncadd.s32 $0xFFFFFC00  }
0x183: {  	_ =	swait.ge [sflag:s18], $0x400  }
0x184: {  	[sflag:s18] =	ssyncset.done $0x0  }
0x185: {  	[sflag:s18] =	ssyncadd.s32 $0xFFFFFC00  }
0x186: {  	v2 =	vld.idx.msk [tilespmem:v0+s14+$0x0], $0xffff;
	_ =	sdelay $0x4  }
0x187: {  	v2 =	vxor.u32 $0x80000000, v2  }
0x188: {  	(xrf0) =	vmax.scan.msk.u32 $0xffff, v2;
	_ =	sdelay $0x5  }
0x189: {  	v2, _, _ =	vpop (xrf0)  }
0x18a: {  	(v2sf) =	vpush v2, $0xF;
	_ =	sdelay $0x2  }
0x18b: {  	v0 =	vld.idx.msk [tilespmem:v0+s16+$0x0], $0xffff;
	_ =	sdelay $0x4  }
0x18c: {  	v0 =	vxor.u32 $0x80000000, v0  }
0x18d: {  	(xrf0) =	vmax.scan.msk.u32 $0xffff, v0;
	_ =	sdelay $0x5  }
0x18e: {  	v0, _, _ =	vpop (xrf0);
	s17 =	spop (v2sf)  }
0x18f: {  	(v2sf) =	vpush v0, $0xF;
	s31 =	sxor.u32 $0x80000000, s17  }
0x190: {  	s6 =	sshra.s32 s31, $0x1F  }
0x191: {  	s5 =	sshrl.u32 s6, $0x1D  }
0x192: {  	s5 =	sadd.s32 s5, s31  }
0x193: {  	p6 =	sgt.s32 s17, $0xFFFFFFFF;
	p2 =	slt.s32 s31, $0x1;
	s17 =	sand.u32 $0xFFFFFFF8, s5  }
0x194: {  	p1 =	por p6, p2;
	p3 =	sne.s32 s31, s17  }
0x195: {  	s2 =	sand.u32 $0x6000, s26;
	s6 =	simm.s32 $0x1;
	p1 =	por !p1, !p3  }
0x196: {  	s5 =	sshrl.u32 s5, $0x3;
	s0 =	ssub.s32 s31, s17;
	p1 =	por !p1, !p1  }
0x197: {  	s31 =	sand.u32 $0xFFFFFC00, s0;
	s0 =	sshll.u32 s0, $0x7;
	s6 =	simm.s32 @!p1 $0x0  }
0x198: {  	s31 =	sadd.s32 s2, s31;
	s0 =	sand.u32 $0x380, s0;
	s5 =	ssub.s32 s5, s6  }
0x199: {  	s0 =	sor.u32 s0, s31;
	s5 =	sshll.u32 s5, $0xF  }
0x19a: {  	s0 =	sadd.s32 s5, s0  }
0x19b: {  	s0 =	sshrl.u32 s0, $0x3  }
0x19c: {  	s0 =	sadd.s32 s1, s0  }
0x19d: {  	[tilespmem:s4], [sflag:$0x1] =	stream.strided.gather [hbm4b:s0+s19], $0x400, s20, s19, $0x38;
	[tilespmem:$0x1A80] =	vst v63  }
0x19e: {  	s17 =	spop (v2sf)  }
0x19f: {  	s5 =	sxor.u32 $0x80000000, s17  }
0x1a0: {  	s31 =	sshra.s32 s5, $0x1F  }
0x1a1: {  	s6 =	sshrl.u32 s31, $0x1D  }
0x1a2: {  	s6 =	sadd.s32 s6, s5  }
0x1a3: {  	p4 =	sgt.s32 s17, $0xFFFFFFFF;
	p5 =	slt.s32 s5, $0x1;
	s17 =	sand.u32 $0xFFFFFFF8, s6  }
0x1a4: {  	p1 =	por p4, p5;
	p6 =	sne.s32 s5, s17  }
0x1a5: {  	s6 =	sshrl.u32 s6, $0x3;
	p1 =	por !p1, !p6  }
0x1a6: {  	s0 =	ssub.s32 s5, s17;
	s5 =	simm.s32 $0x1;
	p1 =	por !p1, !p1  }
0x1a7: {  	s31 =	sand.u32 $0xFFFFFC00, s0;
	s0 =	sshll.u32 s0, $0x7;
	s5 =	simm.s32 @!p1 $0x0  }
0x1a8: {  	s2 =	sadd.s32 s2, s31;
	s0 =	sand.u32 $0x380, s0;
	s5 =	ssub.s32 s6, s5  }
0x1a9: {  	s0 =	sor.u32 s0, s2;
	s5 =	sshll.u32 s5, $0xF  }
0x1aa: {  	s0 =	sadd.s32 s5, s0  }
0x1ab: {  	s0 =	sshrl.u32 s0, $0x3  }
0x1ac: {  	s0 =	sadd.s32 s1, s0  }
0x1ad: {  	[tilespmem:s20], [sflag:$0x1] =	stream.strided.gather [hbm4b:s0+s19], $0x400, s20, s19, $0x38;
	[tilespmem:$0x1A80] =	vst v63  }
0x1ae: {  	s0 =	simm.s32 @!p0 $0x3  }
0x1af: {  	_ =	swait.ge @!p0 [sflag:s0], $0x400  }
0x1b0: {  	[sflag:s0] =	ssyncset.done @!p0 $0x0  }
0x1b1: {  	[sflag:s0] =	ssyncadd.s32 @!p0 $0xFFFFFC00  }
0x1b2: {  	v0 =	vld [tilespmem:$0x800]  }
0x1b3: {  	v2 =	vld [tilespmem:$0xC00]  }
0x1b4: {  	v3 =	vld [tilespmem:$0x810]  }
0x1b5: {  	v16 =	vld [tilespmem:$0xC10]  }
0x1b6: {  	v17 =	vld [tilespmem:$0x820]  }
0x1b7: {  	v19 =	vld [tilespmem:$0x830];
	_ =	sdelay $0x1  }
0x1b8: {  	v0 =	vmul.f32 v0, v1  }
0x1b9: {  	v2 =	vmul.f32 v2, v1;
	v3 =	vmul.f32 v3, v1  }
0x1ba: {  	v18 =	vld [tilespmem:$0xC20];
	v4 =	vmul.f32 v16, v1;
	v0 =	vmul.f32 $1.442695020e+00, v0  }
0x1bb: {  	v23 =	vld [tilespmem:$0x850];
	v21 =	vmul.f32 v19, v1;
	v2 =	vmul.f32 $1.442695020e+00, v2  }
0x1bc: {  	(erf) = vpow2.f32 v0;
	v0 =	vmul.f32 $1.442695020e+00, v3;
	v3 =	vld [tilespmem:$0xC30]  }
0x1bd: {  	(erf) = vpow2.f32 v2;
	v2 =	vmul.f32 $1.442695020e+00, v4  }
0x1be: {  	(erf) = vpow2.f32 v0;
	v0 =	vmul.f32 v17, v1  }
0x1bf: {  	v20 =	vld [tilespmem:$0x840];
	(erf) = vpow2.f32 v2;
	v2 =	vmul.f32 v18, v1  }
0x1c0: {  	v22 =	vld [tilespmem:$0xC40];
	v25 =	vmul.f32 v23, v1;
	v0 =	vmul.f32 $1.442695020e+00, v0  }
0x1c1: {  	v24 =	vld [tilespmem:$0xC50];
	v2 =	vmul.f32 $1.442695020e+00, v2;
	v3 =	vmul.f32 v3, v1  }
0x1c2: {  	v27 =	vld [tilespmem:$0x870];
	(erf) = vpow2.f32 v0;
	v0 =	vmul.f32 $1.442695020e+00, v21  }
0x1c3: {  	(erf) = vpow2.f32 v2;
	v2 =	vmul.f32 $1.442695020e+00, v3  }
0x1c4: {  	(erf) = vpow2.f32 v0;
	v0 =	vmul.f32 v20, v1  }
0x1c5: {  	v3 =	vld [tilespmem:$0x860];
	(erf) = vpow2.f32 v2;
	v2 =	vmul.f32 v22, v1  }
0x1c6: {  	v26 =	vld [tilespmem:$0xC60];
	v5 =	vmul.f32 v24, v1;
	v0 =	vmul.f32 $1.442695020e+00, v0  }
0x1c7: {  	v31 =	vld [tilespmem:$0x890];
	v29 =	vmul.f32 v27, v1;
	v2 =	vmul.f32 $1.442695020e+00, v2  }
0x1c8: {  	v28 =	vld [tilespmem:$0xC70];
	(erf) = vpow2.f32 v0;
	v0 =	vmul.f32 $1.442695020e+00, v25  }
0x1c9: {  	(erf) = vpow2.f32 v2;
	v2 =	vmul.f32 $1.442695020e+00, v5  }
0x1ca: {  	(erf) = vpow2.f32 v0;
	v0 =	vmul.f32 v3, v1  }
0x1cb: {  	v3 =	vld [tilespmem:$0x880];
	(erf) = vpow2.f32 v2;
	v2 =	vmul.f32 v26, v1  }
0x1cc: {  	v30 =	vld [tilespmem:$0xC80];
	v33 =	vmul.f32 v31, v1;
	v0 =	vmul.f32 $1.442695020e+00, v0  }
0x1cd: {  	v35 =	vld [tilespmem:$0x8B0];
	v4 =	vmul.f32 v28, v1;
	v9 =	vpop (erf);
	v2 =	vmul.f32 $1.442695020e+00, v2  }
0x1ce: {  	v32 =	vld [tilespmem:$0xC90];
	v10 =	vpop (erf);
	(erf) = vpow2.f32 v0;
	v0 =	vmul.f32 $1.442695020e+00, v29  }
0x1cf: {  	v11 =	vpop (erf);
	(erf) = vpow2.f32 v2;
	v2 =	vmul.f32 $1.442695020e+00, v4  }
0x1d0: {  	(erf) = vpow2.f32 v0;
	v0 =	vmul.f32 v3, v1  }
0x1d1: {  	v12 =	vpop (erf);
	v3 =	vld [tilespmem:$0x8A0];
	(erf) = vpow2.f32 v2;
	v2 =	vmul.f32 v30, v1  }
0x1d2: {  	v34 =	vld [tilespmem:$0xCA0];
	v38 =	vmul.f32 v35, v1;
	v0 =	vmul.f32 $1.442695020e+00, v0  }
0x1d3: {  	v41 =	vld [tilespmem:$0x8D0];
	v5 =	vmul.f32 v32, v1;
	v2 =	vmul.f32 $1.442695020e+00, v2  }
0x1d4: {  	v36 =	vld [tilespmem:$0xCB0];
	v13 =	vpop (erf);
	(erf) = vpow2.f32 v0;
	v0 =	vmul.f32 $1.442695020e+00, v33  }
0x1d5: {  	v15 =	vpop (erf);
	(erf) = vpow2.f32 v2;
	v2 =	vmul.f32 $1.442695020e+00, v5  }
0x1d6: {  	v14 =	vpop (erf);
	(erf) = vpow2.f32 v0;
	v0 =	vmul.f32 v3, v1  }
0x1d7: {  	v37 =	vpop (erf);
	v3 =	vld [tilespmem:$0x8C0];
	(erf) = vpow2.f32 v2;
	v2 =	vmul.f32 v34, v1  }
0x1d8: {  	v39 =	vld [tilespmem:$0xCC0];
	v46 =	vmul.f32 v41, v1;
	v0 =	vmul.f32 $1.442695020e+00, v0  }
0x1d9: {  	v49 =	vld [tilespmem:$0x8F0];
	v4 =	vmul.f32 v36, v1;
	v2 =	vmul.f32 $1.442695020e+00, v2  }
0x1da: {  	v43 =	vld [tilespmem:$0xCD0];
	v40 =	vpop (erf);
	(erf) = vpow2.f32 v0;
	v0 =	vmul.f32 $1.442695020e+00, v38  }
0x1db: {  	v42 =	vpop (erf);
	(erf) = vpow2.f32 v2;
	v2 =	vmul.f32 $1.442695020e+00, v4  }
0x1dc: {  	v44 =	vpop (erf);
	(erf) = vpow2.f32 v0;
	v0 =	vmul.f32 v3, v1  }
0x1dd: {  	v45 =	vpop (erf);
	v3 =	vld [tilespmem:$0x8E0];
	(erf) = vpow2.f32 v2;
	v2 =	vmul.f32 v39, v1  }
0x1de: {  	v47 =	vld [tilespmem:$0xCE0];
	v54 =	vmul.f32 v49, v1;
	v0 =	vmul.f32 $1.442695020e+00, v0  }
0x1df: {  	v57 =	vld [tilespmem:$0x910];
	v5 =	vmul.f32 v43, v1;
	v2 =	vmul.f32 $1.442695020e+00, v2  }
0x1e0: {  	v51 =	vld [tilespmem:$0xCF0];
	v48 =	vpop (erf);
	(erf) = vpow2.f32 v0;
	v0 =	vmul.f32 $1.442695020e+00, v46  }
0x1e1: {  	v50 =	vpop (erf);
	(erf) = vpow2.f32 v2;
	v2 =	vmul.f32 $1.442695020e+00, v5  }
0x1e2: {  	v52 =	vpop (erf);
	(erf) = vpow2.f32 v0;
	v0 =	vmul.f32 v3, v1  }
0x1e3: {  	v53 =	vpop (erf);
	v3 =	vld [tilespmem:$0x900];
	(erf) = vpow2.f32 v2;
	v2 =	vmul.f32 v47, v1  }
0x1e4: {  	v55 =	vld [tilespmem:$0xD00];
	v62 =	vmul.f32 v57, v1;
	v0 =	vmul.f32 $1.442695020e+00, v0  }
0x1e5: {  	v31 =	vld [tilespmem:$0x950];
	v4 =	vmul.f32 v51, v1;
	v2 =	vmul.f32 $1.442695020e+00, v2  }
0x1e6: {  	v59 =	vld [tilespmem:$0xD10];
	v56 =	vpop (erf);
	(erf) = vpow2.f32 v0;
	v0 =	vmul.f32 $1.442695020e+00, v54  }
0x1e7: {  	v58 =	vpop (erf);
	(erf) = vpow2.f32 v2;
	v2 =	vmul.f32 $1.442695020e+00, v4  }
0x1e8: {  	v60 =	vpop (erf);
	(erf) = vpow2.f32 v0;
	v0 =	vmul.f32 v3, v1  }
0x1e9: {  	v61 =	vpop (erf);
	v3 =	vld [tilespmem:$0x920];
	(erf) = vpow2.f32 v2;
	v2 =	vmul.f32 v55, v1  }
0x1ea: {  	v63 =	vld [tilespmem:$0xD20];
	v35 =	vmul.f32 v31, v1;
	v0 =	vmul.f32 $1.442695020e+00, v0  }
0x1eb: {  	v17 =	vld [tilespmem:$0x930];
	v5 =	vmul.f32 v59, v1;
	v2 =	vmul.f32 $1.442695020e+00, v2  }
0x1ec: {  	v19 =	vld [tilespmem:$0xD30];
	v16 =	vpop (erf);
	(erf) = vpow2.f32 v0;
	v0 =	vmul.f32 $1.442695020e+00, v62  }
0x1ed: {  	v18 =	vpop (erf);
	(erf) = vpow2.f32 v2;
	v2 =	vmul.f32 $1.442695020e+00, v5  }
0x1ee: {  	v20 =	vpop (erf);
	(erf) = vpow2.f32 v0;
	v0 =	vmul.f32 v3, v1  }
0x1ef: {  	v21 =	vpop (erf);
	v3 =	vld [tilespmem:$0x940];
	(erf) = vpow2.f32 v2;
	v2 =	vmul.f32 v63, v1  }
0x1f0: {  	v23 =	vld [tilespmem:$0xD40];
	v22 =	vmul.f32 v17, v1;
	v0 =	vmul.f32 $1.442695020e+00, v0  }
0x1f1: {  	v24 =	vld [tilespmem:$0xA50];
	v4 =	vmul.f32 v19, v1;
	v30 =	vpop (erf);
	v2 =	vmul.f32 $1.442695020e+00, v2  }
0x1f2: {  	v33 =	vld [tilespmem:$0xD50];
	v32 =	vpop (erf);
	(erf) = vpow2.f32 v0;
	v0 =	vmul.f32 $1.442695020e+00, v22  }
0x1f3: {  	v34 =	vpop (erf);
	(erf) = vpow2.f32 v2;
	v2 =	vmul.f32 $1.442695020e+00, v4  }
0x1f4: {  	(erf) = vpow2.f32 v0;
	v0 =	vmul.f32 v3, v1  }
0x1f5: {  	v27 =	vpop (erf);
	v3 =	vld [tilespmem:$0x960];
	(erf) = vpow2.f32 v2;
	v2 =	vmul.f32 v23, v1  }
0x1f6: {  	v26 =	vmul.f32 v24, v1;
	v36 =	vld [tilespmem:$0xD60];
	v0 =	vmul.f32 $1.442695020e+00, v0  }
0x1f7: {  	[tilespmem:$0x1FE40] =	vst v37;
	v38 =	vld [tilespmem:$0x970];
	v5 =	vmul.f32 v33, v1;
	v37 =	vpop (erf);
	v2 =	vmul.f32 $1.442695020e+00, v2  }
0x1f8: {  	v39 =	vld [tilespmem:$0xD70];
	v28 =	vpop (erf);
	(erf) = vpow2.f32 v0;
	v0 =	vmul.f32 $1.442695020e+00, v35  }
0x1f9: {  	[tilespmem:$0x1FE50] =	vst v40;
	v40 =	vpop (erf);
	(erf) = vpow2.f32 v2;
	v2 =	vmul.f32 $1.442695020e+00, v5  }
0x1fa: {  	(erf) = vpow2.f32 v0;
	v0 =	vmul.f32 v3, v1  }
0x1fb: {  	v29 =	vpop (erf);
	v3 =	vld [tilespmem:$0x980];
	(erf) = vpow2.f32 v2;
	v2 =	vmul.f32 v36, v1  }
0x1fc: {  	[tilespmem:$0x1FE60] =	vst v42;
	v42 =	vld [tilespmem:$0xD80];
	v41 =	vmul.f32 v38, v1;
	v0 =	vmul.f32 $1.442695020e+00, v0  }
0x1fd: {  	[tilespmem:$0x1FE70] =	vst v44;
	v44 =	vld [tilespmem:$0x990];
	v4 =	vmul.f32 v39, v1;
	v2 =	vmul.f32 $1.442695020e+00, v2  }
0x1fe: {  	[tilespmem:$0x1FE80] =	vst v45;
	v45 =	vld [tilespmem:$0xD90];
	v43 =	vpop (erf);
	(erf) = vpow2.f32 v0;
	v0 =	vmul.f32 $1.442695020e+00, v41  }
0x1ff: {  	[tilespmem:$0x1FF50] =	vst v30;
	v30 =	vpop (erf);
	(erf) = vpow2.f32 v2;
	v2 =	vmul.f32 $1.442695020e+00, v4  }
0x200: {  	v46 =	vpop (erf);
	(erf) = vpow2.f32 v0;
	v0 =	vmul.f32 v3, v1  }
0x201: {  	[tilespmem:$0x1FE90] =	vst v48;
	v47 =	vpop (erf);
	v3 =	vld [tilespmem:$0x9A0];
	(erf) = vpow2.f32 v2;
	v2 =	vmul.f32 v42, v1  }
0x202: {  	v49 =	vld [tilespmem:$0xDA0];
	[tilespmem:$0x1FEA0] =	vst v50;
	v48 =	vmul.f32 v44, v1;
	v0 =	vmul.f32 $1.442695020e+00, v0  }
0x203: {  	[tilespmem:$0x1FEB0] =	vst v52;
	v51 =	vld [tilespmem:$0x9B0];
	v5 =	vmul.f32 v45, v1;
	v50 =	vpop (erf);
	v2 =	vmul.f32 $1.442695020e+00, v2  }
0x204: {  	v52 =	vld [tilespmem:$0xDB0];
	[tilespmem:$0x1FF70] =	vst v34;
	v34 =	vpop (erf);
	(erf) = vpow2.f32 v0;
	v0 =	vmul.f32 $1.442695020e+00, v48  }
0x205: {  	(erf) = vpow2.f32 v2;
	v2 =	vmul.f32 $1.442695020e+00, v5  }
0x206: {  	[tilespmem:$0x1FEC0] =	vst v53;
	v53 =	vpop (erf);
	(erf) = vpow2.f32 v0;
	v0 =	vmul.f32 v3, v1  }
0x207: {  	v31 =	vpop (erf);
	v3 =	vld [tilespmem:$0x9C0];
	(erf) = vpow2.f32 v2;
	v2 =	vmul.f32 v49, v1  }
0x208: {  	[tilespmem:$0x1FED0] =	vst v56;
	v54 =	vmul.f32 v51, v1;
	v55 =	vld [tilespmem:$0xDC0];
	v0 =	vmul.f32 $1.442695020e+00, v0  }
0x209: {  	v56 =	vld [tilespmem:$0x9D0];
	[tilespmem:$0x1FF60] =	vst v32;
	v4 =	vmul.f32 v52, v1;
	v32 =	vpop (erf);
	v2 =	vmul.f32 $1.442695020e+00, v2  }
0x20a: {  	v57 =	vld [tilespmem:$0xDD0];
	v44 =	vpop (erf);
	(erf) = vpow2.f32 v0;
	v0 =	vmul.f32 $1.442695020e+00, v54  }
0x20b: {  	v33 =	vpop (erf);
	(erf) = vpow2.f32 v2;
	v2 =	vmul.f32 $1.442695020e+00, v4  }
0x20c: {  	v45 =	vpop (erf);
	(erf) = vpow2.f32 v0;
	v0 =	vmul.f32 v3, v1  }
0x20d: {  	[tilespmem:$0x1FEE0] =	vst v58;
	v3 =	vld [tilespmem:$0x9E0];
	(erf) = vpow2.f32 v2;
	v2 =	vmul.f32 v55, v1  }
0x20e: {  	[tilespmem:$0x1FEF0] =	vst v60;
	v59 =	vld [tilespmem:$0xDE0];
	v58 =	vmul.f32 v56, v1;
	v0 =	vmul.f32 $1.442695020e+00, v0  }
0x20f: {  	v60 =	vld [tilespmem:$0x9F0];
	[tilespmem:$0x1FFB0] =	vst v46;
	v5 =	vmul.f32 v57, v1;
	v46 =	vpop (erf);
	v2 =	vmul.f32 $1.442695020e+00, v2  }
0x210: {  	[tilespmem:$0x1FF00] =	vst v61;
	v61 =	vld [tilespmem:$0xDF0];
	v48 =	vpop (erf);
	(erf) = vpow2.f32 v0;
	v0 =	vmul.f32 $1.442695020e+00, v58  }
0x211: {  	[tilespmem:$0x1FFC0] =	vst v47;
	v47 =	vpop (erf);
	(erf) = vpow2.f32 v2;
	v2 =	vmul.f32 $1.442695020e+00, v5  }
0x212: {  	v49 =	vpop (erf);
	(erf) = vpow2.f32 v0;
	v0 =	vmul.f32 v3, v1  }
0x213: {  	v3 =	vld [tilespmem:$0xA00];
	(erf) = vpow2.f32 v2;
	v2 =	vmul.f32 v59, v1  }
0x214: {  	v62 =	vmul.f32 v60, v1;
	v63 =	vld [tilespmem:$0xE00];
	v0 =	vmul.f32 $1.442695020e+00, v0  }
0x215: {  	[tilespmem:$0x1FF10] =	vst v16;
	v16 =	vld [tilespmem:$0xA10];
	v4 =	vmul.f32 v61, v1;
	v2 =	vmul.f32 $1.442695020e+00, v2  }
0x216: {  	v17 =	vld [tilespmem:$0xE10];
	[tilespmem:$0x1FFD0] =	vst v50;
	v50 =	vpop (erf);
	(erf) = vpow2.f32 v0;
	v0 =	vmul.f32 $1.442695020e+00, v62  }
0x217: {  	v52 =	vpop (erf);
	(erf) = vpow2.f32 v2;
	v2 =	vmul.f32 $1.442695020e+00, v4  }
0x218: {  	v51 =	vpop (erf);
	(erf) = vpow2.f32 v0;
	v0 =	vmul.f32 v3, v1  }
0x219: {  	[tilespmem:$0x1FFE0] =	vst v53;
	v53 =	vpop (erf);
	v3 =	vld [tilespmem:$0xA20];
	(erf) = vpow2.f32 v2;
	v2 =	vmul.f32 v63, v1  }
0x21a: {  	[tilespmem:$0x1FF20] =	vst v18;
	v19 =	vld [tilespmem:$0xE20];
	v18 =	vmul.f32 v16, v1;
	v0 =	vmul.f32 $1.442695020e+00, v0  }
0x21b: {  	[tilespmem:$0x1FF30] =	vst v20;
	v20 =	vld [tilespmem:$0xA30];
	v5 =	vmul.f32 v17, v1;
	v54 =	vpop (erf);
	v2 =	vmul.f32 $1.442695020e+00, v2  }
0x21c: {  	[tilespmem:$0x1FF40] =	vst v21;
	v21 =	vld [tilespmem:$0xE30];
	v56 =	vpop (erf);
	(erf) = vpow2.f32 v0;
	v0 =	vmul.f32 $1.442695020e+00, v18  }
0x21d: {  	v55 =	vpop (erf);
	(erf) = vpow2.f32 v2;
	v2 =	vmul.f32 $1.442695020e+00, v5  }
0x21e: {  	(erf) = vpow2.f32 v0;
	v0 =	vmul.f32 v3, v1  }
0x21f: {  	v57 =	vpop (erf);
	v3 =	vld [tilespmem:$0xA40];
	(erf) = vpow2.f32 v2;
	v2 =	vmul.f32 v19, v1  }
0x220: {  	v22 =	vmul.f32 v20, v1;
	v23 =	vld [tilespmem:$0xE40];
	v0 =	vmul.f32 $1.442695020e+00, v0  }
0x221: {  	v36 =	vld [tilespmem:$0xA70];
	v4 =	vmul.f32 v21, v1;
	v2 =	vmul.f32 $1.442695020e+00, v2  }
0x222: {  	v25 =	vld [tilespmem:$0xE50];
	v58 =	vpop (erf);
	(erf) = vpow2.f32 v0;
	v0 =	vmul.f32 $1.442695020e+00, v22  }
0x223: {  	v59 =	vpop (erf);
	(erf) = vpow2.f32 v2;
	v2 =	vmul.f32 $1.442695020e+00, v4  }
0x224: {  	v60 =	vpop (erf);
	(erf) = vpow2.f32 v0;
	v0 =	vmul.f32 v3, v1  }
0x225: {  	v61 =	vpop (erf);
	v3 =	vld [tilespmem:$0xA60];
	(erf) = vpow2.f32 v2;
	v2 =	vmul.f32 v23, v1  }
0x226: {  	v35 =	vld [tilespmem:$0xE60];
	v38 =	vmul.f32 v36, v1;
	v0 =	vmul.f32 $1.442695020e+00, v0  }
0x227: {  	v17 =	vld [tilespmem:$0xA90];
	v5 =	vmul.f32 v25, v1;
	v2 =	vmul.f32 $1.442695020e+00, v2  }
0x228: {  	[tilespmem:$0x1FF80] =	vst v37;
	v37 =	vld [tilespmem:$0xE70];
	v62 =	vpop (erf);
	(erf) = vpow2.f32 v0;
	v0 =	vmul.f32 $1.442695020e+00, v26  }
0x229: {  	[tilespmem:$0x1FFA0] =	vst v43;
	v43 =	vpop (erf);
	(erf) = vpow2.f32 v2;
	v2 =	vmul.f32 $1.442695020e+00, v5  }
0x22a: {  	v63 =	vpop (erf);
	(erf) = vpow2.f32 v0;
	v0 =	vmul.f32 v3, v1  }
0x22b: {  	v42 =	vpop (erf);
	v3 =	vld [tilespmem:$0xA80];
	(erf) = vpow2.f32 v2;
	v2 =	vmul.f32 v35, v1  }
0x22c: {  	v16 =	vld [tilespmem:$0xE80];
	v19 =	vmul.f32 v17, v1;
	v0 =	vmul.f32 $1.442695020e+00, v0  }
0x22d: {  	v21 =	vld [tilespmem:$0xAB0];
	v4 =	vmul.f32 v37, v1;
	v2 =	vmul.f32 $1.442695020e+00, v2  }
0x22e: {  	v18 =	vld [tilespmem:$0xE90];
	v41 =	vpop (erf);
	(erf) = vpow2.f32 v0;
	v0 =	vmul.f32 $1.442695020e+00, v38  }
0x22f: {  	v39 =	vpop (erf);
	(erf) = vpow2.f32 v2;
	v2 =	vmul.f32 $1.442695020e+00, v4  }
0x230: {  	[tilespmem:$0x1FF90] =	vst v40;
	v40 =	vpop (erf);
	(erf) = vpow2.f32 v0;
	v0 =	vmul.f32 v3, v1  }
0x231: {  	v38 =	vpop (erf);
	v3 =	vld [tilespmem:$0xAA0];
	(erf) = vpow2.f32 v2;
	v2 =	vmul.f32 v16, v1  }
0x232: {  	v20 =	vld [tilespmem:$0xEA0];
	v23 =	vmul.f32 v21, v1;
	v0 =	vmul.f32 $1.442695020e+00, v0  }
0x233: {  	v22 =	vld [tilespmem:$0xEB0];
	v5 =	vmul.f32 v18, v1;
	v2 =	vmul.f32 $1.442695020e+00, v2  }
0x234: {  	v17 =	vld [tilespmem:$0xAD0];
	v37 =	vpop (erf);
	(erf) = vpow2.f32 v0;
	v0 =	vmul.f32 $1.442695020e+00, v19  }
0x235: {  	v35 =	vpop (erf);
	(erf) = vpow2.f32 v2;
	v2 =	vmul.f32 $1.442695020e+00, v5  }
0x236: {  	v36 =	vpop (erf);
	(erf) = vpow2.f32 v0;
	v0 =	vmul.f32 v3, v1  }
0x237: {  	v26 =	vpop (erf);
	v3 =	vld [tilespmem:$0xAC0];
	(erf) = vpow2.f32 v2;
	v2 =	vmul.f32 v20, v1  }
0x238: {  	v4 =	vmul.f32 v22, v1;
	v16 =	vld [tilespmem:$0xEC0];
	v0 =	vmul.f32 $1.442695020e+00, v0  }
0x239: {  	v19 =	vmul.f32 v17, v1;
	v2 =	vmul.f32 $1.442695020e+00, v2  }
0x23a: {  	v25 =	vpop (erf);
	(erf) = vpow2.f32 v0;
	v0 =	vmul.f32 $1.442695020e+00, v23  }
0x23b: {  	v23 =	vpop (erf);
	(erf) = vpow2.f32 v2;
	v2 =	vmul.f32 $1.442695020e+00, v4  }
0x23c: {  	v24 =	vpop (erf);
	(erf) = vpow2.f32 v0;
	v0 =	vmul.f32 v3, v1  }
0x23d: {  	v22 =	vpop (erf);
	v3 =	vld [tilespmem:$0xAE0];
	(erf) = vpow2.f32 v2;
	v2 =	vmul.f32 v16, v1  }
0x23e: {  	v18 =	vld [tilespmem:$0xED0];
	v0 =	vmul.f32 $1.442695020e+00, v0  }
0x23f: {  	v2 =	vmul.f32 $1.442695020e+00, v2  }
0x240: {  	v21 =	vpop (erf);
	(erf) = vpow2.f32 v0;
	v0 =	vmul.f32 $1.442695020e+00, v19  }
0x241: {  	v6 =	vld [tilespmem:$0xEE0];
	v19 =	vpop (erf);
	(erf) = vpow2.f32 v2  }
0x242: {  	v7 =	vld [tilespmem:$0xAF0];
	v20 =	vpop (erf);
	(erf) = vpow2.f32 v0;
	v0 =	vmul.f32 v3, v1;
	v3 =	vsub.f32 v11, v12  }
0x243: {  	v8 =	vld [tilespmem:$0xB00];
	v5 =	vmul.f32 v18, v1  }
0x244: {  	[tilespmem:$0x1410] =	vst v3;
	v3 =	vld [tilespmem:$0x1FE40]  }
0x245: {  	v4 =	vld [tilespmem:$0xEF0];
	v2 =	vmul.f32 $1.442695020e+00, v5  }
0x246: {  	v5 =	vsub.f32 v9, v10;
	v10 =	vsub.f32 v13, v15;
	v13 =	vld [tilespmem:$0x1FE80]  }
0x247: {  	v18 =	vpop (erf);
	v11 =	vld [tilespmem:$0x1FE50];
	(erf) = vpow2.f32 v2;
	v2 =	vmul.f32 v6, v1  }
0x248: {  	v12 =	vld [tilespmem:$0x1FE60];
	v6 =	vmul.f32 v7, v1;
	v0 =	vmul.f32 $1.442695020e+00, v0  }
0x249: {  	v7 =	vld [tilespmem:$0xF00];
	v2 =	vmul.f32 $1.442695020e+00, v2;
	v3 =	vsub.f32 v14, v3  }
0x24a: {  	v17 =	vpop (erf);
	[tilespmem:$0x1420] =	vst v10;
	v10 =	vld [tilespmem:$0x1FEA0];
	(erf) = vpow2.f32 v0;
	v0 =	vmul.f32 $1.442695020e+00, v6  }
0x24b: {  	v4 =	vmul.f32 v4, v1;
	v16 =	vpop (erf);
	(erf) = vpow2.f32 v2;
	[tilespmem:$0x1430] =	vst v3;
	v3 =	vld [tilespmem:$0x1FE70]  }
0x24c: {  	v15 =	vpop (erf);
	(erf) = vpow2.f32 v0;
	v0 =	vmul.f32 v8, v1;
	v8 =	vld [tilespmem:$0x1FE90]  }
0x24d: {  	[tilespmem:$0x1400] =	vst v5;
	v5 =	vld [tilespmem:$0x1FED0]  }
0x24e: {  	v2 =	vmul.f32 $1.442695020e+00, v4;
	v4 =	vsub.f32 v11, v12;
	v12 =	vld [tilespmem:$0x1FEE0];
	_ =	sdelay $0x1  }
0x24f: {  	v9 =	vld [tilespmem:$0xB10];
	v14 =	vpop (erf);
	(erf) = vpow2.f32 v2;
	v2 =	vmul.f32 v7, v1;
	v3 =	vsub.f32 v3, v13  }
0x250: {  	v11 =	vld [tilespmem:$0x1FEC0];
	v0 =	vmul.f32 $1.442695020e+00, v0;
	v8 =	vsub.f32 v8, v10  }
0x251: {  	v2 =	vmul.f32 $1.442695020e+00, v2;
	[tilespmem:$0x1450] =	vst v3;
	v3 =	vld [tilespmem:$0x1FEB0]  }
0x252: {  	[tilespmem:$0x1460] =	vst v8;
	v8 =	vsub.f32 v5, v12;
	v13 =	vpop (erf);
	(erf) = vpow2.f32 v0  }
0x253: {  	v12 =	vpop (erf);
	(erf) = vpow2.f32 v2;
	v2 =	vld [tilespmem:$0x1FF10]  }
0x254: {  	[tilespmem:$0x1480] =	vst v8;
	v8 =	vld [tilespmem:$0x1FF20]  }
0x255: {  	v9 =	vmul.f32 v9, v1  }
0x256: {  	v3 =	vsub.f32 v3, v11  }
0x257: {  	v0 =	vmul.f32 $1.442695020e+00, v9;
	v9 =	vld [tilespmem:$0x1FF00]  }
0x258: {  	[tilespmem:$0x1470] =	vst v3;
	v3 =	vld [tilespmem:$0x1FEF0]  }
0x259: {  	v8 =	vsub.f32 v2, v8;
	v2 =	vld [tilespmem:$0x1FF40]  }
0x25a: {  	v11 =	vpop (erf);
	(erf) = vpow2.f32 v0;
	v0 =	vld [tilespmem:$0x1FF30];
	_ =	sdelay $0x2  }
0x25b: {  	v3 =	vsub.f32 v3, v9;
	_ =	sdelay $0x1  }
0x25c: {  	[tilespmem:$0x1490] =	vst v3;
	v3 =	vsub.f32 v0, v2;
	v0 =	vld [tilespmem:$0x1FF50]  }
0x25d: {  	v2 =	vld [tilespmem:$0x1FF60];
	_ =	sdelay $0x3  }
0x25e: {  	v6 =	vld [tilespmem:$0xF10]  }
0x25f: {  	[tilespmem:$0x14A0] =	vst v8;
	v8 =	vsub.f32 v0, v2;
	v0 =	vld [tilespmem:$0x1FF70];
	_ =	sdelay $0x2  }
0x260: {  	[tilespmem:$0x14C0] =	vst v8;
	v8 =	vld [tilespmem:$0x1FF80]  }
0x261: {  	v7 =	vld [tilespmem:$0xB20];
	[tilespmem:$0x1440] =	vst v4  }
0x262: {  	v4 =	vmul.f32 v6, v1;
	v6 =	vld [tilespmem:$0xB30];
	[tilespmem:$0x14B0] =	vst v3;
	v3 =	vsub.f32 v0, v27  }
0x263: {  	v10 =	vld [tilespmem:$0xF20]  }
0x264: {  	[tilespmem:$0x14D0] =	vst v3;
	v3 =	vld [tilespmem:$0x1FF90]  }
0x265: {  	v5 =	vld [tilespmem:$0xF30];
	v8 =	vsub.f32 v8, v28  }
0x266: {  	v4 =	vmul.f32 $1.442695020e+00, v4  }
0x267: {  	v7 =	vmul.f32 v7, v1;
	[tilespmem:$0x14E0] =	vst v8;
	v8 =	vld [tilespmem:$0x1FFA0]  }
0x268: {  	v9 =	vpop (erf);
	(erf) = vpow2.f32 v4;
	v4 =	vmul.f32 v10, v1  }
0x269: {  	v7 =	vmul.f32 $1.442695020e+00, v7;
	v6 =	vmul.f32 v6, v1;
	v10 =	vld [tilespmem:$0xB40];
	v3 =	vsub.f32 v3, v29  }
0x26a: {  	v5 =	vmul.f32 v5, v1;
	v4 =	vmul.f32 $1.442695020e+00, v4  }
0x26b: {  	v6 =	vmul.f32 $1.442695020e+00, v6;
	v27 =	vpop (erf);
	(erf) = vpow2.f32 v7;
	[tilespmem:$0x14F0] =	vst v3;
	v3 =	vld [tilespmem:$0x1FFB0]  }
0x26c: {  	v28 =	vpop (erf);
	(erf) = vpow2.f32 v4;
	v4 =	vmul.f32 $1.442695020e+00, v5;
	v5 =	vsub.f32 v8, v30;
	v8 =	vld [tilespmem:$0x1FFC0];
	_ =	sdelay $0x1  }
0x26d: {  	v29 =	vpop (erf);
	(erf) = vpow2.f32 v6;
	v6 =	vmul.f32 v10, v1;
	v10 =	vld [tilespmem:$0x1FFD0];
	_ =	sdelay $0x1  }
0x26e: {  	v2 =	vld [tilespmem:$0xF40]  }
0x26f: {  	v0 =	vld [tilespmem:$0xB50];
	v3 =	vsub.f32 v3, v8  }
0x270: {  	v7 =	vld [tilespmem:$0xF50];
	[tilespmem:$0x1500] =	vst v5  }
0x271: {  	v5 =	vsub.f32 v10, v34;
	[tilespmem:$0x1510] =	vst v3;
	v3 =	vld [tilespmem:$0x1FFE0];
	_ =	sdelay $0x1  }
0x272: {  	[tilespmem:$0x1520] =	vst v5;
	v5 =	vsub.f32 v32, v44;
	v44 =	vld [tilespmem:$0xF70]  }
0x273: {  	v46 =	vsub.f32 v46, v48;
	v2 =	vmul.f32 v2, v1;
	v0 =	vmul.f32 v0, v1  }
0x274: {  	v48 =	vsub.f32 v50, v52;
	v30 =	vpop (erf);
	(erf) = vpow2.f32 v4;
	v4 =	vld [tilespmem:$0xB60];
	v6 =	vmul.f32 $1.442695020e+00, v6  }
0x275: {  	v2 =	vmul.f32 $1.442695020e+00, v2;
	v7 =	vmul.f32 v7, v1;
	v8 =	vld [tilespmem:$0xF60];
	v3 =	vsub.f32 v3, v31;
	v31 =	vpop (erf)  }
0x276: {  	v52 =	vsub.f32 v54, v56;
	v0 =	vmul.f32 $1.442695020e+00, v0;
	v10 =	vld [tilespmem:$0xB70];
	v32 =	vpop (erf);
	(erf) = vpow2.f32 v6  }
0x277: {  	v56 =	vld [tilespmem:$0xBA0];
	v6 =	vmul.f32 v44, v1;
	[tilespmem:$0x1530] =	vst v3;
	v3 =	vsub.f32 v33, v45;
	(erf) = vpow2.f32 v2  }
0x278: {  	v33 =	vpop (erf);
	v2 =	vmul.f32 $1.442695020e+00, v7;
	(erf) = vpow2.f32 v0  }
0x279: {  	v0 =	vmul.f32 v4, v1;
	v4 =	vld [tilespmem:$0xB80];
	v6 =	vmul.f32 $1.442695020e+00, v6;
	[tilespmem:$0x1550] =	vst v3;
	v3 =	vsub.f32 v47, v49  }
0x27a: {  	[tilespmem:$0x1560] =	vst v46;
	v50 =	vld [tilespmem:$0xF80];
	v34 =	vpop (erf);
	(erf) = vpow2.f32 v2;
	v2 =	vmul.f32 v8, v1  }
0x27b: {  	v49 =	vmul.f32 v10, v1;
	v0 =	vmul.f32 $1.442695020e+00, v0;
	[tilespmem:$0x1570] =	vst v3;
	v3 =	vsub.f32 v51, v53  }
0x27c: {  	[tilespmem:$0x1580] =	vst v48;
	v54 =	vsub.f32 v58, v59;
	v8 =	vmul.f32 v56, v1;
	v2 =	vmul.f32 $1.442695020e+00, v2;
	v51 =	vld [tilespmem:$0xB90]  }
0x27d: {  	v10 =	vpop (erf);
	v53 =	vld [tilespmem:$0xF90];
	(erf) = vpow2.f32 v0;
	v0 =	vmul.f32 $1.442695020e+00, v49;
	[tilespmem:$0x1590] =	vst v3;
	v3 =	vsub.f32 v55, v57  }
0x27e: {  	[tilespmem:$0x15A0] =	vst v52;
	v27 =	vsub.f32 v27, v28;
	v8 =	vmul.f32 $1.442695020e+00, v8;
	v4 =	vmul.f32 v4, v1  }
0x27f: {  	v59 =	vld [tilespmem:$0xFA0];
	v45 =	vpop (erf);
	(erf) = vpow2.f32 v2;
	v55 =	vmul.f32 v50, v1;
	[tilespmem:$0x15B0] =	vst v3;
	v3 =	vsub.f32 v60, v61  }
0x280: {  	[tilespmem:$0x15C0] =	vst v54;
	v57 =	vsub.f32 v62, v43;
	v43 =	vld [tilespmem:$0xBC0];
	v2 =	vpop (erf);
	(erf) = vpow2.f32 v0;
	v4 =	vmul.f32 $1.442695020e+00, v4  }
0x281: {  	v50 =	vld [tilespmem:$0xBD0];
	v0 =	vpop (erf);
	(erf) = vpow2.f32 v6;
	v58 =	vmul.f32 v51, v1;
	[tilespmem:$0x15D0] =	vst v3;
	v3 =	vsub.f32 v63, v42  }
0x282: {  	v48 =	vld [tilespmem:$0xFC0];
	[tilespmem:$0x16C0] =	vst v27;
	v6 =	vmul.f32 $1.442695020e+00, v55;
	v7 =	vmul.f32 v53, v1  }
0x283: {  	v60 =	vld [tilespmem:$0xBB0];
	v42 =	vpop (erf);
	(erf) = vpow2.f32 v4;
	v62 =	vmul.f32 $1.442695020e+00, v58;
	[tilespmem:$0x15F0] =	vst v3;
	v3 =	vsub.f32 v40, v38  }
0x284: {  	[tilespmem:$0x1540] =	vst v5;
	v61 =	vsub.f32 v41, v39;
	v39 =	vpop (erf);
	(erf) = vpow2.f32 v6;
	v7 =	vmul.f32 $1.442695020e+00, v7  }
0x285: {  	v53 =	vld [tilespmem:$0xFD0];
	v56 =	vmul.f32 v43, v1;
	v40 =	vmul.f32 v59, v1;
	[tilespmem:$0x1610] =	vst v3;
	v3 =	vsub.f32 v36, v26  }
0x286: {  	v44 =	vsub.f32 v25, v23;
	v63 =	vld [tilespmem:$0xFB0];
	[tilespmem:$0x1600] =	vst v61;
	v61 =	vmul.f32 v50, v1;
	v6 =	vpop (erf);
	(erf) = vpow2.f32 v62  }
0x287: {  	v4 =	vpop (erf);
	(erf) = vpow2.f32 v7;
	v7 =	vmul.f32 $1.442695020e+00, v40;
	[tilespmem:$0x1630] =	vst v3;
	v3 =	vsub.f32 v24, v22  }
0x288: {  	[tilespmem:$0x15E0] =	vst v57;
	v57 =	vmul.f32 v48, v1;
	v38 =	vsub.f32 v37, v35;
	v47 =	vmul.f32 v60, v1  }
0x289: {  	v58 =	vld [tilespmem:$0xBE0];
	v60 =	vmul.f32 $1.442695020e+00, v56;
	v35 =	vmul.f32 $1.442695020e+00, v61;
	v22 =	vpop (erf);
	[tilespmem:$0x1650] =	vst v3;
	v3 =	vsub.f32 v20, v18  }
0x28a: {  	[tilespmem:$0x1640] =	vst v44;
	v51 =	vsub.f32 v21, v19;
	v62 =	vld [tilespmem:$0xFE0];
	v25 =	vmul.f32 v53, v1;
	(erf) = vpow2.f32 v8;
	v19 =	vpop (erf)  }
0x28b: {  	v49 =	vmul.f32 v63, v1;
	(erf) = vpow2.f32 v7;
	v7 =	vpop (erf);
	[tilespmem:$0x1670] =	vst v3;
	v3 =	vsub.f32 v15, v14  }
0x28c: {  	v48 =	vsub.f32 v10, v45;
	[tilespmem:$0x1620] =	vst v38;
	v26 =	vld [tilespmem:$0xBF0];
	v52 =	vmul.f32 $1.442695020e+00, v47;
	v24 =	vmul.f32 $1.442695020e+00, v57;
	v8 =	vpop (erf)  }
0x28d: {  	v38 =	vmul.f32 $1.442695020e+00, v25;
	v54 =	vmul.f32 $1.442695020e+00, v49;
	v63 =	vpop (erf);
	[tilespmem:$0x1690] =	vst v3;
	v3 =	vsub.f32 v11, v9  }
0x28e: {  	[tilespmem:$0x1700] =	vst v48;
	v36 =	vld [tilespmem:$0xFF0];
	v43 =	vmul.f32 v58, v1;
	(erf) = vpow2.f32 v52;
	v28 =	vpop (erf)  }
0x28f: {  	v46 =	vmul.f32 v62, v1;
	(erf) = vpow2.f32 v54;
	v37 =	vpop (erf);
	[tilespmem:$0x16B0] =	vst v3;
	v3 =	vsub.f32 v29, v30  }
0x290: {  	v55 =	vsub.f32 v17, v16;
	[tilespmem:$0x1660] =	vst v51;
	v49 =	vmul.f32 $1.442695020e+00, v43;
	(erf) = vpow2.f32 v60;
	v41 =	vpop (erf)  }
0x291: {  	v50 =	vmul.f32 v26, v1;
	(erf) = vpow2.f32 v24;
	v44 =	vpop (erf);
	[tilespmem:$0x16D0] =	vst v3;
	v3 =	vsub.f32 v33, v34  }
0x292: {  	v0 =	vsub.f32 v2, v0;
	[tilespmem:$0x1680] =	vst v55;
	v2 =	vmul.f32 $1.442695020e+00, v46;
	(erf) = vpow2.f32 v35;
	v47 =	vpop (erf)  }
0x293: {  	v59 =	vsub.f32 v13, v12;
	(erf) = vpow2.f32 v38;
	v51 =	vpop (erf);
	[tilespmem:$0x16F0] =	vst v3;
	v3 =	vmul.f32 v36, v1  }
0x294: {  	[tilespmem:$0x1710] =	vst v0;
	v40 =	vsub.f32 v31, v32;
	v54 =	vmul.f32 $1.442695020e+00, v50;
	v53 =	vpop (erf);
	(erf) = vpow2.f32 v49  }
0x295: {  	[tilespmem:$0x16A0] =	vst v59;
	v55 =	vpop (erf);
	(erf) = vpow2.f32 v2;
	v2 =	vmul.f32 $1.442695020e+00, v3;
	v3 =	vsub.f32 v22, v19  }
0x296: {  	v0 =	vsub.f32 v6, v4;
	[tilespmem:$0x16E0] =	vst v40  }
0x297: {  	v56 =	vpop (erf);
	(erf) = vpow2.f32 v54;
	[tilespmem:$0x1740] =	vst v3;
	v3 =	vsub.f32 v63, v28  }
0x298: {  	[tilespmem:$0x1730] =	vst v0;
	v0 =	vsub.f32 v7, v8;
	v57 =	vpop (erf);
	(erf) = vpow2.f32 v2  }
0x299: {  	v2 =	vpop (erf);
	[tilespmem:$0x1760] =	vst v3;
	v3 =	vsub.f32 v44, v47  }
0x29a: {  	[tilespmem:$0x1750] =	vst v0;
	v0 =	vsub.f32 v37, v41;
	v58 =	vpop (erf)  }
0x29b: {  	v59 =	vpop (erf);
	[tilespmem:$0x1780] =	vst v3;
	v3 =	vsub.f32 v55, v56  }
0x29c: {  	[tilespmem:$0x1770] =	vst v0;
	v0 =	vsub.f32 v51, v53;
	v60 =	vpop (erf)  }
0x29d: {  	v52 =	vsub.f32 v42, v39;
	v61 =	vpop (erf);
	[tilespmem:$0x17A0] =	vst v3;
	v3 =	vsub.f32 v58, v59  }
0x29e: {  	[tilespmem:$0x1790] =	vst v0;
	v0 =	vsub.f32 v57, v2;
	v62 =	vpop (erf)  }
0x29f: {  	s28 =	sadd.s32 $0x2, s28;
	[tilespmem:$0x1720] =	vst v52;
	v2 =	vpop (erf)  }
0x2a0: {  	p0 =	sne.s32 s28, $0x18;
	[tilespmem:$0x17B0] =	vst v0;
	v0 =	vsub.f32 v60, v61;
	v63 =	vpop (erf)  }
.Ltmp0:
0x2a1: {  	s17 =	sshll.u32 s30, $0xA;
	s6 =	sshll.u32 s29, $0x9;
	[tilespmem:$0x17C0] =	vst v3;
	v2 =	vsub.f32 v62, v2;
	v3 =	vpop (erf);
	(pc) =	sbr.rel @p0 .LBB2_2-.Ltmp0, $4  }
0x2a2: {  	s30 =	sshll.u32 s29, $0x4;
	s2 =	sadd.s32 s3, s17;
	s0 =	sand.u32 $0xFFFF000, s6;
	[tilespmem:$0x17D0] =	vst v0;
	v0 =	vsub.f32 v63, v3  }
0x2a3: {  	s25 =	sadd.s32 $0x800, s25;
	s5 =	sand.u32 $0x70, s30;
	s0 =	sadd.s32 s0, s2;
	[tilespmem:$0x17E0] =	vst v2  }
0x2a4: {  	s26 =	sadd.s32 $0x4000, s26;
	s31 =	rddreg [dreg:$0x6];
	s0 =	sadd.s32 s5, s0;
	[tilespmem:$0x17F0] =	vst v0  }
0x2a5: {  	[hbm4b:s0+s19] =	stream.strided.scatter [tilespmem:s31], [sflag:$0x3], $0x400, s20, s19, $0x38;
	[tilespmem:$0x1A80] =	vst v63  }
0x2a6: {  	_ =	swait.ge [sflag:s18], $0x400  }
0x2a7: {  	[sflag:s18] =	ssyncset.done $0x0  }
0x2a8: {  	[sflag:s18] =	ssyncadd.s32 $0xFFFFFC00  }
0x2a9: {  	_ =	swait.ge [sflag:s18], $0x400  }
0x2aa: {  	[sflag:s18] =	ssyncset.done $0x0  }
0x2ab: {  	[sflag:s18] =	ssyncadd.s32 $0xFFFFFC00  }
0x2ac: {  	_ =	swait.ge [sflag:s22], $0x400  }
0x2ad: {  	[sflag:s22] =	ssyncset.done $0x0  }
0x2ae: {  	[sflag:s22] =	ssyncadd.s32 $0xFFFFFC00  }
0x2af: {  	v0 =	vld [tilespmem:$0x0];
	_ =	sdelay $0x3  }
0x2b0: {  	v2 =	vld [tilespmem:$0x400]  }
0x2b1: {  	v3 =	vld [tilespmem:$0x10];
	v0 =	vmul.f32 v0, v1  }
0x2b2: {  	v4 =	vld [tilespmem:$0x410]  }
0x2b3: {  	v5 =	vld [tilespmem:$0x20];
	v0 =	vmul.f32 $1.442695020e+00, v0  }
0x2b4: {  	v6 =	vld [tilespmem:$0x420]  }
0x2b5: {  	v7 =	vld [tilespmem:$0x30];
	(erf) = vpow2.f32 v0  }
0x2b6: {  	v14 =	vld [tilespmem:$0x430]  }
0x2b7: {  	v18 =	vld [tilespmem:$0x40]  }
0x2b8: {  	v20 =	vld [tilespmem:$0x440]  }
0x2b9: {  	v21 =	vld [tilespmem:$0x50]  }
0x2ba: {  	v23 =	vld [tilespmem:$0x450]  }
0x2bb: {  	v2 =	vmul.f32 v2, v1;
	v3 =	vmul.f32 v3, v1;
	v27 =	vld [tilespmem:$0x60]  }
0x2bc: {  	v4 =	vmul.f32 v4, v1;
	v16 =	vmul.f32 v5, v1;
	v29 =	vld [tilespmem:$0x460]  }
0x2bd: {  	v17 =	vmul.f32 v6, v1;
	v2 =	vmul.f32 $1.442695020e+00, v2;
	v30 =	vld [tilespmem:$0x70]  }
0x2be: {  	v19 =	vmul.f32 v7, v1;
	v13 =	vmul.f32 $1.442695020e+00, v3;
	v32 =	vld [tilespmem:$0x470]  }
0x2bf: {  	v15 =	vmul.f32 $1.442695020e+00, v4;
	(erf) = vpow2.f32 v2;
	v36 =	vld [tilespmem:$0x80]  }
0x2c0: {  	v0 =	vmul.f32 $1.442695020e+00, v16;
	v38 =	vld [tilespmem:$0x480];
	(erf) = vpow2.f32 v13  }
0x2c1: {  	v2 =	vmul.f32 $1.442695020e+00, v17;
	v39 =	vld [tilespmem:$0x90];
	(erf) = vpow2.f32 v15  }
0x2c2: {  	v22 =	vmul.f32 $1.442695020e+00, v19;
	v45 =	vld [tilespmem:$0xA0];
	(erf) = vpow2.f32 v0  }
0x2c3: {  	v47 =	vld [tilespmem:$0x4A0];
	(erf) = vpow2.f32 v2;
	v3 =	vmul.f32 v14, v1  }
0x2c4: {  	v48 =	vld [tilespmem:$0xB0];
	(erf) = vpow2.f32 v22;
	v25 =	vmul.f32 v18, v1  }
0x2c5: {  	v55 =	vld [tilespmem:$0xC0];
	v26 =	vmul.f32 v20, v1;
	v28 =	vmul.f32 v21, v1  }
0x2c6: {  	v57 =	vld [tilespmem:$0x4C0];
	v5 =	vmul.f32 v23, v1;
	v34 =	vmul.f32 v27, v1  }
0x2c7: {  	v59 =	vld [tilespmem:$0xD0];
	v35 =	vmul.f32 v29, v1;
	v37 =	vmul.f32 v30, v1  }
0x2c8: {  	v4 =	vmul.f32 v32, v1;
	v43 =	vmul.f32 v36, v1  }
0x2c9: {  	v44 =	vmul.f32 v38, v1;
	v46 =	vmul.f32 v39, v1  }
0x2ca: {  	v53 =	vmul.f32 v45, v1;
	v54 =	vmul.f32 v47, v1  }
0x2cb: {  	v41 =	vld [tilespmem:$0x490];
	v56 =	vmul.f32 v48, v1;
	v16 =	vmul.f32 v55, v1  }
0x2cc: {  	v50 =	vld [tilespmem:$0x4B0];
	v17 =	vmul.f32 v57, v1;
	v19 =	vmul.f32 v59, v1  }
0x2cd: {  	v24 =	vmul.f32 $1.442695020e+00, v3;
	v0 =	vmul.f32 $1.442695020e+00, v25  }
0x2ce: {  	v61 =	vld [tilespmem:$0x4D0];
	v2 =	vmul.f32 $1.442695020e+00, v26;
	v31 =	vmul.f32 $1.442695020e+00, v28  }
0x2cf: {  	v18 =	vld [tilespmem:$0xE0];
	v33 =	vmul.f32 $1.442695020e+00, v5;
	v40 =	vmul.f32 $1.442695020e+00, v37  }
0x2d0: {  	v20 =	vld [tilespmem:$0x4E0];
	v42 =	vmul.f32 $1.442695020e+00, v4;
	v5 =	vmul.f32 v41, v1  }
0x2d1: {  	v22 =	vld [tilespmem:$0xF0];
	v49 =	vmul.f32 $1.442695020e+00, v46;
	v4 =	vmul.f32 v50, v1  }
0x2d2: {  	v57 =	vld [tilespmem:$0x140];
	v60 =	vmul.f32 $1.442695020e+00, v56;
	(erf) = vpow2.f32 v24  }
0x2d3: {  	v59 =	vld [tilespmem:$0x540];
	v51 =	vmul.f32 $1.442695020e+00, v5;
	v63 =	vmul.f32 $1.442695020e+00, v4  }
0x2d4: {  	v5 =	vmul.f32 v61, v1;
	v24 =	vmul.f32 $1.442695020e+00, v19  }
0x2d5: {  	v38 =	vld [tilespmem:$0x510];
	(erf) = vpow2.f32 v0;
	v0 =	vmul.f32 $1.442695020e+00, v34  }
0x2d6: {  	v25 =	vld [tilespmem:$0x4F0];
	v29 =	vmul.f32 v18, v1;
	v30 =	vmul.f32 v20, v1  }
0x2d7: {  	v46 =	vld [tilespmem:$0x520];
	v32 =	vmul.f32 v22, v1;
	v19 =	vmul.f32 v57, v1  }
0x2d8: {  	v20 =	vmul.f32 v59, v1;
	(erf) = vpow2.f32 v2  }
0x2d9: {  	v61 =	vld [tilespmem:$0x150];
	v2 =	vmul.f32 $1.442695020e+00, v35;
	v27 =	vmul.f32 $1.442695020e+00, v5  }
0x2da: {  	v5 =	vmul.f32 v38, v1;
	(erf) = vpow2.f32 v31  }
0x2db: {  	v35 =	vld [tilespmem:$0x110];
	v4 =	vmul.f32 v25, v1;
	v37 =	vmul.f32 $1.442695020e+00, v32  }
0x2dc: {  	v31 =	vld [tilespmem:$0x100];
	v56 =	vmul.f32 v46, v1;
	(erf) = vpow2.f32 v33  }
0x2dd: {  	v9 =	vpop (erf);
	v25 =	vld [tilespmem:$0x170];
	(erf) = vpow2.f32 v0;
	v0 =	vmul.f32 $1.442695020e+00, v43  }
0x2de: {  	v10 =	vpop (erf);
	v33 =	vld [tilespmem:$0x500];
	v22 =	vmul.f32 v61, v1;
	(erf) = vpow2.f32 v2  }
0x2df: {  	v11 =	vpop (erf);
	v2 =	vmul.f32 $1.442695020e+00, v44;
	(erf) = vpow2.f32 v40  }
0x2e0: {  	v40 =	vmul.f32 $1.442695020e+00, v4;
	v45 =	vmul.f32 v35, v1  }
0x2e1: {  	v12 =	vpop (erf);
	(erf) = vpow2.f32 v42;
	v42 =	vmul.f32 v31, v1  }
0x2e2: {  	v13 =	vpop (erf);
	v44 =	vld [tilespmem:$0x120];
	v38 =	vmul.f32 v25, v1;
	(erf) = vpow2.f32 v0  }
0x2e3: {  	v48 =	vld [tilespmem:$0x130];
	v15 =	vpop (erf);
	v0 =	vmul.f32 $1.442695020e+00, v53;
	v43 =	vmul.f32 v33, v1  }
0x2e4: {  	v14 =	vpop (erf);
	v50 =	vmul.f32 $1.442695020e+00, v45;
	(erf) = vpow2.f32 v2  }
0x2e5: {  	v52 =	vpop (erf);
	v53 =	vmul.f32 $1.442695020e+00, v5;
	(erf) = vpow2.f32 v49  }
0x2e6: {  	v58 =	vpop (erf);
	v2 =	vmul.f32 $1.442695020e+00, v54;
	(erf) = vpow2.f32 v51  }
0x2e7: {  	v8 =	vpop (erf);
	v55 =	vmul.f32 v44, v1;
	v51 =	vld [tilespmem:$0x530];
	(erf) = vpow2.f32 v0  }
0x2e8: {  	[tilespmem:$0x1FB70] =	vst v58;
	v58 =	vmul.f32 v48, v1;
	v62 =	vpop (erf);
	(erf) = vpow2.f32 v2  }
0x2e9: {  	[tilespmem:$0x1FB80] =	vst v8;
	v8 =	vpop (erf);
	v0 =	vmul.f32 $1.442695020e+00, v16;
	v16 =	vld [tilespmem:$0x550];
	(erf) = vpow2.f32 v60  }
0x2ea: {  	v21 =	vpop (erf);
	v2 =	vmul.f32 $1.442695020e+00, v17;
	(erf) = vpow2.f32 v63  }
0x2eb: {  	v32 =	vld [tilespmem:$0x570];
	v23 =	vpop (erf);
	v63 =	vmul.f32 $1.442695020e+00, v58;
	(erf) = vpow2.f32 v0  }
0x2ec: {  	[tilespmem:$0x1FBB0] =	vst v21;
	v21 =	vld [tilespmem:$0x160];
	v26 =	vpop (erf);
	v0 =	vmul.f32 $1.442695020e+00, v29;
	v4 =	vmul.f32 v51, v1  }
0x2ed: {  	[tilespmem:$0x1FBD0] =	vst v26;
	v26 =	vmul.f32 $1.442695020e+00, v22;
	(erf) = vpow2.f32 v2  }
0x2ee: {  	[tilespmem:$0x1FBC0] =	vst v23;
	v23 =	vld [tilespmem:$0x560];
	v2 =	vmul.f32 $1.442695020e+00, v30;
	v5 =	vmul.f32 v16, v1  }
0x2ef: {  	v28 =	vpop (erf);
	(erf) = vpow2.f32 v24;
	v18 =	vmul.f32 $1.442695020e+00, v4  }
0x2f0: {  	v34 =	vpop (erf);
	v4 =	vmul.f32 v32, v1;
	(erf) = vpow2.f32 v27  }
0x2f1: {  	v51 =	vld [tilespmem:$0x5A0];
	[tilespmem:$0x1FBF0] =	vst v34;
	v36 =	vpop (erf);
	v34 =	vmul.f32 $1.442695020e+00, v5;
	v35 =	vmul.f32 v21, v1  }
0x2f2: {  	[tilespmem:$0x1FC00] =	vst v36;
	v39 =	vpop (erf);
	(erf) = vpow2.f32 v0;
	v0 =	vmul.f32 $1.442695020e+00, v42  }
0x2f3: {  	[tilespmem:$0x1FC10] =	vst v39;
	v41 =	vpop (erf);
	v36 =	vmul.f32 v23, v1;
	v39 =	vld [tilespmem:$0x580];
	v42 =	vmul.f32 $1.442695020e+00, v38  }
0x2f4: {  	v45 =	vmul.f32 $1.442695020e+00, v4;
	(erf) = vpow2.f32 v2;
	[tilespmem:$0x1FC20] =	vst v41;
	v41 =	vld [tilespmem:$0x190]  }
0x2f5: {  	v2 =	vmul.f32 $1.442695020e+00, v43;
	v43 =	vld [tilespmem:$0x590];
	(erf) = vpow2.f32 v37  }
0x2f6: {  	v59 =	vmul.f32 v51, v1;
	v37 =	vld [tilespmem:$0x180];
	(erf) = vpow2.f32 v40  }
0x2f7: {  	v23 =	vld [tilespmem:$0x5E0];
	v47 =	vpop (erf);
	(erf) = vpow2.f32 v0;
	v0 =	vmul.f32 $1.442695020e+00, v55  }
0x2f8: {  	[tilespmem:$0x1FB60] =	vst v52;
	v49 =	vpop (erf);
	(erf) = vpow2.f32 v2;
	v2 =	vmul.f32 $1.442695020e+00, v56  }
0x2f9: {  	[tilespmem:$0x1FC40] =	vst v49;
	v52 =	vpop (erf);
	v49 =	vld [tilespmem:$0x1A0];
	v48 =	vmul.f32 v39, v1;
	(erf) = vpow2.f32 v50  }
0x2fa: {  	v55 =	vld [tilespmem:$0x5B0];
	v50 =	vmul.f32 v41, v1;
	v5 =	vmul.f32 v43, v1  }
0x2fb: {  	[tilespmem:$0x1FC30] =	vst v47;
	v54 =	vpop (erf);
	(erf) = vpow2.f32 v53;
	v47 =	vmul.f32 v37, v1  }
0x2fc: {  	[tilespmem:$0x1FC60] =	vst v54;
	v60 =	vpop (erf);
	v37 =	vmul.f32 v23, v1;
	(erf) = vpow2.f32 v0  }
0x2fd: {  	[tilespmem:$0x1FC70] =	vst v60;
	v60 =	vld [tilespmem:$0x1C0];
	v0 =	vmul.f32 $1.442695020e+00, v19;
	v54 =	vmul.f32 $1.442695020e+00, v50  }
0x2fe: {  	[tilespmem:$0x1FB90] =	vst v62;
	v62 =	vpop (erf);
	v53 =	vld [tilespmem:$0x1B0];
	v57 =	vmul.f32 $1.442695020e+00, v5;
	v58 =	vmul.f32 v49, v1  }
0x2ff: {  	[tilespmem:$0x1FC80] =	vst v62;
	v17 =	vpop (erf);
	v62 =	vld [tilespmem:$0x5C0];
	(erf) = vpow2.f32 v2;
	v4 =	vmul.f32 v55, v1  }
0x300: {  	[tilespmem:$0x1FC90] =	vst v17;
	v27 =	vpop (erf);
	v17 =	vld [tilespmem:$0x5D0];
	v2 =	vmul.f32 $1.442695020e+00, v20;
	(erf) = vpow2.f32 v63  }
0x301: {  	v21 =	vld [tilespmem:$0x1E0];
	(erf) = vpow2.f32 v18;
	v18 =	vmul.f32 $1.442695020e+00, v4  }
0x302: {  	v41 =	vld [tilespmem:$0x210];
	v24 =	vpop (erf);
	v19 =	vmul.f32 v60, v1;
	(erf) = vpow2.f32 v0  }
0x303: {  	[tilespmem:$0x1FBE0] =	vst v28;
	v63 =	vld [tilespmem:$0x1D0];
	v0 =	vmul.f32 $1.442695020e+00, v35;
	v61 =	vmul.f32 v53, v1  }
0x304: {  	[tilespmem:$0x1FCA0] =	vst v24;
	v28 =	vpop (erf);
	v24 =	vld [tilespmem:$0x1F0];
	v20 =	vmul.f32 v62, v1;
	(erf) = vpow2.f32 v2  }
0x305: {  	v43 =	vld [tilespmem:$0x610];
	v2 =	vmul.f32 $1.442695020e+00, v36;
	v5 =	vmul.f32 v17, v1  }
0x306: {  	v33 =	vpop (erf);
	v36 =	vmul.f32 v21, v1;
	(erf) = vpow2.f32 v26  }
0x307: {  	v16 =	vmul.f32 $1.442695020e+00, v61;
	v61 =	vmul.f32 v41, v1  }
0x308: {  	v29 =	vpop (erf);
	(erf) = vpow2.f32 v34;
	v22 =	vmul.f32 v63, v1  }
0x309: {  	v35 =	vmul.f32 $1.442695020e+00, v5;
	v39 =	vmul.f32 v24, v1  }
0x30a: {  	v40 =	vpop (erf);
	v26 =	vld [tilespmem:$0x5F0];
	v5 =	vmul.f32 v43, v1;
	(erf) = vpow2.f32 v0  }
0x30b: {  	[tilespmem:$0x1FBA0] =	vst v8;
	v38 =	vld [tilespmem:$0x200];
	v0 =	vmul.f32 $1.442695020e+00, v47;
	v8 =	vmul.f32 $1.442695020e+00, v61  }
0x30c: {  	v30 =	vpop (erf);
	v63 =	vld [tilespmem:$0x230];
	(erf) = vpow2.f32 v2;
	v2 =	vmul.f32 $1.442695020e+00, v48  }
0x30d: {  	v23 =	vld [tilespmem:$0x250];
	v44 =	vpop (erf);
	v25 =	vmul.f32 $1.442695020e+00, v22;
	v17 =	vmul.f32 $1.442695020e+00, v5  }
0x30e: {  	[tilespmem:$0x1FCC0] =	vst v40;
	v40 =	vld [tilespmem:$0x600];
	v46 =	vpop (erf);
	(erf) = vpow2.f32 v42;
	v42 =	vmul.f32 $1.442695020e+00, v39  }
0x30f: {  	[tilespmem:$0x1FC50] =	vst v52;
	v52 =	vpop (erf);
	(erf) = vpow2.f32 v45;
	v4 =	vmul.f32 v26, v1  }
0x310: {  	v34 =	vpop (erf);
	(erf) = vpow2.f32 v0;
	v0 =	vmul.f32 $1.442695020e+00, v58  }
0x311: {  	v39 =	vld [tilespmem:$0x660];
	v58 =	vmul.f32 v38, v1;
	v21 =	vmul.f32 v63, v1  }
0x312: {  	v56 =	vpop (erf);
	v38 =	vmul.f32 v23, v1;
	(erf) = vpow2.f32 v2  }
0x313: {  	v2 =	vmul.f32 $1.442695020e+00, v59;
	v59 =	vmul.f32 v40, v1  }
0x314: {  	v62 =	vld [tilespmem:$0x620];
	v31 =	vpop (erf);
	(erf) = vpow2.f32 v54;
	v24 =	vmul.f32 $1.442695020e+00, v21  }
0x315: {  	v60 =	vld [tilespmem:$0x220];
	v32 =	vpop (erf);
	(erf) = vpow2.f32 v57;
	v57 =	vmul.f32 $1.442695020e+00, v4  }
0x316: {  	[tilespmem:$0x1FCD0] =	vst v44;
	v44 =	vpop (erf);
	v21 =	vmul.f32 v39, v1;
	(erf) = vpow2.f32 v0  }
0x317: {  	[tilespmem:$0x1FCB0] =	vst v33;
	v22 =	vld [tilespmem:$0x640];
	v33 =	vpop (erf);
	v0 =	vmul.f32 $1.442695020e+00, v19;
	(erf) = vpow2.f32 v2  }
0x318: {  	v45 =	vpop (erf);
	v2 =	vmul.f32 $1.442695020e+00, v20;
	v20 =	vld [tilespmem:$0x240];
	(erf) = vpow2.f32 v16  }
0x319: {  	[tilespmem:$0x1FCE0] =	vst v46;
	v19 =	vmul.f32 v62, v1;
	v46 =	vpop (erf);
	v16 =	vld [tilespmem:$0x630];
	(erf) = vpow2.f32 v18  }
0x31a: {  	v48 =	vpop (erf);
	v18 =	vmul.f32 v60, v1;
	(erf) = vpow2.f32 v0  }
0x31b: {  	v47 =	vpop (erf);
	v0 =	vmul.f32 $1.442695020e+00, v36;
	(erf) = vpow2.f32 v2  }
0x31c: {  	v49 =	vpop (erf);
	v36 =	vmul.f32 v22, v1;
	(erf) = vpow2.f32 v25  }
0x31d: {  	v2 =	vmul.f32 $1.442695020e+00, v37;
	v37 =	vld [tilespmem:$0x260];
	(erf) = vpow2.f32 v35  }
0x31e: {  	v50 =	vpop (erf);
	v25 =	vld [tilespmem:$0x650];
	v4 =	vmul.f32 v16, v1;
	v35 =	vmul.f32 v20, v1  }
0x31f: {  	[tilespmem:$0x1FCF0] =	vst v52;
	v52 =	vpop (erf);
	v16 =	vld [tilespmem:$0x270];
	(erf) = vpow2.f32 v0;
	v0 =	vmul.f32 $1.442695020e+00, v58  }
0x320: {  	v22 =	vld [tilespmem:$0x280];
	v51 =	vpop (erf);
	(erf) = vpow2.f32 v2;
	v2 =	vmul.f32 $1.442695020e+00, v59  }
0x321: {  	v53 =	vpop (erf);
	v26 =	vmul.f32 $1.442695020e+00, v4;
	(erf) = vpow2.f32 v42  }
0x322: {  	v54 =	vpop (erf);
	v20 =	vmul.f32 v37, v1;
	(erf) = vpow2.f32 v57  }
0x323: {  	[tilespmem:$0x1FD00] =	vst v56;
	v56 =	vpop (erf);
	v5 =	vmul.f32 v25, v1;
	(erf) = vpow2.f32 v0  }
0x324: {  	v0 =	vmul.f32 $1.442695020e+00, v18;
	v23 =	vmul.f32 v16, v1  }
0x325: {  	v55 =	vpop (erf);
	v18 =	vld [tilespmem:$0x670];
	v16 =	vmul.f32 v22, v1;
	(erf) = vpow2.f32 v2  }
0x326: {  	v2 =	vmul.f32 $1.442695020e+00, v19;
	(erf) = vpow2.f32 v8  }
0x327: {  	v57 =	vpop (erf);
	v19 =	vmul.f32 $1.442695020e+00, v5;
	(erf) = vpow2.f32 v17  }
0x328: {  	v58 =	vpop (erf);
	v17 =	vmul.f32 $1.442695020e+00, v38;
	(erf) = vpow2.f32 v0  }
0x329: {  	v60 =	vpop (erf);
	v0 =	vmul.f32 $1.442695020e+00, v35;
	(erf) = vpow2.f32 v2  }
0x32a: {  	v59 =	vpop (erf);
	v35 =	vld [tilespmem:$0x690];
	v4 =	vmul.f32 v18, v1;
	(erf) = vpow2.f32 v24  }
0x32b: {  	v61 =	vpop (erf);
	v2 =	vmul.f32 $1.442695020e+00, v36;
	v24 =	vld [tilespmem:$0x680];
	(erf) = vpow2.f32 v26  }
0x32c: {  	v25 =	vld [tilespmem:$0x290];
	v26 =	vmul.f32 $1.442695020e+00, v23;
	v8 =	vmul.f32 $1.442695020e+00, v4  }
0x32d: {  	v62 =	vpop (erf);
	(erf) = vpow2.f32 v0;
	v0 =	vmul.f32 $1.442695020e+00, v20  }
0x32e: {  	v43 =	vpop (erf);
	v23 =	vld [tilespmem:$0x6B0];
	(erf) = vpow2.f32 v2;
	v2 =	vmul.f32 $1.442695020e+00, v21  }
0x32f: {  	v63 =	vpop (erf);
	v5 =	vmul.f32 v35, v1;
	(erf) = vpow2.f32 v17  }
0x330: {  	v42 =	vpop (erf);
	v20 =	vld [tilespmem:$0x6A0];
	(erf) = vpow2.f32 v19;
	v17 =	vmul.f32 v24, v1  }
0x331: {  	v18 =	vld [tilespmem:$0x2A0];
	v19 =	vmul.f32 v25, v1;
	v5 =	vmul.f32 $1.442695020e+00, v5  }
0x332: {  	v41 =	vpop (erf);
	v21 =	vld [tilespmem:$0x2B0];
	(erf) = vpow2.f32 v0;
	v0 =	vmul.f32 $1.442695020e+00, v16  }
0x333: {  	v39 =	vpop (erf);
	v4 =	vmul.f32 v23, v1;
	(erf) = vpow2.f32 v2  }
0x334: {  	v2 =	vmul.f32 $1.442695020e+00, v17;
	v22 =	vmul.f32 $1.442695020e+00, v19  }
0x335: {  	v40 =	vpop (erf);
	v16 =	vmul.f32 v20, v1;
	(erf) = vpow2.f32 v26  }
0x336: {  	v3 =	vld [tilespmem:$0x2C0];
	v38 =	vpop (erf);
	(erf) = vpow2.f32 v8;
	v8 =	vmul.f32 v18, v1  }
0x337: {  	v37 =	vpop (erf);
	v19 =	vld [tilespmem:$0x2D0];
	v17 =	vmul.f32 v21, v1;
	(erf) = vpow2.f32 v0  }
0x338: {  	v35 =	vpop (erf);
	v18 =	vld [tilespmem:$0x6C0];
	(erf) = vpow2.f32 v2;
	v0 =	vmul.f32 $1.442695020e+00, v8  }
0x339: {  	v36 =	vpop (erf);
	v2 =	vmul.f32 $1.442695020e+00, v16;
	(erf) = vpow2.f32 v22  }
0x33a: {  	v26 =	vpop (erf);
	v8 =	vmul.f32 $1.442695020e+00, v17;
	(erf) = vpow2.f32 v5;
	v5 =	vld [tilespmem:$0x6D0]  }
0x33b: {  	v16 =	vmul.f32 $1.442695020e+00, v4;
	v17 =	vmul.f32 v3, v1  }
0x33c: {  	v25 =	vpop (erf);
	v19 =	vmul.f32 v19, v1;
	(erf) = vpow2.f32 v0  }
0x33d: {  	v23 =	vpop (erf);
	v18 =	vmul.f32 v18, v1;
	(erf) = vpow2.f32 v2  }
0x33e: {  	v6 =	vld [tilespmem:$0x6E0];
	v24 =	vpop (erf);
	v0 =	vmul.f32 $1.442695020e+00, v17;
	(erf) = vpow2.f32 v8  }
0x33f: {  	v3 =	vld [tilespmem:$0x2E0];
	v22 =	vpop (erf);
	(erf) = vpow2.f32 v16;
	v5 =	vmul.f32 v5, v1  }
0x340: {  	v7 =	vld [tilespmem:$0x2F0];
	v21 =	vpop (erf);
	v2 =	vmul.f32 $1.442695020e+00, v18;
	(erf) = vpow2.f32 v0  }
0x341: {  	v0 =	vmul.f32 $1.442695020e+00, v19;
	v8 =	vmul.f32 $1.442695020e+00, v5;
	v5 =	vsub.f32 v9, v10;
	v10 =	vld [tilespmem:$0x1FB60]  }
0x342: {  	v4 =	vld [tilespmem:$0x6F0];
	v19 =	vpop (erf);
	(erf) = vpow2.f32 v2  }
0x343: {  	v17 =	vmul.f32 v6, v1;
	v20 =	vpop (erf);
	(erf) = vpow2.f32 v0  }
0x344: {  	v0 =	vmul.f32 v3, v1;
	v18 =	vpop (erf);
	(erf) = vpow2.f32 v8;
	v8 =	vld [tilespmem:$0x300]  }
0x345: {  	v12 =	vsub.f32 v11, v12;
	[tilespmem:$0x1000] =	vst v5;
	v5 =	vsub.f32 v13, v15;
	v13 =	vld [tilespmem:$0x1FB70]  }
0x346: {  	v6 =	vmul.f32 v7, v1;
	v0 =	vmul.f32 $1.442695020e+00, v0;
	v3 =	vsub.f32 v14, v10;
	v14 =	vld [tilespmem:$0x1FB80]  }
0x347: {  	v4 =	vmul.f32 v4, v1;
	v2 =	vmul.f32 $1.442695020e+00, v17  }
0x348: {  	[tilespmem:$0x1010] =	vst v12;
	v12 =	vld [tilespmem:$0x1FBC0];
	v17 =	vpop (erf);
	(erf) = vpow2.f32 v0;
	v0 =	vmul.f32 $1.442695020e+00, v6  }
0x349: {  	v11 =	vmul.f32 $1.442695020e+00, v4;
	v16 =	vpop (erf);
	(erf) = vpow2.f32 v2;
	v10 =	vld [tilespmem:$0x1FBA0]  }
0x34a: {  	v15 =	vpop (erf);
	(erf) = vpow2.f32 v0;
	v0 =	vmul.f32 v8, v1;
	v8 =	vld [tilespmem:$0x1FB90]  }
0x34b: {  	v4 =	vsub.f32 v13, v14;
	v14 =	vpop (erf);
	(erf) = vpow2.f32 v11;
	v11 =	vld [tilespmem:$0x1FBB0];
	_ =	sdelay $0x1  }
0x34c: {  	v7 =	vld [tilespmem:$0x700]  }
0x34d: {  	[tilespmem:$0x1020] =	vst v5;
	v5 =	vld [tilespmem:$0x1FBF0]  }
0x34e: {  	v13 =	vld [tilespmem:$0x1FBD0]  }
0x34f: {  	[tilespmem:$0x1030] =	vst v3;
	v3 =	vsub.f32 v8, v10;
	v8 =	vsub.f32 v11, v12;
	v11 =	vld [tilespmem:$0x1FBE0]  }
0x350: {  	v12 =	vld [tilespmem:$0x1FC00];
	_ =	sdelay $0x1  }
0x351: {  	v9 =	vld [tilespmem:$0x310];
	v2 =	vmul.f32 v7, v1  }
0x352: {  	v0 =	vmul.f32 $1.442695020e+00, v0  }
0x353: {  	v2 =	vmul.f32 $1.442695020e+00, v2;
	[tilespmem:$0x1050] =	vst v3  }
0x354: {  	[tilespmem:$0x1060] =	vst v8;
	v3 =	vsub.f32 v13, v11;
	v13 =	vpop (erf);
	v8 =	vsub.f32 v5, v12;
	(erf) = vpow2.f32 v0  }
0x355: {  	v12 =	vpop (erf);
	(erf) = vpow2.f32 v2;
	v2 =	vld [tilespmem:$0x1FC30]  }
0x356: {  	v9 =	vmul.f32 v9, v1;
	[tilespmem:$0x1080] =	vst v8;
	v8 =	vld [tilespmem:$0x1FC40];
	_ =	sdelay $0x1  }
0x357: {  	v0 =	vmul.f32 $1.442695020e+00, v9;
	v9 =	vld [tilespmem:$0x1FC20]  }
0x358: {  	[tilespmem:$0x1070] =	vst v3;
	v3 =	vld [tilespmem:$0x1FC10]  }
0x359: {  	v11 =	vpop (erf);
	(erf) = vpow2.f32 v0;
	v0 =	vld [tilespmem:$0x1FC50]  }
0x35a: {  	v8 =	vsub.f32 v2, v8;
	v2 =	vld [tilespmem:$0x1FC60];
	_ =	sdelay $0x2  }
0x35b: {  	v3 =	vsub.f32 v3, v9  }
0x35c: {  	[tilespmem:$0x10A0] =	vst v8;
	v8 =	vld [tilespmem:$0x1FC80]  }
0x35d: {  	[tilespmem:$0x1090] =	vst v3;
	v3 =	vsub.f32 v0, v2;
	v0 =	vld [tilespmem:$0x1FC70]  }
0x35e: {  	v44 =	vsub.f32 v32, v44  }
0x35f: {  	v6 =	vld [tilespmem:$0x710]  }
0x360: {  	[tilespmem:$0x1140] =	vst v44;
	v44 =	vsub.f32 v46, v48;
	v46 =	vsub.f32 v47, v49;
	v49 =	vld [tilespmem:$0x780]  }
0x361: {  	v52 =	vsub.f32 v50, v52;
	v7 =	vld [tilespmem:$0x320]  }
0x362: {  	v8 =	vsub.f32 v0, v8;
	v0 =	vld [tilespmem:$0x1FC90]  }
0x363: {  	[tilespmem:$0x1180] =	vst v52;
	v10 =	vld [tilespmem:$0x720]  }
0x364: {  	v52 =	vsub.f32 v54, v56;
	[tilespmem:$0x1040] =	vst v4;
	v4 =	vmul.f32 v6, v1;
	v6 =	vld [tilespmem:$0x330]  }
0x365: {  	[tilespmem:$0x10C0] =	vst v8;
	v8 =	vld [tilespmem:$0x1FCA0]  }
0x366: {  	v50 =	vsub.f32 v51, v53;
	v51 =	vld [tilespmem:$0x390];
	[tilespmem:$0x11A0] =	vst v52;
	v4 =	vmul.f32 $1.442695020e+00, v4  }
0x367: {  	v52 =	vld [tilespmem:$0x7B0];
	v7 =	vmul.f32 v7, v1;
	[tilespmem:$0x10B0] =	vst v3;
	v3 =	vsub.f32 v0, v27  }
0x368: {  	v9 =	vpop (erf);
	(erf) = vpow2.f32 v4;
	v4 =	vmul.f32 v10, v1;
	v10 =	vld [tilespmem:$0x340]  }
0x369: {  	v55 =	vsub.f32 v55, v57;
	v56 =	vsub.f32 v58, v60;
	[tilespmem:$0x10D0] =	vst v3;
	v3 =	vld [tilespmem:$0x1FCB0]  }
0x36a: {  	v7 =	vmul.f32 $1.442695020e+00, v7;
	v6 =	vmul.f32 v6, v1;
	v5 =	vld [tilespmem:$0x730];
	v8 =	vsub.f32 v8, v28  }
0x36b: {  	v57 =	vsub.f32 v59, v61;
	v60 =	vsub.f32 v62, v43;
	v62 =	vld [tilespmem:$0x7A0];
	v4 =	vmul.f32 $1.442695020e+00, v4  }
0x36c: {  	v6 =	vmul.f32 $1.442695020e+00, v6;
	v27 =	vpop (erf);
	(erf) = vpow2.f32 v7;
	[tilespmem:$0x10E0] =	vst v8;
	v8 =	vld [tilespmem:$0x1FCC0]  }
0x36d: {  	[tilespmem:$0x11D0] =	vst v57;
	v57 =	vld [tilespmem:$0x3C0];
	v28 =	vpop (erf);
	(erf) = vpow2.f32 v4  }
0x36e: {  	v3 =	vsub.f32 v3, v29;
	v29 =	vpop (erf);
	(erf) = vpow2.f32 v6;
	v6 =	vmul.f32 v10, v1;
	v10 =	vld [tilespmem:$0x1FCF0]  }
0x36f: {  	v5 =	vmul.f32 v5, v1;
	v2 =	vld [tilespmem:$0x740]  }
0x370: {  	[tilespmem:$0x10F0] =	vst v3;
	v3 =	vld [tilespmem:$0x1FCD0]  }
0x371: {  	v4 =	vmul.f32 $1.442695020e+00, v5;
	v5 =	vsub.f32 v8, v30;
	v8 =	vld [tilespmem:$0x1FCE0]  }
0x372: {  	[tilespmem:$0x11C0] =	vst v56;
	v61 =	vmul.f32 v51, v1;
	v0 =	vld [tilespmem:$0x350]  }
0x373: {  	v56 =	vmul.f32 v62, v1;
	v62 =	vmul.f32 v52, v1;
	[tilespmem:$0x1100] =	vst v5;
	v5 =	vsub.f32 v10, v34;
	v34 =	vld [tilespmem:$0x1FD00]  }
0x374: {  	[tilespmem:$0x1160] =	vst v44;
	v58 =	vmul.f32 v49, v1;
	v51 =	vmul.f32 $1.442695020e+00, v61;
	v7 =	vld [tilespmem:$0x750]  }
0x375: {  	[tilespmem:$0x1190] =	vst v50;
	v50 =	vsub.f32 v41, v39;
	v44 =	vmul.f32 v57, v1;
	v41 =	vmul.f32 $1.442695020e+00, v62  }
0x376: {  	v2 =	vmul.f32 v2, v1;
	v30 =	vpop (erf);
	(erf) = vpow2.f32 v4;
	v4 =	vld [tilespmem:$0x360];
	v3 =	vsub.f32 v3, v8  }
0x377: {  	[tilespmem:$0x1200] =	vst v50;
	v50 =	vmul.f32 $1.442695020e+00, v44;
	v6 =	vmul.f32 $1.442695020e+00, v6;
	v8 =	vld [tilespmem:$0x760]  }
0x378: {  	v2 =	vmul.f32 $1.442695020e+00, v2;
	v0 =	vmul.f32 v0, v1;
	v10 =	vld [tilespmem:$0x370];
	[tilespmem:$0x1110] =	vst v3;
	v3 =	vsub.f32 v34, v31;
	v31 =	vpop (erf)  }
0x379: {  	v7 =	vmul.f32 v7, v1;
	v32 =	vpop (erf);
	(erf) = vpow2.f32 v6  }
0x37a: {  	v0 =	vmul.f32 $1.442695020e+00, v0;
	v6 =	vld [tilespmem:$0x770];
	(erf) = vpow2.f32 v2  }
0x37b: {  	[tilespmem:$0x1130] =	vst v3;
	v3 =	vsub.f32 v33, v45;
	v2 =	vmul.f32 $1.442695020e+00, v7;
	v45 =	vmul.f32 v4, v1;
	v4 =	vld [tilespmem:$0x380]  }
0x37c: {  	v33 =	vpop (erf);
	v47 =	vmul.f32 v8, v1;
	(erf) = vpow2.f32 v0  }
0x37d: {  	v48 =	vmul.f32 v10, v1;
	v34 =	vpop (erf);
	(erf) = vpow2.f32 v2  }
0x37e: {  	v0 =	vmul.f32 $1.442695020e+00, v45;
	v2 =	vmul.f32 $1.442695020e+00, v47  }
0x37f: {  	v54 =	vld [tilespmem:$0x790];
	v53 =	vmul.f32 $1.442695020e+00, v48;
	v6 =	vmul.f32 v6, v1  }
0x380: {  	[tilespmem:$0x1170] =	vst v46;
	v52 =	vld [tilespmem:$0x7E0];
	v10 =	vpop (erf);
	(erf) = vpow2.f32 v0;
	v4 =	vmul.f32 v4, v1  }
0x381: {  	[tilespmem:$0x11B0] =	vst v55;
	v55 =	vsub.f32 v36, v26;
	v45 =	vpop (erf);
	(erf) = vpow2.f32 v2;
	v6 =	vmul.f32 $1.442695020e+00, v6  }
0x382: {  	v59 =	vld [tilespmem:$0x3A0];
	[tilespmem:$0x11E0] =	vst v60;
	v61 =	vsub.f32 v24, v22;
	v2 =	vpop (erf);
	(erf) = vpow2.f32 v53;
	v4 =	vmul.f32 $1.442695020e+00, v4  }
0x383: {  	[tilespmem:$0x1230] =	vst v55;
	v36 =	vsub.f32 v21, v19;
	v0 =	vpop (erf);
	(erf) = vpow2.f32 v6;
	v6 =	vmul.f32 $1.442695020e+00, v58  }
0x384: {  	[tilespmem:$0x1250] =	vst v61;
	v43 =	vsub.f32 v17, v16;
	v62 =	vsub.f32 v29, v30;
	v7 =	vmul.f32 v54, v1  }
0x385: {  	v49 =	vld [tilespmem:$0x3B0];
	[tilespmem:$0x1260] =	vst v36;
	v29 =	vmul.f32 v52, v1;
	v48 =	vsub.f32 v63, v42;
	v42 =	vpop (erf);
	(erf) = vpow2.f32 v4  }
0x386: {  	v60 =	vld [tilespmem:$0x7C0];
	[tilespmem:$0x1280] =	vst v43;
	v46 =	vsub.f32 v15, v14;
	v7 =	vmul.f32 $1.442695020e+00, v7;
	v39 =	vpop (erf);
	(erf) = vpow2.f32 v6  }
0x387: {  	v8 =	vmul.f32 v59, v1;
	[tilespmem:$0x11F0] =	vst v48;
	v48 =	vld [tilespmem:$0x3E0];
	v6 =	vpop (erf);
	(erf) = vpow2.f32 v51  }
0x388: {  	[tilespmem:$0x1290] =	vst v46;
	v4 =	vpop (erf);
	(erf) = vpow2.f32 v7;
	v7 =	vmul.f32 $1.442695020e+00, v56  }
0x389: {  	[tilespmem:$0x12D0] =	vst v62;
	v36 =	vmul.f32 $1.442695020e+00, v29;
	v8 =	vmul.f32 $1.442695020e+00, v8  }
0x38a: {  	[tilespmem:$0x1120] =	vst v5;
	v54 =	vsub.f32 v37, v35;
	v59 =	vmul.f32 v49, v1;
	v63 =	vld [tilespmem:$0x3D0];
	v53 =	vsub.f32 v40, v38;
	v22 =	vpop (erf)  }
0x38b: {  	v49 =	vsub.f32 v13, v12;
	[tilespmem:$0x1150] =	vst v3;
	v47 =	vmul.f32 v60, v1;
	v38 =	vld [tilespmem:$0x7D0];
	(erf) = vpow2.f32 v8;
	v19 =	vpop (erf)  }
0x38c: {  	[tilespmem:$0x1220] =	vst v54;
	v26 =	vmul.f32 v48, v1;
	(erf) = vpow2.f32 v7;
	v7 =	vpop (erf)  }
0x38d: {  	v24 =	vsub.f32 v31, v32;
	v37 =	vmul.f32 $1.442695020e+00, v59;
	v54 =	vsub.f32 v11, v9;
	[tilespmem:$0x12A0] =	vst v49;
	v8 =	vpop (erf)  }
0x38e: {  	v57 =	vld [tilespmem:$0x3F0];
	v55 =	vmul.f32 $1.442695020e+00, v47;
	v31 =	vsub.f32 v10, v45;
	[tilespmem:$0x1210] =	vst v53;
	v32 =	vmul.f32 $1.442695020e+00, v26;
	v53 =	vpop (erf)  }
0x38f: {  	v61 =	vld [tilespmem:$0x7F0];
	[tilespmem:$0x12E0] =	vst v24;
	v40 =	vsub.f32 v20, v18;
	v51 =	vmul.f32 v63, v1;
	(erf) = vpow2.f32 v37;
	v59 =	vpop (erf)  }
0x390: {  	[tilespmem:$0x12B0] =	vst v54;
	v58 =	vsub.f32 v25, v23;
	v56 =	vmul.f32 v38, v1;
	(erf) = vpow2.f32 v41;
	v63 =	vpop (erf)  }
0x391: {  	[tilespmem:$0x1300] =	vst v31;
	v0 =	vsub.f32 v2, v0;
	v60 =	vmul.f32 $1.442695020e+00, v51;
	(erf) = vpow2.f32 v50;
	v25 =	vpop (erf)  }
0x392: {  	[tilespmem:$0x1240] =	vst v58;
	v58 =	vsub.f32 v27, v28;
	v23 =	vmul.f32 $1.442695020e+00, v56;
	(erf) = vpow2.f32 v55;
	v28 =	vpop (erf)  }
0x393: {  	[tilespmem:$0x1270] =	vst v40;
	v27 =	vsub.f32 v33, v34;
	v33 =	vmul.f32 v57, v1;
	(erf) = vpow2.f32 v60;
	v30 =	vpop (erf)  }
0x394: {  	v35 =	vmul.f32 v61, v1;
	[tilespmem:$0x1310] =	vst v0;
	v40 =	vsub.f32 v6, v4;
	(erf) = vpow2.f32 v23;
	v34 =	vpop (erf)  }
0x395: {  	[tilespmem:$0x12C0] =	vst v58;
	v37 =	vsub.f32 v42, v39;
	v39 =	vmul.f32 $1.442695020e+00, v33;
	v38 =	vpop (erf);
	(erf) = vpow2.f32 v32  }
0x396: {  	[tilespmem:$0x12F0] =	vst v27;
	v1 =	vmul.f32 $1.442695020e+00, v35;
	v41 =	vpop (erf);
	(erf) = vpow2.f32 v36  }
0x397: {  	[tilespmem:$0x1330] =	vst v40;
	v42 =	vsub.f32 v22, v19;
	v43 =	vpop (erf);
	(erf) = vpow2.f32 v39  }
0x398: {  	[tilespmem:$0x1320] =	vst v37;
	v44 =	vsub.f32 v7, v8;
	v45 =	vpop (erf);
	(erf) = vpow2.f32 v1  }
0x399: {  	[tilespmem:$0x1340] =	vst v42;
	v47 =	vsub.f32 v53, v59;
	v46 =	vpop (erf)  }
0x39a: {  	[tilespmem:$0x1350] =	vst v44;
	v49 =	vsub.f32 v63, v25;
	v48 =	vpop (erf)  }
0x39b: {  	[tilespmem:$0x1360] =	vst v47;
	v51 =	vsub.f32 v28, v30;
	v50 =	vpop (erf)  }
0x39c: {  	[tilespmem:$0x1370] =	vst v49;
	v53 =	vsub.f32 v34, v38;
	v52 =	vpop (erf)  }
0x39d: {  	[tilespmem:$0x1380] =	vst v51;
	v55 =	vsub.f32 v41, v43;
	v54 =	vpop (erf)  }
0x39e: {  	[tilespmem:$0x1390] =	vst v53;
	v57 =	vsub.f32 v45, v46;
	v56 =	vpop (erf)  }
0x39f: {  	[tilespmem:$0x13A0] =	vst v55;
	v59 =	vsub.f32 v48, v50;
	v58 =	vpop (erf)  }
0x3a0: {  	[tilespmem:$0x13B0] =	vst v57;
	v61 =	vsub.f32 v52, v54;
	v60 =	vpop (erf)  }
0x3a1: {  	[tilespmem:$0x13C0] =	vst v59;
	v1 =	vsub.f32 v56, v58;
	v62 =	vpop (erf)  }
0x3a2: {  	[tilespmem:$0x13D0] =	vst v61;
	v63 =	vsub.f32 v60, v62  }
0x3a3: {  	[tilespmem:$0x13E0] =	vst v1  }
0x3a4: {  	s24 =	sadd.s32 $0x1, s24;
	[tilespmem:$0x13F0] =	vst v63  }
0x3a5: {  	[hbm4b:s10+s19] =	stream.strided.scatter [tilespmem:s21], [sflag:$0x2], $0x400, s20, s19, $0x38;
	[tilespmem:$0x1A80] =	vst v63  }
0x3a6: {  	p0 =	sne.s32 s24, s11;
	_ =	swait.ge [sflag:s23], $0x400  }
.Ltmp1:
0x3a7: {  	[sflag:s23] =	ssyncset.done $0x0;
	(pc) =	sbr.rel @p0 .LBB2_1-.Ltmp1, $4  }
0x3a8: {  	[sflag:s23] =	ssyncadd.s32 $0xFFFFFC00  }
0x3a9: {  	_ =	swait.ge [sflag:s22], $0x400  }
0x3aa: {  	[sflag:s22] =	ssyncset.done $0x0  }
0x3ab: {  	[sflag:s22] =	ssyncadd.s32 $0xFFFFFC00  }
0x3ac: {  	_ =	sfence.sel $0x180000  }
0x3ad: {  	[bflag:$0x0] =	sbarrier.arrive $0xFFFF  }
0x3ae: {  	_ =	strace $0x90000047  }
0x3af: {  	s0 =	stileid.u32;
	[bflag:$0x2] =	sbarrier.arrive $0xFFFF  }
0x3b0: {  	p0 =	sne.s32 s0, $0x0;
	s0 =	rddreg [dreg:$0x3]  }
0x3b1: {  	s0 =	sadd.s32 @!p0 $0x100000, s0  }
0x3b2: {  	[sflag:s0] =	ssyncadd.tile.s32 @!p0 $0x1;
	_ =	shalt  }
.Lfunc_end2:
_tile_overlayer_lowered:
.L_overlay_start_2:
0x3b3: {  	(tag) =	ssettag $0x2  }
0x3b4: {  	s0 =	rddreg [dreg:$0x0];
	s2 =	stileid.u32  }
0x3b5: {  	s1 =	rddreg [dreg:$0x1];
	p0 =	sne.s32 s2, $0x0  }
0x3b6: {  	s3 =	rddreg [dreg:$0x2];
	[bflag:$0x3] =	sbarrier.arrive $0xFFFF;
	s2 =	simm.s32 @!p0 $0x1C04  }
0x3b7: {  	[timem:s3], [sflag:s2] =	dma.local @!p0 [hbm:s0], s1  }
0x3b8: {  	s0 =	simm.s32 @!p0 $0x4  }
0x3b9: {  	_ =	swait.ge @!p0 [sflag:s0], s1  }
0x3ba: {  	s1 =	ssub.s32 @!p0 $0x0, s1;
	[sflag:s0] =	ssyncset.done @!p0 $0x0  }
0x3bb: {  	[sflag:s0] =	ssyncadd.s32 @!p0 s1  }
0x3bc: {  	[bflag:$0x3] =	sbarrier.arrive $0xFFFF  }
0x3bd: {  	_ =	shalt  }

</sc_bundles>
